<compile_context>
chip_gen: v7x
topology: tpu7x:2x2x1
jax: 0.10.2.dev20260603
libtpu: 0.0.44.dev20260713+nightly
codegen_flags: <defaults>
</compile_context>

<pallas_src>
import functools

import jax
import jax.numpy as jnp
from jax import lax
from jax.experimental import pallas as pl
from jax.experimental.pallas import tpu as pltpu
from jax.experimental.pallas import tpu_sc as plsc

S = 2048
HID = 1024
INTER = 2048
E = 8
K = 2
N = S * K
BLK = 256
G = N // BLK + E
NSLOTS = G * BLK

NWORKERS = 32
ROWS_PER_WORKER = NSLOTS // NWORKERS
GATHER_CHUNK = 32
NCHUNK = ROWS_PER_WORKER // GATHER_CHUNK
NBUF = 3
TOK_PER_WORKER = S // NWORKERS
TOK_CHUNK = 16


def _routing_metadata(expert_indices, expert_weights):
    idx_flat = expert_indices.reshape(N).astype(jnp.int32)
    w_flat = expert_weights.reshape(N)
    oh = (idx_flat[:, None] == jnp.arange(E, dtype=jnp.int32)[None, :])
    ohi = oh.astype(jnp.int32)
    incl = jnp.cumsum(ohi, axis=0)
    rank = jnp.sum((incl - ohi) * ohi, axis=1)
    counts = incl[-1]
    nblk = (counts + BLK - 1) // BLK
    blk_starts = jnp.concatenate([jnp.zeros((1,), jnp.int32),
                                  jnp.cumsum(nblk)[:-1].astype(jnp.int32)])
    pad_start = blk_starts * BLK
    pair_slot = pad_start[idx_flat] + rank
    block_expert = jnp.clip(
        jnp.searchsorted(blk_starts, jnp.arange(G, dtype=jnp.int32), side="right")
        .astype(jnp.int32) - 1, 0, E - 1)
    r = jnp.arange(N, dtype=jnp.int32)
    pad_needed = nblk * BLK - counts
    pad_cum = jnp.concatenate([jnp.zeros((1,), jnp.int32),
                               jnp.cumsum(pad_needed)[:-1].astype(jnp.int32)])
    t = jnp.arange(NSLOTS - N, dtype=jnp.int32)
    pe = jnp.clip(jnp.sum(t[:, None] >= pad_cum[None, :], axis=1)
                  .astype(jnp.int32) - 1, 0, E - 1)
    keys = jnp.concatenate([idx_flat * (2 * N) + r,
                            pe * (2 * N) + N + t])
    toks = jnp.concatenate([r // K, t % S])
    ws = jnp.concatenate([w_flat, jnp.zeros((NSLOTS - N,), jnp.float32)])
    _, gather_tok, slot_w = lax.sort((keys, toks, ws), num_keys=1)
    return gather_tok, slot_w, block_expert, pair_slot


def _sc_gather_body(x_hbm, ids_hbm, out_hbm, idx_v, bufs, gsems, wsems):
    wid = lax.axis_index("s") * 2 + lax.axis_index("c")
    base = wid * ROWS_PER_WORKER
    pltpu.sync_copy(ids_hbm.at[pl.ds(base, ROWS_PER_WORKER)], idx_v)

    def start_gather(c):
        b = c % NBUF
        return pltpu.async_copy(
            x_hbm.at[idx_v.at[pl.ds(c * GATHER_CHUNK, GATHER_CHUNK)]],
            bufs.at[b], gsems.at[b])

    def start_write(c):
        b = c % NBUF
        return pltpu.async_copy(
            bufs.at[b], out_hbm.at[pl.ds(base + c * GATHER_CHUNK, GATHER_CHUNK)],
            wsems.at[b])

    g = [None] * NCHUNK
    w = [None] * NCHUNK
    g[0] = start_gather(0)
    for c in range(NCHUNK):
        if c + 1 < NCHUNK:
            if c + 1 >= NBUF:
                w[c + 1 - NBUF].wait()
            g[c + 1] = start_gather(c + 1)
        g[c].wait()
        w[c] = start_write(c)
    for c in range(max(0, NCHUNK - NBUF), NCHUNK):
        w[c].wait()


def _sc_combine_body(y_hbm, pair_hbm, out_hbm, idx_v, rows_v, acc_v, gsems, wsems):
    wid = lax.axis_index("s") * 2 + lax.axis_index("c")
    tbase = wid * TOK_PER_WORKER
    nc = TOK_PER_WORKER // TOK_CHUNK
    pltpu.sync_copy(pair_hbm.at[pl.ds(tbase * K, TOK_PER_WORKER * K)], idx_v)

    def start_gather(c):
        b = c % 2
        return pltpu.async_copy(
            y_hbm.at[idx_v.at[pl.ds(c * K * TOK_CHUNK, K * TOK_CHUNK)]],
            rows_v.at[b], gsems.at[b])

    def start_write(c):
        b = c % 2
        return pltpu.async_copy(
            acc_v.at[b], out_hbm.at[pl.ds(tbase + c * TOK_CHUNK, TOK_CHUNK)],
            wsems.at[b])

    g = [None] * nc
    w = [None] * nc
    g[0] = start_gather(0)
    for c in range(nc):
        if c + 1 < nc:
            g[c + 1] = start_gather(c + 1)
        g[c].wait()
        if c >= 2:
            w[c - 2].wait()
        b = c % 2

        def col_body(j, carry):
            cs = pl.ds(j * 16, 16)
            for i in range(TOK_CHUNK):
                acc_v[b, i, cs] = rows_v[b, 2 * i, cs] + rows_v[b, 2 * i + 1, cs]
            return carry

        lax.fori_loop(0, HID // 16, col_body, 0)
        w[c] = start_write(c)
    for c in range(max(0, nc - 2), nc):
        w[c].wait()


@functools.lru_cache(maxsize=None)
def _build_sc_kernels():
    mesh = plsc.VectorSubcoreMesh(core_axis_name="c", subcore_axis_name="s")
    gather = pl.kernel(
        _sc_gather_body,
        out_type=jax.ShapeDtypeStruct((NSLOTS, HID), jnp.float32),
        mesh=mesh,
        scratch_types=[
            pltpu.VMEM((ROWS_PER_WORKER,), jnp.int32),
            pltpu.VMEM((NBUF, GATHER_CHUNK, HID), jnp.float32),
            pltpu.SemaphoreType.DMA((NBUF,)),
            pltpu.SemaphoreType.DMA((NBUF,)),
        ],
    )
    combine = pl.kernel(
        _sc_combine_body,
        out_type=jax.ShapeDtypeStruct((S, HID), jnp.float32),
        mesh=mesh,
        scratch_types=[
            pltpu.VMEM((K * TOK_PER_WORKER,), jnp.int32),
            pltpu.VMEM((2, K * TOK_CHUNK, HID), jnp.float32),
            pltpu.VMEM((2, TOK_CHUNK, HID), jnp.float32),
            pltpu.SemaphoreType.DMA((2,)),
            pltpu.SemaphoreType.DMA((2,)),
        ],
    )
    return gather, combine


def _ffn_body(be_ref, xs_ref, g_ref, u_ref, d_ref, w_ref, o_ref):
    xb = xs_ref[...].astype(jnp.bfloat16)
    gate = lax.dot_general(xb, g_ref[0].astype(jnp.bfloat16),
                           (((1,), (1,)), ((), ())),
                           preferred_element_type=jnp.float32)
    up = lax.dot_general(xb, u_ref[0].astype(jnp.bfloat16),
                         (((1,), (1,)), ((), ())),
                         preferred_element_type=jnp.float32)
    h = ((gate * jax.nn.sigmoid(gate)) * up).astype(jnp.bfloat16)
    y = lax.dot_general(h, d_ref[0].astype(jnp.bfloat16),
                        (((1,), (1,)), ((), ())),
                        preferred_element_type=jnp.float32)
    o_ref[...] = y * w_ref[0, 0][:, None]


def _tc_ffn(x_sorted, gate_proj, up_proj, down_proj, slot_w, block_expert):
    grid_spec = pltpu.PrefetchScalarGridSpec(
        num_scalar_prefetch=1,
        grid=(G,),
        in_specs=[
            pl.BlockSpec((BLK, HID), lambda g, be: (g, 0)),
            pl.BlockSpec((1, INTER, HID), lambda g, be: (be[g], 0, 0)),
            pl.BlockSpec((1, INTER, HID), lambda g, be: (be[g], 0, 0)),
            pl.BlockSpec((1, HID, INTER), lambda g, be: (be[g], 0, 0)),
            pl.BlockSpec((1, 1, BLK), lambda g, be: (g, 0, 0)),
        ],
        out_specs=pl.BlockSpec((BLK, HID), lambda g, be: (g, 0)),
    )
    return pl.pallas_call(
        _ffn_body,
        grid_spec=grid_spec,
        out_shape=jax.ShapeDtypeStruct((NSLOTS, HID), jnp.float32),
        compiler_params=pltpu.CompilerParams(
            vmem_limit_bytes=63 * 1024 * 1024,
        ),
    )(block_expert, x_sorted, gate_proj, up_proj, down_proj,
      slot_w.reshape(G, 1, BLK))


def kernel(x, expert_indices, expert_weights, gate_proj, up_proj, down_proj):
    batch, seq, hid = x.shape
    x2d = x.reshape(S, HID)
    gather_tok, slot_w, block_expert, pair_slot = _routing_metadata(
        expert_indices, expert_weights)
    sc_gather, sc_combine = _build_sc_kernels()
    x_sorted = sc_gather(x2d, gather_tok)
    y_sorted = _tc_ffn(x_sorted, gate_proj, up_proj, down_proj,
                       slot_w, block_expert)
    out = sc_combine(y_sorted, pair_slot)
    return out.reshape(batch, seq, hid)

# --- scband reference (transcript-rebuilt; emitter-appended) ---
"""Pipeline reference for scband-model-new-4647154615483 (READ-ONLY COPY).

The authoritative reference and input builder live on the scoring server;
editing this copy changes nothing except your own understanding.
"""

import jax, jax.numpy as jnp
import numpy as np

B, S = 1, 2048
HIDDEN = 1024
INTER = 2048
EXPERTS = 8
TOPK = 2


def setup_inputs(seed: int = 0) -> dict:
    key = jax.random.key(seed)
    k1, k2, k3, k4, k5, k6 = jax.random.split(key, 6)
    x = jax.random.normal(k1, (B, S, HIDDEN), dtype=jnp.float32)
    expert_indices = jax.random.randint(k2, (B, S, TOPK), 0, EXPERTS, dtype=jnp.int32)
    expert_weights = jax.random.uniform(k3, (B, S, TOPK), dtype=jnp.float32)
    gate_proj = jax.random.normal(k4, (EXPERTS, INTER, HIDDEN), dtype=jnp.float32) * 0.02
    up_proj = jax.random.normal(k5, (EXPERTS, INTER, HIDDEN), dtype=jnp.float32) * 0.02
    down_proj = jax.random.normal(k6, (EXPERTS, HIDDEN, INTER), dtype=jnp.float32) * 0.02
    return {
        'x': x,
        'expert_indices': expert_indices,
        'expert_weights': expert_weights,
        'gate_proj': gate_proj,
        'up_proj': up_proj,
        'down_proj': down_proj,
    }


def reference(x, expert_indices, expert_weights, gate_proj, up_proj, down_proj):
    batch, seq_len, hidden = x.shape
    num_experts = gate_proj.shape[0]
    topk = expert_indices.shape[-1]
    x_flat = x.reshape(-1, hidden)
    output = jnp.zeros_like(x_flat)
    idx_flat = expert_indices.reshape(-1, topk)
    w_flat = expert_weights.reshape(-1, topk)
    for e in range(num_experts):
        gate = x_flat @ gate_proj[e].T
        up = x_flat @ up_proj[e].T
        h = jax.nn.silu(gate) * up
        out_e = h @ down_proj[e].T
        for k in range(topk):
            w_k = jnp.where(idx_flat[:, k] == e, w_flat[:, k], 0.0)
            output = output + out_e * w_k[:, None]
    return output.reshape(batch, seq_len, hidden)

if __name__ == "__main__":
    import jax
    _d = setup_inputs()
    print(jax.jit(kernel)(*tuple(_d.values())))

</pallas_src>

<mosaic_0001>
#map = affine_map<(d0, d1) -> (0, 0)>
#map1 = affine_map<(d0, d1) -> (0)>
module attributes {stable_mosaic.version = 14 : i64} {
  func.func @_sc_gather_body(%arg0: i32, %arg1: i32, %arg2: memref<2048x1024xf32, #tpu.memory_space<hbm>>, %arg3: memref<6144xi32, #tpu.memory_space<hbm>>, %arg4: memref<6144x1024xf32, #tpu.memory_space<hbm>>, %arg5: memref<192xi32, #tpu.memory_space<vmem>>, %arg6: memref<3x32x1024xf32, #tpu.memory_space<vmem>>, %arg7: memref<3x!tpu.dma_semaphore, #tpu.memory_space<semaphore_mem>>, %arg8: memref<3x!tpu.dma_semaphore, #tpu.memory_space<semaphore_mem>>) attributes {dimension_semantics = [#tpu.dimension_semantics<core_parallel>, #tpu.dimension_semantics<subcore_parallel>], iteration_bounds = array<i64: 2, 16>, scalar_prefetch = 0 : i64, scratch_operands = 4 : i64, tpu.core_type = #tpu.core_type<sc_vector_subcore>, window_params = [{transform_indices = #map}, {transform_indices = #map1}, {transform_indices = #map}]} {
    %mul3A = arith.constant 2 : i32
    %mul3A_0 = arith.muli %arg1, %mul3A : i32
    %add3A = arith.addi %mul3A_0, %arg0 : i32
    %mul3A_1 = arith.constant 192 : i32
    %mul3A_2 = arith.muli %add3A, %mul3A_1 : i32
    "tpu.region"() ({
      %run_scoped3A = tpu.sem_alloc : memref<!tpu.dma_semaphore, #tpu.memory_space<semaphore_mem>>
      %dma_start3A_361 = tpu.memref_slice %arg3[%mul3A_2] : memref<6144xi32, #tpu.memory_space<hbm>> -> memref<192xi32, #tpu.memory_space<hbm>>
      %dma_start3A_362 = tpu.memref_slice %arg3[%mul3A_2] : memref<6144xi32, #tpu.memory_space<hbm>> -> memref<192xi32, #tpu.memory_space<hbm>>
      tpu.enqueue_dma source(%dma_start3A_362 : memref<192xi32, #tpu.memory_space<hbm>>) target(%arg5 : memref<192xi32, #tpu.memory_space<vmem>>) target_semaphore(%run_scoped3A : memref<!tpu.dma_semaphore, #tpu.memory_space<semaphore_mem>>)
      %dma_wait3A_363 = tpu.memref_slice %arg3[%mul3A_2] : memref<6144xi32, #tpu.memory_space<hbm>> -> memref<192xi32, #tpu.memory_space<hbm>>
      %dma_wait3A_364 = tpu.memref_slice %arg3[%mul3A_2] : memref<6144xi32, #tpu.memory_space<hbm>> -> memref<192xi32, #tpu.memory_space<hbm>>
      tpu.wait_dma2 semaphore(%run_scoped3A : memref<!tpu.dma_semaphore, #tpu.memory_space<semaphore_mem>>) src(%dma_wait3A_364 : memref<192xi32, #tpu.memory_space<hbm>>) dst(%arg5 : memref<192xi32, #tpu.memory_space<vmem>>)
      tpu.yield
    }) : () -> ()
    %dma_start3A = arith.constant 0 : i32
    %dma_start3A_3 = arith.constant 0 : i32
    %dma_start3A_4 = arith.constant 0 : i32
    %dma_start3A_5 = arith.constant 0 : i32
    %dma_start3A_6 = tpu.memref_slice %arg6[%dma_start3A, %dma_start3A_4, %dma_start3A_5] : memref<3x32x1024xf32, #tpu.memory_space<vmem>> -> memref<1x32x1024xf32, #tpu.memory_space<vmem>>
    %dma_start3A_7 = tpu.memref_squeeze %dma_start3A_6 : memref<1x32x1024xf32, #tpu.memory_space<vmem>> -> memref<32x1024xf32, #tpu.memory_space<vmem>>
    %dma_start3A_8 = arith.constant 0 : i32
    %dma_start3A_9 = tpu.memref_slice %arg5[%dma_start3A_8] : memref<192xi32, #tpu.memory_space<vmem>> -> memref<32xi32, #tpu.memory_space<vmem>>
    %dma_start3A_10 = arith.constant 0 : i32
    %dma_start3A_11 = arith.constant 0 : i32
    %dma_start3A_12 = tpu.memref_slice %arg2[%dma_start3A_10, %dma_start3A_11] : memref<2048x1024xf32, #tpu.memory_space<hbm>> -> memref<2048x1024xf32, #tpu.memory_space<hbm>>
    %dma_start3A_13 = tpu.memref_slice %arg7[%dma_start3A_3] : memref<3x!tpu.dma_semaphore, #tpu.memory_space<semaphore_mem>> -> memref<1x!tpu.dma_semaphore, #tpu.memory_space<semaphore_mem>>
    %dma_start3A_14 = tpu.memref_squeeze %dma_start3A_13 : memref<1x!tpu.dma_semaphore, #tpu.memory_space<semaphore_mem>> -> memref<!tpu.dma_semaphore, #tpu.memory_space<semaphore_mem>>
    tpu.enqueue_indirect_dma source(%dma_start3A_12 : memref<2048x1024xf32, #tpu.memory_space<hbm>>) target(%dma_start3A_7 : memref<32x1024xf32, #tpu.memory_space<vmem>>) offsets(%dma_start3A_9 : memref<32xi32, #tpu.memory_space<vmem>>) semaphore(%dma_start3A_14 : memref<!tpu.dma_semaphore, #tpu.memory_space<semaphore_mem>>)
    %dma_start3A_15 = arith.constant 1 : i32
    %dma_start3A_16 = arith.constant 1 : i32
    %dma_start3A_17 = arith.constant 0 : i32
    %dma_start3A_18 = arith.constant 0 : i32
    %dma_start3A_19 = tpu.memref_slice %arg6[%dma_start3A_15, %dma_start3A_17, %dma_start3A_18] : memref<3x32x1024xf32, #tpu.memory_space<vmem>> -> memref<1x32x1024xf32, #tpu.memory_space<vmem>>
    %dma_start3A_20 = tpu.memref_squeeze %dma_start3A_19 : memref<1x32x1024xf32, #tpu.memory_space<vmem>> -> memref<32x1024xf32, #tpu.memory_space<vmem>>
    %dma_start3A_21 = arith.constant 32 : i32
    %dma_start3A_22 = tpu.memref_slice %arg5[%dma_start3A_21] : memref<192xi32, #tpu.memory_space<vmem>> -> memref<32xi32, #tpu.memory_space<vmem>>
    %dma_start3A_23 = arith.constant 0 : i32
    %dma_start3A_24 = arith.constant 0 : i32
    %dma_start3A_25 = tpu.memref_slice %arg2[%dma_start3A_23, %dma_start3A_24] : memref<2048x1024xf32, #tpu.memory_space<hbm>> -> memref<2048x1024xf32, #tpu.memory_space<hbm>>
    %dma_start3A_26 = tpu.memref_slice %arg7[%dma_start3A_16] : memref<3x!tpu.dma_semaphore, #tpu.memory_space<semaphore_mem>> -> memref<1x!tpu.dma_semaphore, #tpu.memory_space<semaphore_mem>>
    %dma_start3A_27 = tpu.memref_squeeze %dma_start3A_26 : memref<1x!tpu.dma_semaphore, #tpu.memory_space<semaphore_mem>> -> memref<!tpu.dma_semaphore, #tpu.memory_space<semaphore_mem>>
    tpu.enqueue_indirect_dma source(%dma_start3A_25 : memref<2048x1024xf32, #tpu.memory_space<hbm>>) target(%dma_start3A_20 : memref<32x1024xf32, #tpu.memory_space<vmem>>) offsets(%dma_start3A_22 : memref<32xi32, #tpu.memory_space<vmem>>) semaphore(%dma_start3A_27 : memref<!tpu.dma_semaphore, #tpu.memory_space<semaphore_mem>>)
    %dma_wait3A = arith.constant 0 : i32
    %dma_wait3A_28 = arith.constant 0 : i32
    %dma_wait3A_29 = arith.constant 0 : i32
    %dma_wait3A_30 = arith.constant 0 : i32
    %dma_wait3A_31 = tpu.memref_slice %arg6[%dma_wait3A, %dma_wait3A_29, %dma_wait3A_30] : memref<3x32x1024xf32, #tpu.memory_space<vmem>> -> memref<1x32x1024xf32, #tpu.memory_space<vmem>>
    %dma_wait3A_32 = tpu.memref_squeeze %dma_wait3A_31 : memref<1x32x1024xf32, #tpu.memory_space<vmem>> -> memref<32x1024xf32, #tpu.memory_space<vmem>>
    %dma_wait3A_33 = arith.constant 0 : i32
    %dma_wait3A_34 = tpu.memref_slice %arg5[%dma_wait3A_33] : memref<192xi32, #tpu.memory_space<vmem>> -> memref<32xi32, #tpu.memory_space<vmem>>
    %dma_wait3A_35 = arith.constant 0 : i32
    %dma_wait3A_36 = arith.constant 0 : i32
    %dma_wait3A_37 = tpu.memref_slice %arg2[%dma_wait3A_35, %dma_wait3A_36] : memref<2048x1024xf32, #tpu.memory_space<hbm>> -> memref<2048x1024xf32, #tpu.memory_space<hbm>>
    %dma_wait3A_38 = tpu.memref_slice %arg7[%dma_wait3A_28] : memref<3x!tpu.dma_semaphore, #tpu.memory_space<semaphore_mem>> -> memref<1x!tpu.dma_semaphore, #tpu.memory_space<semaphore_mem>>
    %dma_wait3A_39 = tpu.memref_squeeze %dma_wait3A_38 : memref<1x!tpu.dma_semaphore, #tpu.memory_space<semaphore_mem>> -> memref<!tpu.dma_semaphore, #tpu.memory_space<semaphore_mem>>
    tpu.wait_indirect_dma semaphore(%dma_wait3A_39 : memref<!tpu.dma_semaphore, #tpu.memory_space<semaphore_mem>>) src(%dma_wait3A_37 : memref<2048x1024xf32, #tpu.memory_space<hbm>>) dst(%dma_wait3A_32 : memref<32x1024xf32, #tpu.memory_space<vmem>>)
    %add3A_40 = arith.constant 0 : i32
    %add3A_41 = arith.addi %mul3A_2, %add3A_40 : i32
    %dma_start3A_42 = arith.constant 0 : i32
    %dma_start3A_43 = arith.constant 0 : i32
    %dma_start3A_44 = arith.constant 0 : i32
    %dma_start3A_45 = arith.constant 0 : i32
    %dma_start3A_46 = tpu.memref_slice %arg6[%dma_start3A_42, %dma_start3A_44, %dma_start3A_45] : memref<3x32x1024xf32, #tpu.memory_space<vmem>> -> memref<1x32x1024xf32, #tpu.memory_space<vmem>>
    %dma_start3A_47 = tpu.memref_squeeze %dma_start3A_46 : memref<1x32x1024xf32, #tpu.memory_space<vmem>> -> memref<32x1024xf32, #tpu.memory_space<vmem>>
    %dma_start3A_48 = arith.constant 0 : i32
    %dma_start3A_49 = tpu.memref_slice %arg4[%add3A_41, %dma_start3A_48] : memref<6144x1024xf32, #tpu.memory_space<hbm>> -> memref<32x1024xf32, #tpu.memory_space<hbm>>
    %dma_start3A_50 = tpu.memref_slice %arg8[%dma_start3A_43] : memref<3x!tpu.dma_semaphore, #tpu.memory_space<semaphore_mem>> -> memref<1x!tpu.dma_semaphore, #tpu.memory_space<semaphore_mem>>
    %dma_start3A_51 = tpu.memref_squeeze %dma_start3A_50 : memref<1x!tpu.dma_semaphore, #tpu.memory_space<semaphore_mem>> -> memref<!tpu.dma_semaphore, #tpu.memory_space<semaphore_mem>>
    %dma_start3A_52 = arith.constant 0 : i32
    %dma_start3A_53 = tpu.memref_slice %arg4[%add3A_41, %dma_start3A_52] : memref<6144x1024xf32, #tpu.memory_space<hbm>> -> memref<32x1024xf32, #tpu.memory_space<hbm>>
    %dma_start3A_54 = arith.constant 0 : i32
    %dma_start3A_55 = arith.constant 0 : i32
    %dma_start3A_56 = tpu.memref_slice %arg6[%dma_start3A_42, %dma_start3A_54, %dma_start3A_55] : memref<3x32x1024xf32, #tpu.memory_space<vmem>> -> memref<1x32x1024xf32, #tpu.memory_space<vmem>>
    %dma_start3A_57 = tpu.memref_squeeze %dma_start3A_56 : memref<1x32x1024xf32, #tpu.memory_space<vmem>> -> memref<32x1024xf32, #tpu.memory_space<vmem>>
    tpu.enqueue_dma source(%dma_start3A_57 : memref<32x1024xf32, #tpu.memory_space<vmem>>) target(%dma_start3A_53 : memref<32x1024xf32, #tpu.memory_space<hbm>>) target_semaphore(%dma_start3A_51 : memref<!tpu.dma_semaphore, #tpu.memory_space<semaphore_mem>>)
    %dma_start3A_58 = arith.constant 2 : i32
    %dma_start3A_59 = arith.constant 2 : i32
    %dma_start3A_60 = arith.constant 0 : i32
    %dma_start3A_61 = arith.constant 0 : i32
    %dma_start3A_62 = tpu.memref_slice %arg6[%dma_start3A_58, %dma_start3A_60, %dma_start3A_61] : memref<3x32x1024xf32, #tpu.memory_space<vmem>> -> memref<1x32x1024xf32, #tpu.memory_space<vmem>>
    %dma_start3A_63 = tpu.memref_squeeze %dma_start3A_62 : memref<1x32x1024xf32, #tpu.memory_space<vmem>> -> memref<32x1024xf32, #tpu.memory_space<vmem>>
    %dma_start3A_64 = arith.constant 64 : i32
    %dma_start3A_65 = tpu.memref_slice %arg5[%dma_start3A_64] : memref<192xi32, #tpu.memory_space<vmem>> -> memref<32xi32, #tpu.memory_space<vmem>>
    %dma_start3A_66 = arith.constant 0 : i32
    %dma_start3A_67 = arith.constant 0 : i32
    %dma_start3A_68 = tpu.memref_slice %arg2[%dma_start3A_66, %dma_start3A_67] : memref<2048x1024xf32, #tpu.memory_space<hbm>> -> memref<2048x1024xf32, #tpu.memory_space<hbm>>
    %dma_start3A_69 = tpu.memref_slice %arg7[%dma_start3A_59] : memref<3x!tpu.dma_semaphore, #tpu.memory_space<semaphore_mem>> -> memref<1x!tpu.dma_semaphore, #tpu.memory_space<semaphore_mem>>
    %dma_start3A_70 = tpu.memref_squeeze %dma_start3A_69 : memref<1x!tpu.dma_semaphore, #tpu.memory_space<semaphore_mem>> -> memref<!tpu.dma_semaphore, #tpu.memory_space<semaphore_mem>>
    tpu.enqueue_indirect_dma source(%dma_start3A_68 : memref<2048x1024xf32, #tpu.memory_space<hbm>>) target(%dma_start3A_63 : memref<32x1024xf32, #tpu.memory_space<vmem>>) offsets(%dma_start3A_65 : memref<32xi32, #tpu.memory_space<vmem>>) semaphore(%dma_start3A_70 : memref<!tpu.dma_semaphore, #tpu.memory_space<semaphore_mem>>)
    %dma_wait3A_71 = arith.constant 1 : i32
    %dma_wait3A_72 = arith.constant 1 : i32
    %dma_wait3A_73 = arith.constant 0 : i32
    %dma_wait3A_74 = arith.constant 0 : i32
    %dma_wait3A_75 = tpu.memref_slice %arg6[%dma_wait3A_71, %dma_wait3A_73, %dma_wait3A_74] : memref<3x32x1024xf32, #tpu.memory_space<vmem>> -> memref<1x32x1024xf32, #tpu.memory_space<vmem>>
    %dma_wait3A_76 = tpu.memref_squeeze %dma_wait3A_75 : memref<1x32x1024xf32, #tpu.memory_space<vmem>> -> memref<32x1024xf32, #tpu.memory_space<vmem>>
    %dma_wait3A_77 = arith.constant 32 : i32
    %dma_wait3A_78 = tpu.memref_slice %arg5[%dma_wait3A_77] : memref<192xi32, #tpu.memory_space<vmem>> -> memref<32xi32, #tpu.memory_space<vmem>>
    %dma_wait3A_79 = arith.constant 0 : i32
    %dma_wait3A_80 = arith.constant 0 : i32
    %dma_wait3A_81 = tpu.memref_slice %arg2[%dma_wait3A_79, %dma_wait3A_80] : memref<2048x1024xf32, #tpu.memory_space<hbm>> -> memref<2048x1024xf32, #tpu.memory_space<hbm>>
    %dma_wait3A_82 = tpu.memref_slice %arg7[%dma_wait3A_72] : memref<3x!tpu.dma_semaphore, #tpu.memory_space<semaphore_mem>> -> memref<1x!tpu.dma_semaphore, #tpu.memory_space<semaphore_mem>>
    %dma_wait3A_83 = tpu.memref_squeeze %dma_wait3A_82 : memref<1x!tpu.dma_semaphore, #tpu.memory_space<semaphore_mem>> -> memref<!tpu.dma_semaphore, #tpu.memory_space<semaphore_mem>>
    tpu.wait_indirect_dma semaphore(%dma_wait3A_83 : memref<!tpu.dma_semaphore, #tpu.memory_space<semaphore_mem>>) src(%dma_wait3A_81 : memref<2048x1024xf32, #tpu.memory_space<hbm>>) dst(%dma_wait3A_76 : memref<32x1024xf32, #tpu.memory_space<vmem>>)
    %add3A_84 = arith.constant 32 : i32
    %add3A_85 = arith.addi %mul3A_2, %add3A_84 : i32
    %dma_start3A_86 = arith.constant 1 : i32
    %dma_start3A_87 = arith.constant 1 : i32
    %dma_start3A_88 = arith.constant 0 : i32
    %dma_start3A_89 = arith.constant 0 : i32
    %dma_start3A_90 = tpu.memref_slice %arg6[%dma_start3A_86, %dma_start3A_88, %dma_start3A_89] : memref<3x32x1024xf32, #tpu.memory_space<vmem>> -> memref<1x32x1024xf32, #tpu.memory_space<vmem>>
    %dma_start3A_91 = tpu.memref_squeeze %dma_start3A_90 : memref<1x32x1024xf32, #tpu.memory_space<vmem>> -> memref<32x1024xf32, #tpu.memory_space<vmem>>
    %dma_start3A_92 = arith.constant 0 : i32
    %dma_start3A_93 = tpu.memref_slice %arg4[%add3A_85, %dma_start3A_92] : memref<6144x1024xf32, #tpu.memory_space<hbm>> -> memref<32x1024xf32, #tpu.memory_space<hbm>>
    %dma_start3A_94 = tpu.memref_slice %arg8[%dma_start3A_87] : memref<3x!tpu.dma_semaphore, #tpu.memory_space<semaphore_mem>> -> memref<1x!tpu.dma_semaphore, #tpu.memory_space<semaphore_mem>>
    %dma_start3A_95 = tpu.memref_squeeze %dma_start3A_94 : memref<1x!tpu.dma_semaphore, #tpu.memory_space<semaphore_mem>> -> memref<!tpu.dma_semaphore, #tpu.memory_space<semaphore_mem>>
    %dma_start3A_96 = arith.constant 0 : i32
    %dma_start3A_97 = tpu.memref_slice %arg4[%add3A_85, %dma_start3A_96] : memref<6144x1024xf32, #tpu.memory_space<hbm>> -> memref<32x1024xf32, #tpu.memory_space<hbm>>
    %dma_start3A_98 = arith.constant 0 : i32
    %dma_start3A_99 = arith.constant 0 : i32
    %dma_start3A_100 = tpu.memref_slice %arg6[%dma_start3A_86, %dma_start3A_98, %dma_start3A_99] : memref<3x32x1024xf32, #tpu.memory_space<vmem>> -> memref<1x32x1024xf32, #tpu.memory_space<vmem>>
    %dma_start3A_101 = tpu.memref_squeeze %dma_start3A_100 : memref<1x32x1024xf32, #tpu.memory_space<vmem>> -> memref<32x1024xf32, #tpu.memory_space<vmem>>
    tpu.enqueue_dma source(%dma_start3A_101 : memref<32x1024xf32, #tpu.memory_space<vmem>>) target(%dma_start3A_97 : memref<32x1024xf32, #tpu.memory_space<hbm>>) target_semaphore(%dma_start3A_95 : memref<!tpu.dma_semaphore, #tpu.memory_space<semaphore_mem>>)
    %dma_wait3A_102 = arith.constant 0 : i32
    %dma_wait3A_103 = arith.constant 0 : i32
    %dma_wait3A_104 = arith.constant 0 : i32
    %dma_wait3A_105 = arith.constant 0 : i32
    %dma_wait3A_106 = tpu.memref_slice %arg6[%dma_wait3A_102, %dma_wait3A_104, %dma_wait3A_105] : memref<3x32x1024xf32, #tpu.memory_space<vmem>> -> memref<1x32x1024xf32, #tpu.memory_space<vmem>>
    %dma_wait3A_107 = tpu.memref_squeeze %dma_wait3A_106 : memref<1x32x1024xf32, #tpu.memory_space<vmem>> -> memref<32x1024xf32, #tpu.memory_space<vmem>>
    %dma_wait3A_108 = arith.constant 0 : i32
    %dma_wait3A_109 = tpu.memref_slice %arg4[%add3A_41, %dma_wait3A_108] : memref<6144x1024xf32, #tpu.memory_space<hbm>> -> memref<32x1024xf32, #tpu.memory_space<hbm>>
    %dma_wait3A_110 = tpu.memref_slice %arg8[%dma_wait3A_103] : memref<3x!tpu.dma_semaphore, #tpu.memory_space<semaphore_mem>> -> memref<1x!tpu.dma_semaphore, #tpu.memory_space<semaphore_mem>>
    %dma_wait3A_111 = tpu.memref_squeeze %dma_wait3A_110 : memref<1x!tpu.dma_semaphore, #tpu.memory_space<semaphore_mem>> -> memref<!tpu.dma_semaphore, #tpu.memory_space<semaphore_mem>>
    %dma_wait3A_112 = arith.constant 0 : i32
    %dma_wait3A_113 = tpu.memref_slice %arg4[%add3A_41, %dma_wait3A_112] : memref<6144x1024xf32, #tpu.memory_space<hbm>> -> memref<32x1024xf32, #tpu.memory_space<hbm>>
    %dma_wait3A_114 = arith.constant 0 : i32
    %dma_wait3A_115 = arith.constant 0 : i32
    %dma_wait3A_116 = tpu.memref_slice %arg6[%dma_wait3A_102, %dma_wait3A_114, %dma_wait3A_115] : memref<3x32x1024xf32, #tpu.memory_space<vmem>> -> memref<1x32x1024xf32, #tpu.memory_space<vmem>>
    %dma_wait3A_117 = tpu.memref_squeeze %dma_wait3A_116 : memref<1x32x1024xf32, #tpu.memory_space<vmem>> -> memref<32x1024xf32, #tpu.memory_space<vmem>>
    tpu.wait_dma2 semaphore(%dma_wait3A_111 : memref<!tpu.dma_semaphore, #tpu.memory_space<semaphore_mem>>) src(%dma_wait3A_117 : memref<32x1024xf32, #tpu.memory_space<vmem>>) dst(%dma_wait3A_113 : memref<32x1024xf32, #tpu.memory_space<hbm>>)
    %dma_start3A_118 = arith.constant 0 : i32
    %dma_start3A_119 = arith.constant 0 : i32
    %dma_start3A_120 = arith.constant 0 : i32
    %dma_start3A_121 = arith.constant 0 : i32
    %dma_start3A_122 = tpu.memref_slice %arg6[%dma_start3A_118, %dma_start3A_120, %dma_start3A_121] : memref<3x32x1024xf32, #tpu.memory_space<vmem>> -> memref<1x32x1024xf32, #tpu.memory_space<vmem>>
    %dma_start3A_123 = tpu.memref_squeeze %dma_start3A_122 : memref<1x32x1024xf32, #tpu.memory_space<vmem>> -> memref<32x1024xf32, #tpu.memory_space<vmem>>
    %dma_start3A_124 = arith.constant 96 : i32
    %dma_start3A_125 = tpu.memref_slice %arg5[%dma_start3A_124] : memref<192xi32, #tpu.memory_space<vmem>> -> memref<32xi32, #tpu.memory_space<vmem>>
    %dma_start3A_126 = arith.constant 0 : i32
    %dma_start3A_127 = arith.constant 0 : i32
    %dma_start3A_128 = tpu.memref_slice %arg2[%dma_start3A_126, %dma_start3A_127] : memref<2048x1024xf32, #tpu.memory_space<hbm>> -> memref<2048x1024xf32, #tpu.memory_space<hbm>>
    %dma_start3A_129 = tpu.memref_slice %arg7[%dma_start3A_119] : memref<3x!tpu.dma_semaphore, #tpu.memory_space<semaphore_mem>> -> memref<1x!tpu.dma_semaphore, #tpu.memory_space<semaphore_mem>>
    %dma_start3A_130 = tpu.memref_squeeze %dma_start3A_129 : memref<1x!tpu.dma_semaphore, #tpu.memory_space<semaphore_mem>> -> memref<!tpu.dma_semaphore, #tpu.memory_space<semaphore_mem>>
    tpu.enqueue_indirect_dma source(%dma_start3A_128 : memref<2048x1024xf32, #tpu.memory_space<hbm>>) target(%dma_start3A_123 : memref<32x1024xf32, #tpu.memory_space<vmem>>) offsets(%dma_start3A_125 : memref<32xi32, #tpu.memory_space<vmem>>) semaphore(%dma_start3A_130 : memref<!tpu.dma_semaphore, #tpu.memory_space<semaphore_mem>>)
    %dma_wait3A_131 = arith.constant 2 : i32
    %dma_wait3A_132 = arith.constant 2 : i32
    %dma_wait3A_133 = arith.constant 0 : i32
    %dma_wait3A_134 = arith.constant 0 : i32
    %dma_wait3A_135 = tpu.memref_slice %arg6[%dma_wait3A_131, %dma_wait3A_133, %dma_wait3A_134] : memref<3x32x1024xf32, #tpu.memory_space<vmem>> -> memref<1x32x1024xf32, #tpu.memory_space<vmem>>
    %dma_wait3A_136 = tpu.memref_squeeze %dma_wait3A_135 : memref<1x32x1024xf32, #tpu.memory_space<vmem>> -> memref<32x1024xf32, #tpu.memory_space<vmem>>
    %dma_wait3A_137 = arith.constant 64 : i32
    %dma_wait3A_138 = tpu.memref_slice %arg5[%dma_wait3A_137] : memref<192xi32, #tpu.memory_space<vmem>> -> memref<32xi32, #tpu.memory_space<vmem>>
    %dma_wait3A_139 = arith.constant 0 : i32
    %dma_wait3A_140 = arith.constant 0 : i32
    %dma_wait3A_141 = tpu.memref_slice %arg2[%dma_wait3A_139, %dma_wait3A_140] : memref<2048x1024xf32, #tpu.memory_space<hbm>> -> memref<2048x1024xf32, #tpu.memory_space<hbm>>
    %dma_wait3A_142 = tpu.memref_slice %arg7[%dma_wait3A_132] : memref<3x!tpu.dma_semaphore, #tpu.memory_space<semaphore_mem>> -> memref<1x!tpu.dma_semaphore, #tpu.memory_space<semaphore_mem>>
    %dma_wait3A_143 = tpu.memref_squeeze %dma_wait3A_142 : memref<1x!tpu.dma_semaphore, #tpu.memory_space<semaphore_mem>> -> memref<!tpu.dma_semaphore, #tpu.memory_space<semaphore_mem>>
    tpu.wait_indirect_dma semaphore(%dma_wait3A_143 : memref<!tpu.dma_semaphore, #tpu.memory_space<semaphore_mem>>) src(%dma_wait3A_141 : memref<2048x1024xf32, #tpu.memory_space<hbm>>) dst(%dma_wait3A_136 : memref<32x1024xf32, #tpu.memory_space<vmem>>)
    %add3A_144 = arith.constant 64 : i32
    %add3A_145 = arith.addi %mul3A_2, %add3A_144 : i32
    %dma_start3A_146 = arith.constant 2 : i32
    %dma_start3A_147 = arith.constant 2 : i32
    %dma_start3A_148 = arith.constant 0 : i32
    %dma_start3A_149 = arith.constant 0 : i32
    %dma_start3A_150 = tpu.memref_slice %arg6[%dma_start3A_146, %dma_start3A_148, %dma_start3A_149] : memref<3x32x1024xf32, #tpu.memory_space<vmem>> -> memref<1x32x1024xf32, #tpu.memory_space<vmem>>
    %dma_start3A_151 = tpu.memref_squeeze %dma_start3A_150 : memref<1x32x1024xf32, #tpu.memory_space<vmem>> -> memref<32x1024xf32, #tpu.memory_space<vmem>>
    %dma_start3A_152 = arith.constant 0 : i32
    %dma_start3A_153 = tpu.memref_slice %arg4[%add3A_145, %dma_start3A_152] : memref<6144x1024xf32, #tpu.memory_space<hbm>> -> memref<32x1024xf32, #tpu.memory_space<hbm>>
    %dma_start3A_154 = tpu.memref_slice %arg8[%dma_start3A_147] : memref<3x!tpu.dma_semaphore, #tpu.memory_space<semaphore_mem>> -> memref<1x!tpu.dma_semaphore, #tpu.memory_space<semaphore_mem>>
    %dma_start3A_155 = tpu.memref_squeeze %dma_start3A_154 : memref<1x!tpu.dma_semaphore, #tpu.memory_space<semaphore_mem>> -> memref<!tpu.dma_semaphore, #tpu.memory_space<semaphore_mem>>
    %dma_start3A_156 = arith.constant 0 : i32
    %dma_start3A_157 = tpu.memref_slice %arg4[%add3A_145, %dma_start3A_156] : memref<6144x1024xf32, #tpu.memory_space<hbm>> -> memref<32x1024xf32, #tpu.memory_space<hbm>>
    %dma_start3A_158 = arith.constant 0 : i32
    %dma_start3A_159 = arith.constant 0 : i32
    %dma_start3A_160 = tpu.memref_slice %arg6[%dma_start3A_146, %dma_start3A_158, %dma_start3A_159] : memref<3x32x1024xf32, #tpu.memory_space<vmem>> -> memref<1x32x1024xf32, #tpu.memory_space<vmem>>
    %dma_start3A_161 = tpu.memref_squeeze %dma_start3A_160 : memref<1x32x1024xf32, #tpu.memory_space<vmem>> -> memref<32x1024xf32, #tpu.memory_space<vmem>>
    tpu.enqueue_dma source(%dma_start3A_161 : memref<32x1024xf32, #tpu.memory_space<vmem>>) target(%dma_start3A_157 : memref<32x1024xf32, #tpu.memory_space<hbm>>) target_semaphore(%dma_start3A_155 : memref<!tpu.dma_semaphore, #tpu.memory_space<semaphore_mem>>)
    %dma_wait3A_162 = arith.constant 1 : i32
    %dma_wait3A_163 = arith.constant 1 : i32
    %dma_wait3A_164 = arith.constant 0 : i32
    %dma_wait3A_165 = arith.constant 0 : i32
    %dma_wait3A_166 = tpu.memref_slice %arg6[%dma_wait3A_162, %dma_wait3A_164, %dma_wait3A_165] : memref<3x32x1024xf32, #tpu.memory_space<vmem>> -> memref<1x32x1024xf32, #tpu.memory_space<vmem>>
    %dma_wait3A_167 = tpu.memref_squeeze %dma_wait3A_166 : memref<1x32x1024xf32, #tpu.memory_space<vmem>> -> memref<32x1024xf32, #tpu.memory_space<vmem>>
    %dma_wait3A_168 = arith.constant 0 : i32
    %dma_wait3A_169 = tpu.memref_slice %arg4[%add3A_85, %dma_wait3A_168] : memref<6144x1024xf32, #tpu.memory_space<hbm>> -> memref<32x1024xf32, #tpu.memory_space<hbm>>
    %dma_wait3A_170 = tpu.memref_slice %arg8[%dma_wait3A_163] : memref<3x!tpu.dma_semaphore, #tpu.memory_space<semaphore_mem>> -> memref<1x!tpu.dma_semaphore, #tpu.memory_space<semaphore_mem>>
    %dma_wait3A_171 = tpu.memref_squeeze %dma_wait3A_170 : memref<1x!tpu.dma_semaphore, #tpu.memory_space<semaphore_mem>> -> memref<!tpu.dma_semaphore, #tpu.memory_space<semaphore_mem>>
    %dma_wait3A_172 = arith.constant 0 : i32
    %dma_wait3A_173 = tpu.memref_slice %arg4[%add3A_85, %dma_wait3A_172] : memref<6144x1024xf32, #tpu.memory_space<hbm>> -> memref<32x1024xf32, #tpu.memory_space<hbm>>
    %dma_wait3A_174 = arith.constant 0 : i32
    %dma_wait3A_175 = arith.constant 0 : i32
    %dma_wait3A_176 = tpu.memref_slice %arg6[%dma_wait3A_162, %dma_wait3A_174, %dma_wait3A_175] : memref<3x32x1024xf32, #tpu.memory_space<vmem>> -> memref<1x32x1024xf32, #tpu.memory_space<vmem>>
    %dma_wait3A_177 = tpu.memref_squeeze %dma_wait3A_176 : memref<1x32x1024xf32, #tpu.memory_space<vmem>> -> memref<32x1024xf32, #tpu.memory_space<vmem>>
    tpu.wait_dma2 semaphore(%dma_wait3A_171 : memref<!tpu.dma_semaphore, #tpu.memory_space<semaphore_mem>>) src(%dma_wait3A_177 : memref<32x1024xf32, #tpu.memory_space<vmem>>) dst(%dma_wait3A_173 : memref<32x1024xf32, #tpu.memory_space<hbm>>)
    %dma_start3A_178 = arith.constant 1 : i32
    %dma_start3A_179 = arith.constant 1 : i32
    %dma_start3A_180 = arith.constant 0 : i32
    %dma_start3A_181 = arith.constant 0 : i32
    %dma_start3A_182 = tpu.memref_slice %arg6[%dma_start3A_178, %dma_start3A_180, %dma_start3A_181] : memref<3x32x1024xf32, #tpu.memory_space<vmem>> -> memref<1x32x1024xf32, #tpu.memory_space<vmem>>
    %dma_start3A_183 = tpu.memref_squeeze %dma_start3A_182 : memref<1x32x1024xf32, #tpu.memory_space<vmem>> -> memref<32x1024xf32, #tpu.memory_space<vmem>>
    %dma_start3A_184 = arith.constant 128 : i32
    %dma_start3A_185 = tpu.memref_slice %arg5[%dma_start3A_184] : memref<192xi32, #tpu.memory_space<vmem>> -> memref<32xi32, #tpu.memory_space<vmem>>
    %dma_start3A_186 = arith.constant 0 : i32
    %dma_start3A_187 = arith.constant 0 : i32
    %dma_start3A_188 = tpu.memref_slice %arg2[%dma_start3A_186, %dma_start3A_187] : memref<2048x1024xf32, #tpu.memory_space<hbm>> -> memref<2048x1024xf32, #tpu.memory_space<hbm>>
    %dma_start3A_189 = tpu.memref_slice %arg7[%dma_start3A_179] : memref<3x!tpu.dma_semaphore, #tpu.memory_space<semaphore_mem>> -> memref<1x!tpu.dma_semaphore, #tpu.memory_space<semaphore_mem>>
    %dma_start3A_190 = tpu.memref_squeeze %dma_start3A_189 : memref<1x!tpu.dma_semaphore, #tpu.memory_space<semaphore_mem>> -> memref<!tpu.dma_semaphore, #tpu.memory_space<semaphore_mem>>
    tpu.enqueue_indirect_dma source(%dma_start3A_188 : memref<2048x1024xf32, #tpu.memory_space<hbm>>) target(%dma_start3A_183 : memref<32x1024xf32, #tpu.memory_space<vmem>>) offsets(%dma_start3A_185 : memref<32xi32, #tpu.memory_space<vmem>>) semaphore(%dma_start3A_190 : memref<!tpu.dma_semaphore, #tpu.memory_space<semaphore_mem>>)
    %dma_wait3A_191 = arith.constant 0 : i32
    %dma_wait3A_192 = arith.constant 0 : i32
    %dma_wait3A_193 = arith.constant 0 : i32
    %dma_wait3A_194 = arith.constant 0 : i32
    %dma_wait3A_195 = tpu.memref_slice %arg6[%dma_wait3A_191, %dma_wait3A_193, %dma_wait3A_194] : memref<3x32x1024xf32, #tpu.memory_space<vmem>> -> memref<1x32x1024xf32, #tpu.memory_space<vmem>>
    %dma_wait3A_196 = tpu.memref_squeeze %dma_wait3A_195 : memref<1x32x1024xf32, #tpu.memory_space<vmem>> -> memref<32x1024xf32, #tpu.memory_space<vmem>>
    %dma_wait3A_197 = arith.constant 96 : i32
    %dma_wait3A_198 = tpu.memref_slice %arg5[%dma_wait3A_197] : memref<192xi32, #tpu.memory_space<vmem>> -> memref<32xi32, #tpu.memory_space<vmem>>
    %dma_wait3A_199 = arith.constant 0 : i32
    %dma_wait3A_200 = arith.constant 0 : i32
    %dma_wait3A_201 = tpu.memref_slice %arg2[%dma_wait3A_199, %dma_wait3A_200] : memref<2048x1024xf32, #tpu.memory_space<hbm>> -> memref<2048x1024xf32, #tpu.memory_space<hbm>>
    %dma_wait3A_202 = tpu.memref_slice %arg7[%dma_wait3A_192] : memref<3x!tpu.dma_semaphore, #tpu.memory_space<semaphore_mem>> -> memref<1x!tpu.dma_semaphore, #tpu.memory_space<semaphore_mem>>
    %dma_wait3A_203 = tpu.memref_squeeze %dma_wait3A_202 : memref<1x!tpu.dma_semaphore, #tpu.memory_space<semaphore_mem>> -> memref<!tpu.dma_semaphore, #tpu.memory_space<semaphore_mem>>
    tpu.wait_indirect_dma semaphore(%dma_wait3A_203 : memref<!tpu.dma_semaphore, #tpu.memory_space<semaphore_mem>>) src(%dma_wait3A_201 : memref<2048x1024xf32, #tpu.memory_space<hbm>>) dst(%dma_wait3A_196 : memref<32x1024xf32, #tpu.memory_space<vmem>>)
    %add3A_204 = arith.constant 96 : i32
    %add3A_205 = arith.addi %mul3A_2, %add3A_204 : i32
    %dma_start3A_206 = arith.constant 0 : i32
    %dma_start3A_207 = arith.constant 0 : i32
    %dma_start3A_208 = arith.constant 0 : i32
    %dma_start3A_209 = arith.constant 0 : i32
    %dma_start3A_210 = tpu.memref_slice %arg6[%dma_start3A_206, %dma_start3A_208, %dma_start3A_209] : memref<3x32x1024xf32, #tpu.memory_space<vmem>> -> memref<1x32x1024xf32, #tpu.memory_space<vmem>>
    %dma_start3A_211 = tpu.memref_squeeze %dma_start3A_210 : memref<1x32x1024xf32, #tpu.memory_space<vmem>> -> memref<32x1024xf32, #tpu.memory_space<vmem>>
    %dma_start3A_212 = arith.constant 0 : i32
    %dma_start3A_213 = tpu.memref_slice %arg4[%add3A_205, %dma_start3A_212] : memref<6144x1024xf32, #tpu.memory_space<hbm>> -> memref<32x1024xf32, #tpu.memory_space<hbm>>
    %dma_start3A_214 = tpu.memref_slice %arg8[%dma_start3A_207] : memref<3x!tpu.dma_semaphore, #tpu.memory_space<semaphore_mem>> -> memref<1x!tpu.dma_semaphore, #tpu.memory_space<semaphore_mem>>
    %dma_start3A_215 = tpu.memref_squeeze %dma_start3A_214 : memref<1x!tpu.dma_semaphore, #tpu.memory_space<semaphore_mem>> -> memref<!tpu.dma_semaphore, #tpu.memory_space<semaphore_mem>>
    %dma_start3A_216 = arith.constant 0 : i32
    %dma_start3A_217 = tpu.memref_slice %arg4[%add3A_205, %dma_start3A_216] : memref<6144x1024xf32, #tpu.memory_space<hbm>> -> memref<32x1024xf32, #tpu.memory_space<hbm>>
    %dma_start3A_218 = arith.constant 0 : i32
    %dma_start3A_219 = arith.constant 0 : i32
    %dma_start3A_220 = tpu.memref_slice %arg6[%dma_start3A_206, %dma_start3A_218, %dma_start3A_219] : memref<3x32x1024xf32, #tpu.memory_space<vmem>> -> memref<1x32x1024xf32, #tpu.memory_space<vmem>>
    %dma_start3A_221 = tpu.memref_squeeze %dma_start3A_220 : memref<1x32x1024xf32, #tpu.memory_space<vmem>> -> memref<32x1024xf32, #tpu.memory_space<vmem>>
    tpu.enqueue_dma source(%dma_start3A_221 : memref<32x1024xf32, #tpu.memory_space<vmem>>) target(%dma_start3A_217 : memref<32x1024xf32, #tpu.memory_space<hbm>>) target_semaphore(%dma_start3A_215 : memref<!tpu.dma_semaphore, #tpu.memory_space<semaphore_mem>>)
    %dma_wait3A_222 = arith.constant 2 : i32
    %dma_wait3A_223 = arith.constant 2 : i32
    %dma_wait3A_224 = arith.constant 0 : i32
    %dma_wait3A_225 = arith.constant 0 : i32
    %dma_wait3A_226 = tpu.memref_slice %arg6[%dma_wait3A_222, %dma_wait3A_224, %dma_wait3A_225] : memref<3x32x1024xf32, #tpu.memory_space<vmem>> -> memref<1x32x1024xf32, #tpu.memory_space<vmem>>
    %dma_wait3A_227 = tpu.memref_squeeze %dma_wait3A_226 : memref<1x32x1024xf32, #tpu.memory_space<vmem>> -> memref<32x1024xf32, #tpu.memory_space<vmem>>
    %dma_wait3A_228 = arith.constant 0 : i32
    %dma_wait3A_229 = tpu.memref_slice %arg4[%add3A_145, %dma_wait3A_228] : memref<6144x1024xf32, #tpu.memory_space<hbm>> -> memref<32x1024xf32, #tpu.memory_space<hbm>>
    %dma_wait3A_230 = tpu.memref_slice %arg8[%dma_wait3A_223] : memref<3x!tpu.dma_semaphore, #tpu.memory_space<semaphore_mem>> -> memref<1x!tpu.dma_semaphore, #tpu.memory_space<semaphore_mem>>
    %dma_wait3A_231 = tpu.memref_squeeze %dma_wait3A_230 : memref<1x!tpu.dma_semaphore, #tpu.memory_space<semaphore_mem>> -> memref<!tpu.dma_semaphore, #tpu.memory_space<semaphore_mem>>
    %dma_wait3A_232 = arith.constant 0 : i32
    %dma_wait3A_233 = tpu.memref_slice %arg4[%add3A_145, %dma_wait3A_232] : memref<6144x1024xf32, #tpu.memory_space<hbm>> -> memref<32x1024xf32, #tpu.memory_space<hbm>>
    %dma_wait3A_234 = arith.constant 0 : i32
    %dma_wait3A_235 = arith.constant 0 : i32
    %dma_wait3A_236 = tpu.memref_slice %arg6[%dma_wait3A_222, %dma_wait3A_234, %dma_wait3A_235] : memref<3x32x1024xf32, #tpu.memory_space<vmem>> -> memref<1x32x1024xf32, #tpu.memory_space<vmem>>
    %dma_wait3A_237 = tpu.memref_squeeze %dma_wait3A_236 : memref<1x32x1024xf32, #tpu.memory_space<vmem>> -> memref<32x1024xf32, #tpu.memory_space<vmem>>
    tpu.wait_dma2 semaphore(%dma_wait3A_231 : memref<!tpu.dma_semaphore, #tpu.memory_space<semaphore_mem>>) src(%dma_wait3A_237 : memref<32x1024xf32, #tpu.memory_space<vmem>>) dst(%dma_wait3A_233 : memref<32x1024xf32, #tpu.memory_space<hbm>>)
    %dma_start3A_238 = arith.constant 2 : i32
    %dma_start3A_239 = arith.constant 2 : i32
    %dma_start3A_240 = arith.constant 0 : i32
    %dma_start3A_241 = arith.constant 0 : i32
    %dma_start3A_242 = tpu.memref_slice %arg6[%dma_start3A_238, %dma_start3A_240, %dma_start3A_241] : memref<3x32x1024xf32, #tpu.memory_space<vmem>> -> memref<1x32x1024xf32, #tpu.memory_space<vmem>>
    %dma_start3A_243 = tpu.memref_squeeze %dma_start3A_242 : memref<1x32x1024xf32, #tpu.memory_space<vmem>> -> memref<32x1024xf32, #tpu.memory_space<vmem>>
    %dma_start3A_244 = arith.constant 160 : i32
    %dma_start3A_245 = tpu.memref_slice %arg5[%dma_start3A_244] : memref<192xi32, #tpu.memory_space<vmem>> -> memref<32xi32, #tpu.memory_space<vmem>>
    %dma_start3A_246 = arith.constant 0 : i32
    %dma_start3A_247 = arith.constant 0 : i32
    %dma_start3A_248 = tpu.memref_slice %arg2[%dma_start3A_246, %dma_start3A_247] : memref<2048x1024xf32, #tpu.memory_space<hbm>> -> memref<2048x1024xf32, #tpu.memory_space<hbm>>
    %dma_start3A_249 = tpu.memref_slice %arg7[%dma_start3A_239] : memref<3x!tpu.dma_semaphore, #tpu.memory_space<semaphore_mem>> -> memref<1x!tpu.dma_semaphore, #tpu.memory_space<semaphore_mem>>
    %dma_start3A_250 = tpu.memref_squeeze %dma_start3A_249 : memref<1x!tpu.dma_semaphore, #tpu.memory_space<semaphore_mem>> -> memref<!tpu.dma_semaphore, #tpu.memory_space<semaphore_mem>>
    tpu.enqueue_indirect_dma source(%dma_start3A_248 : memref<2048x1024xf32, #tpu.memory_space<hbm>>) target(%dma_start3A_243 : memref<32x1024xf32, #tpu.memory_space<vmem>>) offsets(%dma_start3A_245 : memref<32xi32, #tpu.memory_space<vmem>>) semaphore(%dma_start3A_250 : memref<!tpu.dma_semaphore, #tpu.memory_space<semaphore_mem>>)
    %dma_wait3A_251 = arith.constant 1 : i32
    %dma_wait3A_252 = arith.constant 1 : i32
    %dma_wait3A_253 = arith.constant 0 : i32
    %dma_wait3A_254 = arith.constant 0 : i32
    %dma_wait3A_255 = tpu.memref_slice %arg6[%dma_wait3A_251, %dma_wait3A_253, %dma_wait3A_254] : memref<3x32x1024xf32, #tpu.memory_space<vmem>> -> memref<1x32x1024xf32, #tpu.memory_space<vmem>>
    %dma_wait3A_256 = tpu.memref_squeeze %dma_wait3A_255 : memref<1x32x1024xf32, #tpu.memory_space<vmem>> -> memref<32x1024xf32, #tpu.memory_space<vmem>>
    %dma_wait3A_257 = arith.constant 128 : i32
    %dma_wait3A_258 = tpu.memref_slice %arg5[%dma_wait3A_257] : memref<192xi32, #tpu.memory_space<vmem>> -> memref<32xi32, #tpu.memory_space<vmem>>
    %dma_wait3A_259 = arith.constant 0 : i32
    %dma_wait3A_260 = arith.constant 0 : i32
    %dma_wait3A_261 = tpu.memref_slice %arg2[%dma_wait3A_259, %dma_wait3A_260] : memref<2048x1024xf32, #tpu.memory_space<hbm>> -> memref<2048x1024xf32, #tpu.memory_space<hbm>>
    %dma_wait3A_262 = tpu.memref_slice %arg7[%dma_wait3A_252] : memref<3x!tpu.dma_semaphore, #tpu.memory_space<semaphore_mem>> -> memref<1x!tpu.dma_semaphore, #tpu.memory_space<semaphore_mem>>
    %dma_wait3A_263 = tpu.memref_squeeze %dma_wait3A_262 : memref<1x!tpu.dma_semaphore, #tpu.memory_space<semaphore_mem>> -> memref<!tpu.dma_semaphore, #tpu.memory_space<semaphore_mem>>
    tpu.wait_indirect_dma semaphore(%dma_wait3A_263 : memref<!tpu.dma_semaphore, #tpu.memory_space<semaphore_mem>>) src(%dma_wait3A_261 : memref<2048x1024xf32, #tpu.memory_space<hbm>>) dst(%dma_wait3A_256 : memref<32x1024xf32, #tpu.memory_space<vmem>>)
    %add3A_264 = arith.constant 128 : i32
    %add3A_265 = arith.addi %mul3A_2, %add3A_264 : i32
    %dma_start3A_266 = arith.constant 1 : i32
    %dma_start3A_267 = arith.constant 1 : i32
    %dma_start3A_268 = arith.constant 0 : i32
    %dma_start3A_269 = arith.constant 0 : i32
    %dma_start3A_270 = tpu.memref_slice %arg6[%dma_start3A_266, %dma_start3A_268, %dma_start3A_269] : memref<3x32x1024xf32, #tpu.memory_space<vmem>> -> memref<1x32x1024xf32, #tpu.memory_space<vmem>>
    %dma_start3A_271 = tpu.memref_squeeze %dma_start3A_270 : memref<1x32x1024xf32, #tpu.memory_space<vmem>> -> memref<32x1024xf32, #tpu.memory_space<vmem>>
    %dma_start3A_272 = arith.constant 0 : i32
    %dma_start3A_273 = tpu.memref_slice %arg4[%add3A_265, %dma_start3A_272] : memref<6144x1024xf32, #tpu.memory_space<hbm>> -> memref<32x1024xf32, #tpu.memory_space<hbm>>
    %dma_start3A_274 = tpu.memref_slice %arg8[%dma_start3A_267] : memref<3x!tpu.dma_semaphore, #tpu.memory_space<semaphore_mem>> -> memref<1x!tpu.dma_semaphore, #tpu.memory_space<semaphore_mem>>
    %dma_start3A_275 = tpu.memref_squeeze %dma_start3A_274 : memref<1x!tpu.dma_semaphore, #tpu.memory_space<semaphore_mem>> -> memref<!tpu.dma_semaphore, #tpu.memory_space<semaphore_mem>>
    %dma_start3A_276 = arith.constant 0 : i32
    %dma_start3A_277 = tpu.memref_slice %arg4[%add3A_265, %dma_start3A_276] : memref<6144x1024xf32, #tpu.memory_space<hbm>> -> memref<32x1024xf32, #tpu.memory_space<hbm>>
    %dma_start3A_278 = arith.constant 0 : i32
    %dma_start3A_279 = arith.constant 0 : i32
    %dma_start3A_280 = tpu.memref_slice %arg6[%dma_start3A_266, %dma_start3A_278, %dma_start3A_279] : memref<3x32x1024xf32, #tpu.memory_space<vmem>> -> memref<1x32x1024xf32, #tpu.memory_space<vmem>>
    %dma_start3A_281 = tpu.memref_squeeze %dma_start3A_280 : memref<1x32x1024xf32, #tpu.memory_space<vmem>> -> memref<32x1024xf32, #tpu.memory_space<vmem>>
    tpu.enqueue_dma source(%dma_start3A_281 : memref<32x1024xf32, #tpu.memory_space<vmem>>) target(%dma_start3A_277 : memref<32x1024xf32, #tpu.memory_space<hbm>>) target_semaphore(%dma_start3A_275 : memref<!tpu.dma_semaphore, #tpu.memory_space<semaphore_mem>>)
    %dma_wait3A_282 = arith.constant 2 : i32
    %dma_wait3A_283 = arith.constant 2 : i32
    %dma_wait3A_284 = arith.constant 0 : i32
    %dma_wait3A_285 = arith.constant 0 : i32
    %dma_wait3A_286 = tpu.memref_slice %arg6[%dma_wait3A_282, %dma_wait3A_284, %dma_wait3A_285] : memref<3x32x1024xf32, #tpu.memory_space<vmem>> -> memref<1x32x1024xf32, #tpu.memory_space<vmem>>
    %dma_wait3A_287 = tpu.memref_squeeze %dma_wait3A_286 : memref<1x32x1024xf32, #tpu.memory_space<vmem>> -> memref<32x1024xf32, #tpu.memory_space<vmem>>
    %dma_wait3A_288 = arith.constant 160 : i32
    %dma_wait3A_289 = tpu.memref_slice %arg5[%dma_wait3A_288] : memref<192xi32, #tpu.memory_space<vmem>> -> memref<32xi32, #tpu.memory_space<vmem>>
    %dma_wait3A_290 = arith.constant 0 : i32
    %dma_wait3A_291 = arith.constant 0 : i32
    %dma_wait3A_292 = tpu.memref_slice %arg2[%dma_wait3A_290, %dma_wait3A_291] : memref<2048x1024xf32, #tpu.memory_space<hbm>> -> memref<2048x1024xf32, #tpu.memory_space<hbm>>
    %dma_wait3A_293 = tpu.memref_slice %arg7[%dma_wait3A_283] : memref<3x!tpu.dma_semaphore, #tpu.memory_space<semaphore_mem>> -> memref<1x!tpu.dma_semaphore, #tpu.memory_space<semaphore_mem>>
    %dma_wait3A_294 = tpu.memref_squeeze %dma_wait3A_293 : memref<1x!tpu.dma_semaphore, #tpu.memory_space<semaphore_mem>> -> memref<!tpu.dma_semaphore, #tpu.memory_space<semaphore_mem>>
    tpu.wait_indirect_dma semaphore(%dma_wait3A_294 : memref<!tpu.dma_semaphore, #tpu.memory_space<semaphore_mem>>) src(%dma_wait3A_292 : memref<2048x1024xf32, #tpu.memory_space<hbm>>) dst(%dma_wait3A_287 : memref<32x1024xf32, #tpu.memory_space<vmem>>)
    %add3A_295 = arith.constant 160 : i32
    %add3A_296 = arith.addi %mul3A_2, %add3A_295 : i32
    %dma_start3A_297 = arith.constant 2 : i32
    %dma_start3A_298 = arith.constant 2 : i32
    %dma_start3A_299 = arith.constant 0 : i32
    %dma_start3A_300 = arith.constant 0 : i32
    %dma_start3A_301 = tpu.memref_slice %arg6[%dma_start3A_297, %dma_start3A_299, %dma_start3A_300] : memref<3x32x1024xf32, #tpu.memory_space<vmem>> -> memref<1x32x1024xf32, #tpu.memory_space<vmem>>
    %dma_start3A_302 = tpu.memref_squeeze %dma_start3A_301 : memref<1x32x1024xf32, #tpu.memory_space<vmem>> -> memref<32x1024xf32, #tpu.memory_space<vmem>>
    %dma_start3A_303 = arith.constant 0 : i32
    %dma_start3A_304 = tpu.memref_slice %arg4[%add3A_296, %dma_start3A_303] : memref<6144x1024xf32, #tpu.memory_space<hbm>> -> memref<32x1024xf32, #tpu.memory_space<hbm>>
    %dma_start3A_305 = tpu.memref_slice %arg8[%dma_start3A_298] : memref<3x!tpu.dma_semaphore, #tpu.memory_space<semaphore_mem>> -> memref<1x!tpu.dma_semaphore, #tpu.memory_space<semaphore_mem>>
    %dma_start3A_306 = tpu.memref_squeeze %dma_start3A_305 : memref<1x!tpu.dma_semaphore, #tpu.memory_space<semaphore_mem>> -> memref<!tpu.dma_semaphore, #tpu.memory_space<semaphore_mem>>
    %dma_start3A_307 = arith.constant 0 : i32
    %dma_start3A_308 = tpu.memref_slice %arg4[%add3A_296, %dma_start3A_307] : memref<6144x1024xf32, #tpu.memory_space<hbm>> -> memref<32x1024xf32, #tpu.memory_space<hbm>>
    %dma_start3A_309 = arith.constant 0 : i32
    %dma_start3A_310 = arith.constant 0 : i32
    %dma_start3A_311 = tpu.memref_slice %arg6[%dma_start3A_297, %dma_start3A_309, %dma_start3A_310] : memref<3x32x1024xf32, #tpu.memory_space<vmem>> -> memref<1x32x1024xf32, #tpu.memory_space<vmem>>
    %dma_start3A_312 = tpu.memref_squeeze %dma_start3A_311 : memref<1x32x1024xf32, #tpu.memory_space<vmem>> -> memref<32x1024xf32, #tpu.memory_space<vmem>>
    tpu.enqueue_dma source(%dma_start3A_312 : memref<32x1024xf32, #tpu.memory_space<vmem>>) target(%dma_start3A_308 : memref<32x1024xf32, #tpu.memory_space<hbm>>) target_semaphore(%dma_start3A_306 : memref<!tpu.dma_semaphore, #tpu.memory_space<semaphore_mem>>)
    %dma_wait3A_313 = arith.constant 0 : i32
    %dma_wait3A_314 = arith.constant 0 : i32
    %dma_wait3A_315 = arith.constant 0 : i32
    %dma_wait3A_316 = arith.constant 0 : i32
    %dma_wait3A_317 = tpu.memref_slice %arg6[%dma_wait3A_313, %dma_wait3A_315, %dma_wait3A_316] : memref<3x32x1024xf32, #tpu.memory_space<vmem>> -> memref<1x32x1024xf32, #tpu.memory_space<vmem>>
    %dma_wait3A_318 = tpu.memref_squeeze %dma_wait3A_317 : memref<1x32x1024xf32, #tpu.memory_space<vmem>> -> memref<32x1024xf32, #tpu.memory_space<vmem>>
    %dma_wait3A_319 = arith.constant 0 : i32
    %dma_wait3A_320 = tpu.memref_slice %arg4[%add3A_205, %dma_wait3A_319] : memref<6144x1024xf32, #tpu.memory_space<hbm>> -> memref<32x1024xf32, #tpu.memory_space<hbm>>
    %dma_wait3A_321 = tpu.memref_slice %arg8[%dma_wait3A_314] : memref<3x!tpu.dma_semaphore, #tpu.memory_space<semaphore_mem>> -> memref<1x!tpu.dma_semaphore, #tpu.memory_space<semaphore_mem>>
    %dma_wait3A_322 = tpu.memref_squeeze %dma_wait3A_321 : memref<1x!tpu.dma_semaphore, #tpu.memory_space<semaphore_mem>> -> memref<!tpu.dma_semaphore, #tpu.memory_space<semaphore_mem>>
    %dma_wait3A_323 = arith.constant 0 : i32
    %dma_wait3A_324 = tpu.memref_slice %arg4[%add3A_205, %dma_wait3A_323] : memref<6144x1024xf32, #tpu.memory_space<hbm>> -> memref<32x1024xf32, #tpu.memory_space<hbm>>
    %dma_wait3A_325 = arith.constant 0 : i32
    %dma_wait3A_326 = arith.constant 0 : i32
    %dma_wait3A_327 = tpu.memref_slice %arg6[%dma_wait3A_313, %dma_wait3A_325, %dma_wait3A_326] : memref<3x32x1024xf32, #tpu.memory_space<vmem>> -> memref<1x32x1024xf32, #tpu.memory_space<vmem>>
    %dma_wait3A_328 = tpu.memref_squeeze %dma_wait3A_327 : memref<1x32x1024xf32, #tpu.memory_space<vmem>> -> memref<32x1024xf32, #tpu.memory_space<vmem>>
    tpu.wait_dma2 semaphore(%dma_wait3A_322 : memref<!tpu.dma_semaphore, #tpu.memory_space<semaphore_mem>>) src(%dma_wait3A_328 : memref<32x1024xf32, #tpu.memory_space<vmem>>) dst(%dma_wait3A_324 : memref<32x1024xf32, #tpu.memory_space<hbm>>)
    %dma_wait3A_329 = arith.constant 1 : i32
    %dma_wait3A_330 = arith.constant 1 : i32
    %dma_wait3A_331 = arith.constant 0 : i32
    %dma_wait3A_332 = arith.constant 0 : i32
    %dma_wait3A_333 = tpu.memref_slice %arg6[%dma_wait3A_329, %dma_wait3A_331, %dma_wait3A_332] : memref<3x32x1024xf32, #tpu.memory_space<vmem>> -> memref<1x32x1024xf32, #tpu.memory_space<vmem>>
    %dma_wait3A_334 = tpu.memref_squeeze %dma_wait3A_333 : memref<1x32x1024xf32, #tpu.memory_space<vmem>> -> memref<32x1024xf32, #tpu.memory_space<vmem>>
    %dma_wait3A_335 = arith.constant 0 : i32
    %dma_wait3A_336 = tpu.memref_slice %arg4[%add3A_265, %dma_wait3A_335] : memref<6144x1024xf32, #tpu.memory_space<hbm>> -> memref<32x1024xf32, #tpu.memory_space<hbm>>
    %dma_wait3A_337 = tpu.memref_slice %arg8[%dma_wait3A_330] : memref<3x!tpu.dma_semaphore, #tpu.memory_space<semaphore_mem>> -> memref<1x!tpu.dma_semaphore, #tpu.memory_space<semaphore_mem>>
    %dma_wait3A_338 = tpu.memref_squeeze %dma_wait3A_337 : memref<1x!tpu.dma_semaphore, #tpu.memory_space<semaphore_mem>> -> memref<!tpu.dma_semaphore, #tpu.memory_space<semaphore_mem>>
    %dma_wait3A_339 = arith.constant 0 : i32
    %dma_wait3A_340 = tpu.memref_slice %arg4[%add3A_265, %dma_wait3A_339] : memref<6144x1024xf32, #tpu.memory_space<hbm>> -> memref<32x1024xf32, #tpu.memory_space<hbm>>
    %dma_wait3A_341 = arith.constant 0 : i32
    %dma_wait3A_342 = arith.constant 0 : i32
    %dma_wait3A_343 = tpu.memref_slice %arg6[%dma_wait3A_329, %dma_wait3A_341, %dma_wait3A_342] : memref<3x32x1024xf32, #tpu.memory_space<vmem>> -> memref<1x32x1024xf32, #tpu.memory_space<vmem>>
    %dma_wait3A_344 = tpu.memref_squeeze %dma_wait3A_343 : memref<1x32x1024xf32, #tpu.memory_space<vmem>> -> memref<32x1024xf32, #tpu.memory_space<vmem>>
    tpu.wait_dma2 semaphore(%dma_wait3A_338 : memref<!tpu.dma_semaphore, #tpu.memory_space<semaphore_mem>>) src(%dma_wait3A_344 : memref<32x1024xf32, #tpu.memory_space<vmem>>) dst(%dma_wait3A_340 : memref<32x1024xf32, #tpu.memory_space<hbm>>)
    %dma_wait3A_345 = arith.constant 2 : i32
    %dma_wait3A_346 = arith.constant 2 : i32
    %dma_wait3A_347 = arith.constant 0 : i32
    %dma_wait3A_348 = arith.constant 0 : i32
    %dma_wait3A_349 = tpu.memref_slice %arg6[%dma_wait3A_345, %dma_wait3A_347, %dma_wait3A_348] : memref<3x32x1024xf32, #tpu.memory_space<vmem>> -> memref<1x32x1024xf32, #tpu.memory_space<vmem>>
    %dma_wait3A_350 = tpu.memref_squeeze %dma_wait3A_349 : memref<1x32x1024xf32, #tpu.memory_space<vmem>> -> memref<32x1024xf32, #tpu.memory_space<vmem>>
    %dma_wait3A_351 = arith.constant 0 : i32
    %dma_wait3A_352 = tpu.memref_slice %arg4[%add3A_296, %dma_wait3A_351] : memref<6144x1024xf32, #tpu.memory_space<hbm>> -> memref<32x1024xf32, #tpu.memory_space<hbm>>
    %dma_wait3A_353 = tpu.memref_slice %arg8[%dma_wait3A_346] : memref<3x!tpu.dma_semaphore, #tpu.memory_space<semaphore_mem>> -> memref<1x!tpu.dma_semaphore, #tpu.memory_space<semaphore_mem>>
    %dma_wait3A_354 = tpu.memref_squeeze %dma_wait3A_353 : memref<1x!tpu.dma_semaphore, #tpu.memory_space<semaphore_mem>> -> memref<!tpu.dma_semaphore, #tpu.memory_space<semaphore_mem>>
    %dma_wait3A_355 = arith.constant 0 : i32
    %dma_wait3A_356 = tpu.memref_slice %arg4[%add3A_296, %dma_wait3A_355] : memref<6144x1024xf32, #tpu.memory_space<hbm>> -> memref<32x1024xf32, #tpu.memory_space<hbm>>
    %dma_wait3A_357 = arith.constant 0 : i32
    %dma_wait3A_358 = arith.constant 0 : i32
    %dma_wait3A_359 = tpu.memref_slice %arg6[%dma_wait3A_345, %dma_wait3A_357, %dma_wait3A_358] : memref<3x32x1024xf32, #tpu.memory_space<vmem>> -> memref<1x32x1024xf32, #tpu.memory_space<vmem>>
    %dma_wait3A_360 = tpu.memref_squeeze %dma_wait3A_359 : memref<1x32x1024xf32, #tpu.memory_space<vmem>> -> memref<32x1024xf32, #tpu.memory_space<vmem>>
    tpu.wait_dma2 semaphore(%dma_wait3A_354 : memref<!tpu.dma_semaphore, #tpu.memory_space<semaphore_mem>>) src(%dma_wait3A_360 : memref<32x1024xf32, #tpu.memory_space<vmem>>) dst(%dma_wait3A_356 : memref<32x1024xf32, #tpu.memory_space<hbm>>)
    return
  }
}

#map = affine_map<(d0, d1) -> (0, 0)>
#map1 = affine_map<(d0, d1) -> (0)>
module attributes {stable_mosaic.version = 14 : i64} {
  func.func @_sc_combine_body(%arg0: i32, %arg1: i32, %arg2: memref<6144x1024xf32, #tpu.memory_space<hbm>>, %arg3: memref<4096xi32, #tpu.memory_space<hbm>>, %arg4: memref<2048x1024xf32, #tpu.memory_space<hbm>>, %arg5: memref<128xi32, #tpu.memory_space<vmem>>, %arg6: memref<2x32x1024xf32, #tpu.memory_space<vmem>>, %arg7: memref<2x16x1024xf32, #tpu.memory_space<vmem>>, %arg8: memref<2x!tpu.dma_semaphore, #tpu.memory_space<semaphore_mem>>, %arg9: memref<2x!tpu.dma_semaphore, #tpu.memory_space<semaphore_mem>>) attributes {dimension_semantics = [#tpu.dimension_semantics<core_parallel>, #tpu.dimension_semantics<subcore_parallel>], iteration_bounds = array<i64: 2, 16>, scalar_prefetch = 0 : i64, scratch_operands = 5 : i64, tpu.core_type = #tpu.core_type<sc_vector_subcore>, window_params = [{transform_indices = #map}, {transform_indices = #map1}, {transform_indices = #map}]} {
    %mul3A = arith.constant 2 : i32
    %mul3A_0 = arith.muli %arg1, %mul3A : i32
    %add3A = arith.addi %mul3A_0, %arg0 : i32
    %mul3A_1 = arith.constant 64 : i32
    %mul3A_2 = arith.muli %add3A, %mul3A_1 : i32
    %mul3A_3 = arith.constant 2 : i32
    %mul3A_4 = arith.muli %mul3A_2, %mul3A_3 : i32
    "tpu.region"() ({
      %run_scoped3A = tpu.sem_alloc : memref<!tpu.dma_semaphore, #tpu.memory_space<semaphore_mem>>
      %dma_start3A_266 = tpu.memref_slice %arg3[%mul3A_4] : memref<4096xi32, #tpu.memory_space<hbm>> -> memref<128xi32, #tpu.memory_space<hbm>>
      %dma_start3A_267 = tpu.memref_slice %arg3[%mul3A_4] : memref<4096xi32, #tpu.memory_space<hbm>> -> memref<128xi32, #tpu.memory_space<hbm>>
      tpu.enqueue_dma source(%dma_start3A_267 : memref<128xi32, #tpu.memory_space<hbm>>) target(%arg5 : memref<128xi32, #tpu.memory_space<vmem>>) target_semaphore(%run_scoped3A : memref<!tpu.dma_semaphore, #tpu.memory_space<semaphore_mem>>)
      %dma_wait3A_268 = tpu.memref_slice %arg3[%mul3A_4] : memref<4096xi32, #tpu.memory_space<hbm>> -> memref<128xi32, #tpu.memory_space<hbm>>
      %dma_wait3A_269 = tpu.memref_slice %arg3[%mul3A_4] : memref<4096xi32, #tpu.memory_space<hbm>> -> memref<128xi32, #tpu.memory_space<hbm>>
      tpu.wait_dma2 semaphore(%run_scoped3A : memref<!tpu.dma_semaphore, #tpu.memory_space<semaphore_mem>>) src(%dma_wait3A_269 : memref<128xi32, #tpu.memory_space<hbm>>) dst(%arg5 : memref<128xi32, #tpu.memory_space<vmem>>)
      tpu.yield
    }) : () -> ()
    %dma_start3A = arith.constant 0 : i32
    %dma_start3A_5 = arith.constant 0 : i32
    %dma_start3A_6 = arith.constant 0 : i32
    %dma_start3A_7 = arith.constant 0 : i32
    %dma_start3A_8 = tpu.memref_slice %arg6[%dma_start3A, %dma_start3A_6, %dma_start3A_7] : memref<2x32x1024xf32, #tpu.memory_space<vmem>> -> memref<1x32x1024xf32, #tpu.memory_space<vmem>>
    %dma_start3A_9 = tpu.memref_squeeze %dma_start3A_8 : memref<1x32x1024xf32, #tpu.memory_space<vmem>> -> memref<32x1024xf32, #tpu.memory_space<vmem>>
    %dma_start3A_10 = arith.constant 0 : i32
    %dma_start3A_11 = tpu.memref_slice %arg5[%dma_start3A_10] : memref<128xi32, #tpu.memory_space<vmem>> -> memref<32xi32, #tpu.memory_space<vmem>>
    %dma_start3A_12 = arith.constant 0 : i32
    %dma_start3A_13 = arith.constant 0 : i32
    %dma_start3A_14 = tpu.memref_slice %arg2[%dma_start3A_12, %dma_start3A_13] : memref<6144x1024xf32, #tpu.memory_space<hbm>> -> memref<6144x1024xf32, #tpu.memory_space<hbm>>
    %dma_start3A_15 = tpu.memref_slice %arg8[%dma_start3A_5] : memref<2x!tpu.dma_semaphore, #tpu.memory_space<semaphore_mem>> -> memref<1x!tpu.dma_semaphore, #tpu.memory_space<semaphore_mem>>
    %dma_start3A_16 = tpu.memref_squeeze %dma_start3A_15 : memref<1x!tpu.dma_semaphore, #tpu.memory_space<semaphore_mem>> -> memref<!tpu.dma_semaphore, #tpu.memory_space<semaphore_mem>>
    tpu.enqueue_indirect_dma source(%dma_start3A_14 : memref<6144x1024xf32, #tpu.memory_space<hbm>>) target(%dma_start3A_9 : memref<32x1024xf32, #tpu.memory_space<vmem>>) offsets(%dma_start3A_11 : memref<32xi32, #tpu.memory_space<vmem>>) semaphore(%dma_start3A_16 : memref<!tpu.dma_semaphore, #tpu.memory_space<semaphore_mem>>)
    %dma_start3A_17 = arith.constant 1 : i32
    %dma_start3A_18 = arith.constant 1 : i32
    %dma_start3A_19 = arith.constant 0 : i32
    %dma_start3A_20 = arith.constant 0 : i32
    %dma_start3A_21 = tpu.memref_slice %arg6[%dma_start3A_17, %dma_start3A_19, %dma_start3A_20] : memref<2x32x1024xf32, #tpu.memory_space<vmem>> -> memref<1x32x1024xf32, #tpu.memory_space<vmem>>
    %dma_start3A_22 = tpu.memref_squeeze %dma_start3A_21 : memref<1x32x1024xf32, #tpu.memory_space<vmem>> -> memref<32x1024xf32, #tpu.memory_space<vmem>>
    %dma_start3A_23 = arith.constant 32 : i32
    %dma_start3A_24 = tpu.memref_slice %arg5[%dma_start3A_23] : memref<128xi32, #tpu.memory_space<vmem>> -> memref<32xi32, #tpu.memory_space<vmem>>
    %dma_start3A_25 = arith.constant 0 : i32
    %dma_start3A_26 = arith.constant 0 : i32
    %dma_start3A_27 = tpu.memref_slice %arg2[%dma_start3A_25, %dma_start3A_26] : memref<6144x1024xf32, #tpu.memory_space<hbm>> -> memref<6144x1024xf32, #tpu.memory_space<hbm>>
    %dma_start3A_28 = tpu.memref_slice %arg8[%dma_start3A_18] : memref<2x!tpu.dma_semaphore, #tpu.memory_space<semaphore_mem>> -> memref<1x!tpu.dma_semaphore, #tpu.memory_space<semaphore_mem>>
    %dma_start3A_29 = tpu.memref_squeeze %dma_start3A_28 : memref<1x!tpu.dma_semaphore, #tpu.memory_space<semaphore_mem>> -> memref<!tpu.dma_semaphore, #tpu.memory_space<semaphore_mem>>
    tpu.enqueue_indirect_dma source(%dma_start3A_27 : memref<6144x1024xf32, #tpu.memory_space<hbm>>) target(%dma_start3A_22 : memref<32x1024xf32, #tpu.memory_space<vmem>>) offsets(%dma_start3A_24 : memref<32xi32, #tpu.memory_space<vmem>>) semaphore(%dma_start3A_29 : memref<!tpu.dma_semaphore, #tpu.memory_space<semaphore_mem>>)
    %dma_wait3A = arith.constant 0 : i32
    %dma_wait3A_30 = arith.constant 0 : i32
    %dma_wait3A_31 = arith.constant 0 : i32
    %dma_wait3A_32 = arith.constant 0 : i32
    %dma_wait3A_33 = tpu.memref_slice %arg6[%dma_wait3A, %dma_wait3A_31, %dma_wait3A_32] : memref<2x32x1024xf32, #tpu.memory_space<vmem>> -> memref<1x32x1024xf32, #tpu.memory_space<vmem>>
    %dma_wait3A_34 = tpu.memref_squeeze %dma_wait3A_33 : memref<1x32x1024xf32, #tpu.memory_space<vmem>> -> memref<32x1024xf32, #tpu.memory_space<vmem>>
    %dma_wait3A_35 = arith.constant 0 : i32
    %dma_wait3A_36 = tpu.memref_slice %arg5[%dma_wait3A_35] : memref<128xi32, #tpu.memory_space<vmem>> -> memref<32xi32, #tpu.memory_space<vmem>>
    %dma_wait3A_37 = arith.constant 0 : i32
    %dma_wait3A_38 = arith.constant 0 : i32
    %dma_wait3A_39 = tpu.memref_slice %arg2[%dma_wait3A_37, %dma_wait3A_38] : memref<6144x1024xf32, #tpu.memory_space<hbm>> -> memref<6144x1024xf32, #tpu.memory_space<hbm>>
    %dma_wait3A_40 = tpu.memref_slice %arg8[%dma_wait3A_30] : memref<2x!tpu.dma_semaphore, #tpu.memory_space<semaphore_mem>> -> memref<1x!tpu.dma_semaphore, #tpu.memory_space<semaphore_mem>>
    %dma_wait3A_41 = tpu.memref_squeeze %dma_wait3A_40 : memref<1x!tpu.dma_semaphore, #tpu.memory_space<semaphore_mem>> -> memref<!tpu.dma_semaphore, #tpu.memory_space<semaphore_mem>>
    tpu.wait_indirect_dma semaphore(%dma_wait3A_41 : memref<!tpu.dma_semaphore, #tpu.memory_space<semaphore_mem>>) src(%dma_wait3A_39 : memref<6144x1024xf32, #tpu.memory_space<hbm>>) dst(%dma_wait3A_34 : memref<32x1024xf32, #tpu.memory_space<vmem>>)
    %scan3A = arith.constant 0 : i32
    %scan3A_42 = arith.constant 0 : i32
    %scan3A_43 = arith.constant 64 : i32
    %scan3A_44 = arith.addi %scan3A_42, %scan3A_43 : i32
    %scan3A_45 = arith.constant 1 : i32
    scf.for %scan3A_266 = %scan3A_42 to %scan3A_44 step %scan3A_45  : i32 {
      %mul3A_267 = arith.constant 16 : i32
      %mul3A_268 = arith.muli %scan3A_266, %mul3A_267 : i32
      %get3A = arith.constant 0 : i32
      %get3A_269 = arith.constant 0 : i32
      %get3A_270 = arith.index_cast %get3A : i32 to index
      %get3A_271 = arith.index_cast %get3A_269 : i32 to index
      %get3A_272 = arith.index_cast %mul3A_268 : i32 to index
      %get3A_273 = tpu.vector_load %arg6[%get3A_270, %get3A_271, %get3A_272] {strides = array<i32>} : memref<2x32x1024xf32, #tpu.memory_space<vmem>>, vector<1x1x16xf32>,
      %get3A_274 = vector.shape_cast %get3A_273 : vector<1x1x16xf32> to vector<16xf32>
      %get3A_275 = arith.constant 0 : i32
      %get3A_276 = arith.constant 1 : i32
      %get3A_277 = arith.index_cast %get3A_275 : i32 to index
      %get3A_278 = arith.index_cast %get3A_276 : i32 to index
      %get3A_279 = arith.index_cast %mul3A_268 : i32 to index
      %get3A_280 = tpu.vector_load %arg6[%get3A_277, %get3A_278, %get3A_279] {strides = array<i32>} : memref<2x32x1024xf32, #tpu.memory_space<vmem>>, vector<1x1x16xf32>,
      %get3A_281 = vector.shape_cast %get3A_280 : vector<1x1x16xf32> to vector<16xf32>
      %add3A_282 = arith.addf %get3A_274, %get3A_281 : vector<16xf32>
      %swap3A = arith.constant 0 : i32
      %swap3A_283 = arith.constant 0 : i32
      %swap3A_284 = arith.index_cast %swap3A : i32 to index
      %swap3A_285 = arith.index_cast %swap3A_283 : i32 to index
      %swap3A_286 = arith.index_cast %mul3A_268 : i32 to index
      %swap3A_287 = tpu.vector_load %arg7[%swap3A_284, %swap3A_285, %swap3A_286] {strides = array<i32>} : memref<2x16x1024xf32, #tpu.memory_space<vmem>>, vector<1x1x16xf32>,
      %swap3A_288 = vector.shape_cast %swap3A_287 : vector<1x1x16xf32> to vector<16xf32>
      %swap3A_289 = vector.shape_cast %add3A_282 : vector<16xf32> to vector<1x1x16xf32>
      tpu.vector_store %arg7[%swap3A_284, %swap3A_285, %swap3A_286], %swap3A_289 {strides = array<i32>} : memref<2x16x1024xf32, #tpu.memory_space<vmem>>, vector<1x1x16xf32>,
      %get3A_290 = arith.constant 0 : i32
      %get3A_291 = arith.constant 2 : i32
      %get3A_292 = arith.index_cast %get3A_290 : i32 to index
      %get3A_293 = arith.index_cast %get3A_291 : i32 to index
      %get3A_294 = arith.index_cast %mul3A_268 : i32 to index
      %get3A_295 = tpu.vector_load %arg6[%get3A_292, %get3A_293, %get3A_294] {strides = array<i32>} : memref<2x32x1024xf32, #tpu.memory_space<vmem>>, vector<1x1x16xf32>,
      %get3A_296 = vector.shape_cast %get3A_295 : vector<1x1x16xf32> to vector<16xf32>
      %get3A_297 = arith.constant 0 : i32
      %get3A_298 = arith.constant 3 : i32
      %get3A_299 = arith.index_cast %get3A_297 : i32 to index
      %get3A_300 = arith.index_cast %get3A_298 : i32 to index
      %get3A_301 = arith.index_cast %mul3A_268 : i32 to index
      %get3A_302 = tpu.vector_load %arg6[%get3A_299, %get3A_300, %get3A_301] {strides = array<i32>} : memref<2x32x1024xf32, #tpu.memory_space<vmem>>, vector<1x1x16xf32>,
      %get3A_303 = vector.shape_cast %get3A_302 : vector<1x1x16xf32> to vector<16xf32>
      %add3A_304 = arith.addf %get3A_296, %get3A_303 : vector<16xf32>
      %swap3A_305 = arith.constant 0 : i32
      %swap3A_306 = arith.constant 1 : i32
      %swap3A_307 = arith.index_cast %swap3A_305 : i32 to index
      %swap3A_308 = arith.index_cast %swap3A_306 : i32 to index
      %swap3A_309 = arith.index_cast %mul3A_268 : i32 to index
      %swap3A_310 = tpu.vector_load %arg7[%swap3A_307, %swap3A_308, %swap3A_309] {strides = array<i32>} : memref<2x16x1024xf32, #tpu.memory_space<vmem>>, vector<1x1x16xf32>,
      %swap3A_311 = vector.shape_cast %swap3A_310 : vector<1x1x16xf32> to vector<16xf32>
      %swap3A_312 = vector.shape_cast %add3A_304 : vector<16xf32> to vector<1x1x16xf32>
      tpu.vector_store %arg7[%swap3A_307, %swap3A_308, %swap3A_309], %swap3A_312 {strides = array<i32>} : memref<2x16x1024xf32, #tpu.memory_space<vmem>>, vector<1x1x16xf32>,
      %get3A_313 = arith.constant 0 : i32
      %get3A_314 = arith.constant 4 : i32
      %get3A_315 = arith.index_cast %get3A_313 : i32 to index
      %get3A_316 = arith.index_cast %get3A_314 : i32 to index
      %get3A_317 = arith.index_cast %mul3A_268 : i32 to index
      %get3A_318 = tpu.vector_load %arg6[%get3A_315, %get3A_316, %get3A_317] {strides = array<i32>} : memref<2x32x1024xf32, #tpu.memory_space<vmem>>, vector<1x1x16xf32>,
      %get3A_319 = vector.shape_cast %get3A_318 : vector<1x1x16xf32> to vector<16xf32>
      %get3A_320 = arith.constant 0 : i32
      %get3A_321 = arith.constant 5 : i32
      %get3A_322 = arith.index_cast %get3A_320 : i32 to index
      %get3A_323 = arith.index_cast %get3A_321 : i32 to index
      %get3A_324 = arith.index_cast %mul3A_268 : i32 to index
      %get3A_325 = tpu.vector_load %arg6[%get3A_322, %get3A_323, %get3A_324] {strides = array<i32>} : memref<2x32x1024xf32, #tpu.memory_space<vmem>>, vector<1x1x16xf32>,
      %get3A_326 = vector.shape_cast %get3A_325 : vector<1x1x16xf32> to vector<16xf32>
      %add3A_327 = arith.addf %get3A_319, %get3A_326 : vector<16xf32>
      %swap3A_328 = arith.constant 0 : i32
      %swap3A_329 = arith.constant 2 : i32
      %swap3A_330 = arith.index_cast %swap3A_328 : i32 to index
      %swap3A_331 = arith.index_cast %swap3A_329 : i32 to index
      %swap3A_332 = arith.index_cast %mul3A_268 : i32 to index
      %swap3A_333 = tpu.vector_load %arg7[%swap3A_330, %swap3A_331, %swap3A_332] {strides = array<i32>} : memref<2x16x1024xf32, #tpu.memory_space<vmem>>, vector<1x1x16xf32>,
      %swap3A_334 = vector.shape_cast %swap3A_333 : vector<1x1x16xf32> to vector<16xf32>
      %swap3A_335 = vector.shape_cast %add3A_327 : vector<16xf32> to vector<1x1x16xf32>
      tpu.vector_store %arg7[%swap3A_330, %swap3A_331, %swap3A_332], %swap3A_335 {strides = array<i32>} : memref<2x16x1024xf32, #tpu.memory_space<vmem>>, vector<1x1x16xf32>,
      %get3A_336 = arith.constant 0 : i32
      %get3A_337 = arith.constant 6 : i32
      %get3A_338 = arith.index_cast %get3A_336 : i32 to index
      %get3A_339 = arith.index_cast %get3A_337 : i32 to index
      %get3A_340 = arith.index_cast %mul3A_268 : i32 to index
      %get3A_341 = tpu.vector_load %arg6[%get3A_338, %get3A_339, %get3A_340] {strides = array<i32>} : memref<2x32x1024xf32, #tpu.memory_space<vmem>>, vector<1x1x16xf32>,
      %get3A_342 = vector.shape_cast %get3A_341 : vector<1x1x16xf32> to vector<16xf32>
      %get3A_343 = arith.constant 0 : i32
      %get3A_344 = arith.constant 7 : i32
      %get3A_345 = arith.index_cast %get3A_343 : i32 to index
      %get3A_346 = arith.index_cast %get3A_344 : i32 to index
      %get3A_347 = arith.index_cast %mul3A_268 : i32 to index
      %get3A_348 = tpu.vector_load %arg6[%get3A_345, %get3A_346, %get3A_347] {strides = array<i32>} : memref<2x32x1024xf32, #tpu.memory_space<vmem>>, vector<1x1x16xf32>,
      %get3A_349 = vector.shape_cast %get3A_348 : vector<1x1x16xf32> to vector<16xf32>
      %add3A_350 = arith.addf %get3A_342, %get3A_349 : vector<16xf32>
      %swap3A_351 = arith.constant 0 : i32
      %swap3A_352 = arith.constant 3 : i32
      %swap3A_353 = arith.index_cast %swap3A_351 : i32 to index
      %swap3A_354 = arith.index_cast %swap3A_352 : i32 to index
      %swap3A_355 = arith.index_cast %mul3A_268 : i32 to index
      %swap3A_356 = tpu.vector_load %arg7[%swap3A_353, %swap3A_354, %swap3A_355] {strides = array<i32>} : memref<2x16x1024xf32, #tpu.memory_space<vmem>>, vector<1x1x16xf32>,
      %swap3A_357 = vector.shape_cast %swap3A_356 : vector<1x1x16xf32> to vector<16xf32>
      %swap3A_358 = vector.shape_cast %add3A_350 : vector<16xf32> to vector<1x1x16xf32>
      tpu.vector_store %arg7[%swap3A_353, %swap3A_354, %swap3A_355], %swap3A_358 {strides = array<i32>} : memref<2x16x1024xf32, #tpu.memory_space<vmem>>, vector<1x1x16xf32>,
      %get3A_359 = arith.constant 0 : i32
      %get3A_360 = arith.constant 8 : i32
      %get3A_361 = arith.index_cast %get3A_359 : i32 to index
      %get3A_362 = arith.index_cast %get3A_360 : i32 to index
      %get3A_363 = arith.index_cast %mul3A_268 : i32 to index
      %get3A_364 = tpu.vector_load %arg6[%get3A_361, %get3A_362, %get3A_363] {strides = array<i32>} : memref<2x32x1024xf32, #tpu.memory_space<vmem>>, vector<1x1x16xf32>,
      %get3A_365 = vector.shape_cast %get3A_364 : vector<1x1x16xf32> to vector<16xf32>
      %get3A_366 = arith.constant 0 : i32
      %get3A_367 = arith.constant 9 : i32
      %get3A_368 = arith.index_cast %get3A_366 : i32 to index
      %get3A_369 = arith.index_cast %get3A_367 : i32 to index
      %get3A_370 = arith.index_cast %mul3A_268 : i32 to index
      %get3A_371 = tpu.vector_load %arg6[%get3A_368, %get3A_369, %get3A_370] {strides = array<i32>} : memref<2x32x1024xf32, #tpu.memory_space<vmem>>, vector<1x1x16xf32>,
      %get3A_372 = vector.shape_cast %get3A_371 : vector<1x1x16xf32> to vector<16xf32>
      %add3A_373 = arith.addf %get3A_365, %get3A_372 : vector<16xf32>
      %swap3A_374 = arith.constant 0 : i32
      %swap3A_375 = arith.constant 4 : i32
      %swap3A_376 = arith.index_cast %swap3A_374 : i32 to index
      %swap3A_377 = arith.index_cast %swap3A_375 : i32 to index
      %swap3A_378 = arith.index_cast %mul3A_268 : i32 to index
      %swap3A_379 = tpu.vector_load %arg7[%swap3A_376, %swap3A_377, %swap3A_378] {strides = array<i32>} : memref<2x16x1024xf32, #tpu.memory_space<vmem>>, vector<1x1x16xf32>,
      %swap3A_380 = vector.shape_cast %swap3A_379 : vector<1x1x16xf32> to vector<16xf32>
      %swap3A_381 = vector.shape_cast %add3A_373 : vector<16xf32> to vector<1x1x16xf32>
      tpu.vector_store %arg7[%swap3A_376, %swap3A_377, %swap3A_378], %swap3A_381 {strides = array<i32>} : memref<2x16x1024xf32, #tpu.memory_space<vmem>>, vector<1x1x16xf32>,
      %get3A_382 = arith.constant 0 : i32
      %get3A_383 = arith.constant 10 : i32
      %get3A_384 = arith.index_cast %get3A_382 : i32 to index
      %get3A_385 = arith.index_cast %get3A_383 : i32 to index
      %get3A_386 = arith.index_cast %mul3A_268 : i32 to index
      %get3A_387 = tpu.vector_load %arg6[%get3A_384, %get3A_385, %get3A_386] {strides = array<i32>} : memref<2x32x1024xf32, #tpu.memory_space<vmem>>, vector<1x1x16xf32>,
      %get3A_388 = vector.shape_cast %get3A_387 : vector<1x1x16xf32> to vector<16xf32>
      %get3A_389 = arith.constant 0 : i32
      %get3A_390 = arith.constant 11 : i32
      %get3A_391 = arith.index_cast %get3A_389 : i32 to index
      %get3A_392 = arith.index_cast %get3A_390 : i32 to index
      %get3A_393 = arith.index_cast %mul3A_268 : i32 to index
      %get3A_394 = tpu.vector_load %arg6[%get3A_391, %get3A_392, %get3A_393] {strides = array<i32>} : memref<2x32x1024xf32, #tpu.memory_space<vmem>>, vector<1x1x16xf32>,
      %get3A_395 = vector.shape_cast %get3A_394 : vector<1x1x16xf32> to vector<16xf32>
      %add3A_396 = arith.addf %get3A_388, %get3A_395 : vector<16xf32>
      %swap3A_397 = arith.constant 0 : i32
      %swap3A_398 = arith.constant 5 : i32
      %swap3A_399 = arith.index_cast %swap3A_397 : i32 to index
      %swap3A_400 = arith.index_cast %swap3A_398 : i32 to index
      %swap3A_401 = arith.index_cast %mul3A_268 : i32 to index
      %swap3A_402 = tpu.vector_load %arg7[%swap3A_399, %swap3A_400, %swap3A_401] {strides = array<i32>} : memref<2x16x1024xf32, #tpu.memory_space<vmem>>, vector<1x1x16xf32>,
      %swap3A_403 = vector.shape_cast %swap3A_402 : vector<1x1x16xf32> to vector<16xf32>
      %swap3A_404 = vector.shape_cast %add3A_396 : vector<16xf32> to vector<1x1x16xf32>
      tpu.vector_store %arg7[%swap3A_399, %swap3A_400, %swap3A_401], %swap3A_404 {strides = array<i32>} : memref<2x16x1024xf32, #tpu.memory_space<vmem>>, vector<1x1x16xf32>,
      %get3A_405 = arith.constant 0 : i32
      %get3A_406 = arith.constant 12 : i32
      %get3A_407 = arith.index_cast %get3A_405 : i32 to index
      %get3A_408 = arith.index_cast %get3A_406 : i32 to index
      %get3A_409 = arith.index_cast %mul3A_268 : i32 to index
      %get3A_410 = tpu.vector_load %arg6[%get3A_407, %get3A_408, %get3A_409] {strides = array<i32>} : memref<2x32x1024xf32, #tpu.memory_space<vmem>>, vector<1x1x16xf32>,
      %get3A_411 = vector.shape_cast %get3A_410 : vector<1x1x16xf32> to vector<16xf32>
      %get3A_412 = arith.constant 0 : i32
      %get3A_413 = arith.constant 13 : i32
      %get3A_414 = arith.index_cast %get3A_412 : i32 to index
      %get3A_415 = arith.index_cast %get3A_413 : i32 to index
      %get3A_416 = arith.index_cast %mul3A_268 : i32 to index
      %get3A_417 = tpu.vector_load %arg6[%get3A_414, %get3A_415, %get3A_416] {strides = array<i32>} : memref<2x32x1024xf32, #tpu.memory_space<vmem>>, vector<1x1x16xf32>,
      %get3A_418 = vector.shape_cast %get3A_417 : vector<1x1x16xf32> to vector<16xf32>
      %add3A_419 = arith.addf %get3A_411, %get3A_418 : vector<16xf32>
      %swap3A_420 = arith.constant 0 : i32
      %swap3A_421 = arith.constant 6 : i32
      %swap3A_422 = arith.index_cast %swap3A_420 : i32 to index
      %swap3A_423 = arith.index_cast %swap3A_421 : i32 to index
      %swap3A_424 = arith.index_cast %mul3A_268 : i32 to index
      %swap3A_425 = tpu.vector_load %arg7[%swap3A_422, %swap3A_423, %swap3A_424] {strides = array<i32>} : memref<2x16x1024xf32, #tpu.memory_space<vmem>>, vector<1x1x16xf32>,
      %swap3A_426 = vector.shape_cast %swap3A_425 : vector<1x1x16xf32> to vector<16xf32>
      %swap3A_427 = vector.shape_cast %add3A_419 : vector<16xf32> to vector<1x1x16xf32>
      tpu.vector_store %arg7[%swap3A_422, %swap3A_423, %swap3A_424], %swap3A_427 {strides = array<i32>} : memref<2x16x1024xf32, #tpu.memory_space<vmem>>, vector<1x1x16xf32>,
      %get3A_428 = arith.constant 0 : i32
      %get3A_429 = arith.constant 14 : i32
      %get3A_430 = arith.index_cast %get3A_428 : i32 to index
      %get3A_431 = arith.index_cast %get3A_429 : i32 to index
      %get3A_432 = arith.index_cast %mul3A_268 : i32 to index
      %get3A_433 = tpu.vector_load %arg6[%get3A_430, %get3A_431, %get3A_432] {strides = array<i32>} : memref<2x32x1024xf32, #tpu.memory_space<vmem>>, vector<1x1x16xf32>,
      %get3A_434 = vector.shape_cast %get3A_433 : vector<1x1x16xf32> to vector<16xf32>
      %get3A_435 = arith.constant 0 : i32
      %get3A_436 = arith.constant 15 : i32
      %get3A_437 = arith.index_cast %get3A_435 : i32 to index
      %get3A_438 = arith.index_cast %get3A_436 : i32 to index
      %get3A_439 = arith.index_cast %mul3A_268 : i32 to index
      %get3A_440 = tpu.vector_load %arg6[%get3A_437, %get3A_438, %get3A_439] {strides = array<i32>} : memref<2x32x1024xf32, #tpu.memory_space<vmem>>, vector<1x1x16xf32>,
      %get3A_441 = vector.shape_cast %get3A_440 : vector<1x1x16xf32> to vector<16xf32>
      %add3A_442 = arith.addf %get3A_434, %get3A_441 : vector<16xf32>
      %swap3A_443 = arith.constant 0 : i32
      %swap3A_444 = arith.constant 7 : i32
      %swap3A_445 = arith.index_cast %swap3A_443 : i32 to index
      %swap3A_446 = arith.index_cast %swap3A_444 : i32 to index
      %swap3A_447 = arith.index_cast %mul3A_268 : i32 to index
      %swap3A_448 = tpu.vector_load %arg7[%swap3A_445, %swap3A_446, %swap3A_447] {strides = array<i32>} : memref<2x16x1024xf32, #tpu.memory_space<vmem>>, vector<1x1x16xf32>,
      %swap3A_449 = vector.shape_cast %swap3A_448 : vector<1x1x16xf32> to vector<16xf32>
      %swap3A_450 = vector.shape_cast %add3A_442 : vector<16xf32> to vector<1x1x16xf32>
      tpu.vector_store %arg7[%swap3A_445, %swap3A_446, %swap3A_447], %swap3A_450 {strides = array<i32>} : memref<2x16x1024xf32, #tpu.memory_space<vmem>>, vector<1x1x16xf32>,
      %get3A_451 = arith.constant 0 : i32
      %get3A_452 = arith.constant 16 : i32
      %get3A_453 = arith.index_cast %get3A_451 : i32 to index
      %get3A_454 = arith.index_cast %get3A_452 : i32 to index
      %get3A_455 = arith.index_cast %mul3A_268 : i32 to index
      %get3A_456 = tpu.vector_load %arg6[%get3A_453, %get3A_454, %get3A_455] {strides = array<i32>} : memref<2x32x1024xf32, #tpu.memory_space<vmem>>, vector<1x1x16xf32>,
      %get3A_457 = vector.shape_cast %get3A_456 : vector<1x1x16xf32> to vector<16xf32>
      %get3A_458 = arith.constant 0 : i32
      %get3A_459 = arith.constant 17 : i32
      %get3A_460 = arith.index_cast %get3A_458 : i32 to index
      %get3A_461 = arith.index_cast %get3A_459 : i32 to index
      %get3A_462 = arith.index_cast %mul3A_268 : i32 to index
      %get3A_463 = tpu.vector_load %arg6[%get3A_460, %get3A_461, %get3A_462] {strides = array<i32>} : memref<2x32x1024xf32, #tpu.memory_space<vmem>>, vector<1x1x16xf32>,
      %get3A_464 = vector.shape_cast %get3A_463 : vector<1x1x16xf32> to vector<16xf32>
      %add3A_465 = arith.addf %get3A_457, %get3A_464 : vector<16xf32>
      %swap3A_466 = arith.constant 0 : i32
      %swap3A_467 = arith.constant 8 : i32
      %swap3A_468 = arith.index_cast %swap3A_466 : i32 to index
      %swap3A_469 = arith.index_cast %swap3A_467 : i32 to index
      %swap3A_470 = arith.index_cast %mul3A_268 : i32 to index
      %swap3A_471 = tpu.vector_load %arg7[%swap3A_468, %swap3A_469, %swap3A_470] {strides = array<i32>} : memref<2x16x1024xf32, #tpu.memory_space<vmem>>, vector<1x1x16xf32>,
      %swap3A_472 = vector.shape_cast %swap3A_471 : vector<1x1x16xf32> to vector<16xf32>
      %swap3A_473 = vector.shape_cast %add3A_465 : vector<16xf32> to vector<1x1x16xf32>
      tpu.vector_store %arg7[%swap3A_468, %swap3A_469, %swap3A_470], %swap3A_473 {strides = array<i32>} : memref<2x16x1024xf32, #tpu.memory_space<vmem>>, vector<1x1x16xf32>,
      %get3A_474 = arith.constant 0 : i32
      %get3A_475 = arith.constant 18 : i32
      %get3A_476 = arith.index_cast %get3A_474 : i32 to index
      %get3A_477 = arith.index_cast %get3A_475 : i32 to index
      %get3A_478 = arith.index_cast %mul3A_268 : i32 to index
      %get3A_479 = tpu.vector_load %arg6[%get3A_476, %get3A_477, %get3A_478] {strides = array<i32>} : memref<2x32x1024xf32, #tpu.memory_space<vmem>>, vector<1x1x16xf32>,
      %get3A_480 = vector.shape_cast %get3A_479 : vector<1x1x16xf32> to vector<16xf32>
      %get3A_481 = arith.constant 0 : i32
      %get3A_482 = arith.constant 19 : i32
      %get3A_483 = arith.index_cast %get3A_481 : i32 to index
      %get3A_484 = arith.index_cast %get3A_482 : i32 to index
      %get3A_485 = arith.index_cast %mul3A_268 : i32 to index
      %get3A_486 = tpu.vector_load %arg6[%get3A_483, %get3A_484, %get3A_485] {strides = array<i32>} : memref<2x32x1024xf32, #tpu.memory_space<vmem>>, vector<1x1x16xf32>,
      %get3A_487 = vector.shape_cast %get3A_486 : vector<1x1x16xf32> to vector<16xf32>
      %add3A_488 = arith.addf %get3A_480, %get3A_487 : vector<16xf32>
      %swap3A_489 = arith.constant 0 : i32
      %swap3A_490 = arith.constant 9 : i32
      %swap3A_491 = arith.index_cast %swap3A_489 : i32 to index
      %swap3A_492 = arith.index_cast %swap3A_490 : i32 to index
      %swap3A_493 = arith.index_cast %mul3A_268 : i32 to index
      %swap3A_494 = tpu.vector_load %arg7[%swap3A_491, %swap3A_492, %swap3A_493] {strides = array<i32>} : memref<2x16x1024xf32, #tpu.memory_space<vmem>>, vector<1x1x16xf32>,
      %swap3A_495 = vector.shape_cast %swap3A_494 : vector<1x1x16xf32> to vector<16xf32>
      %swap3A_496 = vector.shape_cast %add3A_488 : vector<16xf32> to vector<1x1x16xf32>
      tpu.vector_store %arg7[%swap3A_491, %swap3A_492, %swap3A_493], %swap3A_496 {strides = array<i32>} : memref<2x16x1024xf32, #tpu.memory_space<vmem>>, vector<1x1x16xf32>,
      %get3A_497 = arith.constant 0 : i32
      %get3A_498 = arith.constant 20 : i32
      %get3A_499 = arith.index_cast %get3A_497 : i32 to index
      %get3A_500 = arith.index_cast %get3A_498 : i32 to index
      %get3A_501 = arith.index_cast %mul3A_268 : i32 to index
      %get3A_502 = tpu.vector_load %arg6[%get3A_499, %get3A_500, %get3A_501] {strides = array<i32>} : memref<2x32x1024xf32, #tpu.memory_space<vmem>>, vector<1x1x16xf32>,
      %get3A_503 = vector.shape_cast %get3A_502 : vector<1x1x16xf32> to vector<16xf32>
      %get3A_504 = arith.constant 0 : i32
      %get3A_505 = arith.constant 21 : i32
      %get3A_506 = arith.index_cast %get3A_504 : i32 to index
      %get3A_507 = arith.index_cast %get3A_505 : i32 to index
      %get3A_508 = arith.index_cast %mul3A_268 : i32 to index
      %get3A_509 = tpu.vector_load %arg6[%get3A_506, %get3A_507, %get3A_508] {strides = array<i32>} : memref<2x32x1024xf32, #tpu.memory_space<vmem>>, vector<1x1x16xf32>,
      %get3A_510 = vector.shape_cast %get3A_509 : vector<1x1x16xf32> to vector<16xf32>
      %add3A_511 = arith.addf %get3A_503, %get3A_510 : vector<16xf32>
      %swap3A_512 = arith.constant 0 : i32
      %swap3A_513 = arith.constant 10 : i32
      %swap3A_514 = arith.index_cast %swap3A_512 : i32 to index
      %swap3A_515 = arith.index_cast %swap3A_513 : i32 to index
      %swap3A_516 = arith.index_cast %mul3A_268 : i32 to index
      %swap3A_517 = tpu.vector_load %arg7[%swap3A_514, %swap3A_515, %swap3A_516] {strides = array<i32>} : memref<2x16x1024xf32, #tpu.memory_space<vmem>>, vector<1x1x16xf32>,
      %swap3A_518 = vector.shape_cast %swap3A_517 : vector<1x1x16xf32> to vector<16xf32>
      %swap3A_519 = vector.shape_cast %add3A_511 : vector<16xf32> to vector<1x1x16xf32>
      tpu.vector_store %arg7[%swap3A_514, %swap3A_515, %swap3A_516], %swap3A_519 {strides = array<i32>} : memref<2x16x1024xf32, #tpu.memory_space<vmem>>, vector<1x1x16xf32>,
      %get3A_520 = arith.constant 0 : i32
      %get3A_521 = arith.constant 22 : i32
      %get3A_522 = arith.index_cast %get3A_520 : i32 to index
      %get3A_523 = arith.index_cast %get3A_521 : i32 to index
      %get3A_524 = arith.index_cast %mul3A_268 : i32 to index
      %get3A_525 = tpu.vector_load %arg6[%get3A_522, %get3A_523, %get3A_524] {strides = array<i32>} : memref<2x32x1024xf32, #tpu.memory_space<vmem>>, vector<1x1x16xf32>,
      %get3A_526 = vector.shape_cast %get3A_525 : vector<1x1x16xf32> to vector<16xf32>
      %get3A_527 = arith.constant 0 : i32
      %get3A_528 = arith.constant 23 : i32
      %get3A_529 = arith.index_cast %get3A_527 : i32 to index
      %get3A_530 = arith.index_cast %get3A_528 : i32 to index
      %get3A_531 = arith.index_cast %mul3A_268 : i32 to index
      %get3A_532 = tpu.vector_load %arg6[%get3A_529, %get3A_530, %get3A_531] {strides = array<i32>} : memref<2x32x1024xf32, #tpu.memory_space<vmem>>, vector<1x1x16xf32>,
      %get3A_533 = vector.shape_cast %get3A_532 : vector<1x1x16xf32> to vector<16xf32>
      %add3A_534 = arith.addf %get3A_526, %get3A_533 : vector<16xf32>
      %swap3A_535 = arith.constant 0 : i32
      %swap3A_536 = arith.constant 11 : i32
      %swap3A_537 = arith.index_cast %swap3A_535 : i32 to index
      %swap3A_538 = arith.index_cast %swap3A_536 : i32 to index
      %swap3A_539 = arith.index_cast %mul3A_268 : i32 to index
      %swap3A_540 = tpu.vector_load %arg7[%swap3A_537, %swap3A_538, %swap3A_539] {strides = array<i32>} : memref<2x16x1024xf32, #tpu.memory_space<vmem>>, vector<1x1x16xf32>,
      %swap3A_541 = vector.shape_cast %swap3A_540 : vector<1x1x16xf32> to vector<16xf32>
      %swap3A_542 = vector.shape_cast %add3A_534 : vector<16xf32> to vector<1x1x16xf32>
      tpu.vector_store %arg7[%swap3A_537, %swap3A_538, %swap3A_539], %swap3A_542 {strides = array<i32>} : memref<2x16x1024xf32, #tpu.memory_space<vmem>>, vector<1x1x16xf32>,
      %get3A_543 = arith.constant 0 : i32
      %get3A_544 = arith.constant 24 : i32
      %get3A_545 = arith.index_cast %get3A_543 : i32 to index
      %get3A_546 = arith.index_cast %get3A_544 : i32 to index
      %get3A_547 = arith.index_cast %mul3A_268 : i32 to index
      %get3A_548 = tpu.vector_load %arg6[%get3A_545, %get3A_546, %get3A_547] {strides = array<i32>} : memref<2x32x1024xf32, #tpu.memory_space<vmem>>, vector<1x1x16xf32>,
      %get3A_549 = vector.shape_cast %get3A_548 : vector<1x1x16xf32> to vector<16xf32>
      %get3A_550 = arith.constant 0 : i32
      %get3A_551 = arith.constant 25 : i32
      %get3A_552 = arith.index_cast %get3A_550 : i32 to index
      %get3A_553 = arith.index_cast %get3A_551 : i32 to index
      %get3A_554 = arith.index_cast %mul3A_268 : i32 to index
      %get3A_555 = tpu.vector_load %arg6[%get3A_552, %get3A_553, %get3A_554] {strides = array<i32>} : memref<2x32x1024xf32, #tpu.memory_space<vmem>>, vector<1x1x16xf32>,
      %get3A_556 = vector.shape_cast %get3A_555 : vector<1x1x16xf32> to vector<16xf32>
      %add3A_557 = arith.addf %get3A_549, %get3A_556 : vector<16xf32>
      %swap3A_558 = arith.constant 0 : i32
      %swap3A_559 = arith.constant 12 : i32
      %swap3A_560 = arith.index_cast %swap3A_558 : i32 to index
      %swap3A_561 = arith.index_cast %swap3A_559 : i32 to index
      %swap3A_562 = arith.index_cast %mul3A_268 : i32 to index
      %swap3A_563 = tpu.vector_load %arg7[%swap3A_560, %swap3A_561, %swap3A_562] {strides = array<i32>} : memref<2x16x1024xf32, #tpu.memory_space<vmem>>, vector<1x1x16xf32>,
      %swap3A_564 = vector.shape_cast %swap3A_563 : vector<1x1x16xf32> to vector<16xf32>
      %swap3A_565 = vector.shape_cast %add3A_557 : vector<16xf32> to vector<1x1x16xf32>
      tpu.vector_store %arg7[%swap3A_560, %swap3A_561, %swap3A_562], %swap3A_565 {strides = array<i32>} : memref<2x16x1024xf32, #tpu.memory_space<vmem>>, vector<1x1x16xf32>,
      %get3A_566 = arith.constant 0 : i32
      %get3A_567 = arith.constant 26 : i32
      %get3A_568 = arith.index_cast %get3A_566 : i32 to index
      %get3A_569 = arith.index_cast %get3A_567 : i32 to index
      %get3A_570 = arith.index_cast %mul3A_268 : i32 to index
      %get3A_571 = tpu.vector_load %arg6[%get3A_568, %get3A_569, %get3A_570] {strides = array<i32>} : memref<2x32x1024xf32, #tpu.memory_space<vmem>>, vector<1x1x16xf32>,
      %get3A_572 = vector.shape_cast %get3A_571 : vector<1x1x16xf32> to vector<16xf32>
      %get3A_573 = arith.constant 0 : i32
      %get3A_574 = arith.constant 27 : i32
      %get3A_575 = arith.index_cast %get3A_573 : i32 to index
      %get3A_576 = arith.index_cast %get3A_574 : i32 to index
      %get3A_577 = arith.index_cast %mul3A_268 : i32 to index
      %get3A_578 = tpu.vector_load %arg6[%get3A_575, %get3A_576, %get3A_577] {strides = array<i32>} : memref<2x32x1024xf32, #tpu.memory_space<vmem>>, vector<1x1x16xf32>,
      %get3A_579 = vector.shape_cast %get3A_578 : vector<1x1x16xf32> to vector<16xf32>
      %add3A_580 = arith.addf %get3A_572, %get3A_579 : vector<16xf32>
      %swap3A_581 = arith.constant 0 : i32
      %swap3A_582 = arith.constant 13 : i32
      %swap3A_583 = arith.index_cast %swap3A_581 : i32 to index
      %swap3A_584 = arith.index_cast %swap3A_582 : i32 to index
      %swap3A_585 = arith.index_cast %mul3A_268 : i32 to index
      %swap3A_586 = tpu.vector_load %arg7[%swap3A_583, %swap3A_584, %swap3A_585] {strides = array<i32>} : memref<2x16x1024xf32, #tpu.memory_space<vmem>>, vector<1x1x16xf32>,
      %swap3A_587 = vector.shape_cast %swap3A_586 : vector<1x1x16xf32> to vector<16xf32>
      %swap3A_588 = vector.shape_cast %add3A_580 : vector<16xf32> to vector<1x1x16xf32>
      tpu.vector_store %arg7[%swap3A_583, %swap3A_584, %swap3A_585], %swap3A_588 {strides = array<i32>} : memref<2x16x1024xf32, #tpu.memory_space<vmem>>, vector<1x1x16xf32>,
      %get3A_589 = arith.constant 0 : i32
      %get3A_590 = arith.constant 28 : i32
      %get3A_591 = arith.index_cast %get3A_589 : i32 to index
      %get3A_592 = arith.index_cast %get3A_590 : i32 to index
      %get3A_593 = arith.index_cast %mul3A_268 : i32 to index
      %get3A_594 = tpu.vector_load %arg6[%get3A_591, %get3A_592, %get3A_593] {strides = array<i32>} : memref<2x32x1024xf32, #tpu.memory_space<vmem>>, vector<1x1x16xf32>,
      %get3A_595 = vector.shape_cast %get3A_594 : vector<1x1x16xf32> to vector<16xf32>
      %get3A_596 = arith.constant 0 : i32
      %get3A_597 = arith.constant 29 : i32
      %get3A_598 = arith.index_cast %get3A_596 : i32 to index
      %get3A_599 = arith.index_cast %get3A_597 : i32 to index
      %get3A_600 = arith.index_cast %mul3A_268 : i32 to index
      %get3A_601 = tpu.vector_load %arg6[%get3A_598, %get3A_599, %get3A_600] {strides = array<i32>} : memref<2x32x1024xf32, #tpu.memory_space<vmem>>, vector<1x1x16xf32>,
      %get3A_602 = vector.shape_cast %get3A_601 : vector<1x1x16xf32> to vector<16xf32>
      %add3A_603 = arith.addf %get3A_595, %get3A_602 : vector<16xf32>
      %swap3A_604 = arith.constant 0 : i32
      %swap3A_605 = arith.constant 14 : i32
      %swap3A_606 = arith.index_cast %swap3A_604 : i32 to index
      %swap3A_607 = arith.index_cast %swap3A_605 : i32 to index
      %swap3A_608 = arith.index_cast %mul3A_268 : i32 to index
      %swap3A_609 = tpu.vector_load %arg7[%swap3A_606, %swap3A_607, %swap3A_608] {strides = array<i32>} : memref<2x16x1024xf32, #tpu.memory_space<vmem>>, vector<1x1x16xf32>,
      %swap3A_610 = vector.shape_cast %swap3A_609 : vector<1x1x16xf32> to vector<16xf32>
      %swap3A_611 = vector.shape_cast %add3A_603 : vector<16xf32> to vector<1x1x16xf32>
      tpu.vector_store %arg7[%swap3A_606, %swap3A_607, %swap3A_608], %swap3A_611 {strides = array<i32>} : memref<2x16x1024xf32, #tpu.memory_space<vmem>>, vector<1x1x16xf32>,
      %get3A_612 = arith.constant 0 : i32
      %get3A_613 = arith.constant 30 : i32
      %get3A_614 = arith.index_cast %get3A_612 : i32 to index
      %get3A_615 = arith.index_cast %get3A_613 : i32 to index
      %get3A_616 = arith.index_cast %mul3A_268 : i32 to index
      %get3A_617 = tpu.vector_load %arg6[%get3A_614, %get3A_615, %get3A_616] {strides = array<i32>} : memref<2x32x1024xf32, #tpu.memory_space<vmem>>, vector<1x1x16xf32>,
      %get3A_618 = vector.shape_cast %get3A_617 : vector<1x1x16xf32> to vector<16xf32>
      %get3A_619 = arith.constant 0 : i32
      %get3A_620 = arith.constant 31 : i32
      %get3A_621 = arith.index_cast %get3A_619 : i32 to index
      %get3A_622 = arith.index_cast %get3A_620 : i32 to index
      %get3A_623 = arith.index_cast %mul3A_268 : i32 to index
      %get3A_624 = tpu.vector_load %arg6[%get3A_621, %get3A_622, %get3A_623] {strides = array<i32>} : memref<2x32x1024xf32, #tpu.memory_space<vmem>>, vector<1x1x16xf32>,
      %get3A_625 = vector.shape_cast %get3A_624 : vector<1x1x16xf32> to vector<16xf32>
      %add3A_626 = arith.addf %get3A_618, %get3A_625 : vector<16xf32>
      %swap3A_627 = arith.constant 0 : i32
      %swap3A_628 = arith.constant 15 : i32
      %swap3A_629 = arith.index_cast %swap3A_627 : i32 to index
      %swap3A_630 = arith.index_cast %swap3A_628 : i32 to index
      %swap3A_631 = arith.index_cast %mul3A_268 : i32 to index
      %swap3A_632 = tpu.vector_load %arg7[%swap3A_629, %swap3A_630, %swap3A_631] {strides = array<i32>} : memref<2x16x1024xf32, #tpu.memory_space<vmem>>, vector<1x1x16xf32>,
      %swap3A_633 = vector.shape_cast %swap3A_632 : vector<1x1x16xf32> to vector<16xf32>
      %swap3A_634 = vector.shape_cast %add3A_626 : vector<16xf32> to vector<1x1x16xf32>
      tpu.vector_store %arg7[%swap3A_629, %swap3A_630, %swap3A_631], %swap3A_634 {strides = array<i32>} : memref<2x16x1024xf32, #tpu.memory_space<vmem>>, vector<1x1x16xf32>,
    }
    %scan3A_46 = arith.constant 64 : i32
    %add3A_47 = arith.constant 0 : i32
    %add3A_48 = arith.addi %mul3A_2, %add3A_47 : i32
    %dma_start3A_49 = arith.constant 0 : i32
    %dma_start3A_50 = arith.constant 0 : i32
    %dma_start3A_51 = arith.constant 0 : i32
    %dma_start3A_52 = arith.constant 0 : i32
    %dma_start3A_53 = tpu.memref_slice %arg7[%dma_start3A_49, %dma_start3A_51, %dma_start3A_52] : memref<2x16x1024xf32, #tpu.memory_space<vmem>> -> memref<1x16x1024xf32, #tpu.memory_space<vmem>>
    %dma_start3A_54 = tpu.memref_squeeze %dma_start3A_53 : memref<1x16x1024xf32, #tpu.memory_space<vmem>> -> memref<16x1024xf32, #tpu.memory_space<vmem>>
    %dma_start3A_55 = arith.constant 0 : i32
    %dma_start3A_56 = tpu.memref_slice %arg4[%add3A_48, %dma_start3A_55] : memref<2048x1024xf32, #tpu.memory_space<hbm>> -> memref<16x1024xf32, #tpu.memory_space<hbm>>
    %dma_start3A_57 = tpu.memref_slice %arg9[%dma_start3A_50] : memref<2x!tpu.dma_semaphore, #tpu.memory_space<semaphore_mem>> -> memref<1x!tpu.dma_semaphore, #tpu.memory_space<semaphore_mem>>
    %dma_start3A_58 = tpu.memref_squeeze %dma_start3A_57 : memref<1x!tpu.dma_semaphore, #tpu.memory_space<semaphore_mem>> -> memref<!tpu.dma_semaphore, #tpu.memory_space<semaphore_mem>>
    %dma_start3A_59 = arith.constant 0 : i32
    %dma_start3A_60 = tpu.memref_slice %arg4[%add3A_48, %dma_start3A_59] : memref<2048x1024xf32, #tpu.memory_space<hbm>> -> memref<16x1024xf32, #tpu.memory_space<hbm>>
    %dma_start3A_61 = arith.constant 0 : i32
    %dma_start3A_62 = arith.constant 0 : i32
    %dma_start3A_63 = tpu.memref_slice %arg7[%dma_start3A_49, %dma_start3A_61, %dma_start3A_62] : memref<2x16x1024xf32, #tpu.memory_space<vmem>> -> memref<1x16x1024xf32, #tpu.memory_space<vmem>>
    %dma_start3A_64 = tpu.memref_squeeze %dma_start3A_63 : memref<1x16x1024xf32, #tpu.memory_space<vmem>> -> memref<16x1024xf32, #tpu.memory_space<vmem>>
    tpu.enqueue_dma source(%dma_start3A_64 : memref<16x1024xf32, #tpu.memory_space<vmem>>) target(%dma_start3A_60 : memref<16x1024xf32, #tpu.memory_space<hbm>>) target_semaphore(%dma_start3A_58 : memref<!tpu.dma_semaphore, #tpu.memory_space<semaphore_mem>>)
    %dma_start3A_65 = arith.constant 0 : i32
    %dma_start3A_66 = arith.constant 0 : i32
    %dma_start3A_67 = arith.constant 0 : i32
    %dma_start3A_68 = arith.constant 0 : i32
    %dma_start3A_69 = tpu.memref_slice %arg6[%dma_start3A_65, %dma_start3A_67, %dma_start3A_68] : memref<2x32x1024xf32, #tpu.memory_space<vmem>> -> memref<1x32x1024xf32, #tpu.memory_space<vmem>>
    %dma_start3A_70 = tpu.memref_squeeze %dma_start3A_69 : memref<1x32x1024xf32, #tpu.memory_space<vmem>> -> memref<32x1024xf32, #tpu.memory_space<vmem>>
    %dma_start3A_71 = arith.constant 64 : i32
    %dma_start3A_72 = tpu.memref_slice %arg5[%dma_start3A_71] : memref<128xi32, #tpu.memory_space<vmem>> -> memref<32xi32, #tpu.memory_space<vmem>>
    %dma_start3A_73 = arith.constant 0 : i32
    %dma_start3A_74 = arith.constant 0 : i32
    %dma_start3A_75 = tpu.memref_slice %arg2[%dma_start3A_73, %dma_start3A_74] : memref<6144x1024xf32, #tpu.memory_space<hbm>> -> memref<6144x1024xf32, #tpu.memory_space<hbm>>
    %dma_start3A_76 = tpu.memref_slice %arg8[%dma_start3A_66] : memref<2x!tpu.dma_semaphore, #tpu.memory_space<semaphore_mem>> -> memref<1x!tpu.dma_semaphore, #tpu.memory_space<semaphore_mem>>
    %dma_start3A_77 = tpu.memref_squeeze %dma_start3A_76 : memref<1x!tpu.dma_semaphore, #tpu.memory_space<semaphore_mem>> -> memref<!tpu.dma_semaphore, #tpu.memory_space<semaphore_mem>>
    tpu.enqueue_indirect_dma source(%dma_start3A_75 : memref<6144x1024xf32, #tpu.memory_space<hbm>>) target(%dma_start3A_70 : memref<32x1024xf32, #tpu.memory_space<vmem>>) offsets(%dma_start3A_72 : memref<32xi32, #tpu.memory_space<vmem>>) semaphore(%dma_start3A_77 : memref<!tpu.dma_semaphore, #tpu.memory_space<semaphore_mem>>)
    %dma_wait3A_78 = arith.constant 1 : i32
    %dma_wait3A_79 = arith.constant 1 : i32
    %dma_wait3A_80 = arith.constant 0 : i32
    %dma_wait3A_81 = arith.constant 0 : i32
    %dma_wait3A_82 = tpu.memref_slice %arg6[%dma_wait3A_78, %dma_wait3A_80, %dma_wait3A_81] : memref<2x32x1024xf32, #tpu.memory_space<vmem>> -> memref<1x32x1024xf32, #tpu.memory_space<vmem>>
    %dma_wait3A_83 = tpu.memref_squeeze %dma_wait3A_82 : memref<1x32x1024xf32, #tpu.memory_space<vmem>> -> memref<32x1024xf32, #tpu.memory_space<vmem>>
    %dma_wait3A_84 = arith.constant 32 : i32
    %dma_wait3A_85 = tpu.memref_slice %arg5[%dma_wait3A_84] : memref<128xi32, #tpu.memory_space<vmem>> -> memref<32xi32, #tpu.memory_space<vmem>>
    %dma_wait3A_86 = arith.constant 0 : i32
    %dma_wait3A_87 = arith.constant 0 : i32
    %dma_wait3A_88 = tpu.memref_slice %arg2[%dma_wait3A_86, %dma_wait3A_87] : memref<6144x1024xf32, #tpu.memory_space<hbm>> -> memref<6144x1024xf32, #tpu.memory_space<hbm>>
    %dma_wait3A_89 = tpu.memref_slice %arg8[%dma_wait3A_79] : memref<2x!tpu.dma_semaphore, #tpu.memory_space<semaphore_mem>> -> memref<1x!tpu.dma_semaphore, #tpu.memory_space<semaphore_mem>>
    %dma_wait3A_90 = tpu.memref_squeeze %dma_wait3A_89 : memref<1x!tpu.dma_semaphore, #tpu.memory_space<semaphore_mem>> -> memref<!tpu.dma_semaphore, #tpu.memory_space<semaphore_mem>>
    tpu.wait_indirect_dma semaphore(%dma_wait3A_90 : memref<!tpu.dma_semaphore, #tpu.memory_space<semaphore_mem>>) src(%dma_wait3A_88 : memref<6144x1024xf32, #tpu.memory_space<hbm>>) dst(%dma_wait3A_83 : memref<32x1024xf32, #tpu.memory_space<vmem>>)
    %scan3A_91 = arith.constant 0 : i32
    %scan3A_92 = arith.constant 0 : i32
    %scan3A_93 = arith.constant 64 : i32
    %scan3A_94 = arith.addi %scan3A_92, %scan3A_93 : i32
    %scan3A_95 = arith.constant 1 : i32
    scf.for %scan3A_266 = %scan3A_92 to %scan3A_94 step %scan3A_95  : i32 {
      %mul3A_267 = arith.constant 16 : i32
      %mul3A_268 = arith.muli %scan3A_266, %mul3A_267 : i32
      %get3A = arith.constant 1 : i32
      %get3A_269 = arith.constant 0 : i32
      %get3A_270 = arith.index_cast %get3A : i32 to index
      %get3A_271 = arith.index_cast %get3A_269 : i32 to index
      %get3A_272 = arith.index_cast %mul3A_268 : i32 to index
      %get3A_273 = tpu.vector_load %arg6[%get3A_270, %get3A_271, %get3A_272] {strides = array<i32>} : memref<2x32x1024xf32, #tpu.memory_space<vmem>>, vector<1x1x16xf32>,
      %get3A_274 = vector.shape_cast %get3A_273 : vector<1x1x16xf32> to vector<16xf32>
      %get3A_275 = arith.constant 1 : i32
      %get3A_276 = arith.constant 1 : i32
      %get3A_277 = arith.index_cast %get3A_275 : i32 to index
      %get3A_278 = arith.index_cast %get3A_276 : i32 to index
      %get3A_279 = arith.index_cast %mul3A_268 : i32 to index
      %get3A_280 = tpu.vector_load %arg6[%get3A_277, %get3A_278, %get3A_279] {strides = array<i32>} : memref<2x32x1024xf32, #tpu.memory_space<vmem>>, vector<1x1x16xf32>,
      %get3A_281 = vector.shape_cast %get3A_280 : vector<1x1x16xf32> to vector<16xf32>
      %add3A_282 = arith.addf %get3A_274, %get3A_281 : vector<16xf32>
      %swap3A = arith.constant 1 : i32
      %swap3A_283 = arith.constant 0 : i32
      %swap3A_284 = arith.index_cast %swap3A : i32 to index
      %swap3A_285 = arith.index_cast %swap3A_283 : i32 to index
      %swap3A_286 = arith.index_cast %mul3A_268 : i32 to index
      %swap3A_287 = tpu.vector_load %arg7[%swap3A_284, %swap3A_285, %swap3A_286] {strides = array<i32>} : memref<2x16x1024xf32, #tpu.memory_space<vmem>>, vector<1x1x16xf32>,
      %swap3A_288 = vector.shape_cast %swap3A_287 : vector<1x1x16xf32> to vector<16xf32>
      %swap3A_289 = vector.shape_cast %add3A_282 : vector<16xf32> to vector<1x1x16xf32>
      tpu.vector_store %arg7[%swap3A_284, %swap3A_285, %swap3A_286], %swap3A_289 {strides = array<i32>} : memref<2x16x1024xf32, #tpu.memory_space<vmem>>, vector<1x1x16xf32>,
      %get3A_290 = arith.constant 1 : i32
      %get3A_291 = arith.constant 2 : i32
      %get3A_292 = arith.index_cast %get3A_290 : i32 to index
      %get3A_293 = arith.index_cast %get3A_291 : i32 to index
      %get3A_294 = arith.index_cast %mul3A_268 : i32 to index
      %get3A_295 = tpu.vector_load %arg6[%get3A_292, %get3A_293, %get3A_294] {strides = array<i32>} : memref<2x32x1024xf32, #tpu.memory_space<vmem>>, vector<1x1x16xf32>,
      %get3A_296 = vector.shape_cast %get3A_295 : vector<1x1x16xf32> to vector<16xf32>
      %get3A_297 = arith.constant 1 : i32
      %get3A_298 = arith.constant 3 : i32
      %get3A_299 = arith.index_cast %get3A_297 : i32 to index
      %get3A_300 = arith.index_cast %get3A_298 : i32 to index
      %get3A_301 = arith.index_cast %mul3A_268 : i32 to index
      %get3A_302 = tpu.vector_load %arg6[%get3A_299, %get3A_300, %get3A_301] {strides = array<i32>} : memref<2x32x1024xf32, #tpu.memory_space<vmem>>, vector<1x1x16xf32>,
      %get3A_303 = vector.shape_cast %get3A_302 : vector<1x1x16xf32> to vector<16xf32>
      %add3A_304 = arith.addf %get3A_296, %get3A_303 : vector<16xf32>
      %swap3A_305 = arith.constant 1 : i32
      %swap3A_306 = arith.constant 1 : i32
      %swap3A_307 = arith.index_cast %swap3A_305 : i32 to index
      %swap3A_308 = arith.index_cast %swap3A_306 : i32 to index
      %swap3A_309 = arith.index_cast %mul3A_268 : i32 to index
      %swap3A_310 = tpu.vector_load %arg7[%swap3A_307, %swap3A_308, %swap3A_309] {strides = array<i32>} : memref<2x16x1024xf32, #tpu.memory_space<vmem>>, vector<1x1x16xf32>,
      %swap3A_311 = vector.shape_cast %swap3A_310 : vector<1x1x16xf32> to vector<16xf32>
      %swap3A_312 = vector.shape_cast %add3A_304 : vector<16xf32> to vector<1x1x16xf32>
      tpu.vector_store %arg7[%swap3A_307, %swap3A_308, %swap3A_309], %swap3A_312 {strides = array<i32>} : memref<2x16x1024xf32, #tpu.memory_space<vmem>>, vector<1x1x16xf32>,
      %get3A_313 = arith.constant 1 : i32
      %get3A_314 = arith.constant 4 : i32
      %get3A_315 = arith.index_cast %get3A_313 : i32 to index
      %get3A_316 = arith.index_cast %get3A_314 : i32 to index
      %get3A_317 = arith.index_cast %mul3A_268 : i32 to index
      %get3A_318 = tpu.vector_load %arg6[%get3A_315, %get3A_316, %get3A_317] {strides = array<i32>} : memref<2x32x1024xf32, #tpu.memory_space<vmem>>, vector<1x1x16xf32>,
      %get3A_319 = vector.shape_cast %get3A_318 : vector<1x1x16xf32> to vector<16xf32>
      %get3A_320 = arith.constant 1 : i32
      %get3A_321 = arith.constant 5 : i32
      %get3A_322 = arith.index_cast %get3A_320 : i32 to index
      %get3A_323 = arith.index_cast %get3A_321 : i32 to index
      %get3A_324 = arith.index_cast %mul3A_268 : i32 to index
      %get3A_325 = tpu.vector_load %arg6[%get3A_322, %get3A_323, %get3A_324] {strides = array<i32>} : memref<2x32x1024xf32, #tpu.memory_space<vmem>>, vector<1x1x16xf32>,
      %get3A_326 = vector.shape_cast %get3A_325 : vector<1x1x16xf32> to vector<16xf32>
      %add3A_327 = arith.addf %get3A_319, %get3A_326 : vector<16xf32>
      %swap3A_328 = arith.constant 1 : i32
      %swap3A_329 = arith.constant 2 : i32
      %swap3A_330 = arith.index_cast %swap3A_328 : i32 to index
      %swap3A_331 = arith.index_cast %swap3A_329 : i32 to index
      %swap3A_332 = arith.index_cast %mul3A_268 : i32 to index
      %swap3A_333 = tpu.vector_load %arg7[%swap3A_330, %swap3A_331, %swap3A_332] {strides = array<i32>} : memref<2x16x1024xf32, #tpu.memory_space<vmem>>, vector<1x1x16xf32>,
      %swap3A_334 = vector.shape_cast %swap3A_333 : vector<1x1x16xf32> to vector<16xf32>
      %swap3A_335 = vector.shape_cast %add3A_327 : vector<16xf32> to vector<1x1x16xf32>
      tpu.vector_store %arg7[%swap3A_330, %swap3A_331, %swap3A_332], %swap3A_335 {strides = array<i32>} : memref<2x16x1024xf32, #tpu.memory_space<vmem>>, vector<1x1x16xf32>,
      %get3A_336 = arith.constant 1 : i32
      %get3A_337 = arith.constant 6 : i32
      %get3A_338 = arith.index_cast %get3A_336 : i32 to index
      %get3A_339 = arith.index_cast %get3A_337 : i32 to index
      %get3A_340 = arith.index_cast %mul3A_268 : i32 to index
      %get3A_341 = tpu.vector_load %arg6[%get3A_338, %get3A_339, %get3A_340] {strides = array<i32>} : memref<2x32x1024xf32, #tpu.memory_space<vmem>>, vector<1x1x16xf32>,
      %get3A_342 = vector.shape_cast %get3A_341 : vector<1x1x16xf32> to vector<16xf32>
      %get3A_343 = arith.constant 1 : i32
      %get3A_344 = arith.constant 7 : i32
      %get3A_345 = arith.index_cast %get3A_343 : i32 to index
      %get3A_346 = arith.index_cast %get3A_344 : i32 to index
      %get3A_347 = arith.index_cast %mul3A_268 : i32 to index
      %get3A_348 = tpu.vector_load %arg6[%get3A_345, %get3A_346, %get3A_347] {strides = array<i32>} : memref<2x32x1024xf32, #tpu.memory_space<vmem>>, vector<1x1x16xf32>,
      %get3A_349 = vector.shape_cast %get3A_348 : vector<1x1x16xf32> to vector<16xf32>
      %add3A_350 = arith.addf %get3A_342, %get3A_349 : vector<16xf32>
      %swap3A_351 = arith.constant 1 : i32
      %swap3A_352 = arith.constant 3 : i32
      %swap3A_353 = arith.index_cast %swap3A_351 : i32 to index
      %swap3A_354 = arith.index_cast %swap3A_352 : i32 to index
      %swap3A_355 = arith.index_cast %mul3A_268 : i32 to index
      %swap3A_356 = tpu.vector_load %arg7[%swap3A_353, %swap3A_354, %swap3A_355] {strides = array<i32>} : memref<2x16x1024xf32, #tpu.memory_space<vmem>>, vector<1x1x16xf32>,
      %swap3A_357 = vector.shape_cast %swap3A_356 : vector<1x1x16xf32> to vector<16xf32>
      %swap3A_358 = vector.shape_cast %add3A_350 : vector<16xf32> to vector<1x1x16xf32>
      tpu.vector_store %arg7[%swap3A_353, %swap3A_354, %swap3A_355], %swap3A_358 {strides = array<i32>} : memref<2x16x1024xf32, #tpu.memory_space<vmem>>, vector<1x1x16xf32>,
      %get3A_359 = arith.constant 1 : i32
      %get3A_360 = arith.constant 8 : i32
      %get3A_361 = arith.index_cast %get3A_359 : i32 to index
      %get3A_362 = arith.index_cast %get3A_360 : i32 to index
      %get3A_363 = arith.index_cast %mul3A_268 : i32 to index
      %get3A_364 = tpu.vector_load %arg6[%get3A_361, %get3A_362, %get3A_363] {strides = array<i32>} : memref<2x32x1024xf32, #tpu.memory_space<vmem>>, vector<1x1x16xf32>,
      %get3A_365 = vector.shape_cast %get3A_364 : vector<1x1x16xf32> to vector<16xf32>
      %get3A_366 = arith.constant 1 : i32
      %get3A_367 = arith.constant 9 : i32
      %get3A_368 = arith.index_cast %get3A_366 : i32 to index
      %get3A_369 = arith.index_cast %get3A_367 : i32 to index
      %get3A_370 = arith.index_cast %mul3A_268 : i32 to index
      %get3A_371 = tpu.vector_load %arg6[%get3A_368, %get3A_369, %get3A_370] {strides = array<i32>} : memref<2x32x1024xf32, #tpu.memory_space<vmem>>, vector<1x1x16xf32>,
      %get3A_372 = vector.shape_cast %get3A_371 : vector<1x1x16xf32> to vector<16xf32>
      %add3A_373 = arith.addf %get3A_365, %get3A_372 : vector<16xf32>
      %swap3A_374 = arith.constant 1 : i32
      %swap3A_375 = arith.constant 4 : i32
      %swap3A_376 = arith.index_cast %swap3A_374 : i32 to index
      %swap3A_377 = arith.index_cast %swap3A_375 : i32 to index
      %swap3A_378 = arith.index_cast %mul3A_268 : i32 to index
      %swap3A_379 = tpu.vector_load %arg7[%swap3A_376, %swap3A_377, %swap3A_378] {strides = array<i32>} : memref<2x16x1024xf32, #tpu.memory_space<vmem>>, vector<1x1x16xf32>,
      %swap3A_380 = vector.shape_cast %swap3A_379 : vector<1x1x16xf32> to vector<16xf32>
      %swap3A_381 = vector.shape_cast %add3A_373 : vector<16xf32> to vector<1x1x16xf32>
      tpu.vector_store %arg7[%swap3A_376, %swap3A_377, %swap3A_378], %swap3A_381 {strides = array<i32>} : memref<2x16x1024xf32, #tpu.memory_space<vmem>>, vector<1x1x16xf32>,
      %get3A_382 = arith.constant 1 : i32
      %get3A_383 = arith.constant 10 : i32
      %get3A_384 = arith.index_cast %get3A_382 : i32 to index
      %get3A_385 = arith.index_cast %get3A_383 : i32 to index
      %get3A_386 = arith.index_cast %mul3A_268 : i32 to index
      %get3A_387 = tpu.vector_load %arg6[%get3A_384, %get3A_385, %get3A_386] {strides = array<i32>} : memref<2x32x1024xf32, #tpu.memory_space<vmem>>, vector<1x1x16xf32>,
      %get3A_388 = vector.shape_cast %get3A_387 : vector<1x1x16xf32> to vector<16xf32>
      %get3A_389 = arith.constant 1 : i32
      %get3A_390 = arith.constant 11 : i32
      %get3A_391 = arith.index_cast %get3A_389 : i32 to index
      %get3A_392 = arith.index_cast %get3A_390 : i32 to index
      %get3A_393 = arith.index_cast %mul3A_268 : i32 to index
      %get3A_394 = tpu.vector_load %arg6[%get3A_391, %get3A_392, %get3A_393] {strides = array<i32>} : memref<2x32x1024xf32, #tpu.memory_space<vmem>>, vector<1x1x16xf32>,
      %get3A_395 = vector.shape_cast %get3A_394 : vector<1x1x16xf32> to vector<16xf32>
      %add3A_396 = arith.addf %get3A_388, %get3A_395 : vector<16xf32>
      %swap3A_397 = arith.constant 1 : i32
      %swap3A_398 = arith.constant 5 : i32
      %swap3A_399 = arith.index_cast %swap3A_397 : i32 to index
      %swap3A_400 = arith.index_cast %swap3A_398 : i32 to index
      %swap3A_401 = arith.index_cast %mul3A_268 : i32 to index
      %swap3A_402 = tpu.vector_load %arg7[%swap3A_399, %swap3A_400, %swap3A_401] {strides = array<i32>} : memref<2x16x1024xf32, #tpu.memory_space<vmem>>, vector<1x1x16xf32>,
      %swap3A_403 = vector.shape_cast %swap3A_402 : vector<1x1x16xf32> to vector<16xf32>
      %swap3A_404 = vector.shape_cast %add3A_396 : vector<16xf32> to vector<1x1x16xf32>
      tpu.vector_store %arg7[%swap3A_399, %swap3A_400, %swap3A_401], %swap3A_404 {strides = array<i32>} : memref<2x16x1024xf32, #tpu.memory_space<vmem>>, vector<1x1x16xf32>,
      %get3A_405 = arith.constant 1 : i32
      %get3A_406 = arith.constant 12 : i32
      %get3A_407 = arith.index_cast %get3A_405 : i32 to index
      %get3A_408 = arith.index_cast %get3A_406 : i32 to index
      %get3A_409 = arith.index_cast %mul3A_268 : i32 to index
      %get3A_410 = tpu.vector_load %arg6[%get3A_407, %get3A_408, %get3A_409] {strides = array<i32>} : memref<2x32x1024xf32, #tpu.memory_space<vmem>>, vector<1x1x16xf32>,
      %get3A_411 = vector.shape_cast %get3A_410 : vector<1x1x16xf32> to vector<16xf32>
      %get3A_412 = arith.constant 1 : i32
      %get3A_413 = arith.constant 13 : i32
      %get3A_414 = arith.index_cast %get3A_412 : i32 to index
      %get3A_415 = arith.index_cast %get3A_413 : i32 to index
      %get3A_416 = arith.index_cast %mul3A_268 : i32 to index
      %get3A_417 = tpu.vector_load %arg6[%get3A_414, %get3A_415, %get3A_416] {strides = array<i32>} : memref<2x32x1024xf32, #tpu.memory_space<vmem>>, vector<1x1x16xf32>,
      %get3A_418 = vector.shape_cast %get3A_417 : vector<1x1x16xf32> to vector<16xf32>
      %add3A_419 = arith.addf %get3A_411, %get3A_418 : vector<16xf32>
      %swap3A_420 = arith.constant 1 : i32
      %swap3A_421 = arith.constant 6 : i32
      %swap3A_422 = arith.index_cast %swap3A_420 : i32 to index
      %swap3A_423 = arith.index_cast %swap3A_421 : i32 to index
      %swap3A_424 = arith.index_cast %mul3A_268 : i32 to index
      %swap3A_425 = tpu.vector_load %arg7[%swap3A_422, %swap3A_423, %swap3A_424] {strides = array<i32>} : memref<2x16x1024xf32, #tpu.memory_space<vmem>>, vector<1x1x16xf32>,
      %swap3A_426 = vector.shape_cast %swap3A_425 : vector<1x1x16xf32> to vector<16xf32>
      %swap3A_427 = vector.shape_cast %add3A_419 : vector<16xf32> to vector<1x1x16xf32>
      tpu.vector_store %arg7[%swap3A_422, %swap3A_423, %swap3A_424], %swap3A_427 {strides = array<i32>} : memref<2x16x1024xf32, #tpu.memory_space<vmem>>, vector<1x1x16xf32>,
      %get3A_428 = arith.constant 1 : i32
      %get3A_429 = arith.constant 14 : i32
      %get3A_430 = arith.index_cast %get3A_428 : i32 to index
      %get3A_431 = arith.index_cast %get3A_429 : i32 to index
      %get3A_432 = arith.index_cast %mul3A_268 : i32 to index
      %get3A_433 = tpu.vector_load %arg6[%get3A_430, %get3A_431, %get3A_432] {strides = array<i32>} : memref<2x32x1024xf32, #tpu.memory_space<vmem>>, vector<1x1x16xf32>,
      %get3A_434 = vector.shape_cast %get3A_433 : vector<1x1x16xf32> to vector<16xf32>
      %get3A_435 = arith.constant 1 : i32
      %get3A_436 = arith.constant 15 : i32
      %get3A_437 = arith.index_cast %get3A_435 : i32 to index
      %get3A_438 = arith.index_cast %get3A_436 : i32 to index
      %get3A_439 = arith.index_cast %mul3A_268 : i32 to index
      %get3A_440 = tpu.vector_load %arg6[%get3A_437, %get3A_438, %get3A_439] {strides = array<i32>} : memref<2x32x1024xf32, #tpu.memory_space<vmem>>, vector<1x1x16xf32>,
      %get3A_441 = vector.shape_cast %get3A_440 : vector<1x1x16xf32> to vector<16xf32>
      %add3A_442 = arith.addf %get3A_434, %get3A_441 : vector<16xf32>
      %swap3A_443 = arith.constant 1 : i32
      %swap3A_444 = arith.constant 7 : i32
      %swap3A_445 = arith.index_cast %swap3A_443 : i32 to index
      %swap3A_446 = arith.index_cast %swap3A_444 : i32 to index
      %swap3A_447 = arith.index_cast %mul3A_268 : i32 to index
      %swap3A_448 = tpu.vector_load %arg7[%swap3A_445, %swap3A_446, %swap3A_447] {strides = array<i32>} : memref<2x16x1024xf32, #tpu.memory_space<vmem>>, vector<1x1x16xf32>,
      %swap3A_449 = vector.shape_cast %swap3A_448 : vector<1x1x16xf32> to vector<16xf32>
      %swap3A_450 = vector.shape_cast %add3A_442 : vector<16xf32> to vector<1x1x16xf32>
      tpu.vector_store %arg7[%swap3A_445, %swap3A_446, %swap3A_447], %swap3A_450 {strides = array<i32>} : memref<2x16x1024xf32, #tpu.memory_space<vmem>>, vector<1x1x16xf32>,
      %get3A_451 = arith.constant 1 : i32
      %get3A_452 = arith.constant 16 : i32
      %get3A_453 = arith.index_cast %get3A_451 : i32 to index
      %get3A_454 = arith.index_cast %get3A_452 : i32 to index
      %get3A_455 = arith.index_cast %mul3A_268 : i32 to index
      %get3A_456 = tpu.vector_load %arg6[%get3A_453, %get3A_454, %get3A_455] {strides = array<i32>} : memref<2x32x1024xf32, #tpu.memory_space<vmem>>, vector<1x1x16xf32>,
      %get3A_457 = vector.shape_cast %get3A_456 : vector<1x1x16xf32> to vector<16xf32>
      %get3A_458 = arith.constant 1 : i32
      %get3A_459 = arith.constant 17 : i32
      %get3A_460 = arith.index_cast %get3A_458 : i32 to index
      %get3A_461 = arith.index_cast %get3A_459 : i32 to index
      %get3A_462 = arith.index_cast %mul3A_268 : i32 to index
      %get3A_463 = tpu.vector_load %arg6[%get3A_460, %get3A_461, %get3A_462] {strides = array<i32>} : memref<2x32x1024xf32, #tpu.memory_space<vmem>>, vector<1x1x16xf32>,
      %get3A_464 = vector.shape_cast %get3A_463 : vector<1x1x16xf32> to vector<16xf32>
      %add3A_465 = arith.addf %get3A_457, %get3A_464 : vector<16xf32>
      %swap3A_466 = arith.constant 1 : i32
      %swap3A_467 = arith.constant 8 : i32
      %swap3A_468 = arith.index_cast %swap3A_466 : i32 to index
      %swap3A_469 = arith.index_cast %swap3A_467 : i32 to index
      %swap3A_470 = arith.index_cast %mul3A_268 : i32 to index
      %swap3A_471 = tpu.vector_load %arg7[%swap3A_468, %swap3A_469, %swap3A_470] {strides = array<i32>} : memref<2x16x1024xf32, #tpu.memory_space<vmem>>, vector<1x1x16xf32>,
      %swap3A_472 = vector.shape_cast %swap3A_471 : vector<1x1x16xf32> to vector<16xf32>
      %swap3A_473 = vector.shape_cast %add3A_465 : vector<16xf32> to vector<1x1x16xf32>
      tpu.vector_store %arg7[%swap3A_468, %swap3A_469, %swap3A_470], %swap3A_473 {strides = array<i32>} : memref<2x16x1024xf32, #tpu.memory_space<vmem>>, vector<1x1x16xf32>,
      %get3A_474 = arith.constant 1 : i32
      %get3A_475 = arith.constant 18 : i32
      %get3A_476 = arith.index_cast %get3A_474 : i32 to index
      %get3A_477 = arith.index_cast %get3A_475 : i32 to index
      %get3A_478 = arith.index_cast %mul3A_268 : i32 to index
      %get3A_479 = tpu.vector_load %arg6[%get3A_476, %get3A_477, %get3A_478] {strides = array<i32>} : memref<2x32x1024xf32, #tpu.memory_space<vmem>>, vector<1x1x16xf32>,
      %get3A_480 = vector.shape_cast %get3A_479 : vector<1x1x16xf32> to vector<16xf32>
      %get3A_481 = arith.constant 1 : i32
      %get3A_482 = arith.constant 19 : i32
      %get3A_483 = arith.index_cast %get3A_481 : i32 to index
      %get3A_484 = arith.index_cast %get3A_482 : i32 to index
      %get3A_485 = arith.index_cast %mul3A_268 : i32 to index
      %get3A_486 = tpu.vector_load %arg6[%get3A_483, %get3A_484, %get3A_485] {strides = array<i32>} : memref<2x32x1024xf32, #tpu.memory_space<vmem>>, vector<1x1x16xf32>,
      %get3A_487 = vector.shape_cast %get3A_486 : vector<1x1x16xf32> to vector<16xf32>
      %add3A_488 = arith.addf %get3A_480, %get3A_487 : vector<16xf32>
      %swap3A_489 = arith.constant 1 : i32
      %swap3A_490 = arith.constant 9 : i32
      %swap3A_491 = arith.index_cast %swap3A_489 : i32 to index
      %swap3A_492 = arith.index_cast %swap3A_490 : i32 to index
      %swap3A_493 = arith.index_cast %mul3A_268 : i32 to index
      %swap3A_494 = tpu.vector_load %arg7[%swap3A_491, %swap3A_492, %swap3A_493] {strides = array<i32>} : memref<2x16x1024xf32, #tpu.memory_space<vmem>>, vector<1x1x16xf32>,
      %swap3A_495 = vector.shape_cast %swap3A_494 : vector<1x1x16xf32> to vector<16xf32>
      %swap3A_496 = vector.shape_cast %add3A_488 : vector<16xf32> to vector<1x1x16xf32>
      tpu.vector_store %arg7[%swap3A_491, %swap3A_492, %swap3A_493], %swap3A_496 {strides = array<i32>} : memref<2x16x1024xf32, #tpu.memory_space<vmem>>, vector<1x1x16xf32>,
      %get3A_497 = arith.constant 1 : i32
      %get3A_498 = arith.constant 20 : i32
      %get3A_499 = arith.index_cast %get3A_497 : i32 to index
      %get3A_500 = arith.index_cast %get3A_498 : i32 to index
      %get3A_501 = arith.index_cast %mul3A_268 : i32 to index
      %get3A_502 = tpu.vector_load %arg6[%get3A_499, %get3A_500, %get3A_501] {strides = array<i32>} : memref<2x32x1024xf32, #tpu.memory_space<vmem>>, vector<1x1x16xf32>,
      %get3A_503 = vector.shape_cast %get3A_502 : vector<1x1x16xf32> to vector<16xf32>
      %get3A_504 = arith.constant 1 : i32
      %get3A_505 = arith.constant 21 : i32
      %get3A_506 = arith.index_cast %get3A_504 : i32 to index
      %get3A_507 = arith.index_cast %get3A_505 : i32 to index
      %get3A_508 = arith.index_cast %mul3A_268 : i32 to index
      %get3A_509 = tpu.vector_load %arg6[%get3A_506, %get3A_507, %get3A_508] {strides = array<i32>} : memref<2x32x1024xf32, #tpu.memory_space<vmem>>, vector<1x1x16xf32>,
      %get3A_510 = vector.shape_cast %get3A_509 : vector<1x1x16xf32> to vector<16xf32>
      %add3A_511 = arith.addf %get3A_503, %get3A_510 : vector<16xf32>
      %swap3A_512 = arith.constant 1 : i32
      %swap3A_513 = arith.constant 10 : i32
      %swap3A_514 = arith.index_cast %swap3A_512 : i32 to index
      %swap3A_515 = arith.index_cast %swap3A_513 : i32 to index
      %swap3A_516 = arith.index_cast %mul3A_268 : i32 to index
      %swap3A_517 = tpu.vector_load %arg7[%swap3A_514, %swap3A_515, %swap3A_516] {strides = array<i32>} : memref<2x16x1024xf32, #tpu.memory_space<vmem>>, vector<1x1x16xf32>,
      %swap3A_518 = vector.shape_cast %swap3A_517 : vector<1x1x16xf32> to vector<16xf32>
      %swap3A_519 = vector.shape_cast %add3A_511 : vector<16xf32> to vector<1x1x16xf32>
      tpu.vector_store %arg7[%swap3A_514, %swap3A_515, %swap3A_516], %swap3A_519 {strides = array<i32>} : memref<2x16x1024xf32, #tpu.memory_space<vmem>>, vector<1x1x16xf32>,
      %get3A_520 = arith.constant 1 : i32
      %get3A_521 = arith.constant 22 : i32
      %get3A_522 = arith.index_cast %get3A_520 : i32 to index
      %get3A_523 = arith.index_cast %get3A_521 : i32 to index
      %get3A_524 = arith.index_cast %mul3A_268 : i32 to index
      %get3A_525 = tpu.vector_load %arg6[%get3A_522, %get3A_523, %get3A_524] {strides = array<i32>} : memref<2x32x1024xf32, #tpu.memory_space<vmem>>, vector<1x1x16xf32>,
      %get3A_526 = vector.shape_cast %get3A_525 : vector<1x1x16xf32> to vector<16xf32>
      %get3A_527 = arith.constant 1 : i32
      %get3A_528 = arith.constant 23 : i32
      %get3A_529 = arith.index_cast %get3A_527 : i32 to index
      %get3A_530 = arith.index_cast %get3A_528 : i32 to index
      %get3A_531 = arith.index_cast %mul3A_268 : i32 to index
      %get3A_532 = tpu.vector_load %arg6[%get3A_529, %get3A_530, %get3A_531] {strides = array<i32>} : memref<2x32x1024xf32, #tpu.memory_space<vmem>>, vector<1x1x16xf32>,
      %get3A_533 = vector.shape_cast %get3A_532 : vector<1x1x16xf32> to vector<16xf32>
      %add3A_534 = arith.addf %get3A_526, %get3A_533 : vector<16xf32>
      %swap3A_535 = arith.constant 1 : i32
      %swap3A_536 = arith.constant 11 : i32
      %swap3A_537 = arith.index_cast %swap3A_535 : i32 to index
      %swap3A_538 = arith.index_cast %swap3A_536 : i32 to index
      %swap3A_539 = arith.index_cast %mul3A_268 : i32 to index
      %swap3A_540 = tpu.vector_load %arg7[%swap3A_537, %swap3A_538, %swap3A_539] {strides = array<i32>} : memref<2x16x1024xf32, #tpu.memory_space<vmem>>, vector<1x1x16xf32>,
      %swap3A_541 = vector.shape_cast %swap3A_540 : vector<1x1x16xf32> to vector<16xf32>
      %swap3A_542 = vector.shape_cast %add3A_534 : vector<16xf32> to vector<1x1x16xf32>
      tpu.vector_store %arg7[%swap3A_537, %swap3A_538, %swap3A_539], %swap3A_542 {strides = array<i32>} : memref<2x16x1024xf32, #tpu.memory_space<vmem>>, vector<1x1x16xf32>,
      %get3A_543 = arith.constant 1 : i32
      %get3A_544 = arith.constant 24 : i32
      %get3A_545 = arith.index_cast %get3A_543 : i32 to index
      %get3A_546 = arith.index_cast %get3A_544 : i32 to index
      %get3A_547 = arith.index_cast %mul3A_268 : i32 to index
      %get3A_548 = tpu.vector_load %arg6[%get3A_545, %get3A_546, %get3A_547] {strides = array<i32>} : memref<2x32x1024xf32, #tpu.memory_space<vmem>>, vector<1x1x16xf32>,
      %get3A_549 = vector.shape_cast %get3A_548 : vector<1x1x16xf32> to vector<16xf32>
      %get3A_550 = arith.constant 1 : i32
      %get3A_551 = arith.constant 25 : i32
      %get3A_552 = arith.index_cast %get3A_550 : i32 to index
      %get3A_553 = arith.index_cast %get3A_551 : i32 to index
      %get3A_554 = arith.index_cast %mul3A_268 : i32 to index
      %get3A_555 = tpu.vector_load %arg6[%get3A_552, %get3A_553, %get3A_554] {strides = array<i32>} : memref<2x32x1024xf32, #tpu.memory_space<vmem>>, vector<1x1x16xf32>,
      %get3A_556 = vector.shape_cast %get3A_555 : vector<1x1x16xf32> to vector<16xf32>
      %add3A_557 = arith.addf %get3A_549, %get3A_556 : vector<16xf32>
      %swap3A_558 = arith.constant 1 : i32
      %swap3A_559 = arith.constant 12 : i32
      %swap3A_560 = arith.index_cast %swap3A_558 : i32 to index
      %swap3A_561 = arith.index_cast %swap3A_559 : i32 to index
      %swap3A_562 = arith.index_cast %mul3A_268 : i32 to index
      %swap3A_563 = tpu.vector_load %arg7[%swap3A_560, %swap3A_561, %swap3A_562] {strides = array<i32>} : memref<2x16x1024xf32, #tpu.memory_space<vmem>>, vector<1x1x16xf32>,
      %swap3A_564 = vector.shape_cast %swap3A_563 : vector<1x1x16xf32> to vector<16xf32>
      %swap3A_565 = vector.shape_cast %add3A_557 : vector<16xf32> to vector<1x1x16xf32>
      tpu.vector_store %arg7[%swap3A_560, %swap3A_561, %swap3A_562], %swap3A_565 {strides = array<i32>} : memref<2x16x1024xf32, #tpu.memory_space<vmem>>, vector<1x1x16xf32>,
      %get3A_566 = arith.constant 1 : i32
      %get3A_567 = arith.constant 26 : i32
      %get3A_568 = arith.index_cast %get3A_566 : i32 to index
      %get3A_569 = arith.index_cast %get3A_567 : i32 to index
      %get3A_570 = arith.index_cast %mul3A_268 : i32 to index
      %get3A_571 = tpu.vector_load %arg6[%get3A_568, %get3A_569, %get3A_570] {strides = array<i32>} : memref<2x32x1024xf32, #tpu.memory_space<vmem>>, vector<1x1x16xf32>,
      %get3A_572 = vector.shape_cast %get3A_571 : vector<1x1x16xf32> to vector<16xf32>
      %get3A_573 = arith.constant 1 : i32
      %get3A_574 = arith.constant 27 : i32
      %get3A_575 = arith.index_cast %get3A_573 : i32 to index
      %get3A_576 = arith.index_cast %get3A_574 : i32 to index
      %get3A_577 = arith.index_cast %mul3A_268 : i32 to index
      %get3A_578 = tpu.vector_load %arg6[%get3A_575, %get3A_576, %get3A_577] {strides = array<i32>} : memref<2x32x1024xf32, #tpu.memory_space<vmem>>, vector<1x1x16xf32>,
      %get3A_579 = vector.shape_cast %get3A_578 : vector<1x1x16xf32> to vector<16xf32>
      %add3A_580 = arith.addf %get3A_572, %get3A_579 : vector<16xf32>
      %swap3A_581 = arith.constant 1 : i32
      %swap3A_582 = arith.constant 13 : i32
      %swap3A_583 = arith.index_cast %swap3A_581 : i32 to index
      %swap3A_584 = arith.index_cast %swap3A_582 : i32 to index
      %swap3A_585 = arith.index_cast %mul3A_268 : i32 to index
      %swap3A_586 = tpu.vector_load %arg7[%swap3A_583, %swap3A_584, %swap3A_585] {strides = array<i32>} : memref<2x16x1024xf32, #tpu.memory_space<vmem>>, vector<1x1x16xf32>,
      %swap3A_587 = vector.shape_cast %swap3A_586 : vector<1x1x16xf32> to vector<16xf32>
      %swap3A_588 = vector.shape_cast %add3A_580 : vector<16xf32> to vector<1x1x16xf32>
      tpu.vector_store %arg7[%swap3A_583, %swap3A_584, %swap3A_585], %swap3A_588 {strides = array<i32>} : memref<2x16x1024xf32, #tpu.memory_space<vmem>>, vector<1x1x16xf32>,
      %get3A_589 = arith.constant 1 : i32
      %get3A_590 = arith.constant 28 : i32
      %get3A_591 = arith.index_cast %get3A_589 : i32 to index
      %get3A_592 = arith.index_cast %get3A_590 : i32 to index
      %get3A_593 = arith.index_cast %mul3A_268 : i32 to index
      %get3A_594 = tpu.vector_load %arg6[%get3A_591, %get3A_592, %get3A_593] {strides = array<i32>} : memref<2x32x1024xf32, #tpu.memory_space<vmem>>, vector<1x1x16xf32>,
      %get3A_595 = vector.shape_cast %get3A_594 : vector<1x1x16xf32> to vector<16xf32>
      %get3A_596 = arith.constant 1 : i32
      %get3A_597 = arith.constant 29 : i32
      %get3A_598 = arith.index_cast %get3A_596 : i32 to index
      %get3A_599 = arith.index_cast %get3A_597 : i32 to index
      %get3A_600 = arith.index_cast %mul3A_268 : i32 to index
      %get3A_601 = tpu.vector_load %arg6[%get3A_598, %get3A_599, %get3A_600] {strides = array<i32>} : memref<2x32x1024xf32, #tpu.memory_space<vmem>>, vector<1x1x16xf32>,
      %get3A_602 = vector.shape_cast %get3A_601 : vector<1x1x16xf32> to vector<16xf32>
      %add3A_603 = arith.addf %get3A_595, %get3A_602 : vector<16xf32>
      %swap3A_604 = arith.constant 1 : i32
      %swap3A_605 = arith.constant 14 : i32
      %swap3A_606 = arith.index_cast %swap3A_604 : i32 to index
      %swap3A_607 = arith.index_cast %swap3A_605 : i32 to index
      %swap3A_608 = arith.index_cast %mul3A_268 : i32 to index
      %swap3A_609 = tpu.vector_load %arg7[%swap3A_606, %swap3A_607, %swap3A_608] {strides = array<i32>} : memref<2x16x1024xf32, #tpu.memory_space<vmem>>, vector<1x1x16xf32>,
      %swap3A_610 = vector.shape_cast %swap3A_609 : vector<1x1x16xf32> to vector<16xf32>
      %swap3A_611 = vector.shape_cast %add3A_603 : vector<16xf32> to vector<1x1x16xf32>
      tpu.vector_store %arg7[%swap3A_606, %swap3A_607, %swap3A_608], %swap3A_611 {strides = array<i32>} : memref<2x16x1024xf32, #tpu.memory_space<vmem>>, vector<1x1x16xf32>,
      %get3A_612 = arith.constant 1 : i32
      %get3A_613 = arith.constant 30 : i32
      %get3A_614 = arith.index_cast %get3A_612 : i32 to index
      %get3A_615 = arith.index_cast %get3A_613 : i32 to index
      %get3A_616 = arith.index_cast %mul3A_268 : i32 to index
      %get3A_617 = tpu.vector_load %arg6[%get3A_614, %get3A_615, %get3A_616] {strides = array<i32>} : memref<2x32x1024xf32, #tpu.memory_space<vmem>>, vector<1x1x16xf32>,
      %get3A_618 = vector.shape_cast %get3A_617 : vector<1x1x16xf32> to vector<16xf32>
      %get3A_619 = arith.constant 1 : i32
      %get3A_620 = arith.constant 31 : i32
      %get3A_621 = arith.index_cast %get3A_619 : i32 to index
      %get3A_622 = arith.index_cast %get3A_620 : i32 to index
      %get3A_623 = arith.index_cast %mul3A_268 : i32 to index
      %get3A_624 = tpu.vector_load %arg6[%get3A_621, %get3A_622, %get3A_623] {strides = array<i32>} : memref<2x32x1024xf32, #tpu.memory_space<vmem>>, vector<1x1x16xf32>,
      %get3A_625 = vector.shape_cast %get3A_624 : vector<1x1x16xf32> to vector<16xf32>
      %add3A_626 = arith.addf %get3A_618, %get3A_625 : vector<16xf32>
      %swap3A_627 = arith.constant 1 : i32
      %swap3A_628 = arith.constant 15 : i32
      %swap3A_629 = arith.index_cast %swap3A_627 : i32 to index
      %swap3A_630 = arith.index_cast %swap3A_628 : i32 to index
      %swap3A_631 = arith.index_cast %mul3A_268 : i32 to index
      %swap3A_632 = tpu.vector_load %arg7[%swap3A_629, %swap3A_630, %swap3A_631] {strides = array<i32>} : memref<2x16x1024xf32, #tpu.memory_space<vmem>>, vector<1x1x16xf32>,
      %swap3A_633 = vector.shape_cast %swap3A_632 : vector<1x1x16xf32> to vector<16xf32>
      %swap3A_634 = vector.shape_cast %add3A_626 : vector<16xf32> to vector<1x1x16xf32>
      tpu.vector_store %arg7[%swap3A_629, %swap3A_630, %swap3A_631], %swap3A_634 {strides = array<i32>} : memref<2x16x1024xf32, #tpu.memory_space<vmem>>, vector<1x1x16xf32>,
    }
    %scan3A_96 = arith.constant 64 : i32
    %add3A_97 = arith.constant 16 : i32
    %add3A_98 = arith.addi %mul3A_2, %add3A_97 : i32
    %dma_start3A_99 = arith.constant 1 : i32
    %dma_start3A_100 = arith.constant 1 : i32
    %dma_start3A_101 = arith.constant 0 : i32
    %dma_start3A_102 = arith.constant 0 : i32
    %dma_start3A_103 = tpu.memref_slice %arg7[%dma_start3A_99, %dma_start3A_101, %dma_start3A_102] : memref<2x16x1024xf32, #tpu.memory_space<vmem>> -> memref<1x16x1024xf32, #tpu.memory_space<vmem>>
    %dma_start3A_104 = tpu.memref_squeeze %dma_start3A_103 : memref<1x16x1024xf32, #tpu.memory_space<vmem>> -> memref<16x1024xf32, #tpu.memory_space<vmem>>
    %dma_start3A_105 = arith.constant 0 : i32
    %dma_start3A_106 = tpu.memref_slice %arg4[%add3A_98, %dma_start3A_105] : memref<2048x1024xf32, #tpu.memory_space<hbm>> -> memref<16x1024xf32, #tpu.memory_space<hbm>>
    %dma_start3A_107 = tpu.memref_slice %arg9[%dma_start3A_100] : memref<2x!tpu.dma_semaphore, #tpu.memory_space<semaphore_mem>> -> memref<1x!tpu.dma_semaphore, #tpu.memory_space<semaphore_mem>>
    %dma_start3A_108 = tpu.memref_squeeze %dma_start3A_107 : memref<1x!tpu.dma_semaphore, #tpu.memory_space<semaphore_mem>> -> memref<!tpu.dma_semaphore, #tpu.memory_space<semaphore_mem>>
    %dma_start3A_109 = arith.constant 0 : i32
    %dma_start3A_110 = tpu.memref_slice %arg4[%add3A_98, %dma_start3A_109] : memref<2048x1024xf32, #tpu.memory_space<hbm>> -> memref<16x1024xf32, #tpu.memory_space<hbm>>
    %dma_start3A_111 = arith.constant 0 : i32
    %dma_start3A_112 = arith.constant 0 : i32
    %dma_start3A_113 = tpu.memref_slice %arg7[%dma_start3A_99, %dma_start3A_111, %dma_start3A_112] : memref<2x16x1024xf32, #tpu.memory_space<vmem>> -> memref<1x16x1024xf32, #tpu.memory_space<vmem>>
    %dma_start3A_114 = tpu.memref_squeeze %dma_start3A_113 : memref<1x16x1024xf32, #tpu.memory_space<vmem>> -> memref<16x1024xf32, #tpu.memory_space<vmem>>
    tpu.enqueue_dma source(%dma_start3A_114 : memref<16x1024xf32, #tpu.memory_space<vmem>>) target(%dma_start3A_110 : memref<16x1024xf32, #tpu.memory_space<hbm>>) target_semaphore(%dma_start3A_108 : memref<!tpu.dma_semaphore, #tpu.memory_space<semaphore_mem>>)
    %dma_start3A_115 = arith.constant 1 : i32
    %dma_start3A_116 = arith.constant 1 : i32
    %dma_start3A_117 = arith.constant 0 : i32
    %dma_start3A_118 = arith.constant 0 : i32
    %dma_start3A_119 = tpu.memref_slice %arg6[%dma_start3A_115, %dma_start3A_117, %dma_start3A_118] : memref<2x32x1024xf32, #tpu.memory_space<vmem>> -> memref<1x32x1024xf32, #tpu.memory_space<vmem>>
    %dma_start3A_120 = tpu.memref_squeeze %dma_start3A_119 : memref<1x32x1024xf32, #tpu.memory_space<vmem>> -> memref<32x1024xf32, #tpu.memory_space<vmem>>
    %dma_start3A_121 = arith.constant 96 : i32
    %dma_start3A_122 = tpu.memref_slice %arg5[%dma_start3A_121] : memref<128xi32, #tpu.memory_space<vmem>> -> memref<32xi32, #tpu.memory_space<vmem>>
    %dma_start3A_123 = arith.constant 0 : i32
    %dma_start3A_124 = arith.constant 0 : i32
    %dma_start3A_125 = tpu.memref_slice %arg2[%dma_start3A_123, %dma_start3A_124] : memref<6144x1024xf32, #tpu.memory_space<hbm>> -> memref<6144x1024xf32, #tpu.memory_space<hbm>>
    %dma_start3A_126 = tpu.memref_slice %arg8[%dma_start3A_116] : memref<2x!tpu.dma_semaphore, #tpu.memory_space<semaphore_mem>> -> memref<1x!tpu.dma_semaphore, #tpu.memory_space<semaphore_mem>>
    %dma_start3A_127 = tpu.memref_squeeze %dma_start3A_126 : memref<1x!tpu.dma_semaphore, #tpu.memory_space<semaphore_mem>> -> memref<!tpu.dma_semaphore, #tpu.memory_space<semaphore_mem>>
    tpu.enqueue_indirect_dma source(%dma_start3A_125 : memref<6144x1024xf32, #tpu.memory_space<hbm>>) target(%dma_start3A_120 : memref<32x1024xf32, #tpu.memory_space<vmem>>) offsets(%dma_start3A_122 : memref<32xi32, #tpu.memory_space<vmem>>) semaphore(%dma_start3A_127 : memref<!tpu.dma_semaphore, #tpu.memory_space<semaphore_mem>>)
    %dma_wait3A_128 = arith.constant 0 : i32
    %dma_wait3A_129 = arith.constant 0 : i32
    %dma_wait3A_130 = arith.constant 0 : i32
    %dma_wait3A_131 = arith.constant 0 : i32
    %dma_wait3A_132 = tpu.memref_slice %arg6[%dma_wait3A_128, %dma_wait3A_130, %dma_wait3A_131] : memref<2x32x1024xf32, #tpu.memory_space<vmem>> -> memref<1x32x1024xf32, #tpu.memory_space<vmem>>
    %dma_wait3A_133 = tpu.memref_squeeze %dma_wait3A_132 : memref<1x32x1024xf32, #tpu.memory_space<vmem>> -> memref<32x1024xf32, #tpu.memory_space<vmem>>
    %dma_wait3A_134 = arith.constant 64 : i32
    %dma_wait3A_135 = tpu.memref_slice %arg5[%dma_wait3A_134] : memref<128xi32, #tpu.memory_space<vmem>> -> memref<32xi32, #tpu.memory_space<vmem>>
    %dma_wait3A_136 = arith.constant 0 : i32
    %dma_wait3A_137 = arith.constant 0 : i32
    %dma_wait3A_138 = tpu.memref_slice %arg2[%dma_wait3A_136, %dma_wait3A_137] : memref<6144x1024xf32, #tpu.memory_space<hbm>> -> memref<6144x1024xf32, #tpu.memory_space<hbm>>
    %dma_wait3A_139 = tpu.memref_slice %arg8[%dma_wait3A_129] : memref<2x!tpu.dma_semaphore, #tpu.memory_space<semaphore_mem>> -> memref<1x!tpu.dma_semaphore, #tpu.memory_space<semaphore_mem>>
    %dma_wait3A_140 = tpu.memref_squeeze %dma_wait3A_139 : memref<1x!tpu.dma_semaphore, #tpu.memory_space<semaphore_mem>> -> memref<!tpu.dma_semaphore, #tpu.memory_space<semaphore_mem>>
    tpu.wait_indirect_dma semaphore(%dma_wait3A_140 : memref<!tpu.dma_semaphore, #tpu.memory_space<semaphore_mem>>) src(%dma_wait3A_138 : memref<6144x1024xf32, #tpu.memory_space<hbm>>) dst(%dma_wait3A_133 : memref<32x1024xf32, #tpu.memory_space<vmem>>)
    %dma_wait3A_141 = arith.constant 0 : i32
    %dma_wait3A_142 = arith.constant 0 : i32
    %dma_wait3A_143 = arith.constant 0 : i32
    %dma_wait3A_144 = arith.constant 0 : i32
    %dma_wait3A_145 = tpu.memref_slice %arg7[%dma_wait3A_141, %dma_wait3A_143, %dma_wait3A_144] : memref<2x16x1024xf32, #tpu.memory_space<vmem>> -> memref<1x16x1024xf32, #tpu.memory_space<vmem>>
    %dma_wait3A_146 = tpu.memref_squeeze %dma_wait3A_145 : memref<1x16x1024xf32, #tpu.memory_space<vmem>> -> memref<16x1024xf32, #tpu.memory_space<vmem>>
    %dma_wait3A_147 = arith.constant 0 : i32
    %dma_wait3A_148 = tpu.memref_slice %arg4[%add3A_48, %dma_wait3A_147] : memref<2048x1024xf32, #tpu.memory_space<hbm>> -> memref<16x1024xf32, #tpu.memory_space<hbm>>
    %dma_wait3A_149 = tpu.memref_slice %arg9[%dma_wait3A_142] : memref<2x!tpu.dma_semaphore, #tpu.memory_space<semaphore_mem>> -> memref<1x!tpu.dma_semaphore, #tpu.memory_space<semaphore_mem>>
    %dma_wait3A_150 = tpu.memref_squeeze %dma_wait3A_149 : memref<1x!tpu.dma_semaphore, #tpu.memory_space<semaphore_mem>> -> memref<!tpu.dma_semaphore, #tpu.memory_space<semaphore_mem>>
    %dma_wait3A_151 = arith.constant 0 : i32
    %dma_wait3A_152 = tpu.memref_slice %arg4[%add3A_48, %dma_wait3A_151] : memref<2048x1024xf32, #tpu.memory_space<hbm>> -> memref<16x1024xf32, #tpu.memory_space<hbm>>
    %dma_wait3A_153 = arith.constant 0 : i32
    %dma_wait3A_154 = arith.constant 0 : i32
    %dma_wait3A_155 = tpu.memref_slice %arg7[%dma_wait3A_141, %dma_wait3A_153, %dma_wait3A_154] : memref<2x16x1024xf32, #tpu.memory_space<vmem>> -> memref<1x16x1024xf32, #tpu.memory_space<vmem>>
    %dma_wait3A_156 = tpu.memref_squeeze %dma_wait3A_155 : memref<1x16x1024xf32, #tpu.memory_space<vmem>> -> memref<16x1024xf32, #tpu.memory_space<vmem>>
    tpu.wait_dma2 semaphore(%dma_wait3A_150 : memref<!tpu.dma_semaphore, #tpu.memory_space<semaphore_mem>>) src(%dma_wait3A_156 : memref<16x1024xf32, #tpu.memory_space<vmem>>) dst(%dma_wait3A_152 : memref<16x1024xf32, #tpu.memory_space<hbm>>)
    %scan3A_157 = arith.constant 0 : i32
    %scan3A_158 = arith.constant 0 : i32
    %scan3A_159 = arith.constant 64 : i32
    %scan3A_160 = arith.addi %scan3A_158, %scan3A_159 : i32
    %scan3A_161 = arith.constant 1 : i32
    scf.for %scan3A_266 = %scan3A_158 to %scan3A_160 step %scan3A_161  : i32 {
      %mul3A_267 = arith.constant 16 : i32
      %mul3A_268 = arith.muli %scan3A_266, %mul3A_267 : i32
      %get3A = arith.constant 0 : i32
      %get3A_269 = arith.constant 0 : i32
      %get3A_270 = arith.index_cast %get3A : i32 to index
      %get3A_271 = arith.index_cast %get3A_269 : i32 to index
      %get3A_272 = arith.index_cast %mul3A_268 : i32 to index
      %get3A_273 = tpu.vector_load %arg6[%get3A_270, %get3A_271, %get3A_272] {strides = array<i32>} : memref<2x32x1024xf32, #tpu.memory_space<vmem>>, vector<1x1x16xf32>,
      %get3A_274 = vector.shape_cast %get3A_273 : vector<1x1x16xf32> to vector<16xf32>
      %get3A_275 = arith.constant 0 : i32
      %get3A_276 = arith.constant 1 : i32
      %get3A_277 = arith.index_cast %get3A_275 : i32 to index
      %get3A_278 = arith.index_cast %get3A_276 : i32 to index
      %get3A_279 = arith.index_cast %mul3A_268 : i32 to index
      %get3A_280 = tpu.vector_load %arg6[%get3A_277, %get3A_278, %get3A_279] {strides = array<i32>} : memref<2x32x1024xf32, #tpu.memory_space<vmem>>, vector<1x1x16xf32>,
      %get3A_281 = vector.shape_cast %get3A_280 : vector<1x1x16xf32> to vector<16xf32>
      %add3A_282 = arith.addf %get3A_274, %get3A_281 : vector<16xf32>
      %swap3A = arith.constant 0 : i32
      %swap3A_283 = arith.constant 0 : i32
      %swap3A_284 = arith.index_cast %swap3A : i32 to index
      %swap3A_285 = arith.index_cast %swap3A_283 : i32 to index
      %swap3A_286 = arith.index_cast %mul3A_268 : i32 to index
      %swap3A_287 = tpu.vector_load %arg7[%swap3A_284, %swap3A_285, %swap3A_286] {strides = array<i32>} : memref<2x16x1024xf32, #tpu.memory_space<vmem>>, vector<1x1x16xf32>,
      %swap3A_288 = vector.shape_cast %swap3A_287 : vector<1x1x16xf32> to vector<16xf32>
      %swap3A_289 = vector.shape_cast %add3A_282 : vector<16xf32> to vector<1x1x16xf32>
      tpu.vector_store %arg7[%swap3A_284, %swap3A_285, %swap3A_286], %swap3A_289 {strides = array<i32>} : memref<2x16x1024xf32, #tpu.memory_space<vmem>>, vector<1x1x16xf32>,
      %get3A_290 = arith.constant 0 : i32
      %get3A_291 = arith.constant 2 : i32
      %get3A_292 = arith.index_cast %get3A_290 : i32 to index
      %get3A_293 = arith.index_cast %get3A_291 : i32 to index
      %get3A_294 = arith.index_cast %mul3A_268 : i32 to index
      %get3A_295 = tpu.vector_load %arg6[%get3A_292, %get3A_293, %get3A_294] {strides = array<i32>} : memref<2x32x1024xf32, #tpu.memory_space<vmem>>, vector<1x1x16xf32>,
      %get3A_296 = vector.shape_cast %get3A_295 : vector<1x1x16xf32> to vector<16xf32>
      %get3A_297 = arith.constant 0 : i32
      %get3A_298 = arith.constant 3 : i32
      %get3A_299 = arith.index_cast %get3A_297 : i32 to index
      %get3A_300 = arith.index_cast %get3A_298 : i32 to index
      %get3A_301 = arith.index_cast %mul3A_268 : i32 to index
      %get3A_302 = tpu.vector_load %arg6[%get3A_299, %get3A_300, %get3A_301] {strides = array<i32>} : memref<2x32x1024xf32, #tpu.memory_space<vmem>>, vector<1x1x16xf32>,
      %get3A_303 = vector.shape_cast %get3A_302 : vector<1x1x16xf32> to vector<16xf32>
      %add3A_304 = arith.addf %get3A_296, %get3A_303 : vector<16xf32>
      %swap3A_305 = arith.constant 0 : i32
      %swap3A_306 = arith.constant 1 : i32
      %swap3A_307 = arith.index_cast %swap3A_305 : i32 to index
      %swap3A_308 = arith.index_cast %swap3A_306 : i32 to index
      %swap3A_309 = arith.index_cast %mul3A_268 : i32 to index
      %swap3A_310 = tpu.vector_load %arg7[%swap3A_307, %swap3A_308, %swap3A_309] {strides = array<i32>} : memref<2x16x1024xf32, #tpu.memory_space<vmem>>, vector<1x1x16xf32>,
      %swap3A_311 = vector.shape_cast %swap3A_310 : vector<1x1x16xf32> to vector<16xf32>
      %swap3A_312 = vector.shape_cast %add3A_304 : vector<16xf32> to vector<1x1x16xf32>
      tpu.vector_store %arg7[%swap3A_307, %swap3A_308, %swap3A_309], %swap3A_312 {strides = array<i32>} : memref<2x16x1024xf32, #tpu.memory_space<vmem>>, vector<1x1x16xf32>,
      %get3A_313 = arith.constant 0 : i32
      %get3A_314 = arith.constant 4 : i32
      %get3A_315 = arith.index_cast %get3A_313 : i32 to index
      %get3A_316 = arith.index_cast %get3A_314 : i32 to index
      %get3A_317 = arith.index_cast %mul3A_268 : i32 to index
      %get3A_318 = tpu.vector_load %arg6[%get3A_315, %get3A_316, %get3A_317] {strides = array<i32>} : memref<2x32x1024xf32, #tpu.memory_space<vmem>>, vector<1x1x16xf32>,
      %get3A_319 = vector.shape_cast %get3A_318 : vector<1x1x16xf32> to vector<16xf32>
      %get3A_320 = arith.constant 0 : i32
      %get3A_321 = arith.constant 5 : i32
      %get3A_322 = arith.index_cast %get3A_320 : i32 to index
      %get3A_323 = arith.index_cast %get3A_321 : i32 to index
      %get3A_324 = arith.index_cast %mul3A_268 : i32 to index
      %get3A_325 = tpu.vector_load %arg6[%get3A_322, %get3A_323, %get3A_324] {strides = array<i32>} : memref<2x32x1024xf32, #tpu.memory_space<vmem>>, vector<1x1x16xf32>,
      %get3A_326 = vector.shape_cast %get3A_325 : vector<1x1x16xf32> to vector<16xf32>
      %add3A_327 = arith.addf %get3A_319, %get3A_326 : vector<16xf32>
      %swap3A_328 = arith.constant 0 : i32
      %swap3A_329 = arith.constant 2 : i32
      %swap3A_330 = arith.index_cast %swap3A_328 : i32 to index
      %swap3A_331 = arith.index_cast %swap3A_329 : i32 to index
      %swap3A_332 = arith.index_cast %mul3A_268 : i32 to index
      %swap3A_333 = tpu.vector_load %arg7[%swap3A_330, %swap3A_331, %swap3A_332] {strides = array<i32>} : memref<2x16x1024xf32, #tpu.memory_space<vmem>>, vector<1x1x16xf32>,
      %swap3A_334 = vector.shape_cast %swap3A_333 : vector<1x1x16xf32> to vector<16xf32>
      %swap3A_335 = vector.shape_cast %add3A_327 : vector<16xf32> to vector<1x1x16xf32>
      tpu.vector_store %arg7[%swap3A_330, %swap3A_331, %swap3A_332], %swap3A_335 {strides = array<i32>} : memref<2x16x1024xf32, #tpu.memory_space<vmem>>, vector<1x1x16xf32>,
      %get3A_336 = arith.constant 0 : i32
      %get3A_337 = arith.constant 6 : i32
      %get3A_338 = arith.index_cast %get3A_336 : i32 to index
      %get3A_339 = arith.index_cast %get3A_337 : i32 to index
      %get3A_340 = arith.index_cast %mul3A_268 : i32 to index
      %get3A_341 = tpu.vector_load %arg6[%get3A_338, %get3A_339, %get3A_340] {strides = array<i32>} : memref<2x32x1024xf32, #tpu.memory_space<vmem>>, vector<1x1x16xf32>,
      %get3A_342 = vector.shape_cast %get3A_341 : vector<1x1x16xf32> to vector<16xf32>
      %get3A_343 = arith.constant 0 : i32
      %get3A_344 = arith.constant 7 : i32
      %get3A_345 = arith.index_cast %get3A_343 : i32 to index
      %get3A_346 = arith.index_cast %get3A_344 : i32 to index
      %get3A_347 = arith.index_cast %mul3A_268 : i32 to index
      %get3A_348 = tpu.vector_load %arg6[%get3A_345, %get3A_346, %get3A_347] {strides = array<i32>} : memref<2x32x1024xf32, #tpu.memory_space<vmem>>, vector<1x1x16xf32>,
      %get3A_349 = vector.shape_cast %get3A_348 : vector<1x1x16xf32> to vector<16xf32>
      %add3A_350 = arith.addf %get3A_342, %get3A_349 : vector<16xf32>
      %swap3A_351 = arith.constant 0 : i32
      %swap3A_352 = arith.constant 3 : i32
      %swap3A_353 = arith.index_cast %swap3A_351 : i32 to index
      %swap3A_354 = arith.index_cast %swap3A_352 : i32 to index
      %swap3A_355 = arith.index_cast %mul3A_268 : i32 to index
      %swap3A_356 = tpu.vector_load %arg7[%swap3A_353, %swap3A_354, %swap3A_355] {strides = array<i32>} : memref<2x16x1024xf32, #tpu.memory_space<vmem>>, vector<1x1x16xf32>,
      %swap3A_357 = vector.shape_cast %swap3A_356 : vector<1x1x16xf32> to vector<16xf32>
      %swap3A_358 = vector.shape_cast %add3A_350 : vector<16xf32> to vector<1x1x16xf32>
      tpu.vector_store %arg7[%swap3A_353, %swap3A_354, %swap3A_355], %swap3A_358 {strides = array<i32>} : memref<2x16x1024xf32, #tpu.memory_space<vmem>>, vector<1x1x16xf32>,
      %get3A_359 = arith.constant 0 : i32
      %get3A_360 = arith.constant 8 : i32
      %get3A_361 = arith.index_cast %get3A_359 : i32 to index
      %get3A_362 = arith.index_cast %get3A_360 : i32 to index
      %get3A_363 = arith.index_cast %mul3A_268 : i32 to index
      %get3A_364 = tpu.vector_load %arg6[%get3A_361, %get3A_362, %get3A_363] {strides = array<i32>} : memref<2x32x1024xf32, #tpu.memory_space<vmem>>, vector<1x1x16xf32>,
      %get3A_365 = vector.shape_cast %get3A_364 : vector<1x1x16xf32> to vector<16xf32>
      %get3A_366 = arith.constant 0 : i32
      %get3A_367 = arith.constant 9 : i32
      %get3A_368 = arith.index_cast %get3A_366 : i32 to index
      %get3A_369 = arith.index_cast %get3A_367 : i32 to index
      %get3A_370 = arith.index_cast %mul3A_268 : i32 to index
      %get3A_371 = tpu.vector_load %arg6[%get3A_368, %get3A_369, %get3A_370] {strides = array<i32>} : memref<2x32x1024xf32, #tpu.memory_space<vmem>>, vector<1x1x16xf32>,
      %get3A_372 = vector.shape_cast %get3A_371 : vector<1x1x16xf32> to vector<16xf32>
      %add3A_373 = arith.addf %get3A_365, %get3A_372 : vector<16xf32>
      %swap3A_374 = arith.constant 0 : i32
      %swap3A_375 = arith.constant 4 : i32
      %swap3A_376 = arith.index_cast %swap3A_374 : i32 to index
      %swap3A_377 = arith.index_cast %swap3A_375 : i32 to index
      %swap3A_378 = arith.index_cast %mul3A_268 : i32 to index
      %swap3A_379 = tpu.vector_load %arg7[%swap3A_376, %swap3A_377, %swap3A_378] {strides = array<i32>} : memref<2x16x1024xf32, #tpu.memory_space<vmem>>, vector<1x1x16xf32>,
      %swap3A_380 = vector.shape_cast %swap3A_379 : vector<1x1x16xf32> to vector<16xf32>
      %swap3A_381 = vector.shape_cast %add3A_373 : vector<16xf32> to vector<1x1x16xf32>
      tpu.vector_store %arg7[%swap3A_376, %swap3A_377, %swap3A_378], %swap3A_381 {strides = array<i32>} : memref<2x16x1024xf32, #tpu.memory_space<vmem>>, vector<1x1x16xf32>,
      %get3A_382 = arith.constant 0 : i32
      %get3A_383 = arith.constant 10 : i32
      %get3A_384 = arith.index_cast %get3A_382 : i32 to index
      %get3A_385 = arith.index_cast %get3A_383 : i32 to index
      %get3A_386 = arith.index_cast %mul3A_268 : i32 to index
      %get3A_387 = tpu.vector_load %arg6[%get3A_384, %get3A_385, %get3A_386] {strides = array<i32>} : memref<2x32x1024xf32, #tpu.memory_space<vmem>>, vector<1x1x16xf32>,
      %get3A_388 = vector.shape_cast %get3A_387 : vector<1x1x16xf32> to vector<16xf32>
      %get3A_389 = arith.constant 0 : i32
      %get3A_390 = arith.constant 11 : i32
      %get3A_391 = arith.index_cast %get3A_389 : i32 to index
      %get3A_392 = arith.index_cast %get3A_390 : i32 to index
      %get3A_393 = arith.index_cast %mul3A_268 : i32 to index
      %get3A_394 = tpu.vector_load %arg6[%get3A_391, %get3A_392, %get3A_393] {strides = array<i32>} : memref<2x32x1024xf32, #tpu.memory_space<vmem>>, vector<1x1x16xf32>,
      %get3A_395 = vector.shape_cast %get3A_394 : vector<1x1x16xf32> to vector<16xf32>
      %add3A_396 = arith.addf %get3A_388, %get3A_395 : vector<16xf32>
      %swap3A_397 = arith.constant 0 : i32
      %swap3A_398 = arith.constant 5 : i32
      %swap3A_399 = arith.index_cast %swap3A_397 : i32 to index
      %swap3A_400 = arith.index_cast %swap3A_398 : i32 to index
      %swap3A_401 = arith.index_cast %mul3A_268 : i32 to index
      %swap3A_402 = tpu.vector_load %arg7[%swap3A_399, %swap3A_400, %swap3A_401] {strides = array<i32>} : memref<2x16x1024xf32, #tpu.memory_space<vmem>>, vector<1x1x16xf32>,
      %swap3A_403 = vector.shape_cast %swap3A_402 : vector<1x1x16xf32> to vector<16xf32>
      %swap3A_404 = vector.shape_cast %add3A_396 : vector<16xf32> to vector<1x1x16xf32>
      tpu.vector_store %arg7[%swap3A_399, %swap3A_400, %swap3A_401], %swap3A_404 {strides = array<i32>} : memref<2x16x1024xf32, #tpu.memory_space<vmem>>, vector<1x1x16xf32>,
      %get3A_405 = arith.constant 0 : i32
      %get3A_406 = arith.constant 12 : i32
      %get3A_407 = arith.index_cast %get3A_405 : i32 to index
      %get3A_408 = arith.index_cast %get3A_406 : i32 to index
      %get3A_409 = arith.index_cast %mul3A_268 : i32 to index
      %get3A_410 = tpu.vector_load %arg6[%get3A_407, %get3A_408, %get3A_409] {strides = array<i32>} : memref<2x32x1024xf32, #tpu.memory_space<vmem>>, vector<1x1x16xf32>,
      %get3A_411 = vector.shape_cast %get3A_410 : vector<1x1x16xf32> to vector<16xf32>
      %get3A_412 = arith.constant 0 : i32
      %get3A_413 = arith.constant 13 : i32
      %get3A_414 = arith.index_cast %get3A_412 : i32 to index
      %get3A_415 = arith.index_cast %get3A_413 : i32 to index
      %get3A_416 = arith.index_cast %mul3A_268 : i32 to index
      %get3A_417 = tpu.vector_load %arg6[%get3A_414, %get3A_415, %get3A_416] {strides = array<i32>} : memref<2x32x1024xf32, #tpu.memory_space<vmem>>, vector<1x1x16xf32>,
      %get3A_418 = vector.shape_cast %get3A_417 : vector<1x1x16xf32> to vector<16xf32>
      %add3A_419 = arith.addf %get3A_411, %get3A_418 : vector<16xf32>
      %swap3A_420 = arith.constant 0 : i32
      %swap3A_421 = arith.constant 6 : i32
      %swap3A_422 = arith.index_cast %swap3A_420 : i32 to index
      %swap3A_423 = arith.index_cast %swap3A_421 : i32 to index
      %swap3A_424 = arith.index_cast %mul3A_268 : i32 to index
      %swap3A_425 = tpu.vector_load %arg7[%swap3A_422, %swap3A_423, %swap3A_424] {strides = array<i32>} : memref<2x16x1024xf32, #tpu.memory_space<vmem>>, vector<1x1x16xf32>,
      %swap3A_426 = vector.shape_cast %swap3A_425 : vector<1x1x16xf32> to vector<16xf32>
      %swap3A_427 = vector.shape_cast %add3A_419 : vector<16xf32> to vector<1x1x16xf32>
      tpu.vector_store %arg7[%swap3A_422, %swap3A_423, %swap3A_424], %swap3A_427 {strides = array<i32>} : memref<2x16x1024xf32, #tpu.memory_space<vmem>>, vector<1x1x16xf32>,
      %get3A_428 = arith.constant 0 : i32
      %get3A_429 = arith.constant 14 : i32
      %get3A_430 = arith.index_cast %get3A_428 : i32 to index
      %get3A_431 = arith.index_cast %get3A_429 : i32 to index
      %get3A_432 = arith.index_cast %mul3A_268 : i32 to index
      %get3A_433 = tpu.vector_load %arg6[%get3A_430, %get3A_431, %get3A_432] {strides = array<i32>} : memref<2x32x1024xf32, #tpu.memory_space<vmem>>, vector<1x1x16xf32>,
      %get3A_434 = vector.shape_cast %get3A_433 : vector<1x1x16xf32> to vector<16xf32>
      %get3A_435 = arith.constant 0 : i32
      %get3A_436 = arith.constant 15 : i32
      %get3A_437 = arith.index_cast %get3A_435 : i32 to index
      %get3A_438 = arith.index_cast %get3A_436 : i32 to index
      %get3A_439 = arith.index_cast %mul3A_268 : i32 to index
      %get3A_440 = tpu.vector_load %arg6[%get3A_437, %get3A_438, %get3A_439] {strides = array<i32>} : memref<2x32x1024xf32, #tpu.memory_space<vmem>>, vector<1x1x16xf32>,
      %get3A_441 = vector.shape_cast %get3A_440 : vector<1x1x16xf32> to vector<16xf32>
      %add3A_442 = arith.addf %get3A_434, %get3A_441 : vector<16xf32>
      %swap3A_443 = arith.constant 0 : i32
      %swap3A_444 = arith.constant 7 : i32
      %swap3A_445 = arith.index_cast %swap3A_443 : i32 to index
      %swap3A_446 = arith.index_cast %swap3A_444 : i32 to index
      %swap3A_447 = arith.index_cast %mul3A_268 : i32 to index
      %swap3A_448 = tpu.vector_load %arg7[%swap3A_445, %swap3A_446, %swap3A_447] {strides = array<i32>} : memref<2x16x1024xf32, #tpu.memory_space<vmem>>, vector<1x1x16xf32>,
      %swap3A_449 = vector.shape_cast %swap3A_448 : vector<1x1x16xf32> to vector<16xf32>
      %swap3A_450 = vector.shape_cast %add3A_442 : vector<16xf32> to vector<1x1x16xf32>
      tpu.vector_store %arg7[%swap3A_445, %swap3A_446, %swap3A_447], %swap3A_450 {strides = array<i32>} : memref<2x16x1024xf32, #tpu.memory_space<vmem>>, vector<1x1x16xf32>,
      %get3A_451 = arith.constant 0 : i32
      %get3A_452 = arith.constant 16 : i32
      %get3A_453 = arith.index_cast %get3A_451 : i32 to index
      %get3A_454 = arith.index_cast %get3A_452 : i32 to index
      %get3A_455 = arith.index_cast %mul3A_268 : i32 to index
      %get3A_456 = tpu.vector_load %arg6[%get3A_453, %get3A_454, %get3A_455] {strides = array<i32>} : memref<2x32x1024xf32, #tpu.memory_space<vmem>>, vector<1x1x16xf32>,
      %get3A_457 = vector.shape_cast %get3A_456 : vector<1x1x16xf32> to vector<16xf32>
      %get3A_458 = arith.constant 0 : i32
      %get3A_459 = arith.constant 17 : i32
      %get3A_460 = arith.index_cast %get3A_458 : i32 to index
      %get3A_461 = arith.index_cast %get3A_459 : i32 to index
      %get3A_462 = arith.index_cast %mul3A_268 : i32 to index
      %get3A_463 = tpu.vector_load %arg6[%get3A_460, %get3A_461, %get3A_462] {strides = array<i32>} : memref<2x32x1024xf32, #tpu.memory_space<vmem>>, vector<1x1x16xf32>,
      %get3A_464 = vector.shape_cast %get3A_463 : vector<1x1x16xf32> to vector<16xf32>
      %add3A_465 = arith.addf %get3A_457, %get3A_464 : vector<16xf32>
      %swap3A_466 = arith.constant 0 : i32
      %swap3A_467 = arith.constant 8 : i32
      %swap3A_468 = arith.index_cast %swap3A_466 : i32 to index
      %swap3A_469 = arith.index_cast %swap3A_467 : i32 to index
      %swap3A_470 = arith.index_cast %mul3A_268 : i32 to index
      %swap3A_471 = tpu.vector_load %arg7[%swap3A_468, %swap3A_469, %swap3A_470] {strides = array<i32>} : memref<2x16x1024xf32, #tpu.memory_space<vmem>>, vector<1x1x16xf32>,
      %swap3A_472 = vector.shape_cast %swap3A_471 : vector<1x1x16xf32> to vector<16xf32>
      %swap3A_473 = vector.shape_cast %add3A_465 : vector<16xf32> to vector<1x1x16xf32>
      tpu.vector_store %arg7[%swap3A_468, %swap3A_469, %swap3A_470], %swap3A_473 {strides = array<i32>} : memref<2x16x1024xf32, #tpu.memory_space<vmem>>, vector<1x1x16xf32>,
      %get3A_474 = arith.constant 0 : i32
      %get3A_475 = arith.constant 18 : i32
      %get3A_476 = arith.index_cast %get3A_474 : i32 to index
      %get3A_477 = arith.index_cast %get3A_475 : i32 to index
      %get3A_478 = arith.index_cast %mul3A_268 : i32 to index
      %get3A_479 = tpu.vector_load %arg6[%get3A_476, %get3A_477, %get3A_478] {strides = array<i32>} : memref<2x32x1024xf32, #tpu.memory_space<vmem>>, vector<1x1x16xf32>,
      %get3A_480 = vector.shape_cast %get3A_479 : vector<1x1x16xf32> to vector<16xf32>
      %get3A_481 = arith.constant 0 : i32
      %get3A_482 = arith.constant 19 : i32
      %get3A_483 = arith.index_cast %get3A_481 : i32 to index
      %get3A_484 = arith.index_cast %get3A_482 : i32 to index
      %get3A_485 = arith.index_cast %mul3A_268 : i32 to index
      %get3A_486 = tpu.vector_load %arg6[%get3A_483, %get3A_484, %get3A_485] {strides = array<i32>} : memref<2x32x1024xf32, #tpu.memory_space<vmem>>, vector<1x1x16xf32>,
      %get3A_487 = vector.shape_cast %get3A_486 : vector<1x1x16xf32> to vector<16xf32>
      %add3A_488 = arith.addf %get3A_480, %get3A_487 : vector<16xf32>
      %swap3A_489 = arith.constant 0 : i32
      %swap3A_490 = arith.constant 9 : i32
      %swap3A_491 = arith.index_cast %swap3A_489 : i32 to index
      %swap3A_492 = arith.index_cast %swap3A_490 : i32 to index
      %swap3A_493 = arith.index_cast %mul3A_268 : i32 to index
      %swap3A_494 = tpu.vector_load %arg7[%swap3A_491, %swap3A_492, %swap3A_493] {strides = array<i32>} : memref<2x16x1024xf32, #tpu.memory_space<vmem>>, vector<1x1x16xf32>,
      %swap3A_495 = vector.shape_cast %swap3A_494 : vector<1x1x16xf32> to vector<16xf32>
      %swap3A_496 = vector.shape_cast %add3A_488 : vector<16xf32> to vector<1x1x16xf32>
      tpu.vector_store %arg7[%swap3A_491, %swap3A_492, %swap3A_493], %swap3A_496 {strides = array<i32>} : memref<2x16x1024xf32, #tpu.memory_space<vmem>>, vector<1x1x16xf32>,
      %get3A_497 = arith.constant 0 : i32
      %get3A_498 = arith.constant 20 : i32
      %get3A_499 = arith.index_cast %get3A_497 : i32 to index
      %get3A_500 = arith.index_cast %get3A_498 : i32 to index
      %get3A_501 = arith.index_cast %mul3A_268 : i32 to index
      %get3A_502 = tpu.vector_load %arg6[%get3A_499, %get3A_500, %get3A_501] {strides = array<i32>} : memref<2x32x1024xf32, #tpu.memory_space<vmem>>, vector<1x1x16xf32>,
      %get3A_503 = vector.shape_cast %get3A_502 : vector<1x1x16xf32> to vector<16xf32>
      %get3A_504 = arith.constant 0 : i32
      %get3A_505 = arith.constant 21 : i32
      %get3A_506 = arith.index_cast %get3A_504 : i32 to index
      %get3A_507 = arith.index_cast %get3A_505 : i32 to index
      %get3A_508 = arith.index_cast %mul3A_268 : i32 to index
      %get3A_509 = tpu.vector_load %arg6[%get3A_506, %get3A_507, %get3A_508] {strides = array<i32>} : memref<2x32x1024xf32, #tpu.memory_space<vmem>>, vector<1x1x16xf32>,
      %get3A_510 = vector.shape_cast %get3A_509 : vector<1x1x16xf32> to vector<16xf32>
      %add3A_511 = arith.addf %get3A_503, %get3A_510 : vector<16xf32>
      %swap3A_512 = arith.constant 0 : i32
      %swap3A_513 = arith.constant 10 : i32
      %swap3A_514 = arith.index_cast %swap3A_512 : i32 to index
      %swap3A_515 = arith.index_cast %swap3A_513 : i32 to index
      %swap3A_516 = arith.index_cast %mul3A_268 : i32 to index
      %swap3A_517 = tpu.vector_load %arg7[%swap3A_514, %swap3A_515, %swap3A_516] {strides = array<i32>} : memref<2x16x1024xf32, #tpu.memory_space<vmem>>, vector<1x1x16xf32>,
      %swap3A_518 = vector.shape_cast %swap3A_517 : vector<1x1x16xf32> to vector<16xf32>
      %swap3A_519 = vector.shape_cast %add3A_511 : vector<16xf32> to vector<1x1x16xf32>
      tpu.vector_store %arg7[%swap3A_514, %swap3A_515, %swap3A_516], %swap3A_519 {strides = array<i32>} : memref<2x16x1024xf32, #tpu.memory_space<vmem>>, vector<1x1x16xf32>,
      %get3A_520 = arith.constant 0 : i32
      %get3A_521 = arith.constant 22 : i32
      %get3A_522 = arith.index_cast %get3A_520 : i32 to index
      %get3A_523 = arith.index_cast %get3A_521 : i32 to index
      %get3A_524 = arith.index_cast %mul3A_268 : i32 to index
      %get3A_525 = tpu.vector_load %arg6[%get3A_522, %get3A_523, %get3A_524] {strides = array<i32>} : memref<2x32x1024xf32, #tpu.memory_space<vmem>>, vector<1x1x16xf32>,
      %get3A_526 = vector.shape_cast %get3A_525 : vector<1x1x16xf32> to vector<16xf32>
      %get3A_527 = arith.constant 0 : i32
      %get3A_528 = arith.constant 23 : i32
      %get3A_529 = arith.index_cast %get3A_527 : i32 to index
      %get3A_530 = arith.index_cast %get3A_528 : i32 to index
      %get3A_531 = arith.index_cast %mul3A_268 : i32 to index
      %get3A_532 = tpu.vector_load %arg6[%get3A_529, %get3A_530, %get3A_531] {strides = array<i32>} : memref<2x32x1024xf32, #tpu.memory_space<vmem>>, vector<1x1x16xf32>,
      %get3A_533 = vector.shape_cast %get3A_532 : vector<1x1x16xf32> to vector<16xf32>
      %add3A_534 = arith.addf %get3A_526, %get3A_533 : vector<16xf32>
      %swap3A_535 = arith.constant 0 : i32
      %swap3A_536 = arith.constant 11 : i32
      %swap3A_537 = arith.index_cast %swap3A_535 : i32 to index
      %swap3A_538 = arith.index_cast %swap3A_536 : i32 to index
      %swap3A_539 = arith.index_cast %mul3A_268 : i32 to index
      %swap3A_540 = tpu.vector_load %arg7[%swap3A_537, %swap3A_538, %swap3A_539] {strides = array<i32>} : memref<2x16x1024xf32, #tpu.memory_space<vmem>>, vector<1x1x16xf32>,
      %swap3A_541 = vector.shape_cast %swap3A_540 : vector<1x1x16xf32> to vector<16xf32>
      %swap3A_542 = vector.shape_cast %add3A_534 : vector<16xf32> to vector<1x1x16xf32>
      tpu.vector_store %arg7[%swap3A_537, %swap3A_538, %swap3A_539], %swap3A_542 {strides = array<i32>} : memref<2x16x1024xf32, #tpu.memory_space<vmem>>, vector<1x1x16xf32>,
      %get3A_543 = arith.constant 0 : i32
      %get3A_544 = arith.constant 24 : i32
      %get3A_545 = arith.index_cast %get3A_543 : i32 to index
      %get3A_546 = arith.index_cast %get3A_544 : i32 to index
      %get3A_547 = arith.index_cast %mul3A_268 : i32 to index
      %get3A_548 = tpu.vector_load %arg6[%get3A_545, %get3A_546, %get3A_547] {strides = array<i32>} : memref<2x32x1024xf32, #tpu.memory_space<vmem>>, vector<1x1x16xf32>,
      %get3A_549 = vector.shape_cast %get3A_548 : vector<1x1x16xf32> to vector<16xf32>
      %get3A_550 = arith.constant 0 : i32
      %get3A_551 = arith.constant 25 : i32
      %get3A_552 = arith.index_cast %get3A_550 : i32 to index
      %get3A_553 = arith.index_cast %get3A_551 : i32 to index
      %get3A_554 = arith.index_cast %mul3A_268 : i32 to index
      %get3A_555 = tpu.vector_load %arg6[%get3A_552, %get3A_553, %get3A_554] {strides = array<i32>} : memref<2x32x1024xf32, #tpu.memory_space<vmem>>, vector<1x1x16xf32>,
      %get3A_556 = vector.shape_cast %get3A_555 : vector<1x1x16xf32> to vector<16xf32>
      %add3A_557 = arith.addf %get3A_549, %get3A_556 : vector<16xf32>
      %swap3A_558 = arith.constant 0 : i32
      %swap3A_559 = arith.constant 12 : i32
      %swap3A_560 = arith.index_cast %swap3A_558 : i32 to index
      %swap3A_561 = arith.index_cast %swap3A_559 : i32 to index
      %swap3A_562 = arith.index_cast %mul3A_268 : i32 to index
      %swap3A_563 = tpu.vector_load %arg7[%swap3A_560, %swap3A_561, %swap3A_562] {strides = array<i32>} : memref<2x16x1024xf32, #tpu.memory_space<vmem>>, vector<1x1x16xf32>,
      %swap3A_564 = vector.shape_cast %swap3A_563 : vector<1x1x16xf32> to vector<16xf32>
      %swap3A_565 = vector.shape_cast %add3A_557 : vector<16xf32> to vector<1x1x16xf32>
      tpu.vector_store %arg7[%swap3A_560, %swap3A_561, %swap3A_562], %swap3A_565 {strides = array<i32>} : memref<2x16x1024xf32, #tpu.memory_space<vmem>>, vector<1x1x16xf32>,
      %get3A_566 = arith.constant 0 : i32
      %get3A_567 = arith.constant 26 : i32
      %get3A_568 = arith.index_cast %get3A_566 : i32 to index
      %get3A_569 = arith.index_cast %get3A_567 : i32 to index
      %get3A_570 = arith.index_cast %mul3A_268 : i32 to index
      %get3A_571 = tpu.vector_load %arg6[%get3A_568, %get3A_569, %get3A_570] {strides = array<i32>} : memref<2x32x1024xf32, #tpu.memory_space<vmem>>, vector<1x1x16xf32>,
      %get3A_572 = vector.shape_cast %get3A_571 : vector<1x1x16xf32> to vector<16xf32>
      %get3A_573 = arith.constant 0 : i32
      %get3A_574 = arith.constant 27 : i32
      %get3A_575 = arith.index_cast %get3A_573 : i32 to index
      %get3A_576 = arith.index_cast %get3A_574 : i32 to index
      %get3A_577 = arith.index_cast %mul3A_268 : i32 to index
      %get3A_578 = tpu.vector_load %arg6[%get3A_575, %get3A_576, %get3A_577] {strides = array<i32>} : memref<2x32x1024xf32, #tpu.memory_space<vmem>>, vector<1x1x16xf32>,
      %get3A_579 = vector.shape_cast %get3A_578 : vector<1x1x16xf32> to vector<16xf32>
      %add3A_580 = arith.addf %get3A_572, %get3A_579 : vector<16xf32>
      %swap3A_581 = arith.constant 0 : i32
      %swap3A_582 = arith.constant 13 : i32
      %swap3A_583 = arith.index_cast %swap3A_581 : i32 to index
      %swap3A_584 = arith.index_cast %swap3A_582 : i32 to index
      %swap3A_585 = arith.index_cast %mul3A_268 : i32 to index
      %swap3A_586 = tpu.vector_load %arg7[%swap3A_583, %swap3A_584, %swap3A_585] {strides = array<i32>} : memref<2x16x1024xf32, #tpu.memory_space<vmem>>, vector<1x1x16xf32>,
      %swap3A_587 = vector.shape_cast %swap3A_586 : vector<1x1x16xf32> to vector<16xf32>
      %swap3A_588 = vector.shape_cast %add3A_580 : vector<16xf32> to vector<1x1x16xf32>
      tpu.vector_store %arg7[%swap3A_583, %swap3A_584, %swap3A_585], %swap3A_588 {strides = array<i32>} : memref<2x16x1024xf32, #tpu.memory_space<vmem>>, vector<1x1x16xf32>,
      %get3A_589 = arith.constant 0 : i32
      %get3A_590 = arith.constant 28 : i32
      %get3A_591 = arith.index_cast %get3A_589 : i32 to index
      %get3A_592 = arith.index_cast %get3A_590 : i32 to index
      %get3A_593 = arith.index_cast %mul3A_268 : i32 to index
      %get3A_594 = tpu.vector_load %arg6[%get3A_591, %get3A_592, %get3A_593] {strides = array<i32>} : memref<2x32x1024xf32, #tpu.memory_space<vmem>>, vector<1x1x16xf32>,
      %get3A_595 = vector.shape_cast %get3A_594 : vector<1x1x16xf32> to vector<16xf32>
      %get3A_596 = arith.constant 0 : i32
      %get3A_597 = arith.constant 29 : i32
      %get3A_598 = arith.index_cast %get3A_596 : i32 to index
      %get3A_599 = arith.index_cast %get3A_597 : i32 to index
      %get3A_600 = arith.index_cast %mul3A_268 : i32 to index
      %get3A_601 = tpu.vector_load %arg6[%get3A_598, %get3A_599, %get3A_600] {strides = array<i32>} : memref<2x32x1024xf32, #tpu.memory_space<vmem>>, vector<1x1x16xf32>,
      %get3A_602 = vector.shape_cast %get3A_601 : vector<1x1x16xf32> to vector<16xf32>
      %add3A_603 = arith.addf %get3A_595, %get3A_602 : vector<16xf32>
      %swap3A_604 = arith.constant 0 : i32
      %swap3A_605 = arith.constant 14 : i32
      %swap3A_606 = arith.index_cast %swap3A_604 : i32 to index
      %swap3A_607 = arith.index_cast %swap3A_605 : i32 to index
      %swap3A_608 = arith.index_cast %mul3A_268 : i32 to index
      %swap3A_609 = tpu.vector_load %arg7[%swap3A_606, %swap3A_607, %swap3A_608] {strides = array<i32>} : memref<2x16x1024xf32, #tpu.memory_space<vmem>>, vector<1x1x16xf32>,
      %swap3A_610 = vector.shape_cast %swap3A_609 : vector<1x1x16xf32> to vector<16xf32>
      %swap3A_611 = vector.shape_cast %add3A_603 : vector<16xf32> to vector<1x1x16xf32>
      tpu.vector_store %arg7[%swap3A_606, %swap3A_607, %swap3A_608], %swap3A_611 {strides = array<i32>} : memref<2x16x1024xf32, #tpu.memory_space<vmem>>, vector<1x1x16xf32>,
      %get3A_612 = arith.constant 0 : i32
      %get3A_613 = arith.constant 30 : i32
      %get3A_614 = arith.index_cast %get3A_612 : i32 to index
      %get3A_615 = arith.index_cast %get3A_613 : i32 to index
      %get3A_616 = arith.index_cast %mul3A_268 : i32 to index
      %get3A_617 = tpu.vector_load %arg6[%get3A_614, %get3A_615, %get3A_616] {strides = array<i32>} : memref<2x32x1024xf32, #tpu.memory_space<vmem>>, vector<1x1x16xf32>,
      %get3A_618 = vector.shape_cast %get3A_617 : vector<1x1x16xf32> to vector<16xf32>
      %get3A_619 = arith.constant 0 : i32
      %get3A_620 = arith.constant 31 : i32
      %get3A_621 = arith.index_cast %get3A_619 : i32 to index
      %get3A_622 = arith.index_cast %get3A_620 : i32 to index
      %get3A_623 = arith.index_cast %mul3A_268 : i32 to index
      %get3A_624 = tpu.vector_load %arg6[%get3A_621, %get3A_622, %get3A_623] {strides = array<i32>} : memref<2x32x1024xf32, #tpu.memory_space<vmem>>, vector<1x1x16xf32>,
      %get3A_625 = vector.shape_cast %get3A_624 : vector<1x1x16xf32> to vector<16xf32>
      %add3A_626 = arith.addf %get3A_618, %get3A_625 : vector<16xf32>
      %swap3A_627 = arith.constant 0 : i32
      %swap3A_628 = arith.constant 15 : i32
      %swap3A_629 = arith.index_cast %swap3A_627 : i32 to index
      %swap3A_630 = arith.index_cast %swap3A_628 : i32 to index
      %swap3A_631 = arith.index_cast %mul3A_268 : i32 to index
      %swap3A_632 = tpu.vector_load %arg7[%swap3A_629, %swap3A_630, %swap3A_631] {strides = array<i32>} : memref<2x16x1024xf32, #tpu.memory_space<vmem>>, vector<1x1x16xf32>,
      %swap3A_633 = vector.shape_cast %swap3A_632 : vector<1x1x16xf32> to vector<16xf32>
      %swap3A_634 = vector.shape_cast %add3A_626 : vector<16xf32> to vector<1x1x16xf32>
      tpu.vector_store %arg7[%swap3A_629, %swap3A_630, %swap3A_631], %swap3A_634 {strides = array<i32>} : memref<2x16x1024xf32, #tpu.memory_space<vmem>>, vector<1x1x16xf32>,
    }
    %scan3A_162 = arith.constant 64 : i32
    %add3A_163 = arith.constant 32 : i32
    %add3A_164 = arith.addi %mul3A_2, %add3A_163 : i32
    %dma_start3A_165 = arith.constant 0 : i32
    %dma_start3A_166 = arith.constant 0 : i32
    %dma_start3A_167 = arith.constant 0 : i32
    %dma_start3A_168 = arith.constant 0 : i32
    %dma_start3A_169 = tpu.memref_slice %arg7[%dma_start3A_165, %dma_start3A_167, %dma_start3A_168] : memref<2x16x1024xf32, #tpu.memory_space<vmem>> -> memref<1x16x1024xf32, #tpu.memory_space<vmem>>
    %dma_start3A_170 = tpu.memref_squeeze %dma_start3A_169 : memref<1x16x1024xf32, #tpu.memory_space<vmem>> -> memref<16x1024xf32, #tpu.memory_space<vmem>>
    %dma_start3A_171 = arith.constant 0 : i32
    %dma_start3A_172 = tpu.memref_slice %arg4[%add3A_164, %dma_start3A_171] : memref<2048x1024xf32, #tpu.memory_space<hbm>> -> memref<16x1024xf32, #tpu.memory_space<hbm>>
    %dma_start3A_173 = tpu.memref_slice %arg9[%dma_start3A_166] : memref<2x!tpu.dma_semaphore, #tpu.memory_space<semaphore_mem>> -> memref<1x!tpu.dma_semaphore, #tpu.memory_space<semaphore_mem>>
    %dma_start3A_174 = tpu.memref_squeeze %dma_start3A_173 : memref<1x!tpu.dma_semaphore, #tpu.memory_space<semaphore_mem>> -> memref<!tpu.dma_semaphore, #tpu.memory_space<semaphore_mem>>
    %dma_start3A_175 = arith.constant 0 : i32
    %dma_start3A_176 = tpu.memref_slice %arg4[%add3A_164, %dma_start3A_175] : memref<2048x1024xf32, #tpu.memory_space<hbm>> -> memref<16x1024xf32, #tpu.memory_space<hbm>>
    %dma_start3A_177 = arith.constant 0 : i32
    %dma_start3A_178 = arith.constant 0 : i32
    %dma_start3A_179 = tpu.memref_slice %arg7[%dma_start3A_165, %dma_start3A_177, %dma_start3A_178] : memref<2x16x1024xf32, #tpu.memory_space<vmem>> -> memref<1x16x1024xf32, #tpu.memory_space<vmem>>
    %dma_start3A_180 = tpu.memref_squeeze %dma_start3A_179 : memref<1x16x1024xf32, #tpu.memory_space<vmem>> -> memref<16x1024xf32, #tpu.memory_space<vmem>>
    tpu.enqueue_dma source(%dma_start3A_180 : memref<16x1024xf32, #tpu.memory_space<vmem>>) target(%dma_start3A_176 : memref<16x1024xf32, #tpu.memory_space<hbm>>) target_semaphore(%dma_start3A_174 : memref<!tpu.dma_semaphore, #tpu.memory_space<semaphore_mem>>)
    %dma_wait3A_181 = arith.constant 1 : i32
    %dma_wait3A_182 = arith.constant 1 : i32
    %dma_wait3A_183 = arith.constant 0 : i32
    %dma_wait3A_184 = arith.constant 0 : i32
    %dma_wait3A_185 = tpu.memref_slice %arg6[%dma_wait3A_181, %dma_wait3A_183, %dma_wait3A_184] : memref<2x32x1024xf32, #tpu.memory_space<vmem>> -> memref<1x32x1024xf32, #tpu.memory_space<vmem>>
    %dma_wait3A_186 = tpu.memref_squeeze %dma_wait3A_185 : memref<1x32x1024xf32, #tpu.memory_space<vmem>> -> memref<32x1024xf32, #tpu.memory_space<vmem>>
    %dma_wait3A_187 = arith.constant 96 : i32
    %dma_wait3A_188 = tpu.memref_slice %arg5[%dma_wait3A_187] : memref<128xi32, #tpu.memory_space<vmem>> -> memref<32xi32, #tpu.memory_space<vmem>>
    %dma_wait3A_189 = arith.constant 0 : i32
    %dma_wait3A_190 = arith.constant 0 : i32
    %dma_wait3A_191 = tpu.memref_slice %arg2[%dma_wait3A_189, %dma_wait3A_190] : memref<6144x1024xf32, #tpu.memory_space<hbm>> -> memref<6144x1024xf32, #tpu.memory_space<hbm>>
    %dma_wait3A_192 = tpu.memref_slice %arg8[%dma_wait3A_182] : memref<2x!tpu.dma_semaphore, #tpu.memory_space<semaphore_mem>> -> memref<1x!tpu.dma_semaphore, #tpu.memory_space<semaphore_mem>>
    %dma_wait3A_193 = tpu.memref_squeeze %dma_wait3A_192 : memref<1x!tpu.dma_semaphore, #tpu.memory_space<semaphore_mem>> -> memref<!tpu.dma_semaphore, #tpu.memory_space<semaphore_mem>>
    tpu.wait_indirect_dma semaphore(%dma_wait3A_193 : memref<!tpu.dma_semaphore, #tpu.memory_space<semaphore_mem>>) src(%dma_wait3A_191 : memref<6144x1024xf32, #tpu.memory_space<hbm>>) dst(%dma_wait3A_186 : memref<32x1024xf32, #tpu.memory_space<vmem>>)
    %dma_wait3A_194 = arith.constant 1 : i32
    %dma_wait3A_195 = arith.constant 1 : i32
    %dma_wait3A_196 = arith.constant 0 : i32
    %dma_wait3A_197 = arith.constant 0 : i32
    %dma_wait3A_198 = tpu.memref_slice %arg7[%dma_wait3A_194, %dma_wait3A_196, %dma_wait3A_197] : memref<2x16x1024xf32, #tpu.memory_space<vmem>> -> memref<1x16x1024xf32, #tpu.memory_space<vmem>>
    %dma_wait3A_199 = tpu.memref_squeeze %dma_wait3A_198 : memref<1x16x1024xf32, #tpu.memory_space<vmem>> -> memref<16x1024xf32, #tpu.memory_space<vmem>>
    %dma_wait3A_200 = arith.constant 0 : i32
    %dma_wait3A_201 = tpu.memref_slice %arg4[%add3A_98, %dma_wait3A_200] : memref<2048x1024xf32, #tpu.memory_space<hbm>> -> memref<16x1024xf32, #tpu.memory_space<hbm>>
    %dma_wait3A_202 = tpu.memref_slice %arg9[%dma_wait3A_195] : memref<2x!tpu.dma_semaphore, #tpu.memory_space<semaphore_mem>> -> memref<1x!tpu.dma_semaphore, #tpu.memory_space<semaphore_mem>>
    %dma_wait3A_203 = tpu.memref_squeeze %dma_wait3A_202 : memref<1x!tpu.dma_semaphore, #tpu.memory_space<semaphore_mem>> -> memref<!tpu.dma_semaphore, #tpu.memory_space<semaphore_mem>>
    %dma_wait3A_204 = arith.constant 0 : i32
    %dma_wait3A_205 = tpu.memref_slice %arg4[%add3A_98, %dma_wait3A_204] : memref<2048x1024xf32, #tpu.memory_space<hbm>> -> memref<16x1024xf32, #tpu.memory_space<hbm>>
    %dma_wait3A_206 = arith.constant 0 : i32
    %dma_wait3A_207 = arith.constant 0 : i32
    %dma_wait3A_208 = tpu.memref_slice %arg7[%dma_wait3A_194, %dma_wait3A_206, %dma_wait3A_207] : memref<2x16x1024xf32, #tpu.memory_space<vmem>> -> memref<1x16x1024xf32, #tpu.memory_space<vmem>>
    %dma_wait3A_209 = tpu.memref_squeeze %dma_wait3A_208 : memref<1x16x1024xf32, #tpu.memory_space<vmem>> -> memref<16x1024xf32, #tpu.memory_space<vmem>>
    tpu.wait_dma2 semaphore(%dma_wait3A_203 : memref<!tpu.dma_semaphore, #tpu.memory_space<semaphore_mem>>) src(%dma_wait3A_209 : memref<16x1024xf32, #tpu.memory_space<vmem>>) dst(%dma_wait3A_205 : memref<16x1024xf32, #tpu.memory_space<hbm>>)
    %scan3A_210 = arith.constant 0 : i32
    %scan3A_211 = arith.constant 0 : i32
    %scan3A_212 = arith.constant 64 : i32
    %scan3A_213 = arith.addi %scan3A_211, %scan3A_212 : i32
    %scan3A_214 = arith.constant 1 : i32
    scf.for %scan3A_266 = %scan3A_211 to %scan3A_213 step %scan3A_214  : i32 {
      %mul3A_267 = arith.constant 16 : i32
      %mul3A_268 = arith.muli %scan3A_266, %mul3A_267 : i32
      %get3A = arith.constant 1 : i32
      %get3A_269 = arith.constant 0 : i32
      %get3A_270 = arith.index_cast %get3A : i32 to index
      %get3A_271 = arith.index_cast %get3A_269 : i32 to index
      %get3A_272 = arith.index_cast %mul3A_268 : i32 to index
      %get3A_273 = tpu.vector_load %arg6[%get3A_270, %get3A_271, %get3A_272] {strides = array<i32>} : memref<2x32x1024xf32, #tpu.memory_space<vmem>>, vector<1x1x16xf32>,
      %get3A_274 = vector.shape_cast %get3A_273 : vector<1x1x16xf32> to vector<16xf32>
      %get3A_275 = arith.constant 1 : i32
      %get3A_276 = arith.constant 1 : i32
      %get3A_277 = arith.index_cast %get3A_275 : i32 to index
      %get3A_278 = arith.index_cast %get3A_276 : i32 to index
      %get3A_279 = arith.index_cast %mul3A_268 : i32 to index
      %get3A_280 = tpu.vector_load %arg6[%get3A_277, %get3A_278, %get3A_279] {strides = array<i32>} : memref<2x32x1024xf32, #tpu.memory_space<vmem>>, vector<1x1x16xf32>,
      %get3A_281 = vector.shape_cast %get3A_280 : vector<1x1x16xf32> to vector<16xf32>
      %add3A_282 = arith.addf %get3A_274, %get3A_281 : vector<16xf32>
      %swap3A = arith.constant 1 : i32
      %swap3A_283 = arith.constant 0 : i32
      %swap3A_284 = arith.index_cast %swap3A : i32 to index
      %swap3A_285 = arith.index_cast %swap3A_283 : i32 to index
      %swap3A_286 = arith.index_cast %mul3A_268 : i32 to index
      %swap3A_287 = tpu.vector_load %arg7[%swap3A_284, %swap3A_285, %swap3A_286] {strides = array<i32>} : memref<2x16x1024xf32, #tpu.memory_space<vmem>>, vector<1x1x16xf32>,
      %swap3A_288 = vector.shape_cast %swap3A_287 : vector<1x1x16xf32> to vector<16xf32>
      %swap3A_289 = vector.shape_cast %add3A_282 : vector<16xf32> to vector<1x1x16xf32>
      tpu.vector_store %arg7[%swap3A_284, %swap3A_285, %swap3A_286], %swap3A_289 {strides = array<i32>} : memref<2x16x1024xf32, #tpu.memory_space<vmem>>, vector<1x1x16xf32>,
      %get3A_290 = arith.constant 1 : i32
      %get3A_291 = arith.constant 2 : i32
      %get3A_292 = arith.index_cast %get3A_290 : i32 to index
      %get3A_293 = arith.index_cast %get3A_291 : i32 to index
      %get3A_294 = arith.index_cast %mul3A_268 : i32 to index
      %get3A_295 = tpu.vector_load %arg6[%get3A_292, %get3A_293, %get3A_294] {strides = array<i32>} : memref<2x32x1024xf32, #tpu.memory_space<vmem>>, vector<1x1x16xf32>,
      %get3A_296 = vector.shape_cast %get3A_295 : vector<1x1x16xf32> to vector<16xf32>
      %get3A_297 = arith.constant 1 : i32
      %get3A_298 = arith.constant 3 : i32
      %get3A_299 = arith.index_cast %get3A_297 : i32 to index
      %get3A_300 = arith.index_cast %get3A_298 : i32 to index
      %get3A_301 = arith.index_cast %mul3A_268 : i32 to index
      %get3A_302 = tpu.vector_load %arg6[%get3A_299, %get3A_300, %get3A_301] {strides = array<i32>} : memref<2x32x1024xf32, #tpu.memory_space<vmem>>, vector<1x1x16xf32>,
      %get3A_303 = vector.shape_cast %get3A_302 : vector<1x1x16xf32> to vector<16xf32>
      %add3A_304 = arith.addf %get3A_296, %get3A_303 : vector<16xf32>
      %swap3A_305 = arith.constant 1 : i32
      %swap3A_306 = arith.constant 1 : i32
      %swap3A_307 = arith.index_cast %swap3A_305 : i32 to index
      %swap3A_308 = arith.index_cast %swap3A_306 : i32 to index
      %swap3A_309 = arith.index_cast %mul3A_268 : i32 to index
      %swap3A_310 = tpu.vector_load %arg7[%swap3A_307, %swap3A_308, %swap3A_309] {strides = array<i32>} : memref<2x16x1024xf32, #tpu.memory_space<vmem>>, vector<1x1x16xf32>,
      %swap3A_311 = vector.shape_cast %swap3A_310 : vector<1x1x16xf32> to vector<16xf32>
      %swap3A_312 = vector.shape_cast %add3A_304 : vector<16xf32> to vector<1x1x16xf32>
      tpu.vector_store %arg7[%swap3A_307, %swap3A_308, %swap3A_309], %swap3A_312 {strides = array<i32>} : memref<2x16x1024xf32, #tpu.memory_space<vmem>>, vector<1x1x16xf32>,
      %get3A_313 = arith.constant 1 : i32
      %get3A_314 = arith.constant 4 : i32
      %get3A_315 = arith.index_cast %get3A_313 : i32 to index
      %get3A_316 = arith.index_cast %get3A_314 : i32 to index
      %get3A_317 = arith.index_cast %mul3A_268 : i32 to index
      %get3A_318 = tpu.vector_load %arg6[%get3A_315, %get3A_316, %get3A_317] {strides = array<i32>} : memref<2x32x1024xf32, #tpu.memory_space<vmem>>, vector<1x1x16xf32>,
      %get3A_319 = vector.shape_cast %get3A_318 : vector<1x1x16xf32> to vector<16xf32>
      %get3A_320 = arith.constant 1 : i32
      %get3A_321 = arith.constant 5 : i32
      %get3A_322 = arith.index_cast %get3A_320 : i32 to index
      %get3A_323 = arith.index_cast %get3A_321 : i32 to index
      %get3A_324 = arith.index_cast %mul3A_268 : i32 to index
      %get3A_325 = tpu.vector_load %arg6[%get3A_322, %get3A_323, %get3A_324] {strides = array<i32>} : memref<2x32x1024xf32, #tpu.memory_space<vmem>>, vector<1x1x16xf32>,
      %get3A_326 = vector.shape_cast %get3A_325 : vector<1x1x16xf32> to vector<16xf32>
      %add3A_327 = arith.addf %get3A_319, %get3A_326 : vector<16xf32>
      %swap3A_328 = arith.constant 1 : i32
      %swap3A_329 = arith.constant 2 : i32
      %swap3A_330 = arith.index_cast %swap3A_328 : i32 to index
      %swap3A_331 = arith.index_cast %swap3A_329 : i32 to index
      %swap3A_332 = arith.index_cast %mul3A_268 : i32 to index
      %swap3A_333 = tpu.vector_load %arg7[%swap3A_330, %swap3A_331, %swap3A_332] {strides = array<i32>} : memref<2x16x1024xf32, #tpu.memory_space<vmem>>, vector<1x1x16xf32>,
      %swap3A_334 = vector.shape_cast %swap3A_333 : vector<1x1x16xf32> to vector<16xf32>
      %swap3A_335 = vector.shape_cast %add3A_327 : vector<16xf32> to vector<1x1x16xf32>
      tpu.vector_store %arg7[%swap3A_330, %swap3A_331, %swap3A_332], %swap3A_335 {strides = array<i32>} : memref<2x16x1024xf32, #tpu.memory_space<vmem>>, vector<1x1x16xf32>,
      %get3A_336 = arith.constant 1 : i32
      %get3A_337 = arith.constant 6 : i32
      %get3A_338 = arith.index_cast %get3A_336 : i32 to index
      %get3A_339 = arith.index_cast %get3A_337 : i32 to index
      %get3A_340 = arith.index_cast %mul3A_268 : i32 to index
      %get3A_341 = tpu.vector_load %arg6[%get3A_338, %get3A_339, %get3A_340] {strides = array<i32>} : memref<2x32x1024xf32, #tpu.memory_space<vmem>>, vector<1x1x16xf32>,
      %get3A_342 = vector.shape_cast %get3A_341 : vector<1x1x16xf32> to vector<16xf32>
      %get3A_343 = arith.constant 1 : i32
      %get3A_344 = arith.constant 7 : i32
      %get3A_345 = arith.index_cast %get3A_343 : i32 to index
      %get3A_346 = arith.index_cast %get3A_344 : i32 to index
      %get3A_347 = arith.index_cast %mul3A_268 : i32 to index
      %get3A_348 = tpu.vector_load %arg6[%get3A_345, %get3A_346, %get3A_347] {strides = array<i32>} : memref<2x32x1024xf32, #tpu.memory_space<vmem>>, vector<1x1x16xf32>,
      %get3A_349 = vector.shape_cast %get3A_348 : vector<1x1x16xf32> to vector<16xf32>
      %add3A_350 = arith.addf %get3A_342, %get3A_349 : vector<16xf32>
      %swap3A_351 = arith.constant 1 : i32
      %swap3A_352 = arith.constant 3 : i32
      %swap3A_353 = arith.index_cast %swap3A_351 : i32 to index
      %swap3A_354 = arith.index_cast %swap3A_352 : i32 to index
      %swap3A_355 = arith.index_cast %mul3A_268 : i32 to index
      %swap3A_356 = tpu.vector_load %arg7[%swap3A_353, %swap3A_354, %swap3A_355] {strides = array<i32>} : memref<2x16x1024xf32, #tpu.memory_space<vmem>>, vector<1x1x16xf32>,
      %swap3A_357 = vector.shape_cast %swap3A_356 : vector<1x1x16xf32> to vector<16xf32>
      %swap3A_358 = vector.shape_cast %add3A_350 : vector<16xf32> to vector<1x1x16xf32>
      tpu.vector_store %arg7[%swap3A_353, %swap3A_354, %swap3A_355], %swap3A_358 {strides = array<i32>} : memref<2x16x1024xf32, #tpu.memory_space<vmem>>, vector<1x1x16xf32>,
      %get3A_359 = arith.constant 1 : i32
      %get3A_360 = arith.constant 8 : i32
      %get3A_361 = arith.index_cast %get3A_359 : i32 to index
      %get3A_362 = arith.index_cast %get3A_360 : i32 to index
      %get3A_363 = arith.index_cast %mul3A_268 : i32 to index
      %get3A_364 = tpu.vector_load %arg6[%get3A_361, %get3A_362, %get3A_363] {strides = array<i32>} : memref<2x32x1024xf32, #tpu.memory_space<vmem>>, vector<1x1x16xf32>,
      %get3A_365 = vector.shape_cast %get3A_364 : vector<1x1x16xf32> to vector<16xf32>
      %get3A_366 = arith.constant 1 : i32
      %get3A_367 = arith.constant 9 : i32
      %get3A_368 = arith.index_cast %get3A_366 : i32 to index
      %get3A_369 = arith.index_cast %get3A_367 : i32 to index
      %get3A_370 = arith.index_cast %mul3A_268 : i32 to index
      %get3A_371 = tpu.vector_load %arg6[%get3A_368, %get3A_369, %get3A_370] {strides = array<i32>} : memref<2x32x1024xf32, #tpu.memory_space<vmem>>, vector<1x1x16xf32>,
      %get3A_372 = vector.shape_cast %get3A_371 : vector<1x1x16xf32> to vector<16xf32>
      %add3A_373 = arith.addf %get3A_365, %get3A_372 : vector<16xf32>
      %swap3A_374 = arith.constant 1 : i32
      %swap3A_375 = arith.constant 4 : i32
      %swap3A_376 = arith.index_cast %swap3A_374 : i32 to index
      %swap3A_377 = arith.index_cast %swap3A_375 : i32 to index
      %swap3A_378 = arith.index_cast %mul3A_268 : i32 to index
      %swap3A_379 = tpu.vector_load %arg7[%swap3A_376, %swap3A_377, %swap3A_378] {strides = array<i32>} : memref<2x16x1024xf32, #tpu.memory_space<vmem>>, vector<1x1x16xf32>,
      %swap3A_380 = vector.shape_cast %swap3A_379 : vector<1x1x16xf32> to vector<16xf32>
      %swap3A_381 = vector.shape_cast %add3A_373 : vector<16xf32> to vector<1x1x16xf32>
      tpu.vector_store %arg7[%swap3A_376, %swap3A_377, %swap3A_378], %swap3A_381 {strides = array<i32>} : memref<2x16x1024xf32, #tpu.memory_space<vmem>>, vector<1x1x16xf32>,
      %get3A_382 = arith.constant 1 : i32
      %get3A_383 = arith.constant 10 : i32
      %get3A_384 = arith.index_cast %get3A_382 : i32 to index
      %get3A_385 = arith.index_cast %get3A_383 : i32 to index
      %get3A_386 = arith.index_cast %mul3A_268 : i32 to index
      %get3A_387 = tpu.vector_load %arg6[%get3A_384, %get3A_385, %get3A_386] {strides = array<i32>} : memref<2x32x1024xf32, #tpu.memory_space<vmem>>, vector<1x1x16xf32>,
      %get3A_388 = vector.shape_cast %get3A_387 : vector<1x1x16xf32> to vector<16xf32>
      %get3A_389 = arith.constant 1 : i32
      %get3A_390 = arith.constant 11 : i32
      %get3A_391 = arith.index_cast %get3A_389 : i32 to index
      %get3A_392 = arith.index_cast %get3A_390 : i32 to index
      %get3A_393 = arith.index_cast %mul3A_268 : i32 to index
      %get3A_394 = tpu.vector_load %arg6[%get3A_391, %get3A_392, %get3A_393] {strides = array<i32>} : memref<2x32x1024xf32, #tpu.memory_space<vmem>>, vector<1x1x16xf32>,
      %get3A_395 = vector.shape_cast %get3A_394 : vector<1x1x16xf32> to vector<16xf32>
      %add3A_396 = arith.addf %get3A_388, %get3A_395 : vector<16xf32>
      %swap3A_397 = arith.constant 1 : i32
      %swap3A_398 = arith.constant 5 : i32
      %swap3A_399 = arith.index_cast %swap3A_397 : i32 to index
      %swap3A_400 = arith.index_cast %swap3A_398 : i32 to index
      %swap3A_401 = arith.index_cast %mul3A_268 : i32 to index
      %swap3A_402 = tpu.vector_load %arg7[%swap3A_399, %swap3A_400, %swap3A_401] {strides = array<i32>} : memref<2x16x1024xf32, #tpu.memory_space<vmem>>, vector<1x1x16xf32>,
      %swap3A_403 = vector.shape_cast %swap3A_402 : vector<1x1x16xf32> to vector<16xf32>
      %swap3A_404 = vector.shape_cast %add3A_396 : vector<16xf32> to vector<1x1x16xf32>
      tpu.vector_store %arg7[%swap3A_399, %swap3A_400, %swap3A_401], %swap3A_404 {strides = array<i32>} : memref<2x16x1024xf32, #tpu.memory_space<vmem>>, vector<1x1x16xf32>,
      %get3A_405 = arith.constant 1 : i32
      %get3A_406 = arith.constant 12 : i32
      %get3A_407 = arith.index_cast %get3A_405 : i32 to index
      %get3A_408 = arith.index_cast %get3A_406 : i32 to index
      %get3A_409 = arith.index_cast %mul3A_268 : i32 to index
      %get3A_410 = tpu.vector_load %arg6[%get3A_407, %get3A_408, %get3A_409] {strides = array<i32>} : memref<2x32x1024xf32, #tpu.memory_space<vmem>>, vector<1x1x16xf32>,
      %get3A_411 = vector.shape_cast %get3A_410 : vector<1x1x16xf32> to vector<16xf32>
      %get3A_412 = arith.constant 1 : i32
      %get3A_413 = arith.constant 13 : i32
      %get3A_414 = arith.index_cast %get3A_412 : i32 to index
      %get3A_415 = arith.index_cast %get3A_413 : i32 to index
      %get3A_416 = arith.index_cast %mul3A_268 : i32 to index
      %get3A_417 = tpu.vector_load %arg6[%get3A_414, %get3A_415, %get3A_416] {strides = array<i32>} : memref<2x32x1024xf32, #tpu.memory_space<vmem>>, vector<1x1x16xf32>,
      %get3A_418 = vector.shape_cast %get3A_417 : vector<1x1x16xf32> to vector<16xf32>
      %add3A_419 = arith.addf %get3A_411, %get3A_418 : vector<16xf32>
      %swap3A_420 = arith.constant 1 : i32
      %swap3A_421 = arith.constant 6 : i32
      %swap3A_422 = arith.index_cast %swap3A_420 : i32 to index
      %swap3A_423 = arith.index_cast %swap3A_421 : i32 to index
      %swap3A_424 = arith.index_cast %mul3A_268 : i32 to index
      %swap3A_425 = tpu.vector_load %arg7[%swap3A_422, %swap3A_423, %swap3A_424] {strides = array<i32>} : memref<2x16x1024xf32, #tpu.memory_space<vmem>>, vector<1x1x16xf32>,
      %swap3A_426 = vector.shape_cast %swap3A_425 : vector<1x1x16xf32> to vector<16xf32>
      %swap3A_427 = vector.shape_cast %add3A_419 : vector<16xf32> to vector<1x1x16xf32>
      tpu.vector_store %arg7[%swap3A_422, %swap3A_423, %swap3A_424], %swap3A_427 {strides = array<i32>} : memref<2x16x1024xf32, #tpu.memory_space<vmem>>, vector<1x1x16xf32>,
      %get3A_428 = arith.constant 1 : i32
      %get3A_429 = arith.constant 14 : i32
      %get3A_430 = arith.index_cast %get3A_428 : i32 to index
      %get3A_431 = arith.index_cast %get3A_429 : i32 to index
      %get3A_432 = arith.index_cast %mul3A_268 : i32 to index
      %get3A_433 = tpu.vector_load %arg6[%get3A_430, %get3A_431, %get3A_432] {strides = array<i32>} : memref<2x32x1024xf32, #tpu.memory_space<vmem>>, vector<1x1x16xf32>,
      %get3A_434 = vector.shape_cast %get3A_433 : vector<1x1x16xf32> to vector<16xf32>
      %get3A_435 = arith.constant 1 : i32
      %get3A_436 = arith.constant 15 : i32
      %get3A_437 = arith.index_cast %get3A_435 : i32 to index
      %get3A_438 = arith.index_cast %get3A_436 : i32 to index
      %get3A_439 = arith.index_cast %mul3A_268 : i32 to index
      %get3A_440 = tpu.vector_load %arg6[%get3A_437, %get3A_438, %get3A_439] {strides = array<i32>} : memref<2x32x1024xf32, #tpu.memory_space<vmem>>, vector<1x1x16xf32>,
      %get3A_441 = vector.shape_cast %get3A_440 : vector<1x1x16xf32> to vector<16xf32>
      %add3A_442 = arith.addf %get3A_434, %get3A_441 : vector<16xf32>
      %swap3A_443 = arith.constant 1 : i32
      %swap3A_444 = arith.constant 7 : i32
      %swap3A_445 = arith.index_cast %swap3A_443 : i32 to index
      %swap3A_446 = arith.index_cast %swap3A_444 : i32 to index
      %swap3A_447 = arith.index_cast %mul3A_268 : i32 to index
      %swap3A_448 = tpu.vector_load %arg7[%swap3A_445, %swap3A_446, %swap3A_447] {strides = array<i32>} : memref<2x16x1024xf32, #tpu.memory_space<vmem>>, vector<1x1x16xf32>,
      %swap3A_449 = vector.shape_cast %swap3A_448 : vector<1x1x16xf32> to vector<16xf32>
      %swap3A_450 = vector.shape_cast %add3A_442 : vector<16xf32> to vector<1x1x16xf32>
      tpu.vector_store %arg7[%swap3A_445, %swap3A_446, %swap3A_447], %swap3A_450 {strides = array<i32>} : memref<2x16x1024xf32, #tpu.memory_space<vmem>>, vector<1x1x16xf32>,
      %get3A_451 = arith.constant 1 : i32
      %get3A_452 = arith.constant 16 : i32
      %get3A_453 = arith.index_cast %get3A_451 : i32 to index
      %get3A_454 = arith.index_cast %get3A_452 : i32 to index
      %get3A_455 = arith.index_cast %mul3A_268 : i32 to index
      %get3A_456 = tpu.vector_load %arg6[%get3A_453, %get3A_454, %get3A_455] {strides = array<i32>} : memref<2x32x1024xf32, #tpu.memory_space<vmem>>, vector<1x1x16xf32>,
      %get3A_457 = vector.shape_cast %get3A_456 : vector<1x1x16xf32> to vector<16xf32>
      %get3A_458 = arith.constant 1 : i32
      %get3A_459 = arith.constant 17 : i32
      %get3A_460 = arith.index_cast %get3A_458 : i32 to index
      %get3A_461 = arith.index_cast %get3A_459 : i32 to index
      %get3A_462 = arith.index_cast %mul3A_268 : i32 to index
      %get3A_463 = tpu.vector_load %arg6[%get3A_460, %get3A_461, %get3A_462] {strides = array<i32>} : memref<2x32x1024xf32, #tpu.memory_space<vmem>>, vector<1x1x16xf32>,
      %get3A_464 = vector.shape_cast %get3A_463 : vector<1x1x16xf32> to vector<16xf32>
      %add3A_465 = arith.addf %get3A_457, %get3A_464 : vector<16xf32>
      %swap3A_466 = arith.constant 1 : i32
      %swap3A_467 = arith.constant 8 : i32
      %swap3A_468 = arith.index_cast %swap3A_466 : i32 to index
      %swap3A_469 = arith.index_cast %swap3A_467 : i32 to index
      %swap3A_470 = arith.index_cast %mul3A_268 : i32 to index
      %swap3A_471 = tpu.vector_load %arg7[%swap3A_468, %swap3A_469, %swap3A_470] {strides = array<i32>} : memref<2x16x1024xf32, #tpu.memory_space<vmem>>, vector<1x1x16xf32>,
      %swap3A_472 = vector.shape_cast %swap3A_471 : vector<1x1x16xf32> to vector<16xf32>
      %swap3A_473 = vector.shape_cast %add3A_465 : vector<16xf32> to vector<1x1x16xf32>
      tpu.vector_store %arg7[%swap3A_468, %swap3A_469, %swap3A_470], %swap3A_473 {strides = array<i32>} : memref<2x16x1024xf32, #tpu.memory_space<vmem>>, vector<1x1x16xf32>,
      %get3A_474 = arith.constant 1 : i32
      %get3A_475 = arith.constant 18 : i32
      %get3A_476 = arith.index_cast %get3A_474 : i32 to index
      %get3A_477 = arith.index_cast %get3A_475 : i32 to index
      %get3A_478 = arith.index_cast %mul3A_268 : i32 to index
      %get3A_479 = tpu.vector_load %arg6[%get3A_476, %get3A_477, %get3A_478] {strides = array<i32>} : memref<2x32x1024xf32, #tpu.memory_space<vmem>>, vector<1x1x16xf32>,
      %get3A_480 = vector.shape_cast %get3A_479 : vector<1x1x16xf32> to vector<16xf32>
      %get3A_481 = arith.constant 1 : i32
      %get3A_482 = arith.constant 19 : i32
      %get3A_483 = arith.index_cast %get3A_481 : i32 to index
      %get3A_484 = arith.index_cast %get3A_482 : i32 to index
      %get3A_485 = arith.index_cast %mul3A_268 : i32 to index
      %get3A_486 = tpu.vector_load %arg6[%get3A_483, %get3A_484, %get3A_485] {strides = array<i32>} : memref<2x32x1024xf32, #tpu.memory_space<vmem>>, vector<1x1x16xf32>,
      %get3A_487 = vector.shape_cast %get3A_486 : vector<1x1x16xf32> to vector<16xf32>
      %add3A_488 = arith.addf %get3A_480, %get3A_487 : vector<16xf32>
      %swap3A_489 = arith.constant 1 : i32
      %swap3A_490 = arith.constant 9 : i32
      %swap3A_491 = arith.index_cast %swap3A_489 : i32 to index
      %swap3A_492 = arith.index_cast %swap3A_490 : i32 to index
      %swap3A_493 = arith.index_cast %mul3A_268 : i32 to index
      %swap3A_494 = tpu.vector_load %arg7[%swap3A_491, %swap3A_492, %swap3A_493] {strides = array<i32>} : memref<2x16x1024xf32, #tpu.memory_space<vmem>>, vector<1x1x16xf32>,
      %swap3A_495 = vector.shape_cast %swap3A_494 : vector<1x1x16xf32> to vector<16xf32>
      %swap3A_496 = vector.shape_cast %add3A_488 : vector<16xf32> to vector<1x1x16xf32>
      tpu.vector_store %arg7[%swap3A_491, %swap3A_492, %swap3A_493], %swap3A_496 {strides = array<i32>} : memref<2x16x1024xf32, #tpu.memory_space<vmem>>, vector<1x1x16xf32>,
      %get3A_497 = arith.constant 1 : i32
      %get3A_498 = arith.constant 20 : i32
      %get3A_499 = arith.index_cast %get3A_497 : i32 to index
      %get3A_500 = arith.index_cast %get3A_498 : i32 to index
      %get3A_501 = arith.index_cast %mul3A_268 : i32 to index
      %get3A_502 = tpu.vector_load %arg6[%get3A_499, %get3A_500, %get3A_501] {strides = array<i32>} : memref<2x32x1024xf32, #tpu.memory_space<vmem>>, vector<1x1x16xf32>,
      %get3A_503 = vector.shape_cast %get3A_502 : vector<1x1x16xf32> to vector<16xf32>
      %get3A_504 = arith.constant 1 : i32
      %get3A_505 = arith.constant 21 : i32
      %get3A_506 = arith.index_cast %get3A_504 : i32 to index
      %get3A_507 = arith.index_cast %get3A_505 : i32 to index
      %get3A_508 = arith.index_cast %mul3A_268 : i32 to index
      %get3A_509 = tpu.vector_load %arg6[%get3A_506, %get3A_507, %get3A_508] {strides = array<i32>} : memref<2x32x1024xf32, #tpu.memory_space<vmem>>, vector<1x1x16xf32>,
      %get3A_510 = vector.shape_cast %get3A_509 : vector<1x1x16xf32> to vector<16xf32>
      %add3A_511 = arith.addf %get3A_503, %get3A_510 : vector<16xf32>
      %swap3A_512 = arith.constant 1 : i32
      %swap3A_513 = arith.constant 10 : i32
      %swap3A_514 = arith.index_cast %swap3A_512 : i32 to index
      %swap3A_515 = arith.index_cast %swap3A_513 : i32 to index
      %swap3A_516 = arith.index_cast %mul3A_268 : i32 to index
      %swap3A_517 = tpu.vector_load %arg7[%swap3A_514, %swap3A_515, %swap3A_516] {strides = array<i32>} : memref<2x16x1024xf32, #tpu.memory_space<vmem>>, vector<1x1x16xf32>,
      %swap3A_518 = vector.shape_cast %swap3A_517 : vector<1x1x16xf32> to vector<16xf32>
      %swap3A_519 = vector.shape_cast %add3A_511 : vector<16xf32> to vector<1x1x16xf32>
      tpu.vector_store %arg7[%swap3A_514, %swap3A_515, %swap3A_516], %swap3A_519 {strides = array<i32>} : memref<2x16x1024xf32, #tpu.memory_space<vmem>>, vector<1x1x16xf32>,
      %get3A_520 = arith.constant 1 : i32
      %get3A_521 = arith.constant 22 : i32
      %get3A_522 = arith.index_cast %get3A_520 : i32 to index
      %get3A_523 = arith.index_cast %get3A_521 : i32 to index
      %get3A_524 = arith.index_cast %mul3A_268 : i32 to index
      %get3A_525 = tpu.vector_load %arg6[%get3A_522, %get3A_523, %get3A_524] {strides = array<i32>} : memref<2x32x1024xf32, #tpu.memory_space<vmem>>, vector<1x1x16xf32>,
      %get3A_526 = vector.shape_cast %get3A_525 : vector<1x1x16xf32> to vector<16xf32>
      %get3A_527 = arith.constant 1 : i32
      %get3A_528 = arith.constant 23 : i32
      %get3A_529 = arith.index_cast %get3A_527 : i32 to index
      %get3A_530 = arith.index_cast %get3A_528 : i32 to index
      %get3A_531 = arith.index_cast %mul3A_268 : i32 to index
      %get3A_532 = tpu.vector_load %arg6[%get3A_529, %get3A_530, %get3A_531] {strides = array<i32>} : memref<2x32x1024xf32, #tpu.memory_space<vmem>>, vector<1x1x16xf32>,
      %get3A_533 = vector.shape_cast %get3A_532 : vector<1x1x16xf32> to vector<16xf32>
      %add3A_534 = arith.addf %get3A_526, %get3A_533 : vector<16xf32>
      %swap3A_535 = arith.constant 1 : i32
      %swap3A_536 = arith.constant 11 : i32
      %swap3A_537 = arith.index_cast %swap3A_535 : i32 to index
      %swap3A_538 = arith.index_cast %swap3A_536 : i32 to index
      %swap3A_539 = arith.index_cast %mul3A_268 : i32 to index
      %swap3A_540 = tpu.vector_load %arg7[%swap3A_537, %swap3A_538, %swap3A_539] {strides = array<i32>} : memref<2x16x1024xf32, #tpu.memory_space<vmem>>, vector<1x1x16xf32>,
      %swap3A_541 = vector.shape_cast %swap3A_540 : vector<1x1x16xf32> to vector<16xf32>
      %swap3A_542 = vector.shape_cast %add3A_534 : vector<16xf32> to vector<1x1x16xf32>
      tpu.vector_store %arg7[%swap3A_537, %swap3A_538, %swap3A_539], %swap3A_542 {strides = array<i32>} : memref<2x16x1024xf32, #tpu.memory_space<vmem>>, vector<1x1x16xf32>,
      %get3A_543 = arith.constant 1 : i32
      %get3A_544 = arith.constant 24 : i32
      %get3A_545 = arith.index_cast %get3A_543 : i32 to index
      %get3A_546 = arith.index_cast %get3A_544 : i32 to index
      %get3A_547 = arith.index_cast %mul3A_268 : i32 to index
      %get3A_548 = tpu.vector_load %arg6[%get3A_545, %get3A_546, %get3A_547] {strides = array<i32>} : memref<2x32x1024xf32, #tpu.memory_space<vmem>>, vector<1x1x16xf32>,
      %get3A_549 = vector.shape_cast %get3A_548 : vector<1x1x16xf32> to vector<16xf32>
      %get3A_550 = arith.constant 1 : i32
      %get3A_551 = arith.constant 25 : i32
      %get3A_552 = arith.index_cast %get3A_550 : i32 to index
      %get3A_553 = arith.index_cast %get3A_551 : i32 to index
      %get3A_554 = arith.index_cast %mul3A_268 : i32 to index
      %get3A_555 = tpu.vector_load %arg6[%get3A_552, %get3A_553, %get3A_554] {strides = array<i32>} : memref<2x32x1024xf32, #tpu.memory_space<vmem>>, vector<1x1x16xf32>,
      %get3A_556 = vector.shape_cast %get3A_555 : vector<1x1x16xf32> to vector<16xf32>
      %add3A_557 = arith.addf %get3A_549, %get3A_556 : vector<16xf32>
      %swap3A_558 = arith.constant 1 : i32
      %swap3A_559 = arith.constant 12 : i32
      %swap3A_560 = arith.index_cast %swap3A_558 : i32 to index
      %swap3A_561 = arith.index_cast %swap3A_559 : i32 to index
      %swap3A_562 = arith.index_cast %mul3A_268 : i32 to index
      %swap3A_563 = tpu.vector_load %arg7[%swap3A_560, %swap3A_561, %swap3A_562] {strides = array<i32>} : memref<2x16x1024xf32, #tpu.memory_space<vmem>>, vector<1x1x16xf32>,
      %swap3A_564 = vector.shape_cast %swap3A_563 : vector<1x1x16xf32> to vector<16xf32>
      %swap3A_565 = vector.shape_cast %add3A_557 : vector<16xf32> to vector<1x1x16xf32>
      tpu.vector_store %arg7[%swap3A_560, %swap3A_561, %swap3A_562], %swap3A_565 {strides = array<i32>} : memref<2x16x1024xf32, #tpu.memory_space<vmem>>, vector<1x1x16xf32>,
      %get3A_566 = arith.constant 1 : i32
      %get3A_567 = arith.constant 26 : i32
      %get3A_568 = arith.index_cast %get3A_566 : i32 to index
      %get3A_569 = arith.index_cast %get3A_567 : i32 to index
      %get3A_570 = arith.index_cast %mul3A_268 : i32 to index
      %get3A_571 = tpu.vector_load %arg6[%get3A_568, %get3A_569, %get3A_570] {strides = array<i32>} : memref<2x32x1024xf32, #tpu.memory_space<vmem>>, vector<1x1x16xf32>,
      %get3A_572 = vector.shape_cast %get3A_571 : vector<1x1x16xf32> to vector<16xf32>
      %get3A_573 = arith.constant 1 : i32
      %get3A_574 = arith.constant 27 : i32
      %get3A_575 = arith.index_cast %get3A_573 : i32 to index
      %get3A_576 = arith.index_cast %get3A_574 : i32 to index
      %get3A_577 = arith.index_cast %mul3A_268 : i32 to index
      %get3A_578 = tpu.vector_load %arg6[%get3A_575, %get3A_576, %get3A_577] {strides = array<i32>} : memref<2x32x1024xf32, #tpu.memory_space<vmem>>, vector<1x1x16xf32>,
      %get3A_579 = vector.shape_cast %get3A_578 : vector<1x1x16xf32> to vector<16xf32>
      %add3A_580 = arith.addf %get3A_572, %get3A_579 : vector<16xf32>
      %swap3A_581 = arith.constant 1 : i32
      %swap3A_582 = arith.constant 13 : i32
      %swap3A_583 = arith.index_cast %swap3A_581 : i32 to index
      %swap3A_584 = arith.index_cast %swap3A_582 : i32 to index
      %swap3A_585 = arith.index_cast %mul3A_268 : i32 to index
      %swap3A_586 = tpu.vector_load %arg7[%swap3A_583, %swap3A_584, %swap3A_585] {strides = array<i32>} : memref<2x16x1024xf32, #tpu.memory_space<vmem>>, vector<1x1x16xf32>,
      %swap3A_587 = vector.shape_cast %swap3A_586 : vector<1x1x16xf32> to vector<16xf32>
      %swap3A_588 = vector.shape_cast %add3A_580 : vector<16xf32> to vector<1x1x16xf32>
      tpu.vector_store %arg7[%swap3A_583, %swap3A_584, %swap3A_585], %swap3A_588 {strides = array<i32>} : memref<2x16x1024xf32, #tpu.memory_space<vmem>>, vector<1x1x16xf32>,
      %get3A_589 = arith.constant 1 : i32
      %get3A_590 = arith.constant 28 : i32
      %get3A_591 = arith.index_cast %get3A_589 : i32 to index
      %get3A_592 = arith.index_cast %get3A_590 : i32 to index
      %get3A_593 = arith.index_cast %mul3A_268 : i32 to index
      %get3A_594 = tpu.vector_load %arg6[%get3A_591, %get3A_592, %get3A_593] {strides = array<i32>} : memref<2x32x1024xf32, #tpu.memory_space<vmem>>, vector<1x1x16xf32>,
      %get3A_595 = vector.shape_cast %get3A_594 : vector<1x1x16xf32> to vector<16xf32>
      %get3A_596 = arith.constant 1 : i32
      %get3A_597 = arith.constant 29 : i32
      %get3A_598 = arith.index_cast %get3A_596 : i32 to index
      %get3A_599 = arith.index_cast %get3A_597 : i32 to index
      %get3A_600 = arith.index_cast %mul3A_268 : i32 to index
      %get3A_601 = tpu.vector_load %arg6[%get3A_598, %get3A_599, %get3A_600] {strides = array<i32>} : memref<2x32x1024xf32, #tpu.memory_space<vmem>>, vector<1x1x16xf32>,
      %get3A_602 = vector.shape_cast %get3A_601 : vector<1x1x16xf32> to vector<16xf32>
      %add3A_603 = arith.addf %get3A_595, %get3A_602 : vector<16xf32>
      %swap3A_604 = arith.constant 1 : i32
      %swap3A_605 = arith.constant 14 : i32
      %swap3A_606 = arith.index_cast %swap3A_604 : i32 to index
      %swap3A_607 = arith.index_cast %swap3A_605 : i32 to index
      %swap3A_608 = arith.index_cast %mul3A_268 : i32 to index
      %swap3A_609 = tpu.vector_load %arg7[%swap3A_606, %swap3A_607, %swap3A_608] {strides = array<i32>} : memref<2x16x1024xf32, #tpu.memory_space<vmem>>, vector<1x1x16xf32>,
      %swap3A_610 = vector.shape_cast %swap3A_609 : vector<1x1x16xf32> to vector<16xf32>
      %swap3A_611 = vector.shape_cast %add3A_603 : vector<16xf32> to vector<1x1x16xf32>
      tpu.vector_store %arg7[%swap3A_606, %swap3A_607, %swap3A_608], %swap3A_611 {strides = array<i32>} : memref<2x16x1024xf32, #tpu.memory_space<vmem>>, vector<1x1x16xf32>,
      %get3A_612 = arith.constant 1 : i32
      %get3A_613 = arith.constant 30 : i32
      %get3A_614 = arith.index_cast %get3A_612 : i32 to index
      %get3A_615 = arith.index_cast %get3A_613 : i32 to index
      %get3A_616 = arith.index_cast %mul3A_268 : i32 to index
      %get3A_617 = tpu.vector_load %arg6[%get3A_614, %get3A_615, %get3A_616] {strides = array<i32>} : memref<2x32x1024xf32, #tpu.memory_space<vmem>>, vector<1x1x16xf32>,
      %get3A_618 = vector.shape_cast %get3A_617 : vector<1x1x16xf32> to vector<16xf32>
      %get3A_619 = arith.constant 1 : i32
      %get3A_620 = arith.constant 31 : i32
      %get3A_621 = arith.index_cast %get3A_619 : i32 to index
      %get3A_622 = arith.index_cast %get3A_620 : i32 to index
      %get3A_623 = arith.index_cast %mul3A_268 : i32 to index
      %get3A_624 = tpu.vector_load %arg6[%get3A_621, %get3A_622, %get3A_623] {strides = array<i32>} : memref<2x32x1024xf32, #tpu.memory_space<vmem>>, vector<1x1x16xf32>,
      %get3A_625 = vector.shape_cast %get3A_624 : vector<1x1x16xf32> to vector<16xf32>
      %add3A_626 = arith.addf %get3A_618, %get3A_625 : vector<16xf32>
      %swap3A_627 = arith.constant 1 : i32
      %swap3A_628 = arith.constant 15 : i32
      %swap3A_629 = arith.index_cast %swap3A_627 : i32 to index
      %swap3A_630 = arith.index_cast %swap3A_628 : i32 to index
      %swap3A_631 = arith.index_cast %mul3A_268 : i32 to index
      %swap3A_632 = tpu.vector_load %arg7[%swap3A_629, %swap3A_630, %swap3A_631] {strides = array<i32>} : memref<2x16x1024xf32, #tpu.memory_space<vmem>>, vector<1x1x16xf32>,
      %swap3A_633 = vector.shape_cast %swap3A_632 : vector<1x1x16xf32> to vector<16xf32>
      %swap3A_634 = vector.shape_cast %add3A_626 : vector<16xf32> to vector<1x1x16xf32>
      tpu.vector_store %arg7[%swap3A_629, %swap3A_630, %swap3A_631], %swap3A_634 {strides = array<i32>} : memref<2x16x1024xf32, #tpu.memory_space<vmem>>, vector<1x1x16xf32>,
    }
    %scan3A_215 = arith.constant 64 : i32
    %add3A_216 = arith.constant 48 : i32
    %add3A_217 = arith.addi %mul3A_2, %add3A_216 : i32
    %dma_start3A_218 = arith.constant 1 : i32
    %dma_start3A_219 = arith.constant 1 : i32
    %dma_start3A_220 = arith.constant 0 : i32
    %dma_start3A_221 = arith.constant 0 : i32
    %dma_start3A_222 = tpu.memref_slice %arg7[%dma_start3A_218, %dma_start3A_220, %dma_start3A_221] : memref<2x16x1024xf32, #tpu.memory_space<vmem>> -> memref<1x16x1024xf32, #tpu.memory_space<vmem>>
    %dma_start3A_223 = tpu.memref_squeeze %dma_start3A_222 : memref<1x16x1024xf32, #tpu.memory_space<vmem>> -> memref<16x1024xf32, #tpu.memory_space<vmem>>
    %dma_start3A_224 = arith.constant 0 : i32
    %dma_start3A_225 = tpu.memref_slice %arg4[%add3A_217, %dma_start3A_224] : memref<2048x1024xf32, #tpu.memory_space<hbm>> -> memref<16x1024xf32, #tpu.memory_space<hbm>>
    %dma_start3A_226 = tpu.memref_slice %arg9[%dma_start3A_219] : memref<2x!tpu.dma_semaphore, #tpu.memory_space<semaphore_mem>> -> memref<1x!tpu.dma_semaphore, #tpu.memory_space<semaphore_mem>>
    %dma_start3A_227 = tpu.memref_squeeze %dma_start3A_226 : memref<1x!tpu.dma_semaphore, #tpu.memory_space<semaphore_mem>> -> memref<!tpu.dma_semaphore, #tpu.memory_space<semaphore_mem>>
    %dma_start3A_228 = arith.constant 0 : i32
    %dma_start3A_229 = tpu.memref_slice %arg4[%add3A_217, %dma_start3A_228] : memref<2048x1024xf32, #tpu.memory_space<hbm>> -> memref<16x1024xf32, #tpu.memory_space<hbm>>
    %dma_start3A_230 = arith.constant 0 : i32
    %dma_start3A_231 = arith.constant 0 : i32
    %dma_start3A_232 = tpu.memref_slice %arg7[%dma_start3A_218, %dma_start3A_230, %dma_start3A_231] : memref<2x16x1024xf32, #tpu.memory_space<vmem>> -> memref<1x16x1024xf32, #tpu.memory_space<vmem>>
    %dma_start3A_233 = tpu.memref_squeeze %dma_start3A_232 : memref<1x16x1024xf32, #tpu.memory_space<vmem>> -> memref<16x1024xf32, #tpu.memory_space<vmem>>
    tpu.enqueue_dma source(%dma_start3A_233 : memref<16x1024xf32, #tpu.memory_space<vmem>>) target(%dma_start3A_229 : memref<16x1024xf32, #tpu.memory_space<hbm>>) target_semaphore(%dma_start3A_227 : memref<!tpu.dma_semaphore, #tpu.memory_space<semaphore_mem>>)
    %dma_wait3A_234 = arith.constant 0 : i32
    %dma_wait3A_235 = arith.constant 0 : i32
    %dma_wait3A_236 = arith.constant 0 : i32
    %dma_wait3A_237 = arith.constant 0 : i32
    %dma_wait3A_238 = tpu.memref_slice %arg7[%dma_wait3A_234, %dma_wait3A_236, %dma_wait3A_237] : memref<2x16x1024xf32, #tpu.memory_space<vmem>> -> memref<1x16x1024xf32, #tpu.memory_space<vmem>>
    %dma_wait3A_239 = tpu.memref_squeeze %dma_wait3A_238 : memref<1x16x1024xf32, #tpu.memory_space<vmem>> -> memref<16x1024xf32, #tpu.memory_space<vmem>>
    %dma_wait3A_240 = arith.constant 0 : i32
    %dma_wait3A_241 = tpu.memref_slice %arg4[%add3A_164, %dma_wait3A_240] : memref<2048x1024xf32, #tpu.memory_space<hbm>> -> memref<16x1024xf32, #tpu.memory_space<hbm>>
    %dma_wait3A_242 = tpu.memref_slice %arg9[%dma_wait3A_235] : memref<2x!tpu.dma_semaphore, #tpu.memory_space<semaphore_mem>> -> memref<1x!tpu.dma_semaphore, #tpu.memory_space<semaphore_mem>>
    %dma_wait3A_243 = tpu.memref_squeeze %dma_wait3A_242 : memref<1x!tpu.dma_semaphore, #tpu.memory_space<semaphore_mem>> -> memref<!tpu.dma_semaphore, #tpu.memory_space<semaphore_mem>>
    %dma_wait3A_244 = arith.constant 0 : i32
    %dma_wait3A_245 = tpu.memref_slice %arg4[%add3A_164, %dma_wait3A_244] : memref<2048x1024xf32, #tpu.memory_space<hbm>> -> memref<16x1024xf32, #tpu.memory_space<hbm>>
    %dma_wait3A_246 = arith.constant 0 : i32
    %dma_wait3A_247 = arith.constant 0 : i32
    %dma_wait3A_248 = tpu.memref_slice %arg7[%dma_wait3A_234, %dma_wait3A_246, %dma_wait3A_247] : memref<2x16x1024xf32, #tpu.memory_space<vmem>> -> memref<1x16x1024xf32, #tpu.memory_space<vmem>>
    %dma_wait3A_249 = tpu.memref_squeeze %dma_wait3A_248 : memref<1x16x1024xf32, #tpu.memory_space<vmem>> -> memref<16x1024xf32, #tpu.memory_space<vmem>>
    tpu.wait_dma2 semaphore(%dma_wait3A_243 : memref<!tpu.dma_semaphore, #tpu.memory_space<semaphore_mem>>) src(%dma_wait3A_249 : memref<16x1024xf32, #tpu.memory_space<vmem>>) dst(%dma_wait3A_245 : memref<16x1024xf32, #tpu.memory_space<hbm>>)
    %dma_wait3A_250 = arith.constant 1 : i32
    %dma_wait3A_251 = arith.constant 1 : i32
    %dma_wait3A_252 = arith.constant 0 : i32
    %dma_wait3A_253 = arith.constant 0 : i32
    %dma_wait3A_254 = tpu.memref_slice %arg7[%dma_wait3A_250, %dma_wait3A_252, %dma_wait3A_253] : memref<2x16x1024xf32, #tpu.memory_space<vmem>> -> memref<1x16x1024xf32, #tpu.memory_space<vmem>>
    %dma_wait3A_255 = tpu.memref_squeeze %dma_wait3A_254 : memref<1x16x1024xf32, #tpu.memory_space<vmem>> -> memref<16x1024xf32, #tpu.memory_space<vmem>>
    %dma_wait3A_256 = arith.constant 0 : i32
    %dma_wait3A_257 = tpu.memref_slice %arg4[%add3A_217, %dma_wait3A_256] : memref<2048x1024xf32, #tpu.memory_space<hbm>> -> memref<16x1024xf32, #tpu.memory_space<hbm>>
    %dma_wait3A_258 = tpu.memref_slice %arg9[%dma_wait3A_251] : memref<2x!tpu.dma_semaphore, #tpu.memory_space<semaphore_mem>> -> memref<1x!tpu.dma_semaphore, #tpu.memory_space<semaphore_mem>>
    %dma_wait3A_259 = tpu.memref_squeeze %dma_wait3A_258 : memref<1x!tpu.dma_semaphore, #tpu.memory_space<semaphore_mem>> -> memref<!tpu.dma_semaphore, #tpu.memory_space<semaphore_mem>>
    %dma_wait3A_260 = arith.constant 0 : i32
    %dma_wait3A_261 = tpu.memref_slice %arg4[%add3A_217, %dma_wait3A_260] : memref<2048x1024xf32, #tpu.memory_space<hbm>> -> memref<16x1024xf32, #tpu.memory_space<hbm>>
    %dma_wait3A_262 = arith.constant 0 : i32
    %dma_wait3A_263 = arith.constant 0 : i32
    %dma_wait3A_264 = tpu.memref_slice %arg7[%dma_wait3A_250, %dma_wait3A_262, %dma_wait3A_263] : memref<2x16x1024xf32, #tpu.memory_space<vmem>> -> memref<1x16x1024xf32, #tpu.memory_space<vmem>>
    %dma_wait3A_265 = tpu.memref_squeeze %dma_wait3A_264 : memref<1x16x1024xf32, #tpu.memory_space<vmem>> -> memref<16x1024xf32, #tpu.memory_space<vmem>>
    tpu.wait_dma2 semaphore(%dma_wait3A_259 : memref<!tpu.dma_semaphore, #tpu.memory_space<semaphore_mem>>) src(%dma_wait3A_265 : memref<16x1024xf32, #tpu.memory_space<vmem>>) dst(%dma_wait3A_261 : memref<16x1024xf32, #tpu.memory_space<hbm>>)
    return
  }
}

module attributes {stable_mosaic.version = 14 : i64} {
  func.func @_ffn_body(%arg0: i32, %arg1: memref<24xi32, #tpu.memory_space<smem>>, %arg2: memref<256x1024xf32, #tpu.memory_space<vmem>>, %arg3: memref<1x2048x1024xf32, #tpu.memory_space<vmem>>, %arg4: memref<1x2048x1024xf32, #tpu.memory_space<vmem>>, %arg5: memref<1x1024x2048xf32, #tpu.memory_space<vmem>>, %arg6: memref<1x1x256xf32, #tpu.memory_space<vmem>>, %arg7: memref<256x1024xf32, #tpu.memory_space<vmem>>) attributes {dimension_semantics = [#tpu.dimension_semantics<arbitrary>], iteration_bounds = array<i64: 24>, scalar_prefetch = 1 : i64, scratch_operands = 0 : i64, tpu.core_type = #tpu.core_type<tc>, window_params = [{transform_indices = @transform_0, window_bounds = array<i64: 256, 1024>}, {transform_indices = @transform_1, window_bounds = array<i64: 1, 2048, 1024>}, {transform_indices = @transform_2, window_bounds = array<i64: 1, 2048, 1024>}, {transform_indices = @transform_3, window_bounds = array<i64: 1, 1024, 2048>}, {transform_indices = @transform_4, window_bounds = array<i64: 1, 1, 256>}, {transform_indices = @transform_5, window_bounds = array<i64: 256, 1024>}]} {
    %get3A = arith.constant 0 : index
    %get3A_0 = arith.constant 0 : index
    %get3A_1 = vector.load %arg2[%get3A, %get3A_0] : memref<256x1024xf32, #tpu.memory_space<vmem>>, vector<256x1024xf32>
    %convert_element_type3A = arith.truncf %get3A_1 : vector<256x1024xf32> to vector<256x1024xbf16>
    %get3A_2 = arith.constant 0 : index
    %get3A_3 = arith.constant 0 : index
    %get3A_4 = arith.constant 0 : index
    %get3A_5 = vector.load %arg3[%get3A_2, %get3A_3, %get3A_4] : memref<1x2048x1024xf32, #tpu.memory_space<vmem>>, vector<1x2048x1024xf32>
    %get3A_6 = vector.shape_cast %get3A_5 : vector<1x2048x1024xf32> to vector<2048x1024xf32>
    %convert_element_type3A_7 = arith.truncf %get3A_6 : vector<2048x1024xf32> to vector<2048x1024xbf16>
    %dot_general3A = arith.constant dense<0.000000e+00> : vector<256x2048xf32>
    %dot_general3A_8 = tpu.matmul %convert_element_type3A, %convert_element_type3A_7, %dot_general3A {dimension_numbers = #tpu.dot_dimension_numbers<[1], [1], [0], [0], [0, 0, 1, 0], [], []>, transpose_lhs_hint = false} : vector<256x1024xbf16>, vector<2048x1024xbf16>, vector<256x2048xf32> -> vector<256x2048xf32>
    %get3A_9 = arith.constant 0 : index
    %get3A_10 = arith.constant 0 : index
    %get3A_11 = arith.constant 0 : index
    %get3A_12 = vector.load %arg4[%get3A_9, %get3A_10, %get3A_11] : memref<1x2048x1024xf32, #tpu.memory_space<vmem>>, vector<1x2048x1024xf32>
    %get3A_13 = vector.shape_cast %get3A_12 : vector<1x2048x1024xf32> to vector<2048x1024xf32>
    %convert_element_type3A_14 = arith.truncf %get3A_13 : vector<2048x1024xf32> to vector<2048x1024xbf16>
    %dot_general3A_15 = arith.constant dense<0.000000e+00> : vector<256x2048xf32>
    %dot_general3A_16 = tpu.matmul %convert_element_type3A, %convert_element_type3A_14, %dot_general3A_15 {dimension_numbers = #tpu.dot_dimension_numbers<[1], [1], [0], [0], [0, 0, 1, 0], [], []>, transpose_lhs_hint = false} : vector<256x1024xbf16>, vector<2048x1024xbf16>, vector<256x2048xf32> -> vector<256x2048xf32>
    %logistic3A = arith.negf %dot_general3A_8 : vector<256x2048xf32>
    %logistic3A_17 = math.exp %logistic3A : vector<256x2048xf32>
    %logistic3A_18 = arith.constant 1.000000e+00 : f32
    %logistic3A_19 = vector.broadcast %logistic3A_18 : f32 to vector<256x2048xf32>
    %logistic3A_20 = arith.addf %logistic3A_19, %logistic3A_17 : vector<256x2048xf32>
    %logistic3A_21 = arith.divf %logistic3A_19, %logistic3A_20 : vector<256x2048xf32>
    %mul3A = arith.mulf %dot_general3A_8, %logistic3A_21 : vector<256x2048xf32>
    %mul3A_22 = arith.mulf %mul3A, %dot_general3A_16 : vector<256x2048xf32>
    %convert_element_type3A_23 = arith.truncf %mul3A_22 : vector<256x2048xf32> to vector<256x2048xbf16>
    %get3A_24 = arith.constant 0 : index
    %get3A_25 = arith.constant 0 : index
    %get3A_26 = arith.constant 0 : index
    %get3A_27 = vector.load %arg5[%get3A_24, %get3A_25, %get3A_26] : memref<1x1024x2048xf32, #tpu.memory_space<vmem>>, vector<1x1024x2048xf32>
    %get3A_28 = vector.shape_cast %get3A_27 : vector<1x1024x2048xf32> to vector<1024x2048xf32>
    %convert_element_type3A_29 = arith.truncf %get3A_28 : vector<1024x2048xf32> to vector<1024x2048xbf16>
    %dot_general3A_30 = arith.constant dense<0.000000e+00> : vector<256x1024xf32>
    %dot_general3A_31 = tpu.matmul %convert_element_type3A_23, %convert_element_type3A_29, %dot_general3A_30 {dimension_numbers = #tpu.dot_dimension_numbers<[1], [1], [0], [0], [0, 0, 1, 0], [], []>, transpose_lhs_hint = false} : vector<256x2048xbf16>, vector<1024x2048xbf16>, vector<256x1024xf32> -> vector<256x1024xf32>
    %get3A_32 = arith.constant 0 : index
    %get3A_33 = arith.constant 0 : index
    %get3A_34 = arith.constant 0 : index
    %get3A_35 = vector.load %arg6[%get3A_32, %get3A_33, %get3A_34] : memref<1x1x256xf32, #tpu.memory_space<vmem>>, vector<1x1x256xf32>
    %get3A_36 = vector.shape_cast %get3A_35 : vector<1x1x256xf32> to vector<256xf32>
    %broadcast_in_dim3A = vector.shape_cast %get3A_36 : vector<256xf32> to vector<256x1xf32>
    %mul3A_37 = vector.broadcast %broadcast_in_dim3A : vector<256x1xf32> to vector<256x1024xf32>
    %mul3A_38 = arith.mulf %dot_general3A_31, %mul3A_37 : vector<256x1024xf32>
    %swap3A = arith.constant 0 : index
    %swap3A_39 = arith.constant 0 : index
    %swap3A_40 = vector.load %arg7[%swap3A, %swap3A_39] : memref<256x1024xf32, #tpu.memory_space<vmem>>, vector<256x1024xf32>
    tpu.vector_store %arg7[%swap3A, %swap3A_39], %mul3A_38 {strides = array<i32>} : memref<256x1024xf32, #tpu.memory_space<vmem>>, vector<256x1024xf32>,
    return
  }
  func.func @transform_0(%arg0: i32, %arg1: memref<24xi32, #tpu.memory_space<smem>>) -> (i32, i32) {
    %c0_i32 = arith.constant 0 : i32
    %c0_i32_0 = arith.constant 0 : i32
    return %arg0, %c0_i32 : i32, i32
  }
  func.func @transform_1(%arg0: i32, %arg1: memref<24xi32, #tpu.memory_space<smem>>) -> (i32, i32, i32) {
    %get3A = arith.index_cast %arg0 : i32 to index
    %get3A_0 = memref.load %arg1[%get3A] : memref<24xi32, #tpu.memory_space<smem>>
    %c0_i32 = arith.constant 0 : i32
    %c0_i32_1 = arith.constant 0 : i32
    %c0_i32_2 = arith.constant 0 : i32
    return %get3A_0, %c0_i32, %c0_i32_1 : i32, i32, i32
  }
  func.func @transform_2(%arg0: i32, %arg1: memref<24xi32, #tpu.memory_space<smem>>) -> (i32, i32, i32) {
    %get3A = arith.index_cast %arg0 : i32 to index
    %get3A_0 = memref.load %arg1[%get3A] : memref<24xi32, #tpu.memory_space<smem>>
    %c0_i32 = arith.constant 0 : i32
    %c0_i32_1 = arith.constant 0 : i32
    %c0_i32_2 = arith.constant 0 : i32
    return %get3A_0, %c0_i32, %c0_i32_1 : i32, i32, i32
  }
  func.func @transform_3(%arg0: i32, %arg1: memref<24xi32, #tpu.memory_space<smem>>) -> (i32, i32, i32) {
    %get3A = arith.index_cast %arg0 : i32 to index
    %get3A_0 = memref.load %arg1[%get3A] : memref<24xi32, #tpu.memory_space<smem>>
    %c0_i32 = arith.constant 0 : i32
    %c0_i32_1 = arith.constant 0 : i32
    %c0_i32_2 = arith.constant 0 : i32
    return %get3A_0, %c0_i32, %c0_i32_1 : i32, i32, i32
  }
  func.func @transform_4(%arg0: i32, %arg1: memref<24xi32, #tpu.memory_space<smem>>) -> (i32, i32, i32) {
    %c0_i32 = arith.constant 0 : i32
    %c0_i32_0 = arith.constant 0 : i32
    %c0_i32_1 = arith.constant 0 : i32
    return %arg0, %c0_i32, %c0_i32_0 : i32, i32, i32
  }
  func.func @transform_5(%arg0: i32, %arg1: memref<24xi32, #tpu.memory_space<smem>>) -> (i32, i32) {
    %c0_i32 = arith.constant 0 : i32
    %c0_i32_0 = arith.constant 0 : i32
    return %arg0, %c0_i32 : i32, i32
  }
}

</mosaic_0001>

<sc_bundles>
// kernel: kernel.5.cloned.1.call-start
scs
__scs_entry_jumppad:
0x0: {  	(pc) =	sbr.rel $0x88, $3  }
0x1: {  	(tag) =	ssettag $0x0;
	lr =	simm.s32 $0x1  }
0x2: {  	[smem:$0x3F9B] =	sst lr;
	_ =	strace $0xD0000000  }
0x3: {  	_ = 	snop  }
0x4: {  	_ = 	snop  }
0x5: {  	_ = 	snop  }
0x6: {  	_ = 	snop  }
0x7: {  	_ = 	snop  }
__scs_overlays_trampoline_lowered:
0x8: {  	[smem:$0x3FAA] =	sst s0  }
0x9: {  	[smem:$0x3FAB] =	sst s1  }
0xa: {  	[smem:$0x3FAC] =	sst s2  }
0xb: {  	[smem:$0x3FAD] =	sst s3  }
0xc: {  	[smem:$0x3FAE] =	sst s4  }
0xd: {  	[smem:$0x3FAF] =	sst s5  }
0xe: {  	[smem:$0x3FB0] =	sst s6  }
0xf: {  	[smem:$0x3FB1] =	sst s7  }
0x10: {  	[smem:$0x3FB2] =	sst s8  }
0x11: {  	[smem:$0x3FB3] =	sst s9;
	s0 =	simm.s32 @!p0 $0x0  }
0x12: {  	s1 =	sld [smem:$0x3F99];
	s0 =	simm.s32 @p0 $0x1  }
0x13: {  	[smem:$0x3FB4] =	sst s0;
	s0 =	simm.s32 @!p1 $0x0  }
0x14: {  	s2 =	sld [smem:$0x3F98];
	s0 =	simm.s32 @p1 $0x1  }
0x15: {  	[smem:$0x3FB5] =	sst s0;
	s0 =	simm.s32 @!p2 $0x0  }
0x16: {  	s3 =	sld [smem:$0x3FDB];
	s0 =	simm.s32 @p2 $0x1  }
0x17: {  	s4 =	simm.s32 $0x1BF5;
	[smem:$0x3FB7] =	sst s0  }
0x18: {  	s0 =	sld [smem:$0x3F9A];
	_ =	swait.ge [sflag:s4], $0x0  }
0x19: {  	s7 =	sld [smem:$0x3F9B]  }
0x1a: {  	s8 =	sadd.s32 $0xFFFFE003, lr  }
0x1b: {  	s9 =	sadd.s32 $0xFFFFFEF7, lr;
	s5 =	simm.s32 $0xFFFFFFFF;
	p2 =	slt.u32 s8, $0xFFFFF086  }
0x1c: {  	p1 =	slt.u32 s9, $0xF7A;
	s5 =	simm.s32 @!p2 $0x0  }
0x1d: {  	s5 =	simm.s32 @p1 $0x1;
	p0 =	seq.s32 s7, s2  }
0x1e: {  	s7 =	smul.u32 @!p0 $0xF7A, s2;
	p2 =	seq.s32 @!p0 s5, $0x0  }
0x1f: {  	s9 =	smul.u32 $0xF7A, s1;
	s8 =	simm.s32 @!p0 $0x1BF5;
	p2 =	por !p2, p0  }
0x20: {  	[sflag:s8] =	ssyncset.s32 @!p0 $0xFFFFF086;
	s6 =	sadd.s32 @!p0 s3, s7;
	s7 =	simm.s32 @!p0 $0x108  }
0x21: {  	s3 =	sadd.s32 s3, s9;
	s6 =	sadd.s32 @!p0 $0x88, s6;
	s7 =	simm.s32 @p2 $0x1082  }
0x22: {  	[simem:s7], [sflag:s8] =	dma.local @!p0 [hbm:s6], $0xF7A  }
0x23: {  	s9 =	sor.u32 $0xD0000000, s2;
	s6 =	simm.s32 $0x108;
	_ =	swait.ge @!p0 [sflag:s8], $0x0  }
0x24: {  	s3 =	sadd.s32 $0x88, s3;
	s6 =	simm.s32 @!p1 $0x1082;
	[sflag:s4] =	ssyncset.s32 $0xFFFFF086  }
0x25: {  	[simem:s6], [sflag:s4] =	dma.local [hbm:s3], $0xF7A  }
0x26: {  	[smem:$0x3F9B] =	sst s1;
	(tag) =	ssettag s2;
	_ =	strace s9  }
0x27: {  	s1 =	sld [smem:$0x3FAB]  }
0x28: {  	s2 =	sld [smem:$0x3FAC]  }
0x29: {  	s4 =	sld [smem:$0x3FAE]  }
0x2a: {  	p0 =	seq.s32 s5, $0x0;
	s5 =	sld [smem:$0x3FAF]  }
0x2b: {  	s6 =	sld [smem:$0x3FB0]  }
0x2c: {  	s7 =	sld [smem:$0x3FB1]  }
0x2d: {  	s3 =	simm.s32 $0x108;
	s8 =	sld [smem:$0x3FB2]  }
0x2e: {  	s3 =	simm.s32 @!p0 $0x1082;
	s9 =	sld [smem:$0x3FB3]  }
0x2f: {  	lr =	sadd.s32 s0, s3;
	s0 =	sld [smem:$0x3FAA]  }
0x30: {  	s3 =	sld [smem:$0x3FAD]  }
0x31: {  	[smem:$0x3FB6] =	sst s10  }
0x32: {  	s10 =	sld [smem:$0x3FB4];
	_ =	sdelay $0x3  }
0x33: {  	p0 =	seq.s32 s10, $0x1;
	s10 =	sld [smem:$0x3FB6];
	_ =	sdelay $0x3  }
0x34: {  	[smem:$0x3FB6] =	sst s10  }
0x35: {  	s10 =	sld [smem:$0x3FB5];
	_ =	sdelay $0x3  }
0x36: {  	p1 =	seq.s32 s10, $0x1;
	s10 =	sld [smem:$0x3FB6];
	_ =	sdelay $0x3  }
0x37: {  	[smem:$0x3FB6] =	sst s10  }
0x38: {  	s10 =	sld [smem:$0x3FB7]  }
0x39: {  	_ = 	snop;
	(pc) =	sbr.ind lr, $3  }
0x3a: {  	_ = 	snop  }
0x3b: {  	_ = 	snop  }
0x3c: {  	p2 =	seq.s32 s10, $0x1;
	s10 =	sld [smem:$0x3FB6]  }
0x3d: {  	_ =	shalt  }
0x3e: {  	_ =	shalt  }
0x3f: {  	_ =	shalt  }
0x40: {  	_ =	shalt  }
0x41: {  	_ =	shalt  }
0x42: {  	_ =	shalt  }
0x43: {  	_ =	shalt  }
0x44: {  	_ =	shalt  }
0x45: {  	_ =	shalt  }
0x46: {  	_ =	shalt  }
0x47: {  	_ =	shalt  }
0x48: {  	_ =	shalt  }
0x49: {  	_ =	shalt  }
0x4a: {  	_ =	shalt  }
0x4b: {  	_ =	shalt  }
0x4c: {  	_ =	shalt  }
0x4d: {  	_ =	shalt  }
0x4e: {  	_ =	shalt  }
0x4f: {  	_ =	shalt  }
0x50: {  	_ =	shalt  }
0x51: {  	_ =	shalt  }
0x52: {  	_ =	shalt  }
0x53: {  	_ =	shalt  }
0x54: {  	_ =	shalt  }
0x55: {  	_ =	shalt  }
0x56: {  	_ =	shalt  }
0x57: {  	_ =	shalt  }
0x58: {  	_ =	shalt  }
0x59: {  	_ =	shalt  }
0x5a: {  	_ =	shalt  }
0x5b: {  	_ =	shalt  }
0x5c: {  	_ =	shalt  }
0x5d: {  	_ =	shalt  }
0x5e: {  	_ =	shalt  }
0x5f: {  	_ =	shalt  }
0x60: {  	_ =	shalt  }
0x61: {  	_ =	shalt  }
0x62: {  	_ =	shalt  }
0x63: {  	_ =	shalt  }
0x64: {  	_ =	shalt  }
0x65: {  	_ =	shalt  }
0x66: {  	_ =	shalt  }
0x67: {  	_ =	shalt  }
0x68: {  	_ =	shalt  }
0x69: {  	_ =	shalt  }
0x6a: {  	_ =	shalt  }
0x6b: {  	_ =	shalt  }
0x6c: {  	_ =	shalt  }
0x6d: {  	_ =	shalt  }
0x6e: {  	_ =	shalt  }
0x6f: {  	_ =	shalt  }
0x70: {  	_ =	shalt  }
0x71: {  	_ =	shalt  }
0x72: {  	_ =	shalt  }
0x73: {  	_ =	shalt  }
0x74: {  	_ =	shalt  }
0x75: {  	_ =	shalt  }
0x76: {  	_ =	shalt  }
0x77: {  	_ =	shalt  }
0x78: {  	_ =	shalt  }
0x79: {  	_ =	shalt  }
0x7a: {  	_ =	shalt  }
0x7b: {  	_ =	shalt  }
0x7c: {  	_ =	shalt  }
0x7d: {  	_ =	shalt  }
0x7e: {  	_ =	shalt  }
0x7f: {  	_ =	shalt  }
0x80: {  	_ =	shalt  }
0x81: {  	_ =	shalt  }
0x82: {  	_ =	shalt  }
0x83: {  	_ =	shalt  }
0x84: {  	_ =	shalt  }
0x85: {  	_ =	shalt  }
0x86: {  	_ =	shalt  }
0x87: {  	_ =	shalt  }
.Lfunc_end0:
.L_simem_size_0:
called_computation_lowered:
.L_overlay_start_0:
0x88: {  	s2 =	sld [smem:$0x3FD9]  }
0x89: {  	s3 =	sld [smem:$0x3FFE];
	_ =	sdelay $0x1  }
0x8a: {  	s1 =	srdreg.scid  }
0x8b: {  	s0 =	sand.u32 $0x1, s1  }
0x8c: {  	s17 =	sshll.u32 s0, $0xA;
	s2 =	sadd.s32 s3, s2  }
0x8d: {  	s2 =	sadd.s32 s2, s17  }
0x8e: {  	[smem:$0x3FC2] =	sst s2  }
0x8f: {  	_ = 	snop  }
0x90: {  	s2 =	sld [smem:$0x3FC9];
	(tm) =	ssettm $0x1  }
0x91: {  	s18 =	sld [smem:$0x3FFB];
	_ =	sdelay $0x3  }
0x92: {  	_ =	strace s18  }
0x93: {  	s3 =	sld [smem:$0x3FFC];
	_ =	sdelay $0x3  }
0x94: {  	_ =	strace s3  }
0x95: {  	s3 =	sld [smem:$0x3FFD];
	_ =	sdelay $0x3  }
0x96: {  	_ =	strace s3  }
0x97: {  	_ =	strace $0x8FFFFFFF  }
0x98: {  	s19 =	sld [smem:$0x3FDB];
	_ =	sdelay $0x1  }
0x99: {  	s4 =	simm.s32 $_scs_section_size  }
0x9a: {  	s5 =	simm.s32 $_size__tile_overlayer_lowered;
	s6 =	simm.s32 $_tile_overlayer_lowered  }
0x9b: {  	s22 =	simm.s32 $0x1BFF;
	s21 =	sshll.u32 s6, $0x1;
	s3 =	sadd.s32 s4, s19  }
0x9c: {  	s7 =	simm.s32 $0x0;
	s20 =	sshll.u32 s5, $0x1;
	s5 =	sadd.s32 s21, s3  }
0x9d: {  	[timem:s7], [sflag:s22] =	dma.local [hbm:s5], s20  }
0x9e: {  	_ =	swait.ge [sflag:s22], s20  }
0x9f: {  	s4 =	ssub.s32 $0x0, s20;
	[sflag:s22] =	ssyncset.done $0x0  }
0xa0: {  	[sflag:s22] =	ssyncadd.s32 s4;
	_ =	sdelay $0x1  }
0xa1: {  	s23 =	simm.s32 $0x1B8B  }
0xa2: {  	_ =	swait.ge [sflag:s23], $0x1  }
0xa3: {  	[sflag:s23] =	ssyncset.done $0x0  }
0xa4: {  	s25 =	simm.s32 $0x1B8E;
	s24 =	sld [smem:$0x3FFE];
	[sflag:s23] =	ssyncadd.s32 $0xFFFFFFFF  }
0xa5: {  	s26 =	simm.s32 $execute0_lowered;
	[smem:$0x3FD2] =	sst s25  }
0xa6: {  	s5 =	sshll.u32 s26, $0x1;
	_ =	strace $0x80000046;
	[dreg:$0x1] =	wrdreg $0xFFFFFFFF  }
0xa7: {  	s28 =	simm.s32 $_size_execute0_lowered;
	s3 =	sadd.s32 s3, s5;
	[dreg:$0x0] =	wrdreg $0x0  }
0xa8: {  	s5 =	sshll.u32 s28, $0x1;
	[dreg:$0x2] =	wrdreg s3  }
0xa9: {  	[dreg:$0x3] =	wrdreg s5  }
0xaa: {  	[dreg:$0x4] =	wrdreg $0xC0  }
0xab: {  	_ =	task [dreg:s7], $0x5FFFF  }
0xac: {  	[dreg:$0x1] =	wrdreg $0xFFFFFFFF  }
0xad: {  	[dreg:$0x0] =	wrdreg $0x60  }
0xae: {  	[dreg:$0x2] =	wrdreg s2  }
0xaf: {  	[dreg:$0x3] =	wrdreg s24  }
0xb0: {  	[dreg:$0x4] =	wrdreg $0x9  }
0xb1: {  	_ =	task.clear_ibuf [dreg:s7], $0x5FFFF;
	_ =	strace $0x90000046  }
0xb2: {  	s29 =	simm.s32 $0x9;
	_ =	strace $0x80000048  }
0xb3: {  	_ =	swait.ge [sflag:s29], $0x1  }
0xb4: {  	[sflag:s29] =	ssyncadd.s32 $0xFFFFFFFF  }
0xb5: {  	_ =	strace $0x90000048  }
0xb6: {  	_ =	sfence  }
0xb7: {  	s30 =	sld [smem:$0x0];
	_ =	sdelay $0x2  }
0xb8: {  	s31 =	sshll.u32 s1, $0xD;
	s1 =	sshrl.u32 s1, $0x2  }
0xb9: {  	s3 =	sand.u32 $0x4000, s31;
	s1 =	sadd.s32 s1, s30  }
0xba: {  	s0 =	sor.u32 s3, s0;
	s1 =	sshll.u32 s1, $0x11  }
0xbb: {  	s0 =	sor.u32 s1, s0  }
0xbc: {  	s0 =	sadd.s32 $0x8F2B, s0  }
0xbd: {  	[sflag:s0] =	ssyncadd.remote.s32 $0x1  }
0xbe: {  	_ =	sfence.sel $0xFFFF  }
0xbf: {  	[dreg:$0x0] =	wrdreg $0xFFFFFFFF;
	(pc) =	sbr.abs _section_cstart, $3  }
0xc0: {  	[dreg:$0x1] =	wrdreg $0xFFFFFFFF  }
0xc1: {  	_ =	task.clear_ibuf [dreg:s7], $0x2FFFF;
	_ =	strace $0x9FFFFFFF  }
0xc2: {  	(tm) =	ssettm $0x7FFFFFFF  }
0xc3: {  	_ =	shalt  }
tec
execute0_lowered:
.L_overlay_start_1:
0x0: {  	(tag) =	ssettag $0x1  }
0x1: {  	s0 =	srdreg.scid  }
0x2: {  	s1 =	stileid.u32;
	s2 =	rddreg [dreg:$0x0]  }
0x3: {  	s4 =	rddreg [dreg:$0x1];
	s3 =	simm.s32 $0x0;
	s19 =	simm.s32 $0x2  }
0x4: {  	s15 =	simm.s32 $0x4;
	s16 =	simm.s32 $0x3;
	s17 =	simm.s32 $0x5  }
0x5: {  	s18 =	simm.s32 $0x6;
	s22 =	simm.s32 $0x900;
	s23 =	simm.s32 $0x1100  }
0x6: {  	s28 =	simm.s32 $0x2900;
	s29 =	simm.s32 $0x3100;
	s30 =	simm.s32 $0x3900  }
0x7: {  	s31 =	simm.s32 $0x4100;
	s11 =	simm.s32 $0x6100;
	s12 =	simm.s32 $0x6900  }
0x8: {  	s13 =	simm.s32 $0x7100;
	s0 =	sand.u32 $0x1, s0;
	s1 =	sshll.u32 s1, $0x1  }
0x9: {  	s9 =	simm.s32 $0x7900;
	s20 =	simm.s32 $0x8100;
	s1 =	sor.u32 s0, s1  }
0xa: {  	s14 =	simm.s32 $0x1;
	[smem:$0x7FF] =	sst s3;
	s5 =	smul.u32 $0x18, s1  }
0xb: {  	_ =	strace $0x80000047;
	s0 =	ssub.s32 $0x2, s0;
	s6 =	smul.u32 $0x6000, s1  }
0xc: {  	s1 =	smul.u32 $0x30000, s1;
	s7 =	sshrl.u32 s0, $0x1;
	s5 =	sadd.s32 s5, s4  }
0xd: {  	s0 =	ssub.s32 s0, s7;
	s4 =	sadd.s32 $0xC00, s4;
	s5 =	sadd.s32 $0x400, s5  }
0xe: {  	s1 =	sshrl.u32 s1, $0x3;
	s6 =	sadd.s32 s4, s6;
	[dreg:$0x3] =	wrdreg s5  }
0xf: {  	s1 =	sadd.s32 s4, s1;
	[dreg:$0x9] =	wrdreg s6;
	s24 =	sadd.s32 $0x1000, s6  }
0x10: {  	s7 =	sadd.s32 $0x300, s2;
	s4 =	sadd.s32 $0x2000, s1;
	[dreg:$0x4] =	wrdreg s24  }
0x11: {  	s8 =	smax.u32 s0, $0x1;
	s25 =	sadd.s32 $0x3000, s1;
	[dreg:$0x5] =	wrdreg s4  }
0x12: {  	s5 =	sadd.s32 $0x100, s2;
	s26 =	sadd.s32 $0x4000, s1;
	[dreg:$0x6] =	wrdreg s25  }
0x13: {  	v2 =	vlaneseq.u32;
	s6 =	sadd.s32 $0x200, s2;
	s1 =	sadd.s32 $0x5000, s1;
	[dreg:$0x7] =	wrdreg s26  }
0x14: {  	vm0 =	vmmov $0xffff;
	v1 =	vshrl.u32 v2, $0x3;
	[dreg:$0x8] =	wrdreg s1;
	s26 =	simm.s32 $0x100;
	s24 =	simm.s32 $0x1900  }
0x15: {  	v0 =	vand.u32 $0x7, v2;
	v2 =	vor.u32 $0x8, v2;
	v1 =	vmul.u32 $0x8, v1;
	s25 =	simm.s32 $0x2100;
	s1 =	simm.s32 $0x4900;
	s4 =	simm.s32 $0x5900  }
.LBB2_1:
0x16: {  	s21 =	rddreg [dreg:$0x3];
	s0 =	simm.s32 $0x7  }
0x17: {  	[tilespmem:s3], [sflag:$0x7] =	stream.linear.gather [hbm4b:s21+s3], $0xC0, $0x38;
	[tilespmem:$0x18100] =	vst v63  }
0x18: {  	_ =	swait.ge [sflag:s0], $0xC0  }
0x19: {  	[sflag:s0] =	ssyncset.done $0x0  }
0x1a: {  	[sflag:s0] =	ssyncadd.s32 $0xFFFFFF40  }
0x1b: {  	v3 =	vld [tilespmem:$0x0];
	_ =	sdelay $0x4  }
0x1c: {  	v4 =	vshll.u32 v3, $0x3  }
0x1d: {  	v3 =	vand.u32 $0x7, v3;
	v4 =	vand.u32 $0xFFFFFFC0, v4  }
0x1e: {  	v3 =	vor.u32 v3, v4  }
0x1f: {  	v4 =	vperm.xlane v3, v0;
	_ =	sdelay $0x1  }
0x20: {  	v4 =	vadd.s32 v1, v4;
	_ =	sdelay $0x4  }
0x21: {  	[tilespmem:s26], [sflag:$0x1] =	stream.indirect_vreg.gather [hbm4b:s2+s3], $0x80, v4, vm0, $0xb8;
	[tilespmem:$0x18100] =	vst v63  }
0x22: {  	v3 =	vperm.xlane v3, v2  }
0x23: {  	[tilespmem:s22], [sflag:$0x1] =	stream.indirect_vreg.gather [hbm4b:s5+s3], $0x80, v4, vm0, $0xb8;
	[tilespmem:$0x18100] =	vst v63  }
0x24: {  	v3 =	vadd.s32 v1, v3  }
0x25: {  	[tilespmem:s23], [sflag:$0x1] =	stream.indirect_vreg.gather [hbm4b:s6+s3], $0x80, v4, vm0, $0xb8;
	[tilespmem:$0x18100] =	vst v63  }
0x26: {  	_ = 	snop  }
0x27: {  	[tilespmem:s24], [sflag:$0x1] =	stream.indirect_vreg.gather [hbm4b:s7+s3], $0x80, v4, vm0, $0xb8;
	[tilespmem:$0x18100] =	vst v63  }
0x28: {  	_ = 	snop  }
0x29: {  	[tilespmem:s25], [sflag:$0x1] =	stream.indirect_vreg.gather [hbm4b:s2+s3], $0x80, v3, vm0, $0xb8;
	[tilespmem:$0x18100] =	vst v63  }
0x2a: {  	_ = 	snop  }
0x2b: {  	[tilespmem:s28], [sflag:$0x1] =	stream.indirect_vreg.gather [hbm4b:s5+s3], $0x80, v3, vm0, $0xb8;
	[tilespmem:$0x18100] =	vst v63  }
0x2c: {  	_ = 	snop  }
0x2d: {  	[tilespmem:s29], [sflag:$0x1] =	stream.indirect_vreg.gather [hbm4b:s6+s3], $0x80, v3, vm0, $0xb8;
	[tilespmem:$0x18100] =	vst v63  }
0x2e: {  	_ = 	snop  }
0x2f: {  	[tilespmem:s30], [sflag:$0x1] =	stream.indirect_vreg.gather [hbm4b:s7+s3], $0x80, v3, vm0, $0xb8;
	[tilespmem:$0x18100] =	vst v63  }
0x30: {  	v3 =	vld [tilespmem:$0x10];
	_ =	sdelay $0x4  }
0x31: {  	v53 =	vshll.u32 v3, $0x3  }
0x32: {  	v3 =	vand.u32 $0x7, v3;
	v4 =	vand.u32 $0xFFFFFFC0, v53  }
0x33: {  	v3 =	vor.u32 v3, v4  }
0x34: {  	v4 =	vperm.xlane v3, v0;
	_ =	sdelay $0x1  }
0x35: {  	v4 =	vadd.s32 v1, v4;
	_ =	sdelay $0x4  }
0x36: {  	[tilespmem:s31], [sflag:$0x1] =	stream.indirect_vreg.gather [hbm4b:s2+s3], $0x80, v4, vm0, $0xb8;
	[tilespmem:$0x18100] =	vst v63  }
0x37: {  	v3 =	vperm.xlane v3, v2  }
0x38: {  	[tilespmem:s1], [sflag:$0x1] =	stream.indirect_vreg.gather [hbm4b:s5+s3], $0x80, v4, vm0, $0xb8;
	[tilespmem:$0x18100] =	vst v63  }
0x39: {  	s0 =	simm.s32 $0x5100;
	v3 =	vadd.s32 v1, v3  }
0x3a: {  	[tilespmem:s0], [sflag:$0x1] =	stream.indirect_vreg.gather [hbm4b:s6+s3], $0x80, v4, vm0, $0xb8;
	[tilespmem:$0x18100] =	vst v63  }
0x3b: {  	_ = 	snop  }
0x3c: {  	[tilespmem:s4], [sflag:$0x1] =	stream.indirect_vreg.gather [hbm4b:s7+s3], $0x80, v4, vm0, $0xb8;
	[tilespmem:$0x18100] =	vst v63  }
0x3d: {  	_ = 	snop  }
0x3e: {  	[tilespmem:s11], [sflag:$0x1] =	stream.indirect_vreg.gather [hbm4b:s2+s3], $0x80, v3, vm0, $0xb8;
	[tilespmem:$0x18100] =	vst v63  }
0x3f: {  	_ = 	snop  }
0x40: {  	[tilespmem:s12], [sflag:$0x1] =	stream.indirect_vreg.gather [hbm4b:s5+s3], $0x80, v3, vm0, $0xb8;
	[tilespmem:$0x18100] =	vst v63  }
0x41: {  	_ = 	snop  }
0x42: {  	[tilespmem:s13], [sflag:$0x1] =	stream.indirect_vreg.gather [hbm4b:s6+s3], $0x80, v3, vm0, $0xb8;
	[tilespmem:$0x18100] =	vst v63  }
0x43: {  	_ = 	snop  }
0x44: {  	[tilespmem:s9], [sflag:$0x1] =	stream.indirect_vreg.gather [hbm4b:s7+s3], $0x80, v3, vm0, $0xb8;
	[tilespmem:$0x18100] =	vst v63  }
0x45: {  	v3 =	vld [tilespmem:$0x20];
	_ =	sdelay $0x4  }
0x46: {  	v54 =	vshll.u32 v3, $0x3  }
0x47: {  	v3 =	vand.u32 $0x7, v3;
	v4 =	vand.u32 $0xFFFFFFC0, v54  }
0x48: {  	v3 =	vor.u32 v3, v4  }
0x49: {  	v4 =	vperm.xlane v3, v0;
	_ =	sdelay $0x1  }
0x4a: {  	v4 =	vadd.s32 v1, v4;
	_ =	sdelay $0x4  }
0x4b: {  	[tilespmem:s20], [sflag:$0x2] =	stream.indirect_vreg.gather [hbm4b:s2+s3], $0x80, v4, vm0, $0xb8;
	[tilespmem:$0x18100] =	vst v63  }
0x4c: {  	s10 =	simm.s32 $0x8900;
	v3 =	vperm.xlane v3, v2  }
0x4d: {  	[tilespmem:s10], [sflag:$0x2] =	stream.indirect_vreg.gather [hbm4b:s5+s3], $0x80, v4, vm0, $0xb8;
	[tilespmem:$0x18100] =	vst v63  }
0x4e: {  	s21 =	simm.s32 $0x9100;
	v3 =	vadd.s32 v1, v3  }
0x4f: {  	[tilespmem:s21], [sflag:$0x2] =	stream.indirect_vreg.gather [hbm4b:s6+s3], $0x80, v4, vm0, $0xb8;
	[tilespmem:$0x18100] =	vst v63  }
0x50: {  	s21 =	simm.s32 $0x9900  }
0x51: {  	[tilespmem:s21], [sflag:$0x2] =	stream.indirect_vreg.gather [hbm4b:s7+s3], $0x80, v4, vm0, $0xb8;
	[tilespmem:$0x18100] =	vst v63  }
0x52: {  	s21 =	simm.s32 $0xA100  }
0x53: {  	[tilespmem:s21], [sflag:$0x2] =	stream.indirect_vreg.gather [hbm4b:s2+s3], $0x80, v3, vm0, $0xb8;
	[tilespmem:$0x18100] =	vst v63  }
0x54: {  	s21 =	simm.s32 $0xA900  }
0x55: {  	[tilespmem:s21], [sflag:$0x2] =	stream.indirect_vreg.gather [hbm4b:s5+s3], $0x80, v3, vm0, $0xb8;
	[tilespmem:$0x18100] =	vst v63  }
0x56: {  	s21 =	simm.s32 $0xB100  }
0x57: {  	[tilespmem:s21], [sflag:$0x2] =	stream.indirect_vreg.gather [hbm4b:s6+s3], $0x80, v3, vm0, $0xb8;
	[tilespmem:$0x18100] =	vst v63  }
0x58: {  	s21 =	simm.s32 $0xB900  }
0x59: {  	[tilespmem:s21], [sflag:$0x2] =	stream.indirect_vreg.gather [hbm4b:s7+s3], $0x80, v3, vm0, $0xb8;
	[tilespmem:$0x18100] =	vst v63  }
0x5a: {  	v3 =	vld [tilespmem:$0x30];
	_ =	sdelay $0x4  }
0x5b: {  	v55 =	vshll.u32 v3, $0x3  }
0x5c: {  	v3 =	vand.u32 $0x7, v3;
	v4 =	vand.u32 $0xFFFFFFC0, v55  }
0x5d: {  	v3 =	vor.u32 v3, v4  }
0x5e: {  	v4 =	vperm.xlane v3, v0;
	_ =	sdelay $0x1  }
0x5f: {  	v4 =	vadd.s32 v1, v4;
	_ =	sdelay $0x3  }
0x60: {  	s21 =	simm.s32 $0xC100  }
0x61: {  	[tilespmem:s21], [sflag:$0x2] =	stream.indirect_vreg.gather [hbm4b:s2+s3], $0x80, v4, vm0, $0xb8;
	[tilespmem:$0x18100] =	vst v63  }
0x62: {  	v3 =	vperm.xlane v3, v2;
	s21 =	simm.s32 $0xC900  }
0x63: {  	[tilespmem:s21], [sflag:$0x2] =	stream.indirect_vreg.gather [hbm4b:s5+s3], $0x80, v4, vm0, $0xb8;
	[tilespmem:$0x18100] =	vst v63  }
0x64: {  	v3 =	vadd.s32 v1, v3;
	s21 =	simm.s32 $0xD100  }
0x65: {  	[tilespmem:s21], [sflag:$0x2] =	stream.indirect_vreg.gather [hbm4b:s6+s3], $0x80, v4, vm0, $0xb8;
	[tilespmem:$0x18100] =	vst v63  }
0x66: {  	s21 =	simm.s32 $0xD900  }
0x67: {  	[tilespmem:s21], [sflag:$0x2] =	stream.indirect_vreg.gather [hbm4b:s7+s3], $0x80, v4, vm0, $0xb8;
	[tilespmem:$0x18100] =	vst v63  }
0x68: {  	s21 =	simm.s32 $0xE100  }
0x69: {  	[tilespmem:s21], [sflag:$0x2] =	stream.indirect_vreg.gather [hbm4b:s2+s3], $0x80, v3, vm0, $0xb8;
	[tilespmem:$0x18100] =	vst v63  }
0x6a: {  	s21 =	simm.s32 $0xE900  }
0x6b: {  	[tilespmem:s21], [sflag:$0x2] =	stream.indirect_vreg.gather [hbm4b:s5+s3], $0x80, v3, vm0, $0xb8;
	[tilespmem:$0x18100] =	vst v63  }
0x6c: {  	s21 =	simm.s32 $0xF100  }
0x6d: {  	[tilespmem:s21], [sflag:$0x2] =	stream.indirect_vreg.gather [hbm4b:s6+s3], $0x80, v3, vm0, $0xb8;
	[tilespmem:$0x18100] =	vst v63  }
0x6e: {  	s21 =	simm.s32 $0xF900  }
0x6f: {  	[tilespmem:s21], [sflag:$0x2] =	stream.indirect_vreg.gather [hbm4b:s7+s3], $0x80, v3, vm0, $0xb8;
	[tilespmem:$0x18100] =	vst v63  }
0x70: {  	_ =	swait.ge [sflag:s14], $0x8000  }
0x71: {  	[sflag:s14] =	ssyncset.done $0x0  }
0x72: {  	s10 =	rddreg [dreg:$0x9];
	[sflag:s14] =	ssyncadd.s32 $0xFFFF8000  }
0x73: {  	[hbm4b:s10+s3] =	stream.linear.scatter [tilespmem:s26], [sflag:$0x4], $0x8000, $0x38;
	[tilespmem:$0x18100] =	vst v63  }
0x74: {  	v3 =	vld [tilespmem:$0x40];
	_ =	sdelay $0x4  }
0x75: {  	v56 =	vshll.u32 v3, $0x3  }
0x76: {  	v3 =	vand.u32 $0x7, v3;
	v4 =	vand.u32 $0xFFFFFFC0, v56  }
0x77: {  	v3 =	vor.u32 v3, v4  }
0x78: {  	v4 =	vperm.xlane v3, v0;
	_ =	sdelay $0x1  }
0x79: {  	v4 =	vadd.s32 v1, v4;
	_ =	sdelay $0x3  }
0x7a: {  	s10 =	simm.s32 $0x10100  }
0x7b: {  	[tilespmem:s10], [sflag:$0x3] =	stream.indirect_vreg.gather [hbm4b:s2+s3], $0x80, v4, vm0, $0xb8;
	[tilespmem:$0x18100] =	vst v63  }
0x7c: {  	s21 =	simm.s32 $0x10900;
	v3 =	vperm.xlane v3, v2  }
0x7d: {  	[tilespmem:s21], [sflag:$0x3] =	stream.indirect_vreg.gather [hbm4b:s5+s3], $0x80, v4, vm0, $0xb8;
	[tilespmem:$0x18100] =	vst v63  }
0x7e: {  	v3 =	vadd.s32 v1, v3;
	s21 =	simm.s32 $0x11100  }
0x7f: {  	[tilespmem:s21], [sflag:$0x3] =	stream.indirect_vreg.gather [hbm4b:s6+s3], $0x80, v4, vm0, $0xb8;
	[tilespmem:$0x18100] =	vst v63  }
0x80: {  	s21 =	simm.s32 $0x11900  }
0x81: {  	[tilespmem:s21], [sflag:$0x3] =	stream.indirect_vreg.gather [hbm4b:s7+s3], $0x80, v4, vm0, $0xb8;
	[tilespmem:$0x18100] =	vst v63  }
0x82: {  	s21 =	simm.s32 $0x12100  }
0x83: {  	[tilespmem:s21], [sflag:$0x3] =	stream.indirect_vreg.gather [hbm4b:s2+s3], $0x80, v3, vm0, $0xb8;
	[tilespmem:$0x18100] =	vst v63  }
0x84: {  	s21 =	simm.s32 $0x12900  }
0x85: {  	[tilespmem:s21], [sflag:$0x3] =	stream.indirect_vreg.gather [hbm4b:s5+s3], $0x80, v3, vm0, $0xb8;
	[tilespmem:$0x18100] =	vst v63  }
0x86: {  	s21 =	simm.s32 $0x13100  }
0x87: {  	[tilespmem:s21], [sflag:$0x3] =	stream.indirect_vreg.gather [hbm4b:s6+s3], $0x80, v3, vm0, $0xb8;
	[tilespmem:$0x18100] =	vst v63  }
0x88: {  	s21 =	simm.s32 $0x13900  }
0x89: {  	[tilespmem:s21], [sflag:$0x3] =	stream.indirect_vreg.gather [hbm4b:s7+s3], $0x80, v3, vm0, $0xb8;
	[tilespmem:$0x18100] =	vst v63  }
0x8a: {  	v3 =	vld [tilespmem:$0x50];
	_ =	sdelay $0x4  }
0x8b: {  	v57 =	vshll.u32 v3, $0x3  }
0x8c: {  	v3 =	vand.u32 $0x7, v3;
	v4 =	vand.u32 $0xFFFFFFC0, v57  }
0x8d: {  	v3 =	vor.u32 v3, v4  }
0x8e: {  	v4 =	vperm.xlane v3, v0;
	_ =	sdelay $0x1  }
0x8f: {  	v4 =	vadd.s32 v1, v4;
	_ =	sdelay $0x3  }
0x90: {  	s21 =	simm.s32 $0x14100  }
0x91: {  	[tilespmem:s21], [sflag:$0x3] =	stream.indirect_vreg.gather [hbm4b:s2+s3], $0x80, v4, vm0, $0xb8;
	[tilespmem:$0x18100] =	vst v63  }
0x92: {  	v3 =	vperm.xlane v3, v2;
	s21 =	simm.s32 $0x14900  }
0x93: {  	[tilespmem:s21], [sflag:$0x3] =	stream.indirect_vreg.gather [hbm4b:s5+s3], $0x80, v4, vm0, $0xb8;
	[tilespmem:$0x18100] =	vst v63  }
0x94: {  	v3 =	vadd.s32 v1, v3;
	s21 =	simm.s32 $0x15100  }
0x95: {  	[tilespmem:s21], [sflag:$0x3] =	stream.indirect_vreg.gather [hbm4b:s6+s3], $0x80, v4, vm0, $0xb8;
	[tilespmem:$0x18100] =	vst v63  }
0x96: {  	s21 =	simm.s32 $0x15900  }
0x97: {  	[tilespmem:s21], [sflag:$0x3] =	stream.indirect_vreg.gather [hbm4b:s7+s3], $0x80, v4, vm0, $0xb8;
	[tilespmem:$0x18100] =	vst v63  }
0x98: {  	s21 =	simm.s32 $0x16100  }
0x99: {  	[tilespmem:s21], [sflag:$0x3] =	stream.indirect_vreg.gather [hbm4b:s2+s3], $0x80, v3, vm0, $0xb8;
	[tilespmem:$0x18100] =	vst v63  }
0x9a: {  	s21 =	simm.s32 $0x16900  }
0x9b: {  	[tilespmem:s21], [sflag:$0x3] =	stream.indirect_vreg.gather [hbm4b:s5+s3], $0x80, v3, vm0, $0xb8;
	[tilespmem:$0x18100] =	vst v63  }
0x9c: {  	s21 =	simm.s32 $0x17100  }
0x9d: {  	[tilespmem:s21], [sflag:$0x3] =	stream.indirect_vreg.gather [hbm4b:s6+s3], $0x80, v3, vm0, $0xb8;
	[tilespmem:$0x18100] =	vst v63  }
0x9e: {  	s21 =	simm.s32 $0x17900  }
0x9f: {  	[tilespmem:s21], [sflag:$0x3] =	stream.indirect_vreg.gather [hbm4b:s7+s3], $0x80, v3, vm0, $0xb8;
	[tilespmem:$0x18100] =	vst v63  }
0xa0: {  	_ =	swait.ge [sflag:s19], $0x8000  }
0xa1: {  	[sflag:s19] =	ssyncset.done $0x0  }
0xa2: {  	s21 =	rddreg [dreg:$0x4];
	[sflag:s19] =	ssyncadd.s32 $0xFFFF8000  }
0xa3: {  	[hbm4b:s21+s3] =	stream.linear.scatter [tilespmem:s20], [sflag:$0x5], $0x8000, $0x38;
	[tilespmem:$0x18100] =	vst v63  }
0xa4: {  	_ =	swait.ge [sflag:s15], $0x8000  }
0xa5: {  	[sflag:s15] =	ssyncset.done $0x0  }
0xa6: {  	[sflag:s15] =	ssyncadd.s32 $0xFFFF8000  }
0xa7: {  	v3 =	vld [tilespmem:$0x60];
	_ =	sdelay $0x4  }
0xa8: {  	v58 =	vshll.u32 v3, $0x3  }
0xa9: {  	v3 =	vand.u32 $0x7, v3;
	v4 =	vand.u32 $0xFFFFFFC0, v58  }
0xaa: {  	v3 =	vor.u32 v3, v4  }
0xab: {  	v4 =	vperm.xlane v3, v0;
	_ =	sdelay $0x1  }
0xac: {  	v4 =	vadd.s32 v1, v4;
	_ =	sdelay $0x4  }
0xad: {  	[tilespmem:s26], [sflag:$0x1] =	stream.indirect_vreg.gather [hbm4b:s2+s3], $0x80, v4, vm0, $0xb8;
	[tilespmem:$0x18100] =	vst v63  }
0xae: {  	v3 =	vperm.xlane v3, v2  }
0xaf: {  	[tilespmem:s22], [sflag:$0x1] =	stream.indirect_vreg.gather [hbm4b:s5+s3], $0x80, v4, vm0, $0xb8;
	[tilespmem:$0x18100] =	vst v63  }
0xb0: {  	v3 =	vadd.s32 v1, v3  }
0xb1: {  	[tilespmem:s23], [sflag:$0x1] =	stream.indirect_vreg.gather [hbm4b:s6+s3], $0x80, v4, vm0, $0xb8;
	[tilespmem:$0x18100] =	vst v63  }
0xb2: {  	_ = 	snop  }
0xb3: {  	[tilespmem:s24], [sflag:$0x1] =	stream.indirect_vreg.gather [hbm4b:s7+s3], $0x80, v4, vm0, $0xb8;
	[tilespmem:$0x18100] =	vst v63  }
0xb4: {  	_ = 	snop  }
0xb5: {  	[tilespmem:s25], [sflag:$0x1] =	stream.indirect_vreg.gather [hbm4b:s2+s3], $0x80, v3, vm0, $0xb8;
	[tilespmem:$0x18100] =	vst v63  }
0xb6: {  	_ = 	snop  }
0xb7: {  	[tilespmem:s28], [sflag:$0x1] =	stream.indirect_vreg.gather [hbm4b:s5+s3], $0x80, v3, vm0, $0xb8;
	[tilespmem:$0x18100] =	vst v63  }
0xb8: {  	_ = 	snop  }
0xb9: {  	[tilespmem:s29], [sflag:$0x1] =	stream.indirect_vreg.gather [hbm4b:s6+s3], $0x80, v3, vm0, $0xb8;
	[tilespmem:$0x18100] =	vst v63  }
0xba: {  	_ = 	snop  }
0xbb: {  	[tilespmem:s30], [sflag:$0x1] =	stream.indirect_vreg.gather [hbm4b:s7+s3], $0x80, v3, vm0, $0xb8;
	[tilespmem:$0x18100] =	vst v63  }
0xbc: {  	v3 =	vld [tilespmem:$0x70];
	_ =	sdelay $0x4  }
0xbd: {  	v59 =	vshll.u32 v3, $0x3  }
0xbe: {  	v3 =	vand.u32 $0x7, v3;
	v4 =	vand.u32 $0xFFFFFFC0, v59  }
0xbf: {  	v3 =	vor.u32 v3, v4  }
0xc0: {  	v4 =	vperm.xlane v3, v0;
	_ =	sdelay $0x1  }
0xc1: {  	v4 =	vadd.s32 v1, v4;
	_ =	sdelay $0x4  }
0xc2: {  	[tilespmem:s31], [sflag:$0x1] =	stream.indirect_vreg.gather [hbm4b:s2+s3], $0x80, v4, vm0, $0xb8;
	[tilespmem:$0x18100] =	vst v63  }
0xc3: {  	v3 =	vperm.xlane v3, v2  }
0xc4: {  	[tilespmem:s1], [sflag:$0x1] =	stream.indirect_vreg.gather [hbm4b:s5+s3], $0x80, v4, vm0, $0xb8;
	[tilespmem:$0x18100] =	vst v63  }
0xc5: {  	v3 =	vadd.s32 v1, v3  }
0xc6: {  	[tilespmem:s0], [sflag:$0x1] =	stream.indirect_vreg.gather [hbm4b:s6+s3], $0x80, v4, vm0, $0xb8;
	[tilespmem:$0x18100] =	vst v63  }
0xc7: {  	_ = 	snop  }
0xc8: {  	[tilespmem:s4], [sflag:$0x1] =	stream.indirect_vreg.gather [hbm4b:s7+s3], $0x80, v4, vm0, $0xb8;
	[tilespmem:$0x18100] =	vst v63  }
0xc9: {  	_ = 	snop  }
0xca: {  	[tilespmem:s11], [sflag:$0x1] =	stream.indirect_vreg.gather [hbm4b:s2+s3], $0x80, v3, vm0, $0xb8;
	[tilespmem:$0x18100] =	vst v63  }
0xcb: {  	_ = 	snop  }
0xcc: {  	[tilespmem:s12], [sflag:$0x1] =	stream.indirect_vreg.gather [hbm4b:s5+s3], $0x80, v3, vm0, $0xb8;
	[tilespmem:$0x18100] =	vst v63  }
0xcd: {  	_ = 	snop  }
0xce: {  	[tilespmem:s13], [sflag:$0x1] =	stream.indirect_vreg.gather [hbm4b:s6+s3], $0x80, v3, vm0, $0xb8;
	[tilespmem:$0x18100] =	vst v63  }
0xcf: {  	_ = 	snop  }
0xd0: {  	[tilespmem:s9], [sflag:$0x1] =	stream.indirect_vreg.gather [hbm4b:s7+s3], $0x80, v3, vm0, $0xb8;
	[tilespmem:$0x18100] =	vst v63  }
0xd1: {  	_ =	swait.ge [sflag:s16], $0x8000  }
0xd2: {  	[sflag:s16] =	ssyncset.done $0x0  }
0xd3: {  	s0 =	rddreg [dreg:$0x5];
	[sflag:s16] =	ssyncadd.s32 $0xFFFF8000  }
0xd4: {  	[hbm4b:s0+s3] =	stream.linear.scatter [tilespmem:s10], [sflag:$0x6], $0x8000, $0x38;
	[tilespmem:$0x18100] =	vst v63  }
0xd5: {  	_ =	swait.ge [sflag:s17], $0x8000  }
0xd6: {  	[sflag:s17] =	ssyncset.done $0x0  }
0xd7: {  	[sflag:s17] =	ssyncadd.s32 $0xFFFF8000  }
0xd8: {  	v3 =	vld [tilespmem:$0x80];
	_ =	sdelay $0x4  }
0xd9: {  	v60 =	vshll.u32 v3, $0x3  }
0xda: {  	v3 =	vand.u32 $0x7, v3;
	v4 =	vand.u32 $0xFFFFFFC0, v60  }
0xdb: {  	v3 =	vor.u32 v3, v4  }
0xdc: {  	v4 =	vperm.xlane v3, v0;
	_ =	sdelay $0x1  }
0xdd: {  	v4 =	vadd.s32 v1, v4;
	_ =	sdelay $0x4  }
0xde: {  	[tilespmem:s20], [sflag:$0x2] =	stream.indirect_vreg.gather [hbm4b:s2+s3], $0x80, v4, vm0, $0xb8;
	[tilespmem:$0x18100] =	vst v63  }
0xdf: {  	s21 =	simm.s32 $0x8900;
	v3 =	vperm.xlane v3, v2  }
0xe0: {  	[tilespmem:s21], [sflag:$0x2] =	stream.indirect_vreg.gather [hbm4b:s5+s3], $0x80, v4, vm0, $0xb8;
	[tilespmem:$0x18100] =	vst v63  }
0xe1: {  	v3 =	vadd.s32 v1, v3;
	s21 =	simm.s32 $0x9100  }
0xe2: {  	[tilespmem:s21], [sflag:$0x2] =	stream.indirect_vreg.gather [hbm4b:s6+s3], $0x80, v4, vm0, $0xb8;
	[tilespmem:$0x18100] =	vst v63  }
0xe3: {  	s21 =	simm.s32 $0x9900  }
0xe4: {  	[tilespmem:s21], [sflag:$0x2] =	stream.indirect_vreg.gather [hbm4b:s7+s3], $0x80, v4, vm0, $0xb8;
	[tilespmem:$0x18100] =	vst v63  }
0xe5: {  	s21 =	simm.s32 $0xA100  }
0xe6: {  	[tilespmem:s21], [sflag:$0x2] =	stream.indirect_vreg.gather [hbm4b:s2+s3], $0x80, v3, vm0, $0xb8;
	[tilespmem:$0x18100] =	vst v63  }
0xe7: {  	s21 =	simm.s32 $0xA900  }
0xe8: {  	[tilespmem:s21], [sflag:$0x2] =	stream.indirect_vreg.gather [hbm4b:s5+s3], $0x80, v3, vm0, $0xb8;
	[tilespmem:$0x18100] =	vst v63  }
0xe9: {  	s21 =	simm.s32 $0xB100  }
0xea: {  	[tilespmem:s21], [sflag:$0x2] =	stream.indirect_vreg.gather [hbm4b:s6+s3], $0x80, v3, vm0, $0xb8;
	[tilespmem:$0x18100] =	vst v63  }
0xeb: {  	s21 =	simm.s32 $0xB900  }
0xec: {  	[tilespmem:s21], [sflag:$0x2] =	stream.indirect_vreg.gather [hbm4b:s7+s3], $0x80, v3, vm0, $0xb8;
	[tilespmem:$0x18100] =	vst v63  }
0xed: {  	v3 =	vld [tilespmem:$0x90];
	_ =	sdelay $0x4  }
0xee: {  	v61 =	vshll.u32 v3, $0x3  }
0xef: {  	v3 =	vand.u32 $0x7, v3;
	v4 =	vand.u32 $0xFFFFFFC0, v61  }
0xf0: {  	v3 =	vor.u32 v3, v4  }
0xf1: {  	v4 =	vperm.xlane v3, v0;
	_ =	sdelay $0x1  }
0xf2: {  	v4 =	vadd.s32 v1, v4;
	_ =	sdelay $0x3  }
0xf3: {  	s21 =	simm.s32 $0xC100  }
0xf4: {  	[tilespmem:s21], [sflag:$0x2] =	stream.indirect_vreg.gather [hbm4b:s2+s3], $0x80, v4, vm0, $0xb8;
	[tilespmem:$0x18100] =	vst v63  }
0xf5: {  	v3 =	vperm.xlane v3, v2;
	s21 =	simm.s32 $0xC900  }
0xf6: {  	[tilespmem:s21], [sflag:$0x2] =	stream.indirect_vreg.gather [hbm4b:s5+s3], $0x80, v4, vm0, $0xb8;
	[tilespmem:$0x18100] =	vst v63  }
0xf7: {  	v3 =	vadd.s32 v1, v3;
	s21 =	simm.s32 $0xD100  }
0xf8: {  	[tilespmem:s21], [sflag:$0x2] =	stream.indirect_vreg.gather [hbm4b:s6+s3], $0x80, v4, vm0, $0xb8;
	[tilespmem:$0x18100] =	vst v63  }
0xf9: {  	s21 =	simm.s32 $0xD900  }
0xfa: {  	[tilespmem:s21], [sflag:$0x2] =	stream.indirect_vreg.gather [hbm4b:s7+s3], $0x80, v4, vm0, $0xb8;
	[tilespmem:$0x18100] =	vst v63  }
0xfb: {  	s21 =	simm.s32 $0xE100  }
0xfc: {  	[tilespmem:s21], [sflag:$0x2] =	stream.indirect_vreg.gather [hbm4b:s2+s3], $0x80, v3, vm0, $0xb8;
	[tilespmem:$0x18100] =	vst v63  }
0xfd: {  	s21 =	simm.s32 $0xE900  }
0xfe: {  	[tilespmem:s21], [sflag:$0x2] =	stream.indirect_vreg.gather [hbm4b:s5+s3], $0x80, v3, vm0, $0xb8;
	[tilespmem:$0x18100] =	vst v63  }
0xff: {  	s21 =	simm.s32 $0xF100  }
0x100: {  	[tilespmem:s21], [sflag:$0x2] =	stream.indirect_vreg.gather [hbm4b:s6+s3], $0x80, v3, vm0, $0xb8;
	[tilespmem:$0x18100] =	vst v63  }
0x101: {  	s21 =	simm.s32 $0xF900  }
0x102: {  	[tilespmem:s21], [sflag:$0x2] =	stream.indirect_vreg.gather [hbm4b:s7+s3], $0x80, v3, vm0, $0xb8;
	[tilespmem:$0x18100] =	vst v63  }
0x103: {  	_ =	swait.ge [sflag:s14], $0x8000  }
0x104: {  	[sflag:s14] =	ssyncset.done $0x0  }
0x105: {  	s0 =	rddreg [dreg:$0x6];
	[sflag:s14] =	ssyncadd.s32 $0xFFFF8000  }
0x106: {  	[hbm4b:s0+s3] =	stream.linear.scatter [tilespmem:s26], [sflag:$0x4], $0x8000, $0x38;
	[tilespmem:$0x18100] =	vst v63  }
0x107: {  	_ =	swait.ge [sflag:s18], $0x8000  }
0x108: {  	[sflag:s18] =	ssyncset.done $0x0  }
0x109: {  	[sflag:s18] =	ssyncadd.s32 $0xFFFF8000  }
0x10a: {  	v3 =	vld [tilespmem:$0xA0];
	_ =	sdelay $0x4  }
0x10b: {  	v62 =	vshll.u32 v3, $0x3  }
0x10c: {  	v3 =	vand.u32 $0x7, v3;
	v4 =	vand.u32 $0xFFFFFFC0, v62  }
0x10d: {  	v3 =	vor.u32 v3, v4  }
0x10e: {  	v4 =	vperm.xlane v3, v0;
	_ =	sdelay $0x1  }
0x10f: {  	v4 =	vadd.s32 v1, v4;
	_ =	sdelay $0x4  }
0x110: {  	[tilespmem:s10], [sflag:$0x3] =	stream.indirect_vreg.gather [hbm4b:s2+s3], $0x80, v4, vm0, $0xb8;
	[tilespmem:$0x18100] =	vst v63  }
0x111: {  	s21 =	simm.s32 $0x10900;
	v3 =	vperm.xlane v3, v2  }
0x112: {  	[tilespmem:s21], [sflag:$0x3] =	stream.indirect_vreg.gather [hbm4b:s5+s3], $0x80, v4, vm0, $0xb8;
	[tilespmem:$0x18100] =	vst v63  }
0x113: {  	v3 =	vadd.s32 v1, v3;
	s21 =	simm.s32 $0x11100  }
0x114: {  	[tilespmem:s21], [sflag:$0x3] =	stream.indirect_vreg.gather [hbm4b:s6+s3], $0x80, v4, vm0, $0xb8;
	[tilespmem:$0x18100] =	vst v63  }
0x115: {  	s21 =	simm.s32 $0x11900  }
0x116: {  	[tilespmem:s21], [sflag:$0x3] =	stream.indirect_vreg.gather [hbm4b:s7+s3], $0x80, v4, vm0, $0xb8;
	[tilespmem:$0x18100] =	vst v63  }
0x117: {  	s21 =	simm.s32 $0x12100  }
0x118: {  	[tilespmem:s21], [sflag:$0x3] =	stream.indirect_vreg.gather [hbm4b:s2+s3], $0x80, v3, vm0, $0xb8;
	[tilespmem:$0x18100] =	vst v63  }
0x119: {  	s21 =	simm.s32 $0x12900  }
0x11a: {  	[tilespmem:s21], [sflag:$0x3] =	stream.indirect_vreg.gather [hbm4b:s5+s3], $0x80, v3, vm0, $0xb8;
	[tilespmem:$0x18100] =	vst v63  }
0x11b: {  	s21 =	simm.s32 $0x13100  }
0x11c: {  	[tilespmem:s21], [sflag:$0x3] =	stream.indirect_vreg.gather [hbm4b:s6+s3], $0x80, v3, vm0, $0xb8;
	[tilespmem:$0x18100] =	vst v63  }
0x11d: {  	s21 =	simm.s32 $0x13900  }
0x11e: {  	[tilespmem:s21], [sflag:$0x3] =	stream.indirect_vreg.gather [hbm4b:s7+s3], $0x80, v3, vm0, $0xb8;
	[tilespmem:$0x18100] =	vst v63  }
0x11f: {  	v3 =	vld [tilespmem:$0xB0];
	_ =	sdelay $0x4  }
0x120: {  	v63 =	vshll.u32 v3, $0x3  }
0x121: {  	v3 =	vand.u32 $0x7, v3;
	v4 =	vand.u32 $0xFFFFFFC0, v63  }
0x122: {  	v3 =	vor.u32 v3, v4  }
0x123: {  	v4 =	vperm.xlane v3, v0;
	_ =	sdelay $0x1  }
0x124: {  	v4 =	vadd.s32 v1, v4;
	_ =	sdelay $0x3  }
0x125: {  	s21 =	simm.s32 $0x14100  }
0x126: {  	[tilespmem:s21], [sflag:$0x3] =	stream.indirect_vreg.gather [hbm4b:s2+s3], $0x80, v4, vm0, $0xb8;
	[tilespmem:$0x18100] =	vst v63  }
0x127: {  	v3 =	vperm.xlane v3, v2;
	s21 =	simm.s32 $0x14900  }
0x128: {  	[tilespmem:s21], [sflag:$0x3] =	stream.indirect_vreg.gather [hbm4b:s5+s3], $0x80, v4, vm0, $0xb8;
	[tilespmem:$0x18100] =	vst v63  }
0x129: {  	v3 =	vadd.s32 v1, v3;
	s21 =	simm.s32 $0x15100  }
0x12a: {  	[tilespmem:s21], [sflag:$0x3] =	stream.indirect_vreg.gather [hbm4b:s6+s3], $0x80, v4, vm0, $0xb8;
	[tilespmem:$0x18100] =	vst v63  }
0x12b: {  	s21 =	simm.s32 $0x15900  }
0x12c: {  	[tilespmem:s21], [sflag:$0x3] =	stream.indirect_vreg.gather [hbm4b:s7+s3], $0x80, v4, vm0, $0xb8;
	[tilespmem:$0x18100] =	vst v63  }
0x12d: {  	s21 =	simm.s32 $0x16100  }
0x12e: {  	[tilespmem:s21], [sflag:$0x3] =	stream.indirect_vreg.gather [hbm4b:s2+s3], $0x80, v3, vm0, $0xb8;
	[tilespmem:$0x18100] =	vst v63  }
0x12f: {  	s21 =	simm.s32 $0x16900  }
0x130: {  	[tilespmem:s21], [sflag:$0x3] =	stream.indirect_vreg.gather [hbm4b:s5+s3], $0x80, v3, vm0, $0xb8;
	[tilespmem:$0x18100] =	vst v63  }
0x131: {  	s21 =	simm.s32 $0x17100  }
0x132: {  	[tilespmem:s21], [sflag:$0x3] =	stream.indirect_vreg.gather [hbm4b:s6+s3], $0x80, v3, vm0, $0xb8;
	[tilespmem:$0x18100] =	vst v63  }
0x133: {  	s21 =	simm.s32 $0x17900  }
0x134: {  	[tilespmem:s21], [sflag:$0x3] =	stream.indirect_vreg.gather [hbm4b:s7+s3], $0x80, v3, vm0, $0xb8;
	[tilespmem:$0x18100] =	vst v63  }
0x135: {  	_ =	swait.ge [sflag:s19], $0x8000  }
0x136: {  	[sflag:s19] =	ssyncset.done $0x0  }
0x137: {  	s0 =	rddreg [dreg:$0x7];
	[sflag:s19] =	ssyncadd.s32 $0xFFFF8000  }
0x138: {  	[hbm4b:s0+s3] =	stream.linear.scatter [tilespmem:s20], [sflag:$0x5], $0x8000, $0x38;
	[tilespmem:$0x18100] =	vst v63  }
0x139: {  	_ =	swait.ge [sflag:s16], $0x8000  }
0x13a: {  	[sflag:s16] =	ssyncset.done $0x0  }
0x13b: {  	s0 =	rddreg [dreg:$0x8];
	[sflag:s16] =	ssyncadd.s32 $0xFFFF8000  }
0x13c: {  	[hbm4b:s0+s3] =	stream.linear.scatter [tilespmem:s10], [sflag:$0x6], $0x8000, $0x38;
	[tilespmem:$0x18100] =	vst v63  }
0x13d: {  	_ =	swait.ge [sflag:s15], $0x8000  }
0x13e: {  	[sflag:s15] =	ssyncset.done $0x0  }
0x13f: {  	[sflag:s15] =	ssyncadd.s32 $0xFFFF8000  }
0x140: {  	p0 =	sne.s32 s8, $0x1;
	_ =	swait.ge [sflag:s17], $0x8000  }
.Ltmp0:
0x141: {  	[sflag:s17] =	ssyncset.done $0x0;
	(pc) =	sbr.rel @p0 .LBB2_1-.Ltmp0, $4  }
0x142: {  	[sflag:s17] =	ssyncadd.s32 $0xFFFF8000  }
0x143: {  	_ =	swait.ge [sflag:s18], $0x8000  }
0x144: {  	[sflag:s18] =	ssyncset.done $0x0  }
0x145: {  	s8 =	sadd.s32 $0xFFFFFFFF, s8;
	[sflag:s18] =	ssyncadd.s32 $0xFFFF8000  }
0x146: {  	_ =	sfence.sel $0x180000  }
0x147: {  	[bflag:$0x0] =	sbarrier.arrive $0xFFFF  }
0x148: {  	_ =	strace $0x90000047  }
0x149: {  	s0 =	stileid.u32;
	[bflag:$0x2] =	sbarrier.arrive $0xFFFF  }
0x14a: {  	p0 =	sne.s32 s0, $0x0;
	s0 =	rddreg [dreg:$0x2]  }
0x14b: {  	s0 =	sadd.s32 @!p0 $0x100000, s0  }
0x14c: {  	[sflag:s0] =	ssyncadd.tile.s32 @!p0 $0x1;
	_ =	shalt  }
.Lfunc_end2:
_tile_overlayer_lowered:
.L_overlay_start_2:
0x14d: {  	(tag) =	ssettag $0x2  }
0x14e: {  	s0 =	rddreg [dreg:$0x0];
	s2 =	stileid.u32  }
0x14f: {  	s1 =	rddreg [dreg:$0x1];
	p0 =	sne.s32 s2, $0x0  }
0x150: {  	s3 =	rddreg [dreg:$0x2];
	[bflag:$0x3] =	sbarrier.arrive $0xFFFF;
	s2 =	simm.s32 @!p0 $0x1C07  }
0x151: {  	[timem:s3], [sflag:s2] =	dma.local @!p0 [hbm:s0], s1  }
0x152: {  	s0 =	simm.s32 @!p0 $0x7  }
0x153: {  	_ =	swait.ge @!p0 [sflag:s0], s1  }
0x154: {  	s1 =	ssub.s32 @!p0 $0x0, s1;
	[sflag:s0] =	ssyncset.done @!p0 $0x0  }
0x155: {  	[sflag:s0] =	ssyncadd.s32 @!p0 s1  }
0x156: {  	[bflag:$0x3] =	sbarrier.arrive $0xFFFF  }
0x157: {  	_ =	shalt  }

// kernel: kernel.8.cloned.1.call-start
scs
__scs_entry_jumppad:
0x0: {  	(pc) =	sbr.rel $0x88, $3  }
0x1: {  	(tag) =	ssettag $0x0;
	lr =	simm.s32 $0x1  }
0x2: {  	[smem:$0x3F9B] =	sst lr;
	_ =	strace $0xD0000000  }
0x3: {  	_ = 	snop  }
0x4: {  	_ = 	snop  }
0x5: {  	_ = 	snop  }
0x6: {  	_ = 	snop  }
0x7: {  	_ = 	snop  }
__scs_overlays_trampoline_lowered:
0x8: {  	[smem:$0x3FAA] =	sst s0  }
0x9: {  	[smem:$0x3FAB] =	sst s1  }
0xa: {  	[smem:$0x3FAC] =	sst s2  }
0xb: {  	[smem:$0x3FAD] =	sst s3  }
0xc: {  	[smem:$0x3FAE] =	sst s4  }
0xd: {  	[smem:$0x3FAF] =	sst s5  }
0xe: {  	[smem:$0x3FB0] =	sst s6  }
0xf: {  	[smem:$0x3FB1] =	sst s7  }
0x10: {  	[smem:$0x3FB2] =	sst s8  }
0x11: {  	[smem:$0x3FB3] =	sst s9;
	s0 =	simm.s32 @!p0 $0x0  }
0x12: {  	s1 =	sld [smem:$0x3F99];
	s0 =	simm.s32 @p0 $0x1  }
0x13: {  	[smem:$0x3FB4] =	sst s0;
	s0 =	simm.s32 @!p1 $0x0  }
0x14: {  	s2 =	sld [smem:$0x3F98];
	s0 =	simm.s32 @p1 $0x1  }
0x15: {  	[smem:$0x3FB5] =	sst s0;
	s0 =	simm.s32 @!p2 $0x0  }
0x16: {  	s3 =	sld [smem:$0x3FDB];
	s0 =	simm.s32 @p2 $0x1  }
0x17: {  	s4 =	simm.s32 $0x1BF5;
	[smem:$0x3FB7] =	sst s0  }
0x18: {  	s0 =	sld [smem:$0x3F9A];
	_ =	swait.ge [sflag:s4], $0x0  }
0x19: {  	s7 =	sld [smem:$0x3F9B]  }
0x1a: {  	s8 =	sadd.s32 $0xFFFFE003, lr  }
0x1b: {  	s9 =	sadd.s32 $0xFFFFFEF7, lr;
	s5 =	simm.s32 $0xFFFFFFFF;
	p2 =	slt.u32 s8, $0xFFFFF086  }
0x1c: {  	p1 =	slt.u32 s9, $0xF7A;
	s5 =	simm.s32 @!p2 $0x0  }
0x1d: {  	s5 =	simm.s32 @p1 $0x1;
	p0 =	seq.s32 s7, s2  }
0x1e: {  	s7 =	smul.u32 @!p0 $0xF7A, s2;
	p2 =	seq.s32 @!p0 s5, $0x0  }
0x1f: {  	s9 =	smul.u32 $0xF7A, s1;
	s8 =	simm.s32 @!p0 $0x1BF5;
	p2 =	por !p2, p0  }
0x20: {  	[sflag:s8] =	ssyncset.s32 @!p0 $0xFFFFF086;
	s6 =	sadd.s32 @!p0 s3, s7;
	s7 =	simm.s32 @!p0 $0x108  }
0x21: {  	s3 =	sadd.s32 s3, s9;
	s6 =	sadd.s32 @!p0 $0x88, s6;
	s7 =	simm.s32 @p2 $0x1082  }
0x22: {  	[simem:s7], [sflag:s8] =	dma.local @!p0 [hbm:s6], $0xF7A  }
0x23: {  	s9 =	sor.u32 $0xD0000000, s2;
	s6 =	simm.s32 $0x108;
	_ =	swait.ge @!p0 [sflag:s8], $0x0  }
0x24: {  	s3 =	sadd.s32 $0x88, s3;
	s6 =	simm.s32 @!p1 $0x1082;
	[sflag:s4] =	ssyncset.s32 $0xFFFFF086  }
0x25: {  	[simem:s6], [sflag:s4] =	dma.local [hbm:s3], $0xF7A  }
0x26: {  	[smem:$0x3F9B] =	sst s1;
	(tag) =	ssettag s2;
	_ =	strace s9  }
0x27: {  	s1 =	sld [smem:$0x3FAB]  }
0x28: {  	s2 =	sld [smem:$0x3FAC]  }
0x29: {  	s4 =	sld [smem:$0x3FAE]  }
0x2a: {  	p0 =	seq.s32 s5, $0x0;
	s5 =	sld [smem:$0x3FAF]  }
0x2b: {  	s6 =	sld [smem:$0x3FB0]  }
0x2c: {  	s7 =	sld [smem:$0x3FB1]  }
0x2d: {  	s3 =	simm.s32 $0x108;
	s8 =	sld [smem:$0x3FB2]  }
0x2e: {  	s3 =	simm.s32 @!p0 $0x1082;
	s9 =	sld [smem:$0x3FB3]  }
0x2f: {  	lr =	sadd.s32 s0, s3;
	s0 =	sld [smem:$0x3FAA]  }
0x30: {  	s3 =	sld [smem:$0x3FAD]  }
0x31: {  	[smem:$0x3FB6] =	sst s10  }
0x32: {  	s10 =	sld [smem:$0x3FB4];
	_ =	sdelay $0x3  }
0x33: {  	p0 =	seq.s32 s10, $0x1;
	s10 =	sld [smem:$0x3FB6];
	_ =	sdelay $0x3  }
0x34: {  	[smem:$0x3FB6] =	sst s10  }
0x35: {  	s10 =	sld [smem:$0x3FB5];
	_ =	sdelay $0x3  }
0x36: {  	p1 =	seq.s32 s10, $0x1;
	s10 =	sld [smem:$0x3FB6];
	_ =	sdelay $0x3  }
0x37: {  	[smem:$0x3FB6] =	sst s10  }
0x38: {  	s10 =	sld [smem:$0x3FB7]  }
0x39: {  	_ = 	snop;
	(pc) =	sbr.ind lr, $3  }
0x3a: {  	_ = 	snop  }
0x3b: {  	_ = 	snop  }
0x3c: {  	p2 =	seq.s32 s10, $0x1;
	s10 =	sld [smem:$0x3FB6]  }
0x3d: {  	_ =	shalt  }
0x3e: {  	_ =	shalt  }
0x3f: {  	_ =	shalt  }
0x40: {  	_ =	shalt  }
0x41: {  	_ =	shalt  }
0x42: {  	_ =	shalt  }
0x43: {  	_ =	shalt  }
0x44: {  	_ =	shalt  }
0x45: {  	_ =	shalt  }
0x46: {  	_ =	shalt  }
0x47: {  	_ =	shalt  }
0x48: {  	_ =	shalt  }
0x49: {  	_ =	shalt  }
0x4a: {  	_ =	shalt  }
0x4b: {  	_ =	shalt  }
0x4c: {  	_ =	shalt  }
0x4d: {  	_ =	shalt  }
0x4e: {  	_ =	shalt  }
0x4f: {  	_ =	shalt  }
0x50: {  	_ =	shalt  }
0x51: {  	_ =	shalt  }
0x52: {  	_ =	shalt  }
0x53: {  	_ =	shalt  }
0x54: {  	_ =	shalt  }
0x55: {  	_ =	shalt  }
0x56: {  	_ =	shalt  }
0x57: {  	_ =	shalt  }
0x58: {  	_ =	shalt  }
0x59: {  	_ =	shalt  }
0x5a: {  	_ =	shalt  }
0x5b: {  	_ =	shalt  }
0x5c: {  	_ =	shalt  }
0x5d: {  	_ =	shalt  }
0x5e: {  	_ =	shalt  }
0x5f: {  	_ =	shalt  }
0x60: {  	_ =	shalt  }
0x61: {  	_ =	shalt  }
0x62: {  	_ =	shalt  }
0x63: {  	_ =	shalt  }
0x64: {  	_ =	shalt  }
0x65: {  	_ =	shalt  }
0x66: {  	_ =	shalt  }
0x67: {  	_ =	shalt  }
0x68: {  	_ =	shalt  }
0x69: {  	_ =	shalt  }
0x6a: {  	_ =	shalt  }
0x6b: {  	_ =	shalt  }
0x6c: {  	_ =	shalt  }
0x6d: {  	_ =	shalt  }
0x6e: {  	_ =	shalt  }
0x6f: {  	_ =	shalt  }
0x70: {  	_ =	shalt  }
0x71: {  	_ =	shalt  }
0x72: {  	_ =	shalt  }
0x73: {  	_ =	shalt  }
0x74: {  	_ =	shalt  }
0x75: {  	_ =	shalt  }
0x76: {  	_ =	shalt  }
0x77: {  	_ =	shalt  }
0x78: {  	_ =	shalt  }
0x79: {  	_ =	shalt  }
0x7a: {  	_ =	shalt  }
0x7b: {  	_ =	shalt  }
0x7c: {  	_ =	shalt  }
0x7d: {  	_ =	shalt  }
0x7e: {  	_ =	shalt  }
0x7f: {  	_ =	shalt  }
0x80: {  	_ =	shalt  }
0x81: {  	_ =	shalt  }
0x82: {  	_ =	shalt  }
0x83: {  	_ =	shalt  }
0x84: {  	_ =	shalt  }
0x85: {  	_ =	shalt  }
0x86: {  	_ =	shalt  }
0x87: {  	_ =	shalt  }
.Lfunc_end0:
.L_simem_size_0:
called_computation.1_lowered:
.L_overlay_start_0:
0x88: {  	s2 =	sld [smem:$0x3FD9]  }
0x89: {  	s3 =	sld [smem:$0x3FFE];
	_ =	sdelay $0x1  }
0x8a: {  	s1 =	srdreg.scid  }
0x8b: {  	s0 =	sand.u32 $0x1, s1  }
0x8c: {  	s17 =	sshll.u32 s0, $0xA;
	s2 =	sadd.s32 s3, s2  }
0x8d: {  	s2 =	sadd.s32 s2, s17  }
0x8e: {  	[smem:$0x3FC2] =	sst s2  }
0x8f: {  	_ = 	snop  }
0x90: {  	s2 =	sld [smem:$0x3FD0];
	(tm) =	ssettm $0x1  }
0x91: {  	s18 =	sld [smem:$0x3FFB];
	_ =	sdelay $0x3  }
0x92: {  	_ =	strace s18  }
0x93: {  	s3 =	sld [smem:$0x3FFC];
	_ =	sdelay $0x3  }
0x94: {  	_ =	strace s3  }
0x95: {  	s3 =	sld [smem:$0x3FFD];
	_ =	sdelay $0x3  }
0x96: {  	_ =	strace s3  }
0x97: {  	_ =	strace $0x8FFFFFFF  }
0x98: {  	s19 =	sld [smem:$0x3FDB];
	_ =	sdelay $0x1  }
0x99: {  	s4 =	simm.s32 $_scs_section_size  }
0x9a: {  	s5 =	simm.s32 $_size__tile_overlayer_lowered;
	s6 =	simm.s32 $_tile_overlayer_lowered  }
0x9b: {  	s22 =	simm.s32 $0x1BFF;
	s21 =	sshll.u32 s6, $0x1;
	s3 =	sadd.s32 s4, s19  }
0x9c: {  	s7 =	simm.s32 $0x0;
	s20 =	sshll.u32 s5, $0x1;
	s5 =	sadd.s32 s21, s3  }
0x9d: {  	[timem:s7], [sflag:s22] =	dma.local [hbm:s5], s20  }
0x9e: {  	_ =	swait.ge [sflag:s22], s20  }
0x9f: {  	s4 =	ssub.s32 $0x0, s20;
	[sflag:s22] =	ssyncset.done $0x0  }
0xa0: {  	[sflag:s22] =	ssyncadd.s32 s4;
	_ =	sdelay $0x1  }
0xa1: {  	s23 =	simm.s32 $0x1B8B  }
0xa2: {  	_ =	swait.ge [sflag:s23], $0x1  }
0xa3: {  	[sflag:s23] =	ssyncset.done $0x0  }
0xa4: {  	s25 =	simm.s32 $0x1B8E;
	s24 =	sld [smem:$0x3FFE];
	[sflag:s23] =	ssyncadd.s32 $0xFFFFFFFF  }
0xa5: {  	s26 =	simm.s32 $execute0_lowered;
	[smem:$0x3FD2] =	sst s25  }
0xa6: {  	s5 =	sshll.u32 s26, $0x1;
	_ =	strace $0x80000049;
	[dreg:$0x1] =	wrdreg $0xFFFFFFFF  }
0xa7: {  	s28 =	simm.s32 $_size_execute0_lowered;
	s3 =	sadd.s32 s3, s5;
	[dreg:$0x0] =	wrdreg $0x0  }
0xa8: {  	s5 =	sshll.u32 s28, $0x1;
	[dreg:$0x2] =	wrdreg s3  }
0xa9: {  	[dreg:$0x3] =	wrdreg s5  }
0xaa: {  	[dreg:$0x4] =	wrdreg $0xC0  }
0xab: {  	_ =	task [dreg:s7], $0x5FFFF  }
0xac: {  	[dreg:$0x1] =	wrdreg $0xFFFFFFFF  }
0xad: {  	[dreg:$0x0] =	wrdreg $0x60  }
0xae: {  	[dreg:$0x2] =	wrdreg s24  }
0xaf: {  	[dreg:$0x3] =	wrdreg s2  }
0xb0: {  	[dreg:$0x4] =	wrdreg $0x9  }
0xb1: {  	_ =	task.clear_ibuf [dreg:s7], $0x5FFFF;
	_ =	strace $0x90000049  }
0xb2: {  	s29 =	simm.s32 $0x9;
	_ =	strace $0x8000004B  }
0xb3: {  	_ =	swait.ge [sflag:s29], $0x1  }
0xb4: {  	[sflag:s29] =	ssyncadd.s32 $0xFFFFFFFF  }
0xb5: {  	_ =	strace $0x9000004B  }
0xb6: {  	_ =	sfence  }
0xb7: {  	s30 =	sld [smem:$0x0];
	_ =	sdelay $0x2  }
0xb8: {  	s31 =	sshll.u32 s1, $0xD;
	s1 =	sshrl.u32 s1, $0x2  }
0xb9: {  	s3 =	sand.u32 $0x4000, s31;
	s1 =	sadd.s32 s1, s30  }
0xba: {  	s0 =	sor.u32 s3, s0;
	s1 =	sshll.u32 s1, $0x11  }
0xbb: {  	s0 =	sor.u32 s1, s0  }
0xbc: {  	s0 =	sadd.s32 $0x8F2B, s0  }
0xbd: {  	[sflag:s0] =	ssyncadd.remote.s32 $0x1  }
0xbe: {  	_ =	sfence.sel $0xFFFF  }
0xbf: {  	[dreg:$0x0] =	wrdreg $0xFFFFFFFF;
	(pc) =	sbr.abs _section_cstart, $3  }
0xc0: {  	[dreg:$0x1] =	wrdreg $0xFFFFFFFF  }
0xc1: {  	_ =	task.clear_ibuf [dreg:s7], $0x2FFFF;
	_ =	strace $0x9FFFFFFF  }
0xc2: {  	(tm) =	ssettm $0x7FFFFFFF  }
0xc3: {  	_ =	shalt  }
tec
execute0_lowered:
.L_overlay_start_1:
0x0: {  	(tag) =	ssettag $0x1  }
0x1: {  	s0 =	rddreg [dreg:$0x0]  }
0x2: {  	s1 =	rddreg [dreg:$0x1];
	s2 =	simm.s32 $0x0;
	s3 =	srdreg.scid  }
0x3: {  	s4 =	stileid.u32;
	s13 =	simm.s32 $0x5;
	s19 =	simm.s32 $0xC080  }
0x4: {  	s20 =	simm.s32 $0xC880;
	s21 =	simm.s32 $0xD080;
	s28 =	simm.s32 $0x10080  }
0x5: {  	s29 =	simm.s32 $0x2;
	s30 =	simm.s32 $0x3;
	s10 =	simm.s32 $0x4  }
0x6: {  	s31 =	simm.s32 $0x0;
	[smem:$0x7FF] =	sst s2;
	s3 =	sand.u32 $0x1, s3  }
0x7: {  	s4 =	sshll.u32 s4, $0x1;
	s8 =	sadd.s32 $0xC0F00, s0;
	_ =	strace $0x8000004A  }
0x8: {  	s5 =	ssub.s32 $0x2, s3;
	s4 =	sor.u32 s3, s4;
	s3 =	sadd.s32 $0xC0C00, s0  }
0x9: {  	s6 =	sshrl.u32 s5, $0x1;
	s7 =	sshll.u32 s4, $0x4;
	s4 =	sshll.u32 s4, $0xD  }
0xa: {  	s9 =	ssub.s32 s5, s6;
	s22 =	sadd.s32 s0, s7;
	s7 =	sadd.s32 s1, s4  }
0xb: {  	s5 =	sadd.s32 $0xC0D00, s0;
	[dreg:$0x3] =	wrdreg s22;
	s23 =	sadd.s32 $0x800, s7  }
0xc: {  	s6 =	sadd.s32 $0xC0E00, s0;
	s24 =	sadd.s32 $0x1000, s7;
	[dreg:$0x4] =	wrdreg s23  }
0xd: {  	s4 =	simm.s32 $0xE080;
	s25 =	sadd.s32 $0x1800, s7;
	[dreg:$0x5] =	wrdreg s24  }
0xe: {  	v2 =	vlaneseq.u32;
	s26 =	smax.u32 s9, $0x1;
	s22 =	simm.s32 $0xD880;
	[dreg:$0x6] =	wrdreg s25  }
0xf: {  	vm0 =	vmmov $0xffff;
	v1 =	vshrl.u32 v2, $0x3;
	s9 =	simm.s32 $0x14080;
	[dreg:$0x7] =	wrdreg s26;
	s23 =	simm.s32 $0xE880  }
0x10: {  	v0 =	vand.u32 $0x7, v2;
	v2 =	vor.u32 $0x8, v2;
	v1 =	vmul.u32 $0x8, v1;
	s24 =	simm.s32 $0xF080;
	s25 =	simm.s32 $0xF880;
	s26 =	simm.s32 $0x1  }
.LBB2_1:
0x11: {  	s0 =	rddreg [dreg:$0x3]  }
0x12: {  	[tilespmem:s2], [sflag:$0x5] =	stream.linear.gather [hbm4b:s0+s2], $0x80, $0x38;
	[tilespmem:$0x18080] =	vst v63  }
0x13: {  	_ =	swait.ge [sflag:s13], $0x80  }
0x14: {  	[sflag:s13] =	ssyncset.done $0x0  }
0x15: {  	[sflag:s13] =	ssyncadd.s32 $0xFFFFFF80  }
0x16: {  	v3 =	vld [tilespmem:$0x0];
	_ =	sdelay $0x4  }
0x17: {  	v4 =	vshll.u32 v3, $0x3  }
0x18: {  	v3 =	vand.u32 $0x7, v3;
	v4 =	vand.u32 $0xFFFFFFC0, v4  }
0x19: {  	v3 =	vor.u32 v3, v4  }
0x1a: {  	v4 =	vperm.xlane v3, v0;
	_ =	sdelay $0x1  }
0x1b: {  	v4 =	vadd.s32 v1, v4;
	_ =	sdelay $0x3  }
0x1c: {  	s15 =	simm.s32 $0x80  }
0x1d: {  	[tilespmem:s15], [sflag:$0x1] =	stream.indirect_vreg.gather [hbm4b:s3+s2], $0x80, v4, vm0, $0xb8;
	[tilespmem:$0x18080] =	vst v63  }
0x1e: {  	s16 =	simm.s32 $0x880;
	v3 =	vperm.xlane v3, v2  }
0x1f: {  	[tilespmem:s16], [sflag:$0x1] =	stream.indirect_vreg.gather [hbm4b:s5+s2], $0x80, v4, vm0, $0xb8;
	[tilespmem:$0x18080] =	vst v63  }
0x20: {  	s17 =	simm.s32 $0x1080;
	v3 =	vadd.s32 v1, v3  }
0x21: {  	[tilespmem:s17], [sflag:$0x1] =	stream.indirect_vreg.gather [hbm4b:s6+s2], $0x80, v4, vm0, $0xb8;
	[tilespmem:$0x18080] =	vst v63  }
0x22: {  	s18 =	simm.s32 $0x1880  }
0x23: {  	[tilespmem:s18], [sflag:$0x1] =	stream.indirect_vreg.gather [hbm4b:s8+s2], $0x80, v4, vm0, $0xb8;
	[tilespmem:$0x18080] =	vst v63  }
0x24: {  	s1 =	simm.s32 $0x2080  }
0x25: {  	[tilespmem:s1], [sflag:$0x1] =	stream.indirect_vreg.gather [hbm4b:s3+s2], $0x80, v3, vm0, $0xb8;
	[tilespmem:$0x18080] =	vst v63  }
0x26: {  	s11 =	simm.s32 $0x2880  }
0x27: {  	[tilespmem:s11], [sflag:$0x1] =	stream.indirect_vreg.gather [hbm4b:s5+s2], $0x80, v3, vm0, $0xb8;
	[tilespmem:$0x18080] =	vst v63  }
0x28: {  	s12 =	simm.s32 $0x3080  }
0x29: {  	[tilespmem:s12], [sflag:$0x1] =	stream.indirect_vreg.gather [hbm4b:s6+s2], $0x80, v3, vm0, $0xb8;
	[tilespmem:$0x18080] =	vst v63  }
0x2a: {  	s14 =	simm.s32 $0x3880  }
0x2b: {  	[tilespmem:s14], [sflag:$0x1] =	stream.indirect_vreg.gather [hbm4b:s8+s2], $0x80, v3, vm0, $0xb8;
	[tilespmem:$0x18080] =	vst v63  }
0x2c: {  	v3 =	vld [tilespmem:$0x10];
	_ =	sdelay $0x4  }
0x2d: {  	v4 =	vshll.u32 v3, $0x3  }
0x2e: {  	v3 =	vand.u32 $0x7, v3;
	v4 =	vand.u32 $0xFFFFFFC0, v4  }
0x2f: {  	v3 =	vor.u32 v3, v4  }
0x30: {  	v4 =	vperm.xlane v3, v0;
	_ =	sdelay $0x1  }
0x31: {  	v4 =	vadd.s32 v1, v4;
	_ =	sdelay $0x3  }
0x32: {  	s15 =	simm.s32 $0x4080  }
0x33: {  	[tilespmem:s15], [sflag:$0x1] =	stream.indirect_vreg.gather [hbm4b:s3+s2], $0x80, v4, vm0, $0xb8;
	[tilespmem:$0x18080] =	vst v63  }
0x34: {  	s16 =	simm.s32 $0x4880;
	v3 =	vperm.xlane v3, v2  }
0x35: {  	[tilespmem:s16], [sflag:$0x1] =	stream.indirect_vreg.gather [hbm4b:s5+s2], $0x80, v4, vm0, $0xb8;
	[tilespmem:$0x18080] =	vst v63  }
0x36: {  	s17 =	simm.s32 $0x5080;
	v3 =	vadd.s32 v1, v3  }
0x37: {  	[tilespmem:s17], [sflag:$0x1] =	stream.indirect_vreg.gather [hbm4b:s6+s2], $0x80, v4, vm0, $0xb8;
	[tilespmem:$0x18080] =	vst v63  }
0x38: {  	s18 =	simm.s32 $0x5880  }
0x39: {  	[tilespmem:s18], [sflag:$0x1] =	stream.indirect_vreg.gather [hbm4b:s8+s2], $0x80, v4, vm0, $0xb8;
	[tilespmem:$0x18080] =	vst v63  }
0x3a: {  	s1 =	simm.s32 $0x6080  }
0x3b: {  	[tilespmem:s1], [sflag:$0x1] =	stream.indirect_vreg.gather [hbm4b:s3+s2], $0x80, v3, vm0, $0xb8;
	[tilespmem:$0x18080] =	vst v63  }
0x3c: {  	s11 =	simm.s32 $0x6880  }
0x3d: {  	[tilespmem:s11], [sflag:$0x1] =	stream.indirect_vreg.gather [hbm4b:s5+s2], $0x80, v3, vm0, $0xb8;
	[tilespmem:$0x18080] =	vst v63  }
0x3e: {  	s12 =	simm.s32 $0x7080  }
0x3f: {  	[tilespmem:s12], [sflag:$0x1] =	stream.indirect_vreg.gather [hbm4b:s6+s2], $0x80, v3, vm0, $0xb8;
	[tilespmem:$0x18080] =	vst v63  }
0x40: {  	s14 =	simm.s32 $0x7880  }
0x41: {  	[tilespmem:s14], [sflag:$0x1] =	stream.indirect_vreg.gather [hbm4b:s8+s2], $0x80, v3, vm0, $0xb8;
	[tilespmem:$0x18080] =	vst v63  }
0x42: {  	v3 =	vld [tilespmem:$0x20];
	_ =	sdelay $0x4  }
0x43: {  	v4 =	vshll.u32 v3, $0x3  }
0x44: {  	v3 =	vand.u32 $0x7, v3;
	v4 =	vand.u32 $0xFFFFFFC0, v4  }
0x45: {  	v3 =	vor.u32 v3, v4  }
0x46: {  	v4 =	vperm.xlane v3, v0;
	_ =	sdelay $0x1  }
0x47: {  	v4 =	vadd.s32 v1, v4;
	_ =	sdelay $0x3  }
0x48: {  	s15 =	simm.s32 $0x8080  }
0x49: {  	[tilespmem:s15], [sflag:$0x2] =	stream.indirect_vreg.gather [hbm4b:s3+s2], $0x80, v4, vm0, $0xb8;
	[tilespmem:$0x18080] =	vst v63  }
0x4a: {  	s16 =	simm.s32 $0x8880;
	v3 =	vperm.xlane v3, v2  }
0x4b: {  	[tilespmem:s16], [sflag:$0x2] =	stream.indirect_vreg.gather [hbm4b:s5+s2], $0x80, v4, vm0, $0xb8;
	[tilespmem:$0x18080] =	vst v63  }
0x4c: {  	s17 =	simm.s32 $0x9080;
	v3 =	vadd.s32 v1, v3  }
0x4d: {  	[tilespmem:s17], [sflag:$0x2] =	stream.indirect_vreg.gather [hbm4b:s6+s2], $0x80, v4, vm0, $0xb8;
	[tilespmem:$0x18080] =	vst v63  }
0x4e: {  	s18 =	simm.s32 $0x9880  }
0x4f: {  	[tilespmem:s18], [sflag:$0x2] =	stream.indirect_vreg.gather [hbm4b:s8+s2], $0x80, v4, vm0, $0xb8;
	[tilespmem:$0x18080] =	vst v63  }
0x50: {  	s1 =	simm.s32 $0xA080  }
0x51: {  	[tilespmem:s1], [sflag:$0x2] =	stream.indirect_vreg.gather [hbm4b:s3+s2], $0x80, v3, vm0, $0xb8;
	[tilespmem:$0x18080] =	vst v63  }
0x52: {  	s11 =	simm.s32 $0xA880  }
0x53: {  	[tilespmem:s11], [sflag:$0x2] =	stream.indirect_vreg.gather [hbm4b:s5+s2], $0x80, v3, vm0, $0xb8;
	[tilespmem:$0x18080] =	vst v63  }
0x54: {  	s12 =	simm.s32 $0xB080  }
0x55: {  	[tilespmem:s12], [sflag:$0x2] =	stream.indirect_vreg.gather [hbm4b:s6+s2], $0x80, v3, vm0, $0xb8;
	[tilespmem:$0x18080] =	vst v63  }
0x56: {  	s14 =	simm.s32 $0xB880  }
0x57: {  	[tilespmem:s14], [sflag:$0x2] =	stream.indirect_vreg.gather [hbm4b:s8+s2], $0x80, v3, vm0, $0xb8;
	[tilespmem:$0x18080] =	vst v63  }
0x58: {  	v3 =	vld [tilespmem:$0x30];
	_ =	sdelay $0x4  }
0x59: {  	v4 =	vshll.u32 v3, $0x3  }
0x5a: {  	v3 =	vand.u32 $0x7, v3;
	v4 =	vand.u32 $0xFFFFFFC0, v4  }
0x5b: {  	v3 =	vor.u32 v3, v4  }
0x5c: {  	v4 =	vperm.xlane v3, v0;
	_ =	sdelay $0x1  }
0x5d: {  	v4 =	vadd.s32 v1, v4;
	_ =	sdelay $0x4  }
0x5e: {  	[tilespmem:s19], [sflag:$0x2] =	stream.indirect_vreg.gather [hbm4b:s3+s2], $0x80, v4, vm0, $0xb8;
	[tilespmem:$0x18080] =	vst v63  }
0x5f: {  	v3 =	vperm.xlane v3, v2  }
0x60: {  	[tilespmem:s20], [sflag:$0x2] =	stream.indirect_vreg.gather [hbm4b:s5+s2], $0x80, v4, vm0, $0xb8;
	[tilespmem:$0x18080] =	vst v63  }
0x61: {  	v3 =	vadd.s32 v1, v3  }
0x62: {  	[tilespmem:s21], [sflag:$0x2] =	stream.indirect_vreg.gather [hbm4b:s6+s2], $0x80, v4, vm0, $0xb8;
	[tilespmem:$0x18080] =	vst v63  }
0x63: {  	_ = 	snop  }
0x64: {  	[tilespmem:s22], [sflag:$0x2] =	stream.indirect_vreg.gather [hbm4b:s8+s2], $0x80, v4, vm0, $0xb8;
	[tilespmem:$0x18080] =	vst v63  }
0x65: {  	_ = 	snop  }
0x66: {  	[tilespmem:s4], [sflag:$0x2] =	stream.indirect_vreg.gather [hbm4b:s3+s2], $0x80, v3, vm0, $0xb8;
	[tilespmem:$0x18080] =	vst v63  }
0x67: {  	_ = 	snop  }
0x68: {  	[tilespmem:s23], [sflag:$0x2] =	stream.indirect_vreg.gather [hbm4b:s5+s2], $0x80, v3, vm0, $0xb8;
	[tilespmem:$0x18080] =	vst v63  }
0x69: {  	_ = 	snop  }
0x6a: {  	[tilespmem:s24], [sflag:$0x2] =	stream.indirect_vreg.gather [hbm4b:s6+s2], $0x80, v3, vm0, $0xb8;
	[tilespmem:$0x18080] =	vst v63  }
0x6b: {  	_ = 	snop  }
0x6c: {  	[tilespmem:s25], [sflag:$0x2] =	stream.indirect_vreg.gather [hbm4b:s8+s2], $0x80, v3, vm0, $0xb8;
	[tilespmem:$0x18080] =	vst v63  }
0x6d: {  	_ =	swait.ge [sflag:s26], $0x8000  }
0x6e: {  	s15 =	sand.u32 $0x70, s2;
	s1 =	sand.u32 $0x1C00, s2;
	[sflag:s26] =	ssyncset.done $0x0  }
0x6f: {  	s11 =	sor.u32 s15, s1;
	[sflag:s26] =	ssyncadd.s32 $0xFFFF8000  }
0x70: {  	v3 =	vld [tilespmem:s11+$0x100]  }
0x71: {  	v4 =	vld [tilespmem:s11+$0x180]  }
0x72: {  	v5 =	vld [tilespmem:s11+$0x200]  }
0x73: {  	v6 =	vld [tilespmem:s11+$0x280]  }
0x74: {  	v7 =	vld [tilespmem:s11+$0x300]  }
0x75: {  	v8 =	vld [tilespmem:s11+$0x80]  }
0x76: {  	v9 =	vld [tilespmem:s11+$0x2100]  }
0x77: {  	v10 =	vld [tilespmem:s11+$0x2080]  }
0x78: {  	v11 =	vld [tilespmem:s11+$0x2200];
	v4 =	vadd.f32 v5, v4  }
0x79: {  	v5 =	vld [tilespmem:s11+$0x2300];
	v6 =	vadd.f32 v7, v6  }
0x7a: {  	v3 =	vadd.f32 v3, v8;
	[tilespmem:s11+$0x10100] =	vst v4;
	v4 =	vld [tilespmem:s11+$0x2180]  }
0x7b: {  	s16 =	sor.u32 s2, s2;
	[tilespmem:s11+$0x10180] =	vst v6;
	v6 =	vld [tilespmem:s11+$0x2280]  }
0x7c: {  	s17 =	sor.u32 $0x380, s16;
	[tilespmem:s11+$0x10080] =	vst v3;
	v3 =	vld [tilespmem:s11+$0x380]  }
0x7d: {  	v7 =	vld [tilespmem:s17+$0x80];
	_ =	sdelay $0x1  }
0x7e: {  	v4 =	vadd.f32 v11, v4  }
0x7f: {  	v5 =	vadd.f32 v5, v6  }
0x80: {  	v6 =	vadd.f32 v9, v10;
	[tilespmem:s11+$0x10300] =	vst v4  }
0x81: {  	v3 =	vadd.f32 v7, v3;
	[tilespmem:s11+$0x10380] =	vst v5  }
0x82: {  	[tilespmem:s11+$0x10280] =	vst v6  }
0x83: {  	s15 =	sor.u32 $0x2380, s16;
	[tilespmem:s11+$0x10200] =	vst v3;
	v3 =	vld [tilespmem:s11+$0x2380]  }
0x84: {  	v4 =	vld [tilespmem:s15+$0x80];
	_ =	sdelay $0x4  }
0x85: {  	v3 =	vadd.f32 v4, v3;
	_ =	sdelay $0x1  }
0x86: {  	[tilespmem:s17+$0x10080] =	vst v3  }
0x87: {  	v3 =	vld [tilespmem:s11+$0x4080]  }
0x88: {  	v4 =	vld [tilespmem:s11+$0x4100]  }
0x89: {  	v5 =	vld [tilespmem:s11+$0x4180]  }
0x8a: {  	v6 =	vld [tilespmem:s11+$0x4200]  }
0x8b: {  	v7 =	vld [tilespmem:s11+$0x4280]  }
0x8c: {  	v8 =	vld [tilespmem:s11+$0x6200]  }
0x8d: {  	v3 =	vadd.f32 v4, v3;
	v4 =	vld [tilespmem:s11+$0x6180]  }
0x8e: {  	v60 =	vld [tilespmem:s11+$0x6100]  }
0x8f: {  	[tilespmem:s11+$0x12080] =	vst v3;
	v3 =	vadd.f32 v6, v5;
	v5 =	vld [tilespmem:s11+$0x6080]  }
0x90: {  	v6 =	vld [tilespmem:s11+$0x4300]  }
0x91: {  	v61 =	vld [tilespmem:s11+$0x6280]  }
0x92: {  	v62 =	vld [tilespmem:s11+$0x6300];
	v8 =	vadd.f32 v8, v4  }
0x93: {  	[tilespmem:s11+$0x12100] =	vst v3;
	v3 =	vld [tilespmem:s11+$0x6380]  }
0x94: {  	v4 =	vld [tilespmem:s11+$0x4400];
	[tilespmem:s11+$0x12300] =	vst v8;
	v8 =	vadd.f32 v60, v5  }
0x95: {  	s18 =	simm.s32 $0x10;
	s1 =	simm.s32 $0x80;
	v5 =	vld [tilespmem:s11+$0x4380];
	v63 =	vadd.f32 v6, v7  }
0x96: {  	s12 =	sand.u32 $0x70, s18;
	s14 =	sand.u32 $0x1C00, s1;
	v6 =	vld [tilespmem:s11+$0x6400];
	[tilespmem:s11+$0x12280] =	vst v8  }
0x97: {  	s0 =	sor.u32 s18, s1;
	s12 =	sor.u32 s12, s14;
	s14 =	simm.s32 $0x20;
	v7 =	vadd.f32 v62, v61;
	[tilespmem:s11+$0x12180] =	vst v63  }
.LBB2_2:
0x98: {  	p0 =	sne.s32 s14, $0x3F0  }
0x99: {  	s1 =	sadd.s32 $0x80, s1;
	[tilespmem:s11+$0x12380] =	vst v7;
	s17 =	smov.u32 s14;
	s14 =	sadd.s32 $0x10, s14  }
0x9a: {  	s16 =	sor.u32 s17, s1;
	v4 =	vadd.f32 v4, v5  }
0x9b: {  	v3 =	vadd.f32 v6, v3  }
0x9c: {  	[tilespmem:s11+$0x12200] =	vst v4;
	s11 =	smov.u32 s12  }
0x9d: {  	[tilespmem:s15+$0x10080] =	vst v3  }
0x9e: {  	v3 =	vld [tilespmem:s11+$0x100]  }
0x9f: {  	v4 =	vld [tilespmem:s11+$0x180]  }
0xa0: {  	v5 =	vld [tilespmem:s11+$0x200]  }
0xa1: {  	v6 =	vld [tilespmem:s11+$0x280]  }
0xa2: {  	v7 =	vld [tilespmem:s11+$0x300]  }
0xa3: {  	v8 =	vld [tilespmem:s11+$0x80]  }
0xa4: {  	v9 =	vld [tilespmem:s11+$0x2100]  }
0xa5: {  	v10 =	vld [tilespmem:s11+$0x2080]  }
0xa6: {  	v4 =	vadd.f32 v5, v4;
	v5 =	vld [tilespmem:s11+$0x2300]  }
0xa7: {  	v6 =	vadd.f32 v7, v6;
	v7 =	vld [tilespmem:s11+$0x2200]  }
0xa8: {  	v3 =	vadd.f32 v3, v8;
	[tilespmem:s11+$0x10100] =	vst v4;
	v4 =	vld [tilespmem:s11+$0x2180]  }
0xa9: {  	[tilespmem:s11+$0x10180] =	vst v6;
	v6 =	vld [tilespmem:s11+$0x2280]  }
0xaa: {  	s18 =	sor.u32 $0x380, s0;
	[tilespmem:s11+$0x10080] =	vst v3;
	v3 =	vld [tilespmem:s11+$0x380]  }
0xab: {  	s12 =	sand.u32 $0x70, s17;
	s15 =	sand.u32 $0x1C00, s1;
	v8 =	vld [tilespmem:s18+$0x80]  }
0xac: {  	s12 =	sor.u32 s12, s15  }
0xad: {  	v4 =	vadd.f32 v7, v4  }
0xae: {  	v5 =	vadd.f32 v5, v6  }
0xaf: {  	v6 =	vadd.f32 v9, v10;
	[tilespmem:s11+$0x10300] =	vst v4  }
0xb0: {  	v3 =	vadd.f32 v8, v3;
	[tilespmem:s11+$0x10380] =	vst v5  }
0xb1: {  	[tilespmem:s11+$0x10280] =	vst v6  }
0xb2: {  	s15 =	sor.u32 $0x2380, s0;
	s0 =	smov.u32 s16;
	[tilespmem:s11+$0x10200] =	vst v3;
	v3 =	vld [tilespmem:s11+$0x2380]  }
0xb3: {  	v4 =	vld [tilespmem:s15+$0x80];
	_ =	sdelay $0x4  }
0xb4: {  	v3 =	vadd.f32 v4, v3;
	_ =	sdelay $0x1  }
0xb5: {  	[tilespmem:s18+$0x10080] =	vst v3  }
0xb6: {  	v3 =	vld [tilespmem:s11+$0x4080]  }
0xb7: {  	v4 =	vld [tilespmem:s11+$0x4100]  }
0xb8: {  	v5 =	vld [tilespmem:s11+$0x4180]  }
0xb9: {  	v6 =	vld [tilespmem:s11+$0x4200]  }
0xba: {  	v7 =	vld [tilespmem:s11+$0x4280]  }
0xbb: {  	v8 =	vld [tilespmem:s11+$0x6200]  }
0xbc: {  	v3 =	vadd.f32 v4, v3;
	v4 =	vld [tilespmem:s11+$0x6180]  }
0xbd: {  	v9 =	vld [tilespmem:s11+$0x6100]  }
0xbe: {  	[tilespmem:s11+$0x12080] =	vst v3;
	v3 =	vadd.f32 v6, v5;
	v5 =	vld [tilespmem:s11+$0x6080]  }
0xbf: {  	v6 =	vld [tilespmem:s11+$0x4300]  }
0xc0: {  	[tilespmem:s11+$0x12100] =	vst v3;
	v10 =	vld [tilespmem:s11+$0x6280]  }
0xc1: {  	v8 =	vadd.f32 v8, v4;
	v11 =	vld [tilespmem:s11+$0x6300]  }
0xc2: {  	v3 =	vld [tilespmem:s11+$0x6380]  }
.Ltmp0:
0xc3: {  	v4 =	vld [tilespmem:s11+$0x4400];
	v9 =	vadd.f32 v9, v5;
	[tilespmem:s11+$0x12300] =	vst v8;
	(pc) =	sbr.rel @p0 .LBB2_2-.Ltmp0, $4  }
0xc4: {  	v8 =	vadd.f32 v6, v7;
	v5 =	vld [tilespmem:s11+$0x4380]  }
0xc5: {  	v6 =	vld [tilespmem:s11+$0x6400]  }
0xc6: {  	[tilespmem:s11+$0x12280] =	vst v9;
	v7 =	vadd.f32 v11, v10  }
0xc7: {  	[tilespmem:s11+$0x12180] =	vst v8  }
0xc8: {  	_ = 	snop  }
0xc9: {  	v4 =	vadd.f32 v4, v5  }
0xca: {  	[tilespmem:s11+$0x12380] =	vst v7;
	v3 =	vadd.f32 v6, v3  }
0xcb: {  	[tilespmem:s11+$0x12200] =	vst v4  }
0xcc: {  	[tilespmem:s15+$0x10080] =	vst v3  }
0xcd: {  	v3 =	vld [tilespmem:s12+$0x100]  }
0xce: {  	v4 =	vld [tilespmem:s12+$0x180]  }
0xcf: {  	v5 =	vld [tilespmem:s12+$0x200]  }
0xd0: {  	v6 =	vld [tilespmem:s12+$0x280]  }
0xd1: {  	v7 =	vld [tilespmem:s12+$0x300]  }
0xd2: {  	v8 =	vld [tilespmem:s12+$0x80]  }
0xd3: {  	v9 =	vld [tilespmem:s12+$0x2100]  }
0xd4: {  	v10 =	vld [tilespmem:s12+$0x2080]  }
0xd5: {  	v11 =	vld [tilespmem:s12+$0x2200];
	v4 =	vadd.f32 v5, v4  }
0xd6: {  	v5 =	vld [tilespmem:s12+$0x2300];
	v6 =	vadd.f32 v7, v6  }
0xd7: {  	v3 =	vadd.f32 v3, v8;
	[tilespmem:s12+$0x10100] =	vst v4;
	v4 =	vld [tilespmem:s12+$0x2180]  }
0xd8: {  	[tilespmem:s12+$0x10180] =	vst v6;
	v6 =	vld [tilespmem:s12+$0x2280]  }
0xd9: {  	s1 =	sor.u32 $0x380, s0;
	[tilespmem:s12+$0x10080] =	vst v3;
	v3 =	vld [tilespmem:s12+$0x380]  }
0xda: {  	v7 =	vld [tilespmem:s1+$0x80];
	_ =	sdelay $0x1  }
0xdb: {  	v4 =	vadd.f32 v11, v4  }
0xdc: {  	v5 =	vadd.f32 v5, v6  }
0xdd: {  	v6 =	vadd.f32 v9, v10;
	[tilespmem:s12+$0x10300] =	vst v4  }
0xde: {  	v3 =	vadd.f32 v7, v3;
	[tilespmem:s12+$0x10380] =	vst v5  }
0xdf: {  	[tilespmem:s12+$0x10280] =	vst v6  }
0xe0: {  	s11 =	sor.u32 $0x2380, s0;
	[tilespmem:s12+$0x10200] =	vst v3;
	v3 =	vld [tilespmem:s12+$0x2380]  }
0xe1: {  	v4 =	vld [tilespmem:s11+$0x80];
	_ =	sdelay $0x4  }
0xe2: {  	v3 =	vadd.f32 v4, v3;
	_ =	sdelay $0x1  }
0xe3: {  	[tilespmem:s1+$0x10080] =	vst v3  }
0xe4: {  	v3 =	vld [tilespmem:s12+$0x4080]  }
0xe5: {  	v4 =	vld [tilespmem:s12+$0x4100]  }
0xe6: {  	v5 =	vld [tilespmem:s12+$0x4180]  }
0xe7: {  	v6 =	vld [tilespmem:s12+$0x4200]  }
0xe8: {  	v7 =	vld [tilespmem:s12+$0x4280]  }
0xe9: {  	v8 =	vld [tilespmem:s12+$0x6200]  }
0xea: {  	v9 =	vld [tilespmem:s12+$0x6100]  }
0xeb: {  	v3 =	vadd.f32 v4, v3;
	v4 =	vld [tilespmem:s12+$0x6180]  }
0xec: {  	v10 =	vld [tilespmem:s12+$0x6300]  }
0xed: {  	v11 =	vld [tilespmem:s12+$0x4400]  }
0xee: {  	v12 =	vld [tilespmem:s12+$0x6400]  }
0xef: {  	[tilespmem:s12+$0x12080] =	vst v3;
	v3 =	vadd.f32 v6, v5;
	v5 =	vld [tilespmem:s12+$0x6080]  }
0xf0: {  	v6 =	vld [tilespmem:s12+$0x4300];
	v4 =	vadd.f32 v8, v4  }
0xf1: {  	[tilespmem:s12+$0x12100] =	vst v3;
	v3 =	vld [tilespmem:s12+$0x6280]  }
0xf2: {  	[tilespmem:s12+$0x12300] =	vst v4;
	v4 =	vld [tilespmem:s12+$0x4380]  }
0xf3: {  	v8 =	vld [tilespmem:s12+$0x6380]  }
0xf4: {  	v5 =	vadd.f32 v9, v5  }
0xf5: {  	v6 =	vadd.f32 v6, v7  }
0xf6: {  	[tilespmem:s12+$0x12280] =	vst v5;
	v3 =	vadd.f32 v10, v3  }
0xf7: {  	[tilespmem:s12+$0x12180] =	vst v6;
	v4 =	vadd.f32 v11, v4  }
0xf8: {  	[tilespmem:s12+$0x12380] =	vst v3;
	v3 =	vadd.f32 v12, v8  }
0xf9: {  	[tilespmem:s12+$0x12200] =	vst v4  }
0xfa: {  	s0 =	simm.s32 $0x0;
	[tilespmem:s11+$0x10080] =	vst v3  }
0xfb: {  	[hbm4b:s7+s0] =	stream.linear.scatter [tilespmem:s28], [sflag:$0x3], $0x4000, $0x38;
	[tilespmem:$0x18080] =	vst v63  }
0xfc: {  	v3 =	vld [tilespmem:$0x40];
	_ =	sdelay $0x4  }
0xfd: {  	v4 =	vshll.u32 v3, $0x3  }
0xfe: {  	v3 =	vand.u32 $0x7, v3;
	v4 =	vand.u32 $0xFFFFFFC0, v4  }
0xff: {  	v3 =	vor.u32 v3, v4  }
0x100: {  	v4 =	vperm.xlane v3, v0;
	_ =	sdelay $0x1  }
0x101: {  	v4 =	vadd.s32 v1, v4;
	_ =	sdelay $0x3  }
0x102: {  	s14 =	simm.s32 $0x80  }
0x103: {  	[tilespmem:s14], [sflag:$0x1] =	stream.indirect_vreg.gather [hbm4b:s3+s0], $0x80, v4, vm0, $0xb8;
	[tilespmem:$0x18080] =	vst v63  }
0x104: {  	s15 =	simm.s32 $0x880;
	v3 =	vperm.xlane v3, v2  }
0x105: {  	[tilespmem:s15], [sflag:$0x1] =	stream.indirect_vreg.gather [hbm4b:s5+s0], $0x80, v4, vm0, $0xb8;
	[tilespmem:$0x18080] =	vst v63  }
0x106: {  	s16 =	simm.s32 $0x1080;
	v3 =	vadd.s32 v1, v3  }
0x107: {  	[tilespmem:s16], [sflag:$0x1] =	stream.indirect_vreg.gather [hbm4b:s6+s0], $0x80, v4, vm0, $0xb8;
	[tilespmem:$0x18080] =	vst v63  }
0x108: {  	s17 =	simm.s32 $0x1880  }
0x109: {  	[tilespmem:s17], [sflag:$0x1] =	stream.indirect_vreg.gather [hbm4b:s8+s0], $0x80, v4, vm0, $0xb8;
	[tilespmem:$0x18080] =	vst v63  }
0x10a: {  	s18 =	simm.s32 $0x2080  }
0x10b: {  	[tilespmem:s18], [sflag:$0x1] =	stream.indirect_vreg.gather [hbm4b:s3+s0], $0x80, v3, vm0, $0xb8;
	[tilespmem:$0x18080] =	vst v63  }
0x10c: {  	s11 =	simm.s32 $0x2880  }
0x10d: {  	[tilespmem:s11], [sflag:$0x1] =	stream.indirect_vreg.gather [hbm4b:s5+s0], $0x80, v3, vm0, $0xb8;
	[tilespmem:$0x18080] =	vst v63  }
0x10e: {  	s12 =	simm.s32 $0x3080  }
0x10f: {  	[tilespmem:s12], [sflag:$0x1] =	stream.indirect_vreg.gather [hbm4b:s6+s0], $0x80, v3, vm0, $0xb8;
	[tilespmem:$0x18080] =	vst v63  }
0x110: {  	s14 =	simm.s32 $0x3880  }
0x111: {  	[tilespmem:s14], [sflag:$0x1] =	stream.indirect_vreg.gather [hbm4b:s8+s0], $0x80, v3, vm0, $0xb8;
	[tilespmem:$0x18080] =	vst v63  }
0x112: {  	v3 =	vld [tilespmem:$0x50];
	_ =	sdelay $0x4  }
0x113: {  	v4 =	vshll.u32 v3, $0x3  }
0x114: {  	v3 =	vand.u32 $0x7, v3;
	v4 =	vand.u32 $0xFFFFFFC0, v4  }
0x115: {  	v3 =	vor.u32 v3, v4  }
0x116: {  	v4 =	vperm.xlane v3, v0;
	_ =	sdelay $0x1  }
0x117: {  	v4 =	vadd.s32 v1, v4;
	_ =	sdelay $0x3  }
0x118: {  	s15 =	simm.s32 $0x4080  }
0x119: {  	[tilespmem:s15], [sflag:$0x1] =	stream.indirect_vreg.gather [hbm4b:s3+s0], $0x80, v4, vm0, $0xb8;
	[tilespmem:$0x18080] =	vst v63  }
0x11a: {  	s16 =	simm.s32 $0x4880;
	v3 =	vperm.xlane v3, v2  }
0x11b: {  	[tilespmem:s16], [sflag:$0x1] =	stream.indirect_vreg.gather [hbm4b:s5+s0], $0x80, v4, vm0, $0xb8;
	[tilespmem:$0x18080] =	vst v63  }
0x11c: {  	s17 =	simm.s32 $0x5080;
	v3 =	vadd.s32 v1, v3  }
0x11d: {  	[tilespmem:s17], [sflag:$0x1] =	stream.indirect_vreg.gather [hbm4b:s6+s0], $0x80, v4, vm0, $0xb8;
	[tilespmem:$0x18080] =	vst v63  }
0x11e: {  	s18 =	simm.s32 $0x5880  }
0x11f: {  	[tilespmem:s18], [sflag:$0x1] =	stream.indirect_vreg.gather [hbm4b:s8+s0], $0x80, v4, vm0, $0xb8;
	[tilespmem:$0x18080] =	vst v63  }
0x120: {  	s11 =	simm.s32 $0x6080  }
0x121: {  	[tilespmem:s11], [sflag:$0x1] =	stream.indirect_vreg.gather [hbm4b:s3+s0], $0x80, v3, vm0, $0xb8;
	[tilespmem:$0x18080] =	vst v63  }
0x122: {  	s12 =	simm.s32 $0x6880  }
0x123: {  	[tilespmem:s12], [sflag:$0x1] =	stream.indirect_vreg.gather [hbm4b:s5+s0], $0x80, v3, vm0, $0xb8;
	[tilespmem:$0x18080] =	vst v63  }
0x124: {  	s14 =	simm.s32 $0x7080  }
0x125: {  	[tilespmem:s14], [sflag:$0x1] =	stream.indirect_vreg.gather [hbm4b:s6+s0], $0x80, v3, vm0, $0xb8;
	[tilespmem:$0x18080] =	vst v63  }
0x126: {  	s15 =	simm.s32 $0x7880  }
0x127: {  	[tilespmem:s15], [sflag:$0x1] =	stream.indirect_vreg.gather [hbm4b:s8+s0], $0x80, v3, vm0, $0xb8;
	[tilespmem:$0x18080] =	vst v63  }
0x128: {  	_ =	swait.ge [sflag:s29], $0x8000  }
0x129: {  	s16 =	sand.u32 $0x70, s0;
	s0 =	sand.u32 $0x1C00, s0;
	[sflag:s29] =	ssyncset.done $0x0  }
0x12a: {  	s11 =	sor.u32 s16, s0;
	[sflag:s29] =	ssyncadd.s32 $0xFFFF8000  }
0x12b: {  	v3 =	vld [tilespmem:s11+$0xE380]  }
0x12c: {  	v4 =	vld [tilespmem:s11+$0xE400]  }
0x12d: {  	v5 =	vld [tilespmem:s11+$0x8080]  }
0x12e: {  	v6 =	vld [tilespmem:s11+$0x8100]  }
0x12f: {  	v7 =	vld [tilespmem:s11+$0x8180]  }
0x130: {  	v8 =	vld [tilespmem:s11+$0x8200]  }
0x131: {  	v9 =	vld [tilespmem:s11+$0x8280]  }
0x132: {  	v10 =	vld [tilespmem:s11+$0x8380];
	v3 =	vadd.f32 v4, v3  }
0x133: {  	v4 =	vld [tilespmem:s11+$0x8300]  }
0x134: {  	v5 =	vadd.f32 v6, v5;
	[tilespmem:s11+$0x16400] =	vst v3;
	v3 =	vld [tilespmem:s11+$0x8400]  }
0x135: {  	v6 =	vld [tilespmem:s11+$0xA080]  }
0x136: {  	[tilespmem:s11+$0x14080] =	vst v5;
	v5 =	vadd.f32 v8, v7;
	v7 =	vld [tilespmem:s11+$0xA100]  }
0x137: {  	v8 =	vld [tilespmem:s11+$0xA200]  }
0x138: {  	[tilespmem:s11+$0x14100] =	vst v5;
	v5 =	vld [tilespmem:s11+$0xA180];
	v4 =	vadd.f32 v4, v9  }
0x139: {  	v9 =	vld [tilespmem:s11+$0xA300];
	v3 =	vadd.f32 v3, v10  }
0x13a: {  	[tilespmem:s11+$0x14180] =	vst v4;
	v4 =	vld [tilespmem:s11+$0xA280]  }
0x13b: {  	[tilespmem:s11+$0x14200] =	vst v3;
	v3 =	vadd.f32 v7, v6;
	v6 =	vld [tilespmem:s11+$0xA380]  }
0x13c: {  	v7 =	vld [tilespmem:s11+$0xA400]  }
0x13d: {  	[tilespmem:s11+$0x14280] =	vst v3;
	v3 =	vadd.f32 v8, v5;
	v5 =	vld [tilespmem:s11+$0xC080]  }
0x13e: {  	v8 =	vld [tilespmem:s11+$0xC100]  }
0x13f: {  	[tilespmem:s11+$0x14300] =	vst v3;
	v3 =	vadd.f32 v9, v4;
	v4 =	vld [tilespmem:s11+$0xC180]  }
0x140: {  	v9 =	vld [tilespmem:s11+$0xC200]  }
0x141: {  	[tilespmem:s11+$0x14380] =	vst v3;
	v3 =	vadd.f32 v7, v6;
	v6 =	vld [tilespmem:s11+$0xC280]  }
0x142: {  	v7 =	vld [tilespmem:s11+$0xC300]  }
0x143: {  	v10 =	vld [tilespmem:s11+$0xC400]  }
0x144: {  	[tilespmem:s11+$0x14400] =	vst v3;
	v3 =	vadd.f32 v8, v5;
	v8 =	vld [tilespmem:s11+$0xC380]  }
0x145: {  	v5 =	vld [tilespmem:s11+$0xE100];
	v4 =	vadd.f32 v9, v4  }
0x146: {  	[tilespmem:s11+$0x16080] =	vst v3;
	v3 =	vld [tilespmem:s11+$0xE080]  }
0x147: {  	[tilespmem:s11+$0x16100] =	vst v4;
	v7 =	vadd.f32 v7, v6;
	v4 =	vld [tilespmem:s11+$0xE180]  }
0x148: {  	s17 =	simm.s32 $0x10;
	s0 =	simm.s32 $0x80;
	v6 =	vld [tilespmem:s11+$0xE200]  }
0x149: {  	s1 =	sand.u32 $0x70, s17;
	s18 =	sand.u32 $0x1C00, s0;
	[tilespmem:s11+$0x16180] =	vst v7;
	v7 =	vld [tilespmem:s11+$0xE280];
	v9 =	vadd.f32 v10, v8  }
0x14a: {  	s12 =	sor.u32 s1, s18;
	s1 =	simm.s32 $0x20;
	v8 =	vld [tilespmem:s11+$0xE300]  }
.LBB2_4:
0x14b: {  	p0 =	sne.s32 s1, $0x3F0;
	v10 =	vld [tilespmem:s12+$0xE380];
	[tilespmem:s11+$0x16200] =	vst v9;
	v3 =	vadd.f32 v5, v3  }
0x14c: {  	v5 =	vld [tilespmem:s12+$0xE400]  }
0x14d: {  	v9 =	vld [tilespmem:s12+$0x8080];
	[tilespmem:s11+$0x16280] =	vst v3;
	v3 =	vadd.f32 v6, v4  }
0x14e: {  	v4 =	vld [tilespmem:s12+$0x8100]  }
0x14f: {  	v6 =	vld [tilespmem:s12+$0x8180];
	[tilespmem:s11+$0x16300] =	vst v3;
	v3 =	vadd.f32 v8, v7  }
0x150: {  	v7 =	vld [tilespmem:s12+$0x8200]  }
0x151: {  	v8 =	vld [tilespmem:s12+$0x8280];
	v5 =	vadd.f32 v5, v10;
	[tilespmem:s11+$0x16380] =	vst v3;
	s11 =	smov.u32 s12  }
0x152: {  	v3 =	vld [tilespmem:s11+$0x8300]  }
0x153: {  	v4 =	vadd.f32 v4, v9;
	v9 =	vld [tilespmem:s11+$0x8380];
	[tilespmem:s11+$0x16400] =	vst v5  }
0x154: {  	v5 =	vld [tilespmem:s11+$0x8400]  }
0x155: {  	[tilespmem:s11+$0x14080] =	vst v4;
	v4 =	vadd.f32 v7, v6;
	v6 =	vld [tilespmem:s11+$0xA080]  }
0x156: {  	v7 =	vld [tilespmem:s11+$0xA100]  }
0x157: {  	[tilespmem:s11+$0x14100] =	vst v4;
	v3 =	vadd.f32 v3, v8;
	v4 =	vld [tilespmem:s11+$0xA180]  }
0x158: {  	v8 =	vld [tilespmem:s11+$0xA200]  }
0x159: {  	[tilespmem:s11+$0x14180] =	vst v3;
	v3 =	vadd.f32 v5, v9;
	v5 =	vld [tilespmem:s11+$0xA280]  }
0x15a: {  	v9 =	vld [tilespmem:s11+$0xA300]  }
0x15b: {  	[tilespmem:s11+$0x14200] =	vst v3;
	v3 =	vadd.f32 v7, v6;
	v6 =	vld [tilespmem:s11+$0xA380]  }
0x15c: {  	v7 =	vld [tilespmem:s11+$0xA400]  }
0x15d: {  	[tilespmem:s11+$0x14280] =	vst v3;
	v3 =	vadd.f32 v8, v4;
	v4 =	vld [tilespmem:s11+$0xC080]  }
0x15e: {  	v8 =	vld [tilespmem:s11+$0xC100]  }
0x15f: {  	[tilespmem:s11+$0x14300] =	vst v3;
	v3 =	vadd.f32 v9, v5;
	v5 =	vld [tilespmem:s11+$0xC180]  }
0x160: {  	v9 =	vld [tilespmem:s11+$0xC200]  }
0x161: {  	[tilespmem:s11+$0x14380] =	vst v3;
	v3 =	vadd.f32 v7, v6;
	v6 =	vld [tilespmem:s11+$0xC280]  }
0x162: {  	v7 =	vld [tilespmem:s11+$0xC300]  }
0x163: {  	[tilespmem:s11+$0x14400] =	vst v3;
	v3 =	vadd.f32 v8, v4;
	v8 =	vld [tilespmem:s11+$0xC380]  }
0x164: {  	v10 =	vld [tilespmem:s11+$0xC400]  }
0x165: {  	[tilespmem:s11+$0x16080] =	vst v3;
	v4 =	vadd.f32 v9, v5;
	v3 =	vld [tilespmem:s11+$0xE080]  }
.Ltmp1:
0x166: {  	v5 =	vld [tilespmem:s11+$0xE100];
	(pc) =	sbr.rel @p0 .LBB2_4-.Ltmp1, $4  }
0x167: {  	[tilespmem:s11+$0x16100] =	vst v4;
	v7 =	vadd.f32 v7, v6;
	v4 =	vld [tilespmem:s11+$0xE180]  }
0x168: {  	s0 =	sadd.s32 $0x80, s0;
	v6 =	vld [tilespmem:s11+$0xE200]  }
0x169: {  	s14 =	sand.u32 $0x1C00, s0;
	s12 =	sand.u32 $0x70, s1;
	[tilespmem:s11+$0x16180] =	vst v7;
	v9 =	vadd.f32 v10, v8;
	v7 =	vld [tilespmem:s11+$0xE280]  }
0x16a: {  	s1 =	sadd.s32 $0x10, s1;
	s12 =	sor.u32 s12, s14;
	v8 =	vld [tilespmem:s11+$0xE300]  }
0x16b: {  	v10 =	vld [tilespmem:s12+$0xE380];
	[tilespmem:s11+$0x16200] =	vst v9;
	v3 =	vadd.f32 v5, v3  }
0x16c: {  	v5 =	vld [tilespmem:s12+$0xE400]  }
0x16d: {  	v9 =	vld [tilespmem:s12+$0x8080];
	[tilespmem:s11+$0x16280] =	vst v3;
	v3 =	vadd.f32 v6, v4  }
0x16e: {  	v4 =	vld [tilespmem:s12+$0x8100]  }
0x16f: {  	v6 =	vld [tilespmem:s12+$0x8180];
	[tilespmem:s11+$0x16300] =	vst v3;
	v3 =	vadd.f32 v8, v7  }
0x170: {  	v7 =	vld [tilespmem:s12+$0x8200]  }
0x171: {  	v8 =	vld [tilespmem:s12+$0x8280];
	[tilespmem:s11+$0x16380] =	vst v3  }
0x172: {  	v3 =	vadd.f32 v5, v10;
	v5 =	vld [tilespmem:s12+$0x8300]  }
0x173: {  	v53 =	vld [tilespmem:s12+$0x8380]  }
0x174: {  	v54 =	vld [tilespmem:s12+$0xA300];
	v4 =	vadd.f32 v4, v9  }
0x175: {  	[tilespmem:s12+$0x16400] =	vst v3;
	v3 =	vld [tilespmem:s12+$0x8400]  }
0x176: {  	[tilespmem:s12+$0x14080] =	vst v4;
	v4 =	vadd.f32 v7, v6;
	v6 =	vld [tilespmem:s12+$0xA080]  }
0x177: {  	v7 =	vld [tilespmem:s12+$0xA100]  }
0x178: {  	[tilespmem:s12+$0x14100] =	vst v4;
	v4 =	vadd.f32 v5, v8;
	v5 =	vld [tilespmem:s12+$0xA180]  }
0x179: {  	v8 =	vld [tilespmem:s12+$0xA200]  }
0x17a: {  	v55 =	vld [tilespmem:s12+$0xC200];
	v3 =	vadd.f32 v3, v53  }
0x17b: {  	[tilespmem:s12+$0x14180] =	vst v4;
	v4 =	vld [tilespmem:s12+$0xA280]  }
0x17c: {  	[tilespmem:s12+$0x14200] =	vst v3;
	v3 =	vadd.f32 v7, v6;
	v6 =	vld [tilespmem:s12+$0xA380]  }
0x17d: {  	v7 =	vld [tilespmem:s12+$0xA400]  }
0x17e: {  	[tilespmem:s12+$0x14280] =	vst v3;
	v3 =	vadd.f32 v8, v5;
	v5 =	vld [tilespmem:s12+$0xC080]  }
0x17f: {  	v8 =	vld [tilespmem:s12+$0xC100]  }
0x180: {  	v56 =	vld [tilespmem:s12+$0xE100];
	[tilespmem:s12+$0x14300] =	vst v3;
	v3 =	vadd.f32 v54, v4  }
0x181: {  	v4 =	vld [tilespmem:s12+$0xC180]  }
0x182: {  	[tilespmem:s12+$0x14380] =	vst v3;
	v3 =	vadd.f32 v7, v6;
	v6 =	vld [tilespmem:s12+$0xC280]  }
0x183: {  	v7 =	vld [tilespmem:s12+$0xC300]  }
0x184: {  	v57 =	vld [tilespmem:s12+$0xE300];
	[tilespmem:s12+$0x14400] =	vst v3;
	v3 =	vadd.f32 v8, v5  }
0x185: {  	v5 =	vld [tilespmem:s12+$0xC380]  }
0x186: {  	v8 =	vld [tilespmem:s12+$0xC400];
	[tilespmem:s12+$0x16080] =	vst v3;
	v3 =	vadd.f32 v55, v4  }
0x187: {  	v4 =	vld [tilespmem:s12+$0xE080]  }
0x188: {  	[tilespmem:s12+$0x16100] =	vst v3;
	v3 =	vadd.f32 v7, v6;
	v6 =	vld [tilespmem:s12+$0xE180]  }
0x189: {  	v7 =	vld [tilespmem:s12+$0xE200]  }
0x18a: {  	[tilespmem:s12+$0x16180] =	vst v3;
	v3 =	vld [tilespmem:s12+$0xE280];
	_ =	sdelay $0x1  }
0x18b: {  	v5 =	vadd.f32 v8, v5  }
0x18c: {  	v4 =	vadd.f32 v56, v4  }
0x18d: {  	[tilespmem:s12+$0x16200] =	vst v5;
	v5 =	vadd.f32 v7, v6  }
0x18e: {  	[tilespmem:s12+$0x16280] =	vst v4;
	v3 =	vadd.f32 v57, v3  }
0x18f: {  	[tilespmem:s12+$0x16300] =	vst v5  }
0x190: {  	s0 =	simm.s32 $0x0;
	s1 =	rddreg [dreg:$0x4];
	[tilespmem:s12+$0x16380] =	vst v3  }
0x191: {  	[hbm4b:s1+s0] =	stream.linear.scatter [tilespmem:s9], [sflag:$0x4], $0x4000, $0x38;
	[tilespmem:$0x18080] =	vst v63  }
0x192: {  	v3 =	vld [tilespmem:$0x60];
	_ =	sdelay $0x4  }
0x193: {  	v4 =	vshll.u32 v3, $0x3  }
0x194: {  	v3 =	vand.u32 $0x7, v3;
	v4 =	vand.u32 $0xFFFFFFC0, v4  }
0x195: {  	v3 =	vor.u32 v3, v4  }
0x196: {  	v4 =	vperm.xlane v3, v0;
	_ =	sdelay $0x1  }
0x197: {  	v4 =	vadd.s32 v1, v4;
	_ =	sdelay $0x3  }
0x198: {  	s12 =	simm.s32 $0x8080  }
0x199: {  	[tilespmem:s12], [sflag:$0x2] =	stream.indirect_vreg.gather [hbm4b:s3+s0], $0x80, v4, vm0, $0xb8;
	[tilespmem:$0x18080] =	vst v63  }
0x19a: {  	s14 =	simm.s32 $0x8880;
	v3 =	vperm.xlane v3, v2  }
0x19b: {  	[tilespmem:s14], [sflag:$0x2] =	stream.indirect_vreg.gather [hbm4b:s5+s0], $0x80, v4, vm0, $0xb8;
	[tilespmem:$0x18080] =	vst v63  }
0x19c: {  	s15 =	simm.s32 $0x9080;
	v3 =	vadd.s32 v1, v3  }
0x19d: {  	[tilespmem:s15], [sflag:$0x2] =	stream.indirect_vreg.gather [hbm4b:s6+s0], $0x80, v4, vm0, $0xb8;
	[tilespmem:$0x18080] =	vst v63  }
0x19e: {  	s16 =	simm.s32 $0x9880  }
0x19f: {  	[tilespmem:s16], [sflag:$0x2] =	stream.indirect_vreg.gather [hbm4b:s8+s0], $0x80, v4, vm0, $0xb8;
	[tilespmem:$0x18080] =	vst v63  }
0x1a0: {  	s17 =	simm.s32 $0xA080  }
0x1a1: {  	[tilespmem:s17], [sflag:$0x2] =	stream.indirect_vreg.gather [hbm4b:s3+s0], $0x80, v3, vm0, $0xb8;
	[tilespmem:$0x18080] =	vst v63  }
0x1a2: {  	s18 =	simm.s32 $0xA880  }
0x1a3: {  	[tilespmem:s18], [sflag:$0x2] =	stream.indirect_vreg.gather [hbm4b:s5+s0], $0x80, v3, vm0, $0xb8;
	[tilespmem:$0x18080] =	vst v63  }
0x1a4: {  	s11 =	simm.s32 $0xB080  }
0x1a5: {  	[tilespmem:s11], [sflag:$0x2] =	stream.indirect_vreg.gather [hbm4b:s6+s0], $0x80, v3, vm0, $0xb8;
	[tilespmem:$0x18080] =	vst v63  }
0x1a6: {  	s12 =	simm.s32 $0xB880  }
0x1a7: {  	[tilespmem:s12], [sflag:$0x2] =	stream.indirect_vreg.gather [hbm4b:s8+s0], $0x80, v3, vm0, $0xb8;
	[tilespmem:$0x18080] =	vst v63  }
0x1a8: {  	v3 =	vld [tilespmem:$0x70];
	_ =	sdelay $0x4  }
0x1a9: {  	v4 =	vshll.u32 v3, $0x3  }
0x1aa: {  	v3 =	vand.u32 $0x7, v3;
	v4 =	vand.u32 $0xFFFFFFC0, v4  }
0x1ab: {  	v3 =	vor.u32 v3, v4  }
0x1ac: {  	v4 =	vperm.xlane v3, v0;
	_ =	sdelay $0x1  }
0x1ad: {  	v4 =	vadd.s32 v1, v4;
	_ =	sdelay $0x4  }
0x1ae: {  	[tilespmem:s19], [sflag:$0x2] =	stream.indirect_vreg.gather [hbm4b:s3+s0], $0x80, v4, vm0, $0xb8;
	[tilespmem:$0x18080] =	vst v63  }
0x1af: {  	v3 =	vperm.xlane v3, v2  }
0x1b0: {  	[tilespmem:s20], [sflag:$0x2] =	stream.indirect_vreg.gather [hbm4b:s5+s0], $0x80, v4, vm0, $0xb8;
	[tilespmem:$0x18080] =	vst v63  }
0x1b1: {  	v3 =	vadd.s32 v1, v3  }
0x1b2: {  	[tilespmem:s21], [sflag:$0x2] =	stream.indirect_vreg.gather [hbm4b:s6+s0], $0x80, v4, vm0, $0xb8;
	[tilespmem:$0x18080] =	vst v63  }
0x1b3: {  	_ = 	snop  }
0x1b4: {  	[tilespmem:s22], [sflag:$0x2] =	stream.indirect_vreg.gather [hbm4b:s8+s0], $0x80, v4, vm0, $0xb8;
	[tilespmem:$0x18080] =	vst v63  }
0x1b5: {  	_ = 	snop  }
0x1b6: {  	[tilespmem:s4], [sflag:$0x2] =	stream.indirect_vreg.gather [hbm4b:s3+s0], $0x80, v3, vm0, $0xb8;
	[tilespmem:$0x18080] =	vst v63  }
0x1b7: {  	_ = 	snop  }
0x1b8: {  	[tilespmem:s23], [sflag:$0x2] =	stream.indirect_vreg.gather [hbm4b:s5+s0], $0x80, v3, vm0, $0xb8;
	[tilespmem:$0x18080] =	vst v63  }
0x1b9: {  	_ = 	snop  }
0x1ba: {  	[tilespmem:s24], [sflag:$0x2] =	stream.indirect_vreg.gather [hbm4b:s6+s0], $0x80, v3, vm0, $0xb8;
	[tilespmem:$0x18080] =	vst v63  }
0x1bb: {  	_ = 	snop  }
0x1bc: {  	[tilespmem:s25], [sflag:$0x2] =	stream.indirect_vreg.gather [hbm4b:s8+s0], $0x80, v3, vm0, $0xb8;
	[tilespmem:$0x18080] =	vst v63  }
0x1bd: {  	_ =	swait.ge [sflag:s26], $0x8000  }
0x1be: {  	[sflag:s26] =	ssyncset.done $0x0  }
0x1bf: {  	[sflag:s26] =	ssyncadd.s32 $0xFFFF8000  }
0x1c0: {  	_ =	swait.ge [sflag:s30], $0x4000  }
0x1c1: {  	s14 =	sand.u32 $0x70, s0;
	s15 =	sand.u32 $0x1C00, s0;
	[sflag:s30] =	ssyncset.done $0x0  }
0x1c2: {  	s11 =	sor.u32 s14, s15;
	[sflag:s30] =	ssyncadd.s32 $0xFFFFC000  }
0x1c3: {  	v3 =	vld [tilespmem:s11+$0x100]  }
0x1c4: {  	v4 =	vld [tilespmem:s11+$0x180]  }
0x1c5: {  	v5 =	vld [tilespmem:s11+$0x200]  }
0x1c6: {  	v6 =	vld [tilespmem:s11+$0x280]  }
0x1c7: {  	v7 =	vld [tilespmem:s11+$0x300]  }
0x1c8: {  	v8 =	vld [tilespmem:s11+$0x80]  }
0x1c9: {  	v58 =	vld [tilespmem:s11+$0x2100]  }
0x1ca: {  	v59 =	vld [tilespmem:s11+$0x2080]  }
0x1cb: {  	v11 =	vld [tilespmem:s11+$0x2200];
	v4 =	vadd.f32 v5, v4  }
0x1cc: {  	v5 =	vld [tilespmem:s11+$0x2300];
	v6 =	vadd.f32 v7, v6  }
0x1cd: {  	v3 =	vadd.f32 v3, v8;
	[tilespmem:s11+$0x10100] =	vst v4;
	v4 =	vld [tilespmem:s11+$0x2180]  }
0x1ce: {  	s0 =	sor.u32 s0, s0;
	[tilespmem:s11+$0x10180] =	vst v6;
	v6 =	vld [tilespmem:s11+$0x2280]  }
0x1cf: {  	s16 =	sor.u32 $0x380, s0;
	[tilespmem:s11+$0x10080] =	vst v3;
	v3 =	vld [tilespmem:s11+$0x380]  }
0x1d0: {  	v7 =	vld [tilespmem:s16+$0x80];
	_ =	sdelay $0x1  }
0x1d1: {  	v4 =	vadd.f32 v11, v4  }
0x1d2: {  	v5 =	vadd.f32 v5, v6  }
0x1d3: {  	v6 =	vadd.f32 v58, v59;
	[tilespmem:s11+$0x10300] =	vst v4  }
0x1d4: {  	v3 =	vadd.f32 v7, v3;
	[tilespmem:s11+$0x10380] =	vst v5  }
0x1d5: {  	[tilespmem:s11+$0x10280] =	vst v6  }
0x1d6: {  	s15 =	sor.u32 $0x2380, s0;
	[tilespmem:s11+$0x10200] =	vst v3;
	v3 =	vld [tilespmem:s11+$0x2380]  }
0x1d7: {  	v4 =	vld [tilespmem:s15+$0x80];
	_ =	sdelay $0x4  }
0x1d8: {  	v3 =	vadd.f32 v4, v3;
	_ =	sdelay $0x1  }
0x1d9: {  	[tilespmem:s16+$0x10080] =	vst v3  }
0x1da: {  	v3 =	vld [tilespmem:s11+$0x4080]  }
0x1db: {  	v4 =	vld [tilespmem:s11+$0x4100]  }
0x1dc: {  	v5 =	vld [tilespmem:s11+$0x4180]  }
0x1dd: {  	v6 =	vld [tilespmem:s11+$0x4200]  }
0x1de: {  	v7 =	vld [tilespmem:s11+$0x4280]  }
0x1df: {  	v8 =	vld [tilespmem:s11+$0x6200]  }
0x1e0: {  	v3 =	vadd.f32 v4, v3;
	v4 =	vld [tilespmem:s11+$0x6180]  }
0x1e1: {  	v60 =	vld [tilespmem:s11+$0x6100]  }
0x1e2: {  	[tilespmem:s11+$0x12080] =	vst v3;
	v3 =	vadd.f32 v6, v5;
	v5 =	vld [tilespmem:s11+$0x6080]  }
0x1e3: {  	v6 =	vld [tilespmem:s11+$0x4300]  }
0x1e4: {  	v61 =	vld [tilespmem:s11+$0x6280]  }
0x1e5: {  	v62 =	vld [tilespmem:s11+$0x6300];
	v8 =	vadd.f32 v8, v4  }
0x1e6: {  	[tilespmem:s11+$0x12100] =	vst v3;
	v3 =	vld [tilespmem:s11+$0x6380]  }
0x1e7: {  	v4 =	vld [tilespmem:s11+$0x4400];
	[tilespmem:s11+$0x12300] =	vst v8;
	v8 =	vadd.f32 v60, v5  }
0x1e8: {  	s1 =	simm.s32 $0x80;
	s17 =	simm.s32 $0x10;
	v5 =	vld [tilespmem:s11+$0x4380];
	v63 =	vadd.f32 v6, v7  }
0x1e9: {  	s18 =	sand.u32 $0x70, s17;
	s14 =	sand.u32 $0x1C00, s1;
	v6 =	vld [tilespmem:s11+$0x6400];
	[tilespmem:s11+$0x12280] =	vst v8  }
0x1ea: {  	s12 =	sor.u32 s18, s14;
	s14 =	simm.s32 $0x20;
	s0 =	sor.u32 s17, s1;
	v7 =	vadd.f32 v62, v61;
	[tilespmem:s11+$0x12180] =	vst v63  }
.LBB2_6:
0x1eb: {  	p0 =	sne.s32 s14, $0x3F0  }
0x1ec: {  	s1 =	sadd.s32 $0x80, s1;
	[tilespmem:s11+$0x12380] =	vst v7;
	s17 =	smov.u32 s14;
	s14 =	sadd.s32 $0x10, s14  }
0x1ed: {  	s16 =	sor.u32 s17, s1;
	v4 =	vadd.f32 v4, v5  }
0x1ee: {  	v3 =	vadd.f32 v6, v3  }
0x1ef: {  	[tilespmem:s11+$0x12200] =	vst v4;
	s11 =	smov.u32 s12  }
0x1f0: {  	[tilespmem:s15+$0x10080] =	vst v3  }
0x1f1: {  	v3 =	vld [tilespmem:s11+$0x100]  }
0x1f2: {  	v4 =	vld [tilespmem:s11+$0x180]  }
0x1f3: {  	v5 =	vld [tilespmem:s11+$0x200]  }
0x1f4: {  	v6 =	vld [tilespmem:s11+$0x280]  }
0x1f5: {  	v7 =	vld [tilespmem:s11+$0x300]  }
0x1f6: {  	v8 =	vld [tilespmem:s11+$0x80]  }
0x1f7: {  	v9 =	vld [tilespmem:s11+$0x2100]  }
0x1f8: {  	v10 =	vld [tilespmem:s11+$0x2080]  }
0x1f9: {  	v4 =	vadd.f32 v5, v4;
	v5 =	vld [tilespmem:s11+$0x2300]  }
0x1fa: {  	v6 =	vadd.f32 v7, v6;
	v7 =	vld [tilespmem:s11+$0x2200]  }
0x1fb: {  	v3 =	vadd.f32 v3, v8;
	[tilespmem:s11+$0x10100] =	vst v4;
	v4 =	vld [tilespmem:s11+$0x2180]  }
0x1fc: {  	[tilespmem:s11+$0x10180] =	vst v6;
	v6 =	vld [tilespmem:s11+$0x2280]  }
0x1fd: {  	s18 =	sor.u32 $0x380, s0;
	[tilespmem:s11+$0x10080] =	vst v3;
	v3 =	vld [tilespmem:s11+$0x380]  }
0x1fe: {  	s12 =	sand.u32 $0x70, s17;
	s15 =	sand.u32 $0x1C00, s1;
	v8 =	vld [tilespmem:s18+$0x80]  }
0x1ff: {  	s12 =	sor.u32 s12, s15  }
0x200: {  	v4 =	vadd.f32 v7, v4  }
0x201: {  	v5 =	vadd.f32 v5, v6  }
0x202: {  	v6 =	vadd.f32 v9, v10;
	[tilespmem:s11+$0x10300] =	vst v4  }
0x203: {  	v3 =	vadd.f32 v8, v3;
	[tilespmem:s11+$0x10380] =	vst v5  }
0x204: {  	[tilespmem:s11+$0x10280] =	vst v6  }
0x205: {  	s15 =	sor.u32 $0x2380, s0;
	s0 =	smov.u32 s16;
	[tilespmem:s11+$0x10200] =	vst v3;
	v3 =	vld [tilespmem:s11+$0x2380]  }
0x206: {  	v4 =	vld [tilespmem:s15+$0x80];
	_ =	sdelay $0x4  }
0x207: {  	v3 =	vadd.f32 v4, v3;
	_ =	sdelay $0x1  }
0x208: {  	[tilespmem:s18+$0x10080] =	vst v3  }
0x209: {  	v3 =	vld [tilespmem:s11+$0x4080]  }
0x20a: {  	v4 =	vld [tilespmem:s11+$0x4100]  }
0x20b: {  	v5 =	vld [tilespmem:s11+$0x4180]  }
0x20c: {  	v6 =	vld [tilespmem:s11+$0x4200]  }
0x20d: {  	v7 =	vld [tilespmem:s11+$0x4280]  }
0x20e: {  	v8 =	vld [tilespmem:s11+$0x6200]  }
0x20f: {  	v3 =	vadd.f32 v4, v3;
	v4 =	vld [tilespmem:s11+$0x6180]  }
0x210: {  	v9 =	vld [tilespmem:s11+$0x6100]  }
0x211: {  	[tilespmem:s11+$0x12080] =	vst v3;
	v3 =	vadd.f32 v6, v5;
	v5 =	vld [tilespmem:s11+$0x6080]  }
0x212: {  	v6 =	vld [tilespmem:s11+$0x4300]  }
0x213: {  	[tilespmem:s11+$0x12100] =	vst v3;
	v10 =	vld [tilespmem:s11+$0x6280]  }
0x214: {  	v8 =	vadd.f32 v8, v4;
	v11 =	vld [tilespmem:s11+$0x6300]  }
0x215: {  	v3 =	vld [tilespmem:s11+$0x6380]  }
.Ltmp2:
0x216: {  	v4 =	vld [tilespmem:s11+$0x4400];
	v9 =	vadd.f32 v9, v5;
	[tilespmem:s11+$0x12300] =	vst v8;
	(pc) =	sbr.rel @p0 .LBB2_6-.Ltmp2, $4  }
0x217: {  	v8 =	vadd.f32 v6, v7;
	v5 =	vld [tilespmem:s11+$0x4380]  }
0x218: {  	v6 =	vld [tilespmem:s11+$0x6400]  }
0x219: {  	[tilespmem:s11+$0x12280] =	vst v9;
	v7 =	vadd.f32 v11, v10  }
0x21a: {  	[tilespmem:s11+$0x12180] =	vst v8  }
0x21b: {  	_ = 	snop  }
0x21c: {  	v4 =	vadd.f32 v4, v5  }
0x21d: {  	[tilespmem:s11+$0x12380] =	vst v7;
	v3 =	vadd.f32 v6, v3  }
0x21e: {  	[tilespmem:s11+$0x12200] =	vst v4  }
0x21f: {  	[tilespmem:s15+$0x10080] =	vst v3  }
0x220: {  	v3 =	vld [tilespmem:s12+$0x100]  }
0x221: {  	v4 =	vld [tilespmem:s12+$0x180]  }
0x222: {  	v5 =	vld [tilespmem:s12+$0x200]  }
0x223: {  	v6 =	vld [tilespmem:s12+$0x280]  }
0x224: {  	v7 =	vld [tilespmem:s12+$0x300]  }
0x225: {  	v8 =	vld [tilespmem:s12+$0x80]  }
0x226: {  	v9 =	vld [tilespmem:s12+$0x2100]  }
0x227: {  	v10 =	vld [tilespmem:s12+$0x2080]  }
0x228: {  	v11 =	vld [tilespmem:s12+$0x2200];
	v4 =	vadd.f32 v5, v4  }
0x229: {  	v5 =	vld [tilespmem:s12+$0x2300];
	v6 =	vadd.f32 v7, v6  }
0x22a: {  	v3 =	vadd.f32 v3, v8;
	[tilespmem:s12+$0x10100] =	vst v4;
	v4 =	vld [tilespmem:s12+$0x2180]  }
0x22b: {  	[tilespmem:s12+$0x10180] =	vst v6;
	v6 =	vld [tilespmem:s12+$0x2280]  }
0x22c: {  	s1 =	sor.u32 $0x380, s0;
	[tilespmem:s12+$0x10080] =	vst v3;
	v3 =	vld [tilespmem:s12+$0x380]  }
0x22d: {  	v7 =	vld [tilespmem:s1+$0x80];
	_ =	sdelay $0x1  }
0x22e: {  	v4 =	vadd.f32 v11, v4  }
0x22f: {  	v5 =	vadd.f32 v5, v6  }
0x230: {  	v6 =	vadd.f32 v9, v10;
	[tilespmem:s12+$0x10300] =	vst v4  }
0x231: {  	v3 =	vadd.f32 v7, v3;
	[tilespmem:s12+$0x10380] =	vst v5  }
0x232: {  	[tilespmem:s12+$0x10280] =	vst v6  }
0x233: {  	s11 =	sor.u32 $0x2380, s0;
	[tilespmem:s12+$0x10200] =	vst v3;
	v3 =	vld [tilespmem:s12+$0x2380]  }
0x234: {  	v4 =	vld [tilespmem:s11+$0x80];
	_ =	sdelay $0x4  }
0x235: {  	v3 =	vadd.f32 v4, v3;
	_ =	sdelay $0x1  }
0x236: {  	[tilespmem:s1+$0x10080] =	vst v3  }
0x237: {  	v3 =	vld [tilespmem:s12+$0x4080]  }
0x238: {  	v4 =	vld [tilespmem:s12+$0x4100]  }
0x239: {  	v5 =	vld [tilespmem:s12+$0x4180]  }
0x23a: {  	v6 =	vld [tilespmem:s12+$0x4200]  }
0x23b: {  	v7 =	vld [tilespmem:s12+$0x4280]  }
0x23c: {  	v8 =	vld [tilespmem:s12+$0x6200]  }
0x23d: {  	v9 =	vld [tilespmem:s12+$0x6100]  }
0x23e: {  	v3 =	vadd.f32 v4, v3;
	v4 =	vld [tilespmem:s12+$0x6180]  }
0x23f: {  	v10 =	vld [tilespmem:s12+$0x6300]  }
0x240: {  	v11 =	vld [tilespmem:s12+$0x4400]  }
0x241: {  	v12 =	vld [tilespmem:s12+$0x6400]  }
0x242: {  	[tilespmem:s12+$0x12080] =	vst v3;
	v3 =	vadd.f32 v6, v5;
	v5 =	vld [tilespmem:s12+$0x6080]  }
0x243: {  	v6 =	vld [tilespmem:s12+$0x4300];
	v4 =	vadd.f32 v8, v4  }
0x244: {  	[tilespmem:s12+$0x12100] =	vst v3;
	v3 =	vld [tilespmem:s12+$0x6280]  }
0x245: {  	[tilespmem:s12+$0x12300] =	vst v4;
	v4 =	vld [tilespmem:s12+$0x4380]  }
0x246: {  	v8 =	vld [tilespmem:s12+$0x6380]  }
0x247: {  	v5 =	vadd.f32 v9, v5  }
0x248: {  	v6 =	vadd.f32 v6, v7  }
0x249: {  	[tilespmem:s12+$0x12280] =	vst v5;
	v3 =	vadd.f32 v10, v3  }
0x24a: {  	[tilespmem:s12+$0x12180] =	vst v6;
	v4 =	vadd.f32 v11, v4  }
0x24b: {  	[tilespmem:s12+$0x12380] =	vst v3;
	v3 =	vadd.f32 v12, v8  }
0x24c: {  	[tilespmem:s12+$0x12200] =	vst v4  }
0x24d: {  	s14 =	simm.s32 $0x0;
	s15 =	rddreg [dreg:$0x5];
	[tilespmem:s11+$0x10080] =	vst v3  }
0x24e: {  	[hbm4b:s15+s14] =	stream.linear.scatter [tilespmem:s28], [sflag:$0x3], $0x4000, $0x38;
	[tilespmem:$0x18080] =	vst v63  }
0x24f: {  	_ =	swait.ge [sflag:s29], $0x8000  }
0x250: {  	[sflag:s29] =	ssyncset.done $0x0  }
0x251: {  	[sflag:s29] =	ssyncadd.s32 $0xFFFF8000  }
0x252: {  	_ =	swait.ge [sflag:s10], $0x4000  }
0x253: {  	s16 =	sand.u32 $0x70, s14;
	s0 =	sand.u32 $0x1C00, s14;
	[sflag:s10] =	ssyncset.done $0x0  }
0x254: {  	s11 =	sor.u32 s16, s0;
	[sflag:s10] =	ssyncadd.s32 $0xFFFFC000  }
0x255: {  	v3 =	vld [tilespmem:s11+$0xE380]  }
0x256: {  	v4 =	vld [tilespmem:s11+$0xE400]  }
0x257: {  	v5 =	vld [tilespmem:s11+$0x8080]  }
0x258: {  	v6 =	vld [tilespmem:s11+$0x8100]  }
0x259: {  	v7 =	vld [tilespmem:s11+$0x8180]  }
0x25a: {  	v8 =	vld [tilespmem:s11+$0x8200]  }
0x25b: {  	v9 =	vld [tilespmem:s11+$0x8280]  }
0x25c: {  	v10 =	vld [tilespmem:s11+$0x8380];
	v3 =	vadd.f32 v4, v3  }
0x25d: {  	v4 =	vld [tilespmem:s11+$0x8300]  }
0x25e: {  	v5 =	vadd.f32 v6, v5;
	[tilespmem:s11+$0x16400] =	vst v3;
	v3 =	vld [tilespmem:s11+$0x8400]  }
0x25f: {  	v6 =	vld [tilespmem:s11+$0xA080]  }
0x260: {  	[tilespmem:s11+$0x14080] =	vst v5;
	v5 =	vadd.f32 v8, v7;
	v7 =	vld [tilespmem:s11+$0xA100]  }
0x261: {  	v8 =	vld [tilespmem:s11+$0xA200]  }
0x262: {  	[tilespmem:s11+$0x14100] =	vst v5;
	v5 =	vld [tilespmem:s11+$0xA180];
	v4 =	vadd.f32 v4, v9  }
0x263: {  	v9 =	vld [tilespmem:s11+$0xA300];
	v3 =	vadd.f32 v3, v10  }
0x264: {  	[tilespmem:s11+$0x14180] =	vst v4;
	v4 =	vld [tilespmem:s11+$0xA280]  }
0x265: {  	[tilespmem:s11+$0x14200] =	vst v3;
	v3 =	vadd.f32 v7, v6;
	v6 =	vld [tilespmem:s11+$0xA380]  }
0x266: {  	v7 =	vld [tilespmem:s11+$0xA400]  }
0x267: {  	[tilespmem:s11+$0x14280] =	vst v3;
	v3 =	vadd.f32 v8, v5;
	v5 =	vld [tilespmem:s11+$0xC080]  }
0x268: {  	v8 =	vld [tilespmem:s11+$0xC100]  }
0x269: {  	[tilespmem:s11+$0x14300] =	vst v3;
	v3 =	vadd.f32 v9, v4;
	v4 =	vld [tilespmem:s11+$0xC180]  }
0x26a: {  	v9 =	vld [tilespmem:s11+$0xC200]  }
0x26b: {  	[tilespmem:s11+$0x14380] =	vst v3;
	v3 =	vadd.f32 v7, v6;
	v6 =	vld [tilespmem:s11+$0xC280]  }
0x26c: {  	v7 =	vld [tilespmem:s11+$0xC300]  }
0x26d: {  	v10 =	vld [tilespmem:s11+$0xC400]  }
0x26e: {  	[tilespmem:s11+$0x14400] =	vst v3;
	v3 =	vadd.f32 v8, v5;
	v8 =	vld [tilespmem:s11+$0xC380]  }
0x26f: {  	v5 =	vld [tilespmem:s11+$0xE100];
	v4 =	vadd.f32 v9, v4  }
0x270: {  	[tilespmem:s11+$0x16080] =	vst v3;
	v3 =	vld [tilespmem:s11+$0xE080]  }
0x271: {  	[tilespmem:s11+$0x16100] =	vst v4;
	v7 =	vadd.f32 v7, v6;
	v4 =	vld [tilespmem:s11+$0xE180]  }
0x272: {  	s17 =	simm.s32 $0x10;
	s0 =	simm.s32 $0x80;
	v6 =	vld [tilespmem:s11+$0xE200]  }
0x273: {  	s1 =	sand.u32 $0x70, s17;
	s18 =	sand.u32 $0x1C00, s0;
	[tilespmem:s11+$0x16180] =	vst v7;
	v7 =	vld [tilespmem:s11+$0xE280];
	v9 =	vadd.f32 v10, v8  }
0x274: {  	s12 =	sor.u32 s1, s18;
	s1 =	simm.s32 $0x20;
	v8 =	vld [tilespmem:s11+$0xE300]  }
.LBB2_8:
0x275: {  	p0 =	sne.s32 s1, $0x3F0;
	v10 =	vld [tilespmem:s12+$0xE380];
	[tilespmem:s11+$0x16200] =	vst v9;
	v3 =	vadd.f32 v5, v3  }
0x276: {  	v5 =	vld [tilespmem:s12+$0xE400]  }
0x277: {  	v9 =	vld [tilespmem:s12+$0x8080];
	[tilespmem:s11+$0x16280] =	vst v3;
	v3 =	vadd.f32 v6, v4  }
0x278: {  	v4 =	vld [tilespmem:s12+$0x8100]  }
0x279: {  	v6 =	vld [tilespmem:s12+$0x8180];
	[tilespmem:s11+$0x16300] =	vst v3;
	v3 =	vadd.f32 v8, v7  }
0x27a: {  	v7 =	vld [tilespmem:s12+$0x8200]  }
0x27b: {  	v8 =	vld [tilespmem:s12+$0x8280];
	v5 =	vadd.f32 v5, v10;
	[tilespmem:s11+$0x16380] =	vst v3;
	s11 =	smov.u32 s12  }
0x27c: {  	v3 =	vld [tilespmem:s11+$0x8300]  }
0x27d: {  	v4 =	vadd.f32 v4, v9;
	v9 =	vld [tilespmem:s11+$0x8380];
	[tilespmem:s11+$0x16400] =	vst v5  }
0x27e: {  	v5 =	vld [tilespmem:s11+$0x8400]  }
0x27f: {  	[tilespmem:s11+$0x14080] =	vst v4;
	v4 =	vadd.f32 v7, v6;
	v6 =	vld [tilespmem:s11+$0xA080]  }
0x280: {  	v7 =	vld [tilespmem:s11+$0xA100]  }
0x281: {  	[tilespmem:s11+$0x14100] =	vst v4;
	v3 =	vadd.f32 v3, v8;
	v4 =	vld [tilespmem:s11+$0xA180]  }
0x282: {  	v8 =	vld [tilespmem:s11+$0xA200]  }
0x283: {  	[tilespmem:s11+$0x14180] =	vst v3;
	v3 =	vadd.f32 v5, v9;
	v5 =	vld [tilespmem:s11+$0xA280]  }
0x284: {  	v9 =	vld [tilespmem:s11+$0xA300]  }
0x285: {  	[tilespmem:s11+$0x14200] =	vst v3;
	v3 =	vadd.f32 v7, v6;
	v6 =	vld [tilespmem:s11+$0xA380]  }
0x286: {  	v7 =	vld [tilespmem:s11+$0xA400]  }
0x287: {  	[tilespmem:s11+$0x14280] =	vst v3;
	v3 =	vadd.f32 v8, v4;
	v4 =	vld [tilespmem:s11+$0xC080]  }
0x288: {  	v8 =	vld [tilespmem:s11+$0xC100]  }
0x289: {  	[tilespmem:s11+$0x14300] =	vst v3;
	v3 =	vadd.f32 v9, v5;
	v5 =	vld [tilespmem:s11+$0xC180]  }
0x28a: {  	v9 =	vld [tilespmem:s11+$0xC200]  }
0x28b: {  	[tilespmem:s11+$0x14380] =	vst v3;
	v3 =	vadd.f32 v7, v6;
	v6 =	vld [tilespmem:s11+$0xC280]  }
0x28c: {  	v7 =	vld [tilespmem:s11+$0xC300]  }
0x28d: {  	[tilespmem:s11+$0x14400] =	vst v3;
	v3 =	vadd.f32 v8, v4;
	v8 =	vld [tilespmem:s11+$0xC380]  }
0x28e: {  	v10 =	vld [tilespmem:s11+$0xC400]  }
0x28f: {  	[tilespmem:s11+$0x16080] =	vst v3;
	v4 =	vadd.f32 v9, v5;
	v3 =	vld [tilespmem:s11+$0xE080]  }
.Ltmp3:
0x290: {  	v5 =	vld [tilespmem:s11+$0xE100];
	(pc) =	sbr.rel @p0 .LBB2_8-.Ltmp3, $4  }
0x291: {  	[tilespmem:s11+$0x16100] =	vst v4;
	v7 =	vadd.f32 v7, v6;
	v4 =	vld [tilespmem:s11+$0xE180]  }
0x292: {  	s0 =	sadd.s32 $0x80, s0;
	v6 =	vld [tilespmem:s11+$0xE200]  }
0x293: {  	s14 =	sand.u32 $0x1C00, s0;
	s12 =	sand.u32 $0x70, s1;
	[tilespmem:s11+$0x16180] =	vst v7;
	v9 =	vadd.f32 v10, v8;
	v7 =	vld [tilespmem:s11+$0xE280]  }
0x294: {  	s1 =	sadd.s32 $0x10, s1;
	s12 =	sor.u32 s12, s14;
	v8 =	vld [tilespmem:s11+$0xE300]  }
0x295: {  	v10 =	vld [tilespmem:s12+$0xE380];
	[tilespmem:s11+$0x16200] =	vst v9;
	v3 =	vadd.f32 v5, v3  }
0x296: {  	v33 =	vld [tilespmem:s12+$0xE400]  }
0x297: {  	v9 =	vld [tilespmem:s12+$0x8080];
	[tilespmem:s11+$0x16280] =	vst v3;
	v3 =	vadd.f32 v6, v4  }
0x298: {  	v34 =	vld [tilespmem:s12+$0x8100]  }
0x299: {  	v35 =	vld [tilespmem:s12+$0x8180];
	[tilespmem:s11+$0x16300] =	vst v3;
	v3 =	vadd.f32 v8, v7  }
0x29a: {  	v36 =	vld [tilespmem:s12+$0x8200]  }
0x29b: {  	v37 =	vld [tilespmem:s12+$0x8280];
	[tilespmem:s11+$0x16380] =	vst v3  }
0x29c: {  	v38 =	vld [tilespmem:s12+$0x8300]  }
0x29d: {  	v3 =	vadd.f32 v33, v10;
	v39 =	vld [tilespmem:s12+$0x8380]  }
0x29e: {  	v41 =	vld [tilespmem:s12+$0xA080]  }
0x29f: {  	[tilespmem:s12+$0x16400] =	vst v3;
	v3 =	vld [tilespmem:s12+$0x8400]  }
0x2a0: {  	v42 =	vld [tilespmem:s12+$0xA100]  }
0x2a1: {  	v44 =	vld [tilespmem:s12+$0xA180]  }
0x2a2: {  	v45 =	vld [tilespmem:s12+$0xA200]  }
0x2a3: {  	v46 =	vld [tilespmem:s12+$0xA280]  }
0x2a4: {  	v47 =	vld [tilespmem:s12+$0xA300];
	v3 =	vadd.f32 v3, v39  }
0x2a5: {  	v48 =	vld [tilespmem:s12+$0xA380]  }
0x2a6: {  	v49 =	vld [tilespmem:s12+$0xA400];
	[tilespmem:s12+$0x14200] =	vst v3;
	v3 =	vadd.f32 v42, v41  }
0x2a7: {  	v50 =	vld [tilespmem:s12+$0xC080]  }
0x2a8: {  	v51 =	vld [tilespmem:s12+$0xC100];
	[tilespmem:s12+$0x14280] =	vst v3;
	v3 =	vadd.f32 v45, v44  }
0x2a9: {  	v52 =	vld [tilespmem:s12+$0xC180]  }
0x2aa: {  	v53 =	vld [tilespmem:s12+$0xC200];
	[tilespmem:s12+$0x14300] =	vst v3;
	v3 =	vadd.f32 v47, v46  }
0x2ab: {  	v54 =	vld [tilespmem:s12+$0xC280]  }
0x2ac: {  	v55 =	vld [tilespmem:s12+$0xC300];
	[tilespmem:s12+$0x14380] =	vst v3;
	v3 =	vadd.f32 v49, v48  }
0x2ad: {  	v56 =	vld [tilespmem:s12+$0xC380]  }
0x2ae: {  	v57 =	vld [tilespmem:s12+$0xC400];
	[tilespmem:s12+$0x14400] =	vst v3;
	v3 =	vadd.f32 v51, v50  }
0x2af: {  	v58 =	vld [tilespmem:s12+$0xE080]  }
0x2b0: {  	v59 =	vld [tilespmem:s12+$0xE100];
	[tilespmem:s12+$0x16080] =	vst v3;
	v3 =	vadd.f32 v53, v52  }
0x2b1: {  	v60 =	vld [tilespmem:s12+$0xE180]  }
0x2b2: {  	v61 =	vld [tilespmem:s12+$0xE200];
	[tilespmem:s12+$0x16100] =	vst v3;
	v3 =	vadd.f32 v55, v54  }
0x2b3: {  	v62 =	vld [tilespmem:s12+$0xE300];
	v4 =	vadd.f32 v34, v9  }
0x2b4: {  	v40 =	vadd.f32 v36, v35;
	[tilespmem:s12+$0x16180] =	vst v3;
	v3 =	vld [tilespmem:s12+$0xE280]  }
0x2b5: {  	[tilespmem:s12+$0x14080] =	vst v4;
	v43 =	vadd.f32 v38, v37  }
0x2b6: {  	[tilespmem:s12+$0x14100] =	vst v40;
	v5 =	vadd.f32 v57, v56  }
0x2b7: {  	v4 =	vadd.f32 v59, v58;
	[tilespmem:s12+$0x14180] =	vst v43  }
0x2b8: {  	v63 =	vadd.f32 v61, v60;
	[tilespmem:s12+$0x16200] =	vst v5  }
0x2b9: {  	[tilespmem:s12+$0x16280] =	vst v4;
	v3 =	vadd.f32 v62, v3  }
0x2ba: {  	[tilespmem:s12+$0x16300] =	vst v63  }
0x2bb: {  	s0 =	rddreg [dreg:$0x6];
	[tilespmem:s12+$0x16380] =	vst v3  }
0x2bc: {  	[hbm4b:s0+s2] =	stream.linear.scatter [tilespmem:s9], [sflag:$0x4], $0x4000, $0x38;
	[tilespmem:$0x18080] =	vst v63  }
0x2bd: {  	_ =	swait.ge [sflag:s30], $0x4000  }
0x2be: {  	[sflag:s30] =	ssyncset.done $0x0  }
0x2bf: {  	[sflag:s30] =	ssyncadd.s32 $0xFFFFC000  }
0x2c0: {  	_ =	swait.ge [sflag:s10], $0x4000  }
0x2c1: {  	s31 =	sadd.s32 $0x1, s31;
	s18 =	rddreg [dreg:$0x7]  }
0x2c2: {  	p0 =	sne.s32 s31, s18  }
.Ltmp4:
0x2c3: {  	_ = 	snop;
	(pc) =	sbr.rel @p0 .LBB2_1-.Ltmp4, $3  }
0x2c4: {  	_ =	sdelay $0x1  }
0x2c5: {  	[sflag:s10] =	ssyncset.done $0x0  }
0x2c6: {  	[sflag:s10] =	ssyncadd.s32 $0xFFFFC000  }
0x2c7: {  	_ =	sfence.sel $0x180000  }
0x2c8: {  	[bflag:$0x0] =	sbarrier.arrive $0xFFFF  }
0x2c9: {  	_ =	strace $0x9000004A  }
0x2ca: {  	s0 =	stileid.u32;
	[bflag:$0x2] =	sbarrier.arrive $0xFFFF  }
0x2cb: {  	p0 =	sne.s32 s0, $0x0;
	s0 =	rddreg [dreg:$0x2]  }
0x2cc: {  	s0 =	sadd.s32 @!p0 $0x100000, s0  }
0x2cd: {  	[sflag:s0] =	ssyncadd.tile.s32 @!p0 $0x1;
	_ =	shalt  }
.Lfunc_end2:
_tile_overlayer_lowered:
.L_overlay_start_2:
0x2ce: {  	(tag) =	ssettag $0x2  }
0x2cf: {  	s0 =	rddreg [dreg:$0x0];
	s2 =	stileid.u32  }
0x2d0: {  	s1 =	rddreg [dreg:$0x1];
	p0 =	sne.s32 s2, $0x0  }
0x2d1: {  	s3 =	rddreg [dreg:$0x2];
	[bflag:$0x3] =	sbarrier.arrive $0xFFFF;
	s2 =	simm.s32 @!p0 $0x1C05  }
0x2d2: {  	[timem:s3], [sflag:s2] =	dma.local @!p0 [hbm:s0], s1  }
0x2d3: {  	s0 =	simm.s32 @!p0 $0x5  }
0x2d4: {  	_ =	swait.ge @!p0 [sflag:s0], s1  }
0x2d5: {  	s1 =	ssub.s32 @!p0 $0x0, s1;
	[sflag:s0] =	ssyncset.done @!p0 $0x0  }
0x2d6: {  	[sflag:s0] =	ssyncadd.s32 @!p0 s1  }
0x2d7: {  	[bflag:$0x3] =	sbarrier.arrive $0xFFFF  }
0x2d8: {  	_ =	shalt  }

</sc_bundles>
